<compile_context>
chip_gen: v7x
topology: tpu7x:2x2x1
jax: 0.10.2.dev20260603
libtpu: 0.0.44.dev20260713+nightly
codegen_flags: <defaults>
</compile_context>

<pallas_src>
import functools

import jax
import jax.numpy as jnp
from jax import lax
from jax.experimental import pallas as pl
from jax.experimental.pallas import tpu as pltpu
from jax.experimental.pallas import tpu_sc as plsc

N = 10000
NF = 128
E = 320000
NTILES = 16
NCORES = 2
SUB = 128
GRAN = 1024
EPT = 20480
NSTEPS = EPT // GRAN
EPAD = EPT * NTILES
ROWS_PT = 624
ROWS_TAIL = N - NTILES * ROWS_PT

_HIGH = jax.lax.Precision.HIGHEST


def _mm_body(x_ref, w_ref, o_ref):
    o_ref[...] = jax.lax.dot_general(
        x_ref[...], w_ref[...], (((1,), (0,)), ((), ())),
        preferred_element_type=jnp.float32, precision=_HIGH)


def _dense_fts(seqs, W):
    BLK = 2000
    return pl.pallas_call(
        _mm_body,
        grid=(2 * N // BLK,),
        in_specs=[pl.BlockSpec((BLK, NF), lambda i: (i, 0)),
                  pl.BlockSpec((NF, NF), lambda i: (0, 0))],
        out_specs=pl.BlockSpec((BLK, NF), lambda i: (i, 0)),
        out_shape=jax.ShapeDtypeStruct((2 * N, NF), jnp.float32),
    )(seqs, W)


def _sc_spmm(fts, cols2, rows_idx, ew2, zeros):
    mesh = plsc.VectorSubcoreMesh(core_axis_name="c", subcore_axis_name="s")

    @functools.partial(
        pl.kernel,
        out_type=jax.ShapeDtypeStruct((NCORES, N, NF), jnp.float32),
        mesh=mesh,
        scratch_types=[
            pltpu.VMEM_SHARED((N, NF), jnp.float32),
            pltpu.VMEM((GRAN // SUB, SUB), jnp.int32),
            pltpu.VMEM((GRAN // SUB, SUB), jnp.int32),
            pltpu.VMEM((GRAN // 16, 16), jnp.float32),
            pltpu.VMEM((SUB, NF), jnp.float32),
            pltpu.VMEM((SUB, NF), jnp.float32),
            pltpu.SemaphoreType.DMA,
            pltpu.SemaphoreType.DMA,
        ],
    )
    def k(fts_hbm, cols_hbm, rowsidx_hbm, ew_hbm, zeros_hbm, out_hbm,
          acc, colv, rowv, ewv, msgs0, msgs1, sem0, sem1):
        c = lax.axis_index("c")
        s = lax.axis_index("s")
        NPIECE = GRAN // SUB
        bufs = (msgs0, msgs1)
        sems = (sem0, sem1)

        pltpu.sync_copy(zeros_hbm.at[pl.ds(0, ROWS_PT)],
                        acc.at[pl.ds(s * ROWS_PT, ROWS_PT)])

        @pl.when(s == NTILES - 1)
        def _():
            pltpu.sync_copy(zeros_hbm.at[pl.ds(0, ROWS_TAIL)],
                            acc.at[pl.ds(NTILES * ROWS_PT, ROWS_TAIL)])

        plsc.subcore_barrier()

        def step_body(kk, carry):
            off = s * (EPT // SUB) + kk * NPIECE
            offw = s * (EPT // 16) + kk * (GRAN // 16)
            pltpu.sync_copy(cols_hbm.at[c, pl.ds(off, NPIECE)], colv)
            pltpu.sync_copy(rowsidx_hbm.at[pl.ds(off, NPIECE)], rowv)
            pltpu.sync_copy(ew_hbm.at[pl.ds(offw, GRAN // 16)], ewv)
            pltpu.async_copy(fts_hbm.at[colv.at[0]], msgs0, sem0)

            def piece_pair(pc, carry2):
                for b in range(2):
                    p = pc + b
                    buf, sem = bufs[b], sems[b]
                    nbuf, nsem = bufs[1 - b], sems[1 - b]
                    pltpu.make_async_copy(fts_hbm.at[colv.at[p]], buf,
                                          sem).wait()

                    @pl.when(p < NPIECE - 1)
                    def _():
                        pltpu.async_copy(fts_hbm.at[colv.at[p + 1]],
                                         nbuf, nsem)

                    def mul_body(g, carry3):
                        w = ewv[p * (SUB // 16) + g]
                        for e16 in range(16):
                            wb = jnp.broadcast_to(w[e16], (16,))
                            e = g * 16 + e16
                            for f in range(NF // 16):
                                sl = pl.ds(f * 16, 16)
                                buf[e, sl] = buf[e, sl] * wb
                        return carry3

                    lax.fori_loop(0, SUB // 16, mul_body, 0, unroll=False)
                    pltpu.sync_copy(buf, acc.at[rowv.at[p]], add=True)
                return carry2

            lax.fori_loop(0, NPIECE // 2,
                          lambda i, cc: piece_pair(i * 2, cc),
                          0, unroll=False)
            return carry

        lax.fori_loop(0, NSTEPS, step_body, 0, unroll=False)
        plsc.subcore_barrier()
        pltpu.sync_copy(acc.at[pl.ds(s * ROWS_PT, ROWS_PT)],
                        out_hbm.at[c, pl.ds(s * ROWS_PT, ROWS_PT)])

        @pl.when(s == NTILES - 1)
        def _():
            pltpu.sync_copy(acc.at[pl.ds(NTILES * ROWS_PT, ROWS_TAIL)],
                            out_hbm.at[c, pl.ds(NTILES * ROWS_PT, ROWS_TAIL)])

    return k(fts, cols2, rows_idx, ew2, zeros)


FBLK = 2000


def _csum_body(agg1_ref, b_ref, mskT_ref, out_ref):
    h1 = jnp.maximum(agg1_ref[...] + b_ref[...], 0.0)
    part = jax.lax.dot_general(h1, mskT_ref[...], (((0,), (0,)), ((), ())),
                               preferred_element_type=jnp.float32,
                               precision=_HIGH)

    @pl.when(pl.program_id(0) == 0)
    def _():
        out_ref[...] = part

    @pl.when(pl.program_id(0) > 0)
    def _():
        out_ref[...] += part


def _logits_body(csum_ref, mskT_ref, wd_ref, agg_ref, b_ref, sb_ref, bd_ref,
                 out_ref):
    cvec = csum_ref[...] / jnp.sum(mskT_ref[...])
    cvec = 1.0 / (1.0 + jnp.exp(-cvec))
    u = jax.lax.dot_general(wd_ref[...], cvec, (((1,), (0,)), ((), ())),
                            preferred_element_type=jnp.float32,
                            precision=_HIGH)
    h = jnp.maximum(agg_ref[...] + b_ref[...], 0.0)
    s = jax.lax.dot_general(h, u, (((1,), (0,)), ((), ())),
                            preferred_element_type=jnp.float32,
                            precision=_HIGH)
    out_ref[...] = s + bd_ref[0, 0] + sb_ref[...]


def _final(agg, b_gcn, mskT, wd, sb, bd):
    csum = pl.pallas_call(
        _csum_body,
        grid=(N // FBLK,),
        in_specs=[pl.BlockSpec((FBLK, NF), lambda i: (i, 0)),
                  pl.BlockSpec((1, NF), lambda i: (0, 0)),
                  pl.BlockSpec((FBLK, 1), lambda i: (i, 0))],
        out_specs=pl.BlockSpec((NF, 1), lambda i: (0, 0)),
        out_shape=jax.ShapeDtypeStruct((NF, 1), jnp.float32),
    )(agg[:N], b_gcn, mskT)
    return pl.pallas_call(
        _logits_body,
        grid=(2 * N // FBLK,),
        in_specs=[pl.BlockSpec((NF, 1), lambda i: (0, 0)),
                  pl.BlockSpec((N, 1), lambda i: (0, 0)),
                  pl.BlockSpec((NF, NF), lambda i: (0, 0)),
                  pl.BlockSpec((FBLK, NF), lambda i: (i, 0)),
                  pl.BlockSpec((1, NF), lambda i: (0, 0)),
                  pl.BlockSpec((FBLK, 1), lambda i: (i, 0)),
                  pl.BlockSpec((1, 1), lambda i: (0, 0))],
        out_specs=pl.BlockSpec((FBLK, 1), lambda i: (i, 0)),
        out_shape=jax.ShapeDtypeStruct((2 * N, 1), jnp.float32),
    )(csum, mskT, wd, agg, b_gcn, sb, bd)


def kernel(seq1, seq2, edge_index, edge_weight, msk, samp_bias1, samp_bias2,
           W_gcn, b_gcn, W_disc, b_disc):
    seqs = jnp.concatenate([seq1[0], seq2[0]], axis=0)
    fts = _dense_fts(seqs, W_gcn)

    row = edge_index[0]
    col = edge_index[1]
    pad = EPAD - E
    colp = jnp.concatenate([col, jnp.zeros((pad,), jnp.int32)])
    rowp = jnp.concatenate([row, jnp.zeros((pad,), jnp.int32)])
    ewp = jnp.concatenate([edge_weight, jnp.zeros((pad,), jnp.float32)])
    cols2 = jnp.stack([colp, colp + N]).reshape(NCORES, EPAD // SUB, SUB)
    rows_i = rowp.reshape(EPAD // SUB, SUB)
    ew2 = ewp.reshape(EPAD // 16, 16)
    zeros = jnp.zeros((ROWS_PT + ROWS_TAIL, NF), jnp.float32)

    agg = _sc_spmm(fts, cols2, rows_i, ew2, zeros)

    sb = jnp.concatenate([samp_bias1, samp_bias2], axis=1).reshape(2 * N, 1)
    out = _final(agg.reshape(2 * N, NF), b_gcn.reshape(1, NF),
                 msk.reshape(N, 1), W_disc, sb, b_disc.reshape(1, 1))
    return out.reshape(1, 2 * N)

# --- scband reference (transcript-rebuilt; emitter-appended) ---
"""Pipeline reference for scband-dgi-87849261072568 (READ-ONLY COPY).

The authoritative reference and input builder live on the scoring server;
editing this copy changes nothing except your own understanding.
"""

import jax, jax.numpy as jnp
import numpy as np

N, E, N_IN, N_H = 10000, 320000, 128, 128

def setup_inputs(seed: int = 0):
    key = jax.random.key(seed)
    ks = jax.random.split(key, 8)
    seq1 = jax.random.normal(ks[0], (1, N, N_IN), dtype=jnp.float32)
    seq2 = jax.random.normal(ks[1], (1, N, N_IN), dtype=jnp.float32)
    edge_index = jax.random.randint(ks[2], (2, E), 0, N, dtype=jnp.int32)
    edge_weight = jax.random.uniform(ks[3], (E,), dtype=jnp.float32)
    msk = jnp.ones((1, N), dtype=jnp.float32)
    samp_bias1 = jnp.zeros((1, N), dtype=jnp.float32)
    samp_bias2 = jnp.zeros((1, N), dtype=jnp.float32)
    W_gcn = jax.random.normal(ks[4], (N_IN, N_H), dtype=jnp.float32) * 0.05
    b_gcn = jnp.zeros((N_H,), dtype=jnp.float32)
    W_disc = jax.random.normal(ks[5], (N_H, N_H), dtype=jnp.float32) * 0.05
    b_disc = jnp.zeros((1,), dtype=jnp.float32)
    return {"seq1": seq1, "seq2": seq2, "edge_index": edge_index, "edge_weight": edge_weight, "msk": msk, "samp_bias1": samp_bias1, "samp_bias2": samp_bias2, "W_gcn": W_gcn, "b_gcn": b_gcn, "W_disc": W_disc, "b_disc": b_disc}

def reference(seq1, seq2, edge_index, edge_weight, msk, samp_bias1, samp_bias2, W_gcn, b_gcn, W_disc, b_disc):
    row = edge_index[0]
    col = edge_index[1]
    def gcn(seq):
        # GCN layer: linear transform, then sparse adj matmul (spmm), bias, activation
        fts = seq[0] @ W_gcn
        msgs = fts[col] * edge_weight[:, None]
        agg = jax.ops.segment_sum(msgs, row, num_segments=N)
        return jax.nn.relu(agg + b_gcn)[None]
    h_1 = gcn(seq1)
    # AvgReadout with mask
    m = msk[..., None]
    c = jnp.sum(h_1 * m, axis=1) / jnp.sum(m)
    c = jax.nn.sigmoid(c)
    h_2 = gcn(seq2)
    # Discriminator: bilinear f_k(h, c) = h @ W_disc @ c + b
    cw = W_disc @ c[0]
    sc_1 = h_1[0] @ cw + b_disc
    sc_2 = h_2[0] @ cw + b_disc
    sc_1 = sc_1[None, :] + samp_bias1
    sc_2 = sc_2[None, :] + samp_bias2
    logits = jnp.concatenate([sc_1, sc_2], axis=1)
    return logits

if __name__ == "__main__":
    import jax
    _d = setup_inputs()
    print(jax.jit(kernel)(*tuple(_d.values())))

</pallas_src>

<mosaic_0001>
#map = affine_map<(d0, d1) -> (0, 0)>
#map1 = affine_map<(d0, d1) -> (0, 0, 0)>
module attributes {stable_mosaic.version = 14 : i64} {
  func.func @k(%arg0: i32, %arg1: i32, %arg2: memref<20000x128xf32, #tpu.memory_space<hbm>>, %arg3: memref<2x2560x128xi32, #tpu.memory_space<hbm>>, %arg4: memref<2560x128xi32, #tpu.memory_space<hbm>>, %arg5: memref<20480x16xf32, #tpu.memory_space<hbm>>, %arg6: memref<640x128xf32, #tpu.memory_space<hbm>>, %arg7: memref<2x10000x128xf32, #tpu.memory_space<hbm>>, %arg8: memref<10000x128xf32, #tpu.memory_space<vmem_shared>>, %arg9: memref<8x128xi32, #tpu.memory_space<vmem>>, %arg10: memref<8x128xi32, #tpu.memory_space<vmem>>, %arg11: memref<64x16xf32, #tpu.memory_space<vmem>>, %arg12: memref<128x128xf32, #tpu.memory_space<vmem>>, %arg13: memref<128x128xf32, #tpu.memory_space<vmem>>, %arg14: memref<!tpu.dma_semaphore, #tpu.memory_space<semaphore_mem>>, %arg15: memref<!tpu.dma_semaphore, #tpu.memory_space<semaphore_mem>>) attributes {dimension_semantics = [#tpu.dimension_semantics<core_parallel>, #tpu.dimension_semantics<subcore_parallel>], iteration_bounds = array<i64: 2, 16>, scalar_prefetch = 0 : i64, scratch_operands = 8 : i64, tpu.core_type = #tpu.core_type<sc_vector_subcore>, window_params = [{transform_indices = #map}, {transform_indices = #map1}, {transform_indices = #map}, {transform_indices = #map}, {transform_indices = #map}, {transform_indices = #map1}]} {
    %mul3A = arith.constant 624 : i32
    %mul3A_0 = arith.muli %arg1, %mul3A : i32
    "tpu.region"() ({
      %run_scoped3A = tpu.sem_alloc : memref<!tpu.dma_semaphore, #tpu.memory_space<semaphore_mem>>
      %dma_start3A = arith.constant 0 : i32
      %dma_start3A_18 = tpu.memref_slice %arg8[%mul3A_0, %dma_start3A] : memref<10000x128xf32, #tpu.memory_space<vmem_shared>> -> memref<624x128xf32, #tpu.memory_space<vmem_shared>>
      %dma_start3A_19 = arith.constant 0 : i32
      %dma_start3A_20 = arith.constant 0 : i32
      %dma_start3A_21 = tpu.memref_slice %arg6[%dma_start3A_19, %dma_start3A_20] : memref<640x128xf32, #tpu.memory_space<hbm>> -> memref<624x128xf32, #tpu.memory_space<hbm>>
      tpu.enqueue_dma source(%dma_start3A_21 : memref<624x128xf32, #tpu.memory_space<hbm>>) target(%dma_start3A_18 : memref<624x128xf32, #tpu.memory_space<vmem_shared>>) target_semaphore(%run_scoped3A : memref<!tpu.dma_semaphore, #tpu.memory_space<semaphore_mem>>)
      %dma_wait3A = arith.constant 0 : i32
      %dma_wait3A_22 = tpu.memref_slice %arg8[%mul3A_0, %dma_wait3A] : memref<10000x128xf32, #tpu.memory_space<vmem_shared>> -> memref<624x128xf32, #tpu.memory_space<vmem_shared>>
      %dma_wait3A_23 = arith.constant 0 : i32
      %dma_wait3A_24 = arith.constant 0 : i32
      %dma_wait3A_25 = tpu.memref_slice %arg6[%dma_wait3A_23, %dma_wait3A_24] : memref<640x128xf32, #tpu.memory_space<hbm>> -> memref<624x128xf32, #tpu.memory_space<hbm>>
      tpu.wait_dma2 semaphore(%run_scoped3A : memref<!tpu.dma_semaphore, #tpu.memory_space<semaphore_mem>>) src(%dma_wait3A_25 : memref<624x128xf32, #tpu.memory_space<hbm>>) dst(%dma_wait3A_22 : memref<624x128xf32, #tpu.memory_space<vmem_shared>>)
      tpu.yield
    }) : () -> ()
    %eq3A = arith.constant 15 : i32
    %eq3A_1 = arith.cmpi eq, %arg1, %eq3A : i32
    %convert_element_type3A = arith.extui %eq3A_1 : i1 to i32
    %cond3A = arith.constant 0 : i32
    %cond3A_2 = arith.cmpi ne, %convert_element_type3A, %cond3A : i32
    scf.if %cond3A_2 {
      "tpu.region"() ({
        %run_scoped3A = tpu.sem_alloc : memref<!tpu.dma_semaphore, #tpu.memory_space<semaphore_mem>>
        %dma_start3A = arith.constant 9984 : i32
        %dma_start3A_18 = arith.constant 0 : i32
        %dma_start3A_19 = tpu.memref_slice %arg8[%dma_start3A, %dma_start3A_18] : memref<10000x128xf32, #tpu.memory_space<vmem_shared>> -> memref<16x128xf32, #tpu.memory_space<vmem_shared>>
        %dma_start3A_20 = arith.constant 0 : i32
        %dma_start3A_21 = arith.constant 0 : i32
        %dma_start3A_22 = tpu.memref_slice %arg6[%dma_start3A_20, %dma_start3A_21] : memref<640x128xf32, #tpu.memory_space<hbm>> -> memref<16x128xf32, #tpu.memory_space<hbm>>
        tpu.enqueue_dma source(%dma_start3A_22 : memref<16x128xf32, #tpu.memory_space<hbm>>) target(%dma_start3A_19 : memref<16x128xf32, #tpu.memory_space<vmem_shared>>) target_semaphore(%run_scoped3A : memref<!tpu.dma_semaphore, #tpu.memory_space<semaphore_mem>>)
        %dma_wait3A = arith.constant 9984 : i32
        %dma_wait3A_23 = arith.constant 0 : i32
        %dma_wait3A_24 = tpu.memref_slice %arg8[%dma_wait3A, %dma_wait3A_23] : memref<10000x128xf32, #tpu.memory_space<vmem_shared>> -> memref<16x128xf32, #tpu.memory_space<vmem_shared>>
        %dma_wait3A_25 = arith.constant 0 : i32
        %dma_wait3A_26 = arith.constant 0 : i32
        %dma_wait3A_27 = tpu.memref_slice %arg6[%dma_wait3A_25, %dma_wait3A_26] : memref<640x128xf32, #tpu.memory_space<hbm>> -> memref<16x128xf32, #tpu.memory_space<hbm>>
        tpu.wait_dma2 semaphore(%run_scoped3A : memref<!tpu.dma_semaphore, #tpu.memory_space<semaphore_mem>>) src(%dma_wait3A_27 : memref<16x128xf32, #tpu.memory_space<hbm>>) dst(%dma_wait3A_24 : memref<16x128xf32, #tpu.memory_space<vmem_shared>>)
        tpu.yield
      }) : () -> ()
    } else {
    }
    %barrier3A = arith.constant 0 : index
    tpu.barrier barrier_id(%barrier3A)
    %scan3A = arith.constant 0 : i32
    %scan3A_3 = arith.constant 0 : i32
    %scan3A_4 = arith.constant 20 : i32
    %scan3A_5 = arith.addi %scan3A_3, %scan3A_4 : i32
    %scan3A_6 = arith.constant 1 : i32
    scf.for %scan3A_18 = %scan3A_3 to %scan3A_5 step %scan3A_6  : i32 {
      %mul3A_19 = arith.constant 160 : i32
      %mul3A_20 = arith.muli %arg1, %mul3A_19 : i32
      %mul3A_21 = arith.constant 8 : i32
      %mul3A_22 = arith.muli %scan3A_18, %mul3A_21 : i32
      %add3A = arith.addi %mul3A_20, %mul3A_22 : i32
      %mul3A_23 = arith.constant 1280 : i32
      %mul3A_24 = arith.muli %arg1, %mul3A_23 : i32
      %mul3A_25 = arith.constant 64 : i32
      %mul3A_26 = arith.muli %scan3A_18, %mul3A_25 : i32
      %add3A_27 = arith.addi %mul3A_24, %mul3A_26 : i32
      "tpu.region"() ({
        %run_scoped3A = tpu.sem_alloc : memref<!tpu.dma_semaphore, #tpu.memory_space<semaphore_mem>>
        %dma_start3A_40 = arith.constant 0 : i32
        %dma_start3A_41 = tpu.memref_slice %arg3[%arg0, %add3A, %dma_start3A_40] : memref<2x2560x128xi32, #tpu.memory_space<hbm>> -> memref<1x8x128xi32, #tpu.memory_space<hbm>>
        %dma_start3A_42 = tpu.memref_squeeze %dma_start3A_41 : memref<1x8x128xi32, #tpu.memory_space<hbm>> -> memref<8x128xi32, #tpu.memory_space<hbm>>
        %dma_start3A_43 = arith.constant 0 : i32
        %dma_start3A_44 = tpu.memref_slice %arg3[%arg0, %add3A, %dma_start3A_43] : memref<2x2560x128xi32, #tpu.memory_space<hbm>> -> memref<1x8x128xi32, #tpu.memory_space<hbm>>
        %dma_start3A_45 = tpu.memref_squeeze %dma_start3A_44 : memref<1x8x128xi32, #tpu.memory_space<hbm>> -> memref<8x128xi32, #tpu.memory_space<hbm>>
        tpu.enqueue_dma source(%dma_start3A_45 : memref<8x128xi32, #tpu.memory_space<hbm>>) target(%arg9 : memref<8x128xi32, #tpu.memory_space<vmem>>) target_semaphore(%run_scoped3A : memref<!tpu.dma_semaphore, #tpu.memory_space<semaphore_mem>>)
        %dma_wait3A = arith.constant 0 : i32
        %dma_wait3A_46 = tpu.memref_slice %arg3[%arg0, %add3A, %dma_wait3A] : memref<2x2560x128xi32, #tpu.memory_space<hbm>> -> memref<1x8x128xi32, #tpu.memory_space<hbm>>
        %dma_wait3A_47 = tpu.memref_squeeze %dma_wait3A_46 : memref<1x8x128xi32, #tpu.memory_space<hbm>> -> memref<8x128xi32, #tpu.memory_space<hbm>>
        %dma_wait3A_48 = arith.constant 0 : i32
        %dma_wait3A_49 = tpu.memref_slice %arg3[%arg0, %add3A, %dma_wait3A_48] : memref<2x2560x128xi32, #tpu.memory_space<hbm>> -> memref<1x8x128xi32, #tpu.memory_space<hbm>>
        %dma_wait3A_50 = tpu.memref_squeeze %dma_wait3A_49 : memref<1x8x128xi32, #tpu.memory_space<hbm>> -> memref<8x128xi32, #tpu.memory_space<hbm>>
        tpu.wait_dma2 semaphore(%run_scoped3A : memref<!tpu.dma_semaphore, #tpu.memory_space<semaphore_mem>>) src(%dma_wait3A_50 : memref<8x128xi32, #tpu.memory_space<hbm>>) dst(%arg9 : memref<8x128xi32, #tpu.memory_space<vmem>>)
        tpu.yield
      }) : () -> ()
      "tpu.region"() ({
        %run_scoped3A = tpu.sem_alloc : memref<!tpu.dma_semaphore, #tpu.memory_space<semaphore_mem>>
        %dma_start3A_40 = arith.constant 0 : i32
        %dma_start3A_41 = tpu.memref_slice %arg4[%add3A, %dma_start3A_40] : memref<2560x128xi32, #tpu.memory_space<hbm>> -> memref<8x128xi32, #tpu.memory_space<hbm>>
        %dma_start3A_42 = arith.constant 0 : i32
        %dma_start3A_43 = tpu.memref_slice %arg4[%add3A, %dma_start3A_42] : memref<2560x128xi32, #tpu.memory_space<hbm>> -> memref<8x128xi32, #tpu.memory_space<hbm>>
        tpu.enqueue_dma source(%dma_start3A_43 : memref<8x128xi32, #tpu.memory_space<hbm>>) target(%arg10 : memref<8x128xi32, #tpu.memory_space<vmem>>) target_semaphore(%run_scoped3A : memref<!tpu.dma_semaphore, #tpu.memory_space<semaphore_mem>>)
        %dma_wait3A = arith.constant 0 : i32
        %dma_wait3A_44 = tpu.memref_slice %arg4[%add3A, %dma_wait3A] : memref<2560x128xi32, #tpu.memory_space<hbm>> -> memref<8x128xi32, #tpu.memory_space<hbm>>
        %dma_wait3A_45 = arith.constant 0 : i32
        %dma_wait3A_46 = tpu.memref_slice %arg4[%add3A, %dma_wait3A_45] : memref<2560x128xi32, #tpu.memory_space<hbm>> -> memref<8x128xi32, #tpu.memory_space<hbm>>
        tpu.wait_dma2 semaphore(%run_scoped3A : memref<!tpu.dma_semaphore, #tpu.memory_space<semaphore_mem>>) src(%dma_wait3A_46 : memref<8x128xi32, #tpu.memory_space<hbm>>) dst(%arg10 : memref<8x128xi32, #tpu.memory_space<vmem>>)
        tpu.yield
      }) : () -> ()
      "tpu.region"() ({
        %run_scoped3A = tpu.sem_alloc : memref<!tpu.dma_semaphore, #tpu.memory_space<semaphore_mem>>
        %dma_start3A_40 = arith.constant 0 : i32
        %dma_start3A_41 = tpu.memref_slice %arg5[%add3A_27, %dma_start3A_40] : memref<20480x16xf32, #tpu.memory_space<hbm>> -> memref<64x16xf32, #tpu.memory_space<hbm>>
        %dma_start3A_42 = arith.constant 0 : i32
        %dma_start3A_43 = tpu.memref_slice %arg5[%add3A_27, %dma_start3A_42] : memref<20480x16xf32, #tpu.memory_space<hbm>> -> memref<64x16xf32, #tpu.memory_space<hbm>>
        tpu.enqueue_dma source(%dma_start3A_43 : memref<64x16xf32, #tpu.memory_space<hbm>>) target(%arg11 : memref<64x16xf32, #tpu.memory_space<vmem>>) target_semaphore(%run_scoped3A : memref<!tpu.dma_semaphore, #tpu.memory_space<semaphore_mem>>)
        %dma_wait3A = arith.constant 0 : i32
        %dma_wait3A_44 = tpu.memref_slice %arg5[%add3A_27, %dma_wait3A] : memref<20480x16xf32, #tpu.memory_space<hbm>> -> memref<64x16xf32, #tpu.memory_space<hbm>>
        %dma_wait3A_45 = arith.constant 0 : i32
        %dma_wait3A_46 = tpu.memref_slice %arg5[%add3A_27, %dma_wait3A_45] : memref<20480x16xf32, #tpu.memory_space<hbm>> -> memref<64x16xf32, #tpu.memory_space<hbm>>
        tpu.wait_dma2 semaphore(%run_scoped3A : memref<!tpu.dma_semaphore, #tpu.memory_space<semaphore_mem>>) src(%dma_wait3A_46 : memref<64x16xf32, #tpu.memory_space<hbm>>) dst(%arg11 : memref<64x16xf32, #tpu.memory_space<vmem>>)
        tpu.yield
      }) : () -> ()
      %dma_start3A = arith.constant 0 : i32
      %dma_start3A_28 = arith.constant 0 : i32
      %dma_start3A_29 = tpu.memref_slice %arg9[%dma_start3A, %dma_start3A_28] : memref<8x128xi32, #tpu.memory_space<vmem>> -> memref<1x128xi32, #tpu.memory_space<vmem>>
      %dma_start3A_30 = tpu.memref_squeeze %dma_start3A_29 : memref<1x128xi32, #tpu.memory_space<vmem>> -> memref<128xi32, #tpu.memory_space<vmem>>
      %dma_start3A_31 = arith.constant 0 : i32
      %dma_start3A_32 = arith.constant 0 : i32
      %dma_start3A_33 = tpu.memref_slice %arg2[%dma_start3A_31, %dma_start3A_32] : memref<20000x128xf32, #tpu.memory_space<hbm>> -> memref<20000x128xf32, #tpu.memory_space<hbm>>
      tpu.enqueue_indirect_dma source(%dma_start3A_33 : memref<20000x128xf32, #tpu.memory_space<hbm>>) target(%arg12 : memref<128x128xf32, #tpu.memory_space<vmem>>) offsets(%dma_start3A_30 : memref<128xi32, #tpu.memory_space<vmem>>) semaphore(%arg14 : memref<!tpu.dma_semaphore, #tpu.memory_space<semaphore_mem>>)
      %scan3A_34 = arith.constant 0 : i32
      %scan3A_35 = arith.constant 0 : i32
      %scan3A_36 = arith.constant 4 : i32
      %scan3A_37 = arith.addi %scan3A_35, %scan3A_36 : i32
      %scan3A_38 = arith.constant 1 : i32
      scf.for %scan3A_40 = %scan3A_35 to %scan3A_37 step %scan3A_38  : i32 {
        %mul3A_41 = arith.constant 2 : i32
        %mul3A_42 = arith.muli %scan3A_40, %mul3A_41 : i32
        %add3A_43 = arith.constant 0 : i32
        %add3A_44 = arith.addi %mul3A_42, %add3A_43 : i32
        %dma_wait3A = arith.constant 0 : i32
        %dma_wait3A_45 = tpu.memref_slice %arg9[%add3A_44, %dma_wait3A] : memref<8x128xi32, #tpu.memory_space<vmem>> -> memref<1x128xi32, #tpu.memory_space<vmem>>
        %dma_wait3A_46 = tpu.memref_squeeze %dma_wait3A_45 : memref<1x128xi32, #tpu.memory_space<vmem>> -> memref<128xi32, #tpu.memory_space<vmem>>
        %dma_wait3A_47 = arith.constant 0 : i32
        %dma_wait3A_48 = arith.constant 0 : i32
        %dma_wait3A_49 = tpu.memref_slice %arg2[%dma_wait3A_47, %dma_wait3A_48] : memref<20000x128xf32, #tpu.memory_space<hbm>> -> memref<20000x128xf32, #tpu.memory_space<hbm>>
        tpu.wait_indirect_dma semaphore(%arg14 : memref<!tpu.dma_semaphore, #tpu.memory_space<semaphore_mem>>) src(%dma_wait3A_49 : memref<20000x128xf32, #tpu.memory_space<hbm>>) dst(%arg12 : memref<128x128xf32, #tpu.memory_space<vmem>>)
        %lt3A = arith.constant 7 : i32
        %lt3A_50 = arith.cmpi slt, %add3A_44, %lt3A : i32
        %convert_element_type3A_51 = arith.extui %lt3A_50 : i1 to i32
        %cond3A_52 = arith.constant 0 : i32
        %cond3A_53 = arith.cmpi ne, %convert_element_type3A_51, %cond3A_52 : i32
        scf.if %cond3A_53 {
          %add3A_79 = arith.constant 1 : i32
          %add3A_80 = arith.addi %add3A_44, %add3A_79 : i32
          %dma_start3A_81 = arith.constant 0 : i32
          %dma_start3A_82 = tpu.memref_slice %arg9[%add3A_80, %dma_start3A_81] : memref<8x128xi32, #tpu.memory_space<vmem>> -> memref<1x128xi32, #tpu.memory_space<vmem>>
          %dma_start3A_83 = tpu.memref_squeeze %dma_start3A_82 : memref<1x128xi32, #tpu.memory_space<vmem>> -> memref<128xi32, #tpu.memory_space<vmem>>
          %dma_start3A_84 = arith.constant 0 : i32
          %dma_start3A_85 = arith.constant 0 : i32
          %dma_start3A_86 = tpu.memref_slice %arg2[%dma_start3A_84, %dma_start3A_85] : memref<20000x128xf32, #tpu.memory_space<hbm>> -> memref<20000x128xf32, #tpu.memory_space<hbm>>
          tpu.enqueue_indirect_dma source(%dma_start3A_86 : memref<20000x128xf32, #tpu.memory_space<hbm>>) target(%arg13 : memref<128x128xf32, #tpu.memory_space<vmem>>) offsets(%dma_start3A_83 : memref<128xi32, #tpu.memory_space<vmem>>) semaphore(%arg15 : memref<!tpu.dma_semaphore, #tpu.memory_space<semaphore_mem>>)
        } else {
        }
        %scan3A_54 = arith.constant 0 : i32
        %scan3A_55 = arith.constant 0 : i32
        %scan3A_56 = arith.constant 8 : i32
        %scan3A_57 = arith.addi %scan3A_55, %scan3A_56 : i32
        %scan3A_58 = arith.constant 1 : i32
        scf.for %scan3A_79 = %scan3A_55 to %scan3A_57 step %scan3A_58  : i32 {
          %mul3A_80 = arith.constant 8 : i32
          %mul3A_81 = arith.muli %add3A_44, %mul3A_80 : i32
          %add3A_82 = arith.addi %mul3A_81, %scan3A_79 : i32
          %get3A = arith.index_cast %add3A_82 : i32 to index
          %get3A_83 = arith.constant 0 : index
          %get3A_84 = tpu.vector_load %arg11[%get3A, %get3A_83] {strides = array<i32>} : memref<64x16xf32, #tpu.memory_space<vmem>>, vector<1x16xf32>,
          %get3A_85 = vector.shape_cast %get3A_84 : vector<1x16xf32> to vector<16xf32>
          %slice3A = vector.extract_strided_slice %get3A_85 {offsets = [0], sizes = [1], strides = [1]} : vector<16xf32> to vector<1xf32>
          %squeeze3A = vector.extract %slice3A[0] : f32 from vector<1xf32>
          %broadcast_in_dim3A = vector.broadcast %squeeze3A : f32 to vector<16xf32>
          %mul3A_86 = arith.constant 16 : i32
          %mul3A_87 = arith.muli %scan3A_79, %mul3A_86 : i32
          %add3A_88 = arith.constant 0 : i32
          %add3A_89 = arith.addi %mul3A_87, %add3A_88 : i32
          %get3A_90 = arith.index_cast %add3A_89 : i32 to index
          %get3A_91 = arith.constant 0 : index
          %get3A_92 = tpu.vector_load %arg12[%get3A_90, %get3A_91] {strides = array<i32>} : memref<128x128xf32, #tpu.memory_space<vmem>>, vector<1x16xf32>,
          %get3A_93 = vector.shape_cast %get3A_92 : vector<1x16xf32> to vector<16xf32>
          %mul3A_94 = arith.mulf %get3A_93, %broadcast_in_dim3A : vector<16xf32>
          %swap3A = arith.index_cast %add3A_89 : i32 to index
          %swap3A_95 = arith.constant 0 : index
          %swap3A_96 = tpu.vector_load %arg12[%swap3A, %swap3A_95] {strides = array<i32>} : memref<128x128xf32, #tpu.memory_space<vmem>>, vector<1x16xf32>,
          %swap3A_97 = vector.shape_cast %swap3A_96 : vector<1x16xf32> to vector<16xf32>
          %swap3A_98 = vector.shape_cast %mul3A_94 : vector<16xf32> to vector<1x16xf32>
          tpu.vector_store %arg12[%swap3A, %swap3A_95], %swap3A_98 {strides = array<i32>} : memref<128x128xf32, #tpu.memory_space<vmem>>, vector<1x16xf32>,
          %get3A_99 = arith.index_cast %add3A_89 : i32 to index
          %get3A_100 = arith.constant 16 : index
          %get3A_101 = tpu.vector_load %arg12[%get3A_99, %get3A_100] {strides = array<i32>} : memref<128x128xf32, #tpu.memory_space<vmem>>, vector<1x16xf32>,
          %get3A_102 = vector.shape_cast %get3A_101 : vector<1x16xf32> to vector<16xf32>
          %mul3A_103 = arith.mulf %get3A_102, %broadcast_in_dim3A : vector<16xf32>
          %swap3A_104 = arith.index_cast %add3A_89 : i32 to index
          %swap3A_105 = arith.constant 16 : index
          %swap3A_106 = tpu.vector_load %arg12[%swap3A_104, %swap3A_105] {strides = array<i32>} : memref<128x128xf32, #tpu.memory_space<vmem>>, vector<1x16xf32>,
          %swap3A_107 = vector.shape_cast %swap3A_106 : vector<1x16xf32> to vector<16xf32>
          %swap3A_108 = vector.shape_cast %mul3A_103 : vector<16xf32> to vector<1x16xf32>
          tpu.vector_store %arg12[%swap3A_104, %swap3A_105], %swap3A_108 {strides = array<i32>} : memref<128x128xf32, #tpu.memory_space<vmem>>, vector<1x16xf32>,
          %get3A_109 = arith.index_cast %add3A_89 : i32 to index
          %get3A_110 = arith.constant 32 : index
          %get3A_111 = tpu.vector_load %arg12[%get3A_109, %get3A_110] {strides = array<i32>} : memref<128x128xf32, #tpu.memory_space<vmem>>, vector<1x16xf32>,
          %get3A_112 = vector.shape_cast %get3A_111 : vector<1x16xf32> to vector<16xf32>
          %mul3A_113 = arith.mulf %get3A_112, %broadcast_in_dim3A : vector<16xf32>
          %swap3A_114 = arith.index_cast %add3A_89 : i32 to index
          %swap3A_115 = arith.constant 32 : index
          %swap3A_116 = tpu.vector_load %arg12[%swap3A_114, %swap3A_115] {strides = array<i32>} : memref<128x128xf32, #tpu.memory_space<vmem>>, vector<1x16xf32>,
          %swap3A_117 = vector.shape_cast %swap3A_116 : vector<1x16xf32> to vector<16xf32>
          %swap3A_118 = vector.shape_cast %mul3A_113 : vector<16xf32> to vector<1x16xf32>
          tpu.vector_store %arg12[%swap3A_114, %swap3A_115], %swap3A_118 {strides = array<i32>} : memref<128x128xf32, #tpu.memory_space<vmem>>, vector<1x16xf32>,
          %get3A_119 = arith.index_cast %add3A_89 : i32 to index
          %get3A_120 = arith.constant 48 : index
          %get3A_121 = tpu.vector_load %arg12[%get3A_119, %get3A_120] {strides = array<i32>} : memref<128x128xf32, #tpu.memory_space<vmem>>, vector<1x16xf32>,
          %get3A_122 = vector.shape_cast %get3A_121 : vector<1x16xf32> to vector<16xf32>
          %mul3A_123 = arith.mulf %get3A_122, %broadcast_in_dim3A : vector<16xf32>
          %swap3A_124 = arith.index_cast %add3A_89 : i32 to index
          %swap3A_125 = arith.constant 48 : index
          %swap3A_126 = tpu.vector_load %arg12[%swap3A_124, %swap3A_125] {strides = array<i32>} : memref<128x128xf32, #tpu.memory_space<vmem>>, vector<1x16xf32>,
          %swap3A_127 = vector.shape_cast %swap3A_126 : vector<1x16xf32> to vector<16xf32>
          %swap3A_128 = vector.shape_cast %mul3A_123 : vector<16xf32> to vector<1x16xf32>
          tpu.vector_store %arg12[%swap3A_124, %swap3A_125], %swap3A_128 {strides = array<i32>} : memref<128x128xf32, #tpu.memory_space<vmem>>, vector<1x16xf32>,
          %get3A_129 = arith.index_cast %add3A_89 : i32 to index
          %get3A_130 = arith.constant 64 : index
          %get3A_131 = tpu.vector_load %arg12[%get3A_129, %get3A_130] {strides = array<i32>} : memref<128x128xf32, #tpu.memory_space<vmem>>, vector<1x16xf32>,
          %get3A_132 = vector.shape_cast %get3A_131 : vector<1x16xf32> to vector<16xf32>
          %mul3A_133 = arith.mulf %get3A_132, %broadcast_in_dim3A : vector<16xf32>
          %swap3A_134 = arith.index_cast %add3A_89 : i32 to index
          %swap3A_135 = arith.constant 64 : index
          %swap3A_136 = tpu.vector_load %arg12[%swap3A_134, %swap3A_135] {strides = array<i32>} : memref<128x128xf32, #tpu.memory_space<vmem>>, vector<1x16xf32>,
          %swap3A_137 = vector.shape_cast %swap3A_136 : vector<1x16xf32> to vector<16xf32>
          %swap3A_138 = vector.shape_cast %mul3A_133 : vector<16xf32> to vector<1x16xf32>
          tpu.vector_store %arg12[%swap3A_134, %swap3A_135], %swap3A_138 {strides = array<i32>} : memref<128x128xf32, #tpu.memory_space<vmem>>, vector<1x16xf32>,
          %get3A_139 = arith.index_cast %add3A_89 : i32 to index
          %get3A_140 = arith.constant 80 : index
          %get3A_141 = tpu.vector_load %arg12[%get3A_139, %get3A_140] {strides = array<i32>} : memref<128x128xf32, #tpu.memory_space<vmem>>, vector<1x16xf32>,
          %get3A_142 = vector.shape_cast %get3A_141 : vector<1x16xf32> to vector<16xf32>
          %mul3A_143 = arith.mulf %get3A_142, %broadcast_in_dim3A : vector<16xf32>
          %swap3A_144 = arith.index_cast %add3A_89 : i32 to index
          %swap3A_145 = arith.constant 80 : index
          %swap3A_146 = tpu.vector_load %arg12[%swap3A_144, %swap3A_145] {strides = array<i32>} : memref<128x128xf32, #tpu.memory_space<vmem>>, vector<1x16xf32>,
          %swap3A_147 = vector.shape_cast %swap3A_146 : vector<1x16xf32> to vector<16xf32>
          %swap3A_148 = vector.shape_cast %mul3A_143 : vector<16xf32> to vector<1x16xf32>
          tpu.vector_store %arg12[%swap3A_144, %swap3A_145], %swap3A_148 {strides = array<i32>} : memref<128x128xf32, #tpu.memory_space<vmem>>, vector<1x16xf32>,
          %get3A_149 = arith.index_cast %add3A_89 : i32 to index
          %get3A_150 = arith.constant 96 : index
          %get3A_151 = tpu.vector_load %arg12[%get3A_149, %get3A_150] {strides = array<i32>} : memref<128x128xf32, #tpu.memory_space<vmem>>, vector<1x16xf32>,
          %get3A_152 = vector.shape_cast %get3A_151 : vector<1x16xf32> to vector<16xf32>
          %mul3A_153 = arith.mulf %get3A_152, %broadcast_in_dim3A : vector<16xf32>
          %swap3A_154 = arith.index_cast %add3A_89 : i32 to index
          %swap3A_155 = arith.constant 96 : index
          %swap3A_156 = tpu.vector_load %arg12[%swap3A_154, %swap3A_155] {strides = array<i32>} : memref<128x128xf32, #tpu.memory_space<vmem>>, vector<1x16xf32>,
          %swap3A_157 = vector.shape_cast %swap3A_156 : vector<1x16xf32> to vector<16xf32>
          %swap3A_158 = vector.shape_cast %mul3A_153 : vector<16xf32> to vector<1x16xf32>
          tpu.vector_store %arg12[%swap3A_154, %swap3A_155], %swap3A_158 {strides = array<i32>} : memref<128x128xf32, #tpu.memory_space<vmem>>, vector<1x16xf32>,
          %get3A_159 = arith.index_cast %add3A_89 : i32 to index
          %get3A_160 = arith.constant 112 : index
          %get3A_161 = tpu.vector_load %arg12[%get3A_159, %get3A_160] {strides = array<i32>} : memref<128x128xf32, #tpu.memory_space<vmem>>, vector<1x16xf32>,
          %get3A_162 = vector.shape_cast %get3A_161 : vector<1x16xf32> to vector<16xf32>
          %mul3A_163 = arith.mulf %get3A_162, %broadcast_in_dim3A : vector<16xf32>
          %swap3A_164 = arith.index_cast %add3A_89 : i32 to index
          %swap3A_165 = arith.constant 112 : index
          %swap3A_166 = tpu.vector_load %arg12[%swap3A_164, %swap3A_165] {strides = array<i32>} : memref<128x128xf32, #tpu.memory_space<vmem>>, vector<1x16xf32>,
          %swap3A_167 = vector.shape_cast %swap3A_166 : vector<1x16xf32> to vector<16xf32>
          %swap3A_168 = vector.shape_cast %mul3A_163 : vector<16xf32> to vector<1x16xf32>
          tpu.vector_store %arg12[%swap3A_164, %swap3A_165], %swap3A_168 {strides = array<i32>} : memref<128x128xf32, #tpu.memory_space<vmem>>, vector<1x16xf32>,
          %slice3A_169 = vector.extract_strided_slice %get3A_85 {offsets = [1], sizes = [1], strides = [1]} : vector<16xf32> to vector<1xf32>
          %squeeze3A_170 = vector.extract %slice3A_169[0] : f32 from vector<1xf32>
          %broadcast_in_dim3A_171 = vector.broadcast %squeeze3A_170 : f32 to vector<16xf32>
          %mul3A_172 = arith.constant 16 : i32
          %mul3A_173 = arith.muli %scan3A_79, %mul3A_172 : i32
          %add3A_174 = arith.constant 1 : i32
          %add3A_175 = arith.addi %mul3A_173, %add3A_174 : i32
          %get3A_176 = arith.index_cast %add3A_175 : i32 to index
          %get3A_177 = arith.constant 0 : index
          %get3A_178 = tpu.vector_load %arg12[%get3A_176, %get3A_177] {strides = array<i32>} : memref<128x128xf32, #tpu.memory_space<vmem>>, vector<1x16xf32>,
          %get3A_179 = vector.shape_cast %get3A_178 : vector<1x16xf32> to vector<16xf32>
          %mul3A_180 = arith.mulf %get3A_179, %broadcast_in_dim3A_171 : vector<16xf32>
          %swap3A_181 = arith.index_cast %add3A_175 : i32 to index
          %swap3A_182 = arith.constant 0 : index
          %swap3A_183 = tpu.vector_load %arg12[%swap3A_181, %swap3A_182] {strides = array<i32>} : memref<128x128xf32, #tpu.memory_space<vmem>>, vector<1x16xf32>,
          %swap3A_184 = vector.shape_cast %swap3A_183 : vector<1x16xf32> to vector<16xf32>
          %swap3A_185 = vector.shape_cast %mul3A_180 : vector<16xf32> to vector<1x16xf32>
          tpu.vector_store %arg12[%swap3A_181, %swap3A_182], %swap3A_185 {strides = array<i32>} : memref<128x128xf32, #tpu.memory_space<vmem>>, vector<1x16xf32>,
          %get3A_186 = arith.index_cast %add3A_175 : i32 to index
          %get3A_187 = arith.constant 16 : index
          %get3A_188 = tpu.vector_load %arg12[%get3A_186, %get3A_187] {strides = array<i32>} : memref<128x128xf32, #tpu.memory_space<vmem>>, vector<1x16xf32>,
          %get3A_189 = vector.shape_cast %get3A_188 : vector<1x16xf32> to vector<16xf32>
          %mul3A_190 = arith.mulf %get3A_189, %broadcast_in_dim3A_171 : vector<16xf32>
          %swap3A_191 = arith.index_cast %add3A_175 : i32 to index
          %swap3A_192 = arith.constant 16 : index
          %swap3A_193 = tpu.vector_load %arg12[%swap3A_191, %swap3A_192] {strides = array<i32>} : memref<128x128xf32, #tpu.memory_space<vmem>>, vector<1x16xf32>,
          %swap3A_194 = vector.shape_cast %swap3A_193 : vector<1x16xf32> to vector<16xf32>
          %swap3A_195 = vector.shape_cast %mul3A_190 : vector<16xf32> to vector<1x16xf32>
          tpu.vector_store %arg12[%swap3A_191, %swap3A_192], %swap3A_195 {strides = array<i32>} : memref<128x128xf32, #tpu.memory_space<vmem>>, vector<1x16xf32>,
          %get3A_196 = arith.index_cast %add3A_175 : i32 to index
          %get3A_197 = arith.constant 32 : index
          %get3A_198 = tpu.vector_load %arg12[%get3A_196, %get3A_197] {strides = array<i32>} : memref<128x128xf32, #tpu.memory_space<vmem>>, vector<1x16xf32>,
          %get3A_199 = vector.shape_cast %get3A_198 : vector<1x16xf32> to vector<16xf32>
          %mul3A_200 = arith.mulf %get3A_199, %broadcast_in_dim3A_171 : vector<16xf32>
          %swap3A_201 = arith.index_cast %add3A_175 : i32 to index
          %swap3A_202 = arith.constant 32 : index
          %swap3A_203 = tpu.vector_load %arg12[%swap3A_201, %swap3A_202] {strides = array<i32>} : memref<128x128xf32, #tpu.memory_space<vmem>>, vector<1x16xf32>,
          %swap3A_204 = vector.shape_cast %swap3A_203 : vector<1x16xf32> to vector<16xf32>
          %swap3A_205 = vector.shape_cast %mul3A_200 : vector<16xf32> to vector<1x16xf32>
          tpu.vector_store %arg12[%swap3A_201, %swap3A_202], %swap3A_205 {strides = array<i32>} : memref<128x128xf32, #tpu.memory_space<vmem>>, vector<1x16xf32>,
          %get3A_206 = arith.index_cast %add3A_175 : i32 to index
          %get3A_207 = arith.constant 48 : index
          %get3A_208 = tpu.vector_load %arg12[%get3A_206, %get3A_207] {strides = array<i32>} : memref<128x128xf32, #tpu.memory_space<vmem>>, vector<1x16xf32>,
          %get3A_209 = vector.shape_cast %get3A_208 : vector<1x16xf32> to vector<16xf32>
          %mul3A_210 = arith.mulf %get3A_209, %broadcast_in_dim3A_171 : vector<16xf32>
          %swap3A_211 = arith.index_cast %add3A_175 : i32 to index
          %swap3A_212 = arith.constant 48 : index
          %swap3A_213 = tpu.vector_load %arg12[%swap3A_211, %swap3A_212] {strides = array<i32>} : memref<128x128xf32, #tpu.memory_space<vmem>>, vector<1x16xf32>,
          %swap3A_214 = vector.shape_cast %swap3A_213 : vector<1x16xf32> to vector<16xf32>
          %swap3A_215 = vector.shape_cast %mul3A_210 : vector<16xf32> to vector<1x16xf32>
          tpu.vector_store %arg12[%swap3A_211, %swap3A_212], %swap3A_215 {strides = array<i32>} : memref<128x128xf32, #tpu.memory_space<vmem>>, vector<1x16xf32>,
          %get3A_216 = arith.index_cast %add3A_175 : i32 to index
          %get3A_217 = arith.constant 64 : index
          %get3A_218 = tpu.vector_load %arg12[%get3A_216, %get3A_217] {strides = array<i32>} : memref<128x128xf32, #tpu.memory_space<vmem>>, vector<1x16xf32>,
          %get3A_219 = vector.shape_cast %get3A_218 : vector<1x16xf32> to vector<16xf32>
          %mul3A_220 = arith.mulf %get3A_219, %broadcast_in_dim3A_171 : vector<16xf32>
          %swap3A_221 = arith.index_cast %add3A_175 : i32 to index
          %swap3A_222 = arith.constant 64 : index
          %swap3A_223 = tpu.vector_load %arg12[%swap3A_221, %swap3A_222] {strides = array<i32>} : memref<128x128xf32, #tpu.memory_space<vmem>>, vector<1x16xf32>,
          %swap3A_224 = vector.shape_cast %swap3A_223 : vector<1x16xf32> to vector<16xf32>
          %swap3A_225 = vector.shape_cast %mul3A_220 : vector<16xf32> to vector<1x16xf32>
          tpu.vector_store %arg12[%swap3A_221, %swap3A_222], %swap3A_225 {strides = array<i32>} : memref<128x128xf32, #tpu.memory_space<vmem>>, vector<1x16xf32>,
          %get3A_226 = arith.index_cast %add3A_175 : i32 to index
          %get3A_227 = arith.constant 80 : index
          %get3A_228 = tpu.vector_load %arg12[%get3A_226, %get3A_227] {strides = array<i32>} : memref<128x128xf32, #tpu.memory_space<vmem>>, vector<1x16xf32>,
          %get3A_229 = vector.shape_cast %get3A_228 : vector<1x16xf32> to vector<16xf32>
          %mul3A_230 = arith.mulf %get3A_229, %broadcast_in_dim3A_171 : vector<16xf32>
          %swap3A_231 = arith.index_cast %add3A_175 : i32 to index
          %swap3A_232 = arith.constant 80 : index
          %swap3A_233 = tpu.vector_load %arg12[%swap3A_231, %swap3A_232] {strides = array<i32>} : memref<128x128xf32, #tpu.memory_space<vmem>>, vector<1x16xf32>,
          %swap3A_234 = vector.shape_cast %swap3A_233 : vector<1x16xf32> to vector<16xf32>
          %swap3A_235 = vector.shape_cast %mul3A_230 : vector<16xf32> to vector<1x16xf32>
          tpu.vector_store %arg12[%swap3A_231, %swap3A_232], %swap3A_235 {strides = array<i32>} : memref<128x128xf32, #tpu.memory_space<vmem>>, vector<1x16xf32>,
          %get3A_236 = arith.index_cast %add3A_175 : i32 to index
          %get3A_237 = arith.constant 96 : index
          %get3A_238 = tpu.vector_load %arg12[%get3A_236, %get3A_237] {strides = array<i32>} : memref<128x128xf32, #tpu.memory_space<vmem>>, vector<1x16xf32>,
          %get3A_239 = vector.shape_cast %get3A_238 : vector<1x16xf32> to vector<16xf32>
          %mul3A_240 = arith.mulf %get3A_239, %broadcast_in_dim3A_171 : vector<16xf32>
          %swap3A_241 = arith.index_cast %add3A_175 : i32 to index
          %swap3A_242 = arith.constant 96 : index
          %swap3A_243 = tpu.vector_load %arg12[%swap3A_241, %swap3A_242] {strides = array<i32>} : memref<128x128xf32, #tpu.memory_space<vmem>>, vector<1x16xf32>,
          %swap3A_244 = vector.shape_cast %swap3A_243 : vector<1x16xf32> to vector<16xf32>
          %swap3A_245 = vector.shape_cast %mul3A_240 : vector<16xf32> to vector<1x16xf32>
          tpu.vector_store %arg12[%swap3A_241, %swap3A_242], %swap3A_245 {strides = array<i32>} : memref<128x128xf32, #tpu.memory_space<vmem>>, vector<1x16xf32>,
          %get3A_246 = arith.index_cast %add3A_175 : i32 to index
          %get3A_247 = arith.constant 112 : index
          %get3A_248 = tpu.vector_load %arg12[%get3A_246, %get3A_247] {strides = array<i32>} : memref<128x128xf32, #tpu.memory_space<vmem>>, vector<1x16xf32>,
          %get3A_249 = vector.shape_cast %get3A_248 : vector<1x16xf32> to vector<16xf32>
          %mul3A_250 = arith.mulf %get3A_249, %broadcast_in_dim3A_171 : vector<16xf32>
          %swap3A_251 = arith.index_cast %add3A_175 : i32 to index
          %swap3A_252 = arith.constant 112 : index
          %swap3A_253 = tpu.vector_load %arg12[%swap3A_251, %swap3A_252] {strides = array<i32>} : memref<128x128xf32, #tpu.memory_space<vmem>>, vector<1x16xf32>,
          %swap3A_254 = vector.shape_cast %swap3A_253 : vector<1x16xf32> to vector<16xf32>
          %swap3A_255 = vector.shape_cast %mul3A_250 : vector<16xf32> to vector<1x16xf32>
          tpu.vector_store %arg12[%swap3A_251, %swap3A_252], %swap3A_255 {strides = array<i32>} : memref<128x128xf32, #tpu.memory_space<vmem>>, vector<1x16xf32>,
          %slice3A_256 = vector.extract_strided_slice %get3A_85 {offsets = [2], sizes = [1], strides = [1]} : vector<16xf32> to vector<1xf32>
          %squeeze3A_257 = vector.extract %slice3A_256[0] : f32 from vector<1xf32>
          %broadcast_in_dim3A_258 = vector.broadcast %squeeze3A_257 : f32 to vector<16xf32>
          %mul3A_259 = arith.constant 16 : i32
          %mul3A_260 = arith.muli %scan3A_79, %mul3A_259 : i32
          %add3A_261 = arith.constant 2 : i32
          %add3A_262 = arith.addi %mul3A_260, %add3A_261 : i32
          %get3A_263 = arith.index_cast %add3A_262 : i32 to index
          %get3A_264 = arith.constant 0 : index
          %get3A_265 = tpu.vector_load %arg12[%get3A_263, %get3A_264] {strides = array<i32>} : memref<128x128xf32, #tpu.memory_space<vmem>>, vector<1x16xf32>,
          %get3A_266 = vector.shape_cast %get3A_265 : vector<1x16xf32> to vector<16xf32>
          %mul3A_267 = arith.mulf %get3A_266, %broadcast_in_dim3A_258 : vector<16xf32>
          %swap3A_268 = arith.index_cast %add3A_262 : i32 to index
          %swap3A_269 = arith.constant 0 : index
          %swap3A_270 = tpu.vector_load %arg12[%swap3A_268, %swap3A_269] {strides = array<i32>} : memref<128x128xf32, #tpu.memory_space<vmem>>, vector<1x16xf32>,
          %swap3A_271 = vector.shape_cast %swap3A_270 : vector<1x16xf32> to vector<16xf32>
          %swap3A_272 = vector.shape_cast %mul3A_267 : vector<16xf32> to vector<1x16xf32>
          tpu.vector_store %arg12[%swap3A_268, %swap3A_269], %swap3A_272 {strides = array<i32>} : memref<128x128xf32, #tpu.memory_space<vmem>>, vector<1x16xf32>,
          %get3A_273 = arith.index_cast %add3A_262 : i32 to index
          %get3A_274 = arith.constant 16 : index
          %get3A_275 = tpu.vector_load %arg12[%get3A_273, %get3A_274] {strides = array<i32>} : memref<128x128xf32, #tpu.memory_space<vmem>>, vector<1x16xf32>,
          %get3A_276 = vector.shape_cast %get3A_275 : vector<1x16xf32> to vector<16xf32>
          %mul3A_277 = arith.mulf %get3A_276, %broadcast_in_dim3A_258 : vector<16xf32>
          %swap3A_278 = arith.index_cast %add3A_262 : i32 to index
          %swap3A_279 = arith.constant 16 : index
          %swap3A_280 = tpu.vector_load %arg12[%swap3A_278, %swap3A_279] {strides = array<i32>} : memref<128x128xf32, #tpu.memory_space<vmem>>, vector<1x16xf32>,
          %swap3A_281 = vector.shape_cast %swap3A_280 : vector<1x16xf32> to vector<16xf32>
          %swap3A_282 = vector.shape_cast %mul3A_277 : vector<16xf32> to vector<1x16xf32>
          tpu.vector_store %arg12[%swap3A_278, %swap3A_279], %swap3A_282 {strides = array<i32>} : memref<128x128xf32, #tpu.memory_space<vmem>>, vector<1x16xf32>,
          %get3A_283 = arith.index_cast %add3A_262 : i32 to index
          %get3A_284 = arith.constant 32 : index
          %get3A_285 = tpu.vector_load %arg12[%get3A_283, %get3A_284] {strides = array<i32>} : memref<128x128xf32, #tpu.memory_space<vmem>>, vector<1x16xf32>,
          %get3A_286 = vector.shape_cast %get3A_285 : vector<1x16xf32> to vector<16xf32>
          %mul3A_287 = arith.mulf %get3A_286, %broadcast_in_dim3A_258 : vector<16xf32>
          %swap3A_288 = arith.index_cast %add3A_262 : i32 to index
          %swap3A_289 = arith.constant 32 : index
          %swap3A_290 = tpu.vector_load %arg12[%swap3A_288, %swap3A_289] {strides = array<i32>} : memref<128x128xf32, #tpu.memory_space<vmem>>, vector<1x16xf32>,
          %swap3A_291 = vector.shape_cast %swap3A_290 : vector<1x16xf32> to vector<16xf32>
          %swap3A_292 = vector.shape_cast %mul3A_287 : vector<16xf32> to vector<1x16xf32>
          tpu.vector_store %arg12[%swap3A_288, %swap3A_289], %swap3A_292 {strides = array<i32>} : memref<128x128xf32, #tpu.memory_space<vmem>>, vector<1x16xf32>,
          %get3A_293 = arith.index_cast %add3A_262 : i32 to index
          %get3A_294 = arith.constant 48 : index
          %get3A_295 = tpu.vector_load %arg12[%get3A_293, %get3A_294] {strides = array<i32>} : memref<128x128xf32, #tpu.memory_space<vmem>>, vector<1x16xf32>,
          %get3A_296 = vector.shape_cast %get3A_295 : vector<1x16xf32> to vector<16xf32>
          %mul3A_297 = arith.mulf %get3A_296, %broadcast_in_dim3A_258 : vector<16xf32>
          %swap3A_298 = arith.index_cast %add3A_262 : i32 to index
          %swap3A_299 = arith.constant 48 : index
          %swap3A_300 = tpu.vector_load %arg12[%swap3A_298, %swap3A_299] {strides = array<i32>} : memref<128x128xf32, #tpu.memory_space<vmem>>, vector<1x16xf32>,
          %swap3A_301 = vector.shape_cast %swap3A_300 : vector<1x16xf32> to vector<16xf32>
          %swap3A_302 = vector.shape_cast %mul3A_297 : vector<16xf32> to vector<1x16xf32>
          tpu.vector_store %arg12[%swap3A_298, %swap3A_299], %swap3A_302 {strides = array<i32>} : memref<128x128xf32, #tpu.memory_space<vmem>>, vector<1x16xf32>,
          %get3A_303 = arith.index_cast %add3A_262 : i32 to index
          %get3A_304 = arith.constant 64 : index
          %get3A_305 = tpu.vector_load %arg12[%get3A_303, %get3A_304] {strides = array<i32>} : memref<128x128xf32, #tpu.memory_space<vmem>>, vector<1x16xf32>,
          %get3A_306 = vector.shape_cast %get3A_305 : vector<1x16xf32> to vector<16xf32>
          %mul3A_307 = arith.mulf %get3A_306, %broadcast_in_dim3A_258 : vector<16xf32>
          %swap3A_308 = arith.index_cast %add3A_262 : i32 to index
          %swap3A_309 = arith.constant 64 : index
          %swap3A_310 = tpu.vector_load %arg12[%swap3A_308, %swap3A_309] {strides = array<i32>} : memref<128x128xf32, #tpu.memory_space<vmem>>, vector<1x16xf32>,
          %swap3A_311 = vector.shape_cast %swap3A_310 : vector<1x16xf32> to vector<16xf32>
          %swap3A_312 = vector.shape_cast %mul3A_307 : vector<16xf32> to vector<1x16xf32>
          tpu.vector_store %arg12[%swap3A_308, %swap3A_309], %swap3A_312 {strides = array<i32>} : memref<128x128xf32, #tpu.memory_space<vmem>>, vector<1x16xf32>,
          %get3A_313 = arith.index_cast %add3A_262 : i32 to index
          %get3A_314 = arith.constant 80 : index
          %get3A_315 = tpu.vector_load %arg12[%get3A_313, %get3A_314] {strides = array<i32>} : memref<128x128xf32, #tpu.memory_space<vmem>>, vector<1x16xf32>,
          %get3A_316 = vector.shape_cast %get3A_315 : vector<1x16xf32> to vector<16xf32>
          %mul3A_317 = arith.mulf %get3A_316, %broadcast_in_dim3A_258 : vector<16xf32>
          %swap3A_318 = arith.index_cast %add3A_262 : i32 to index
          %swap3A_319 = arith.constant 80 : index
          %swap3A_320 = tpu.vector_load %arg12[%swap3A_318, %swap3A_319] {strides = array<i32>} : memref<128x128xf32, #tpu.memory_space<vmem>>, vector<1x16xf32>,
          %swap3A_321 = vector.shape_cast %swap3A_320 : vector<1x16xf32> to vector<16xf32>
          %swap3A_322 = vector.shape_cast %mul3A_317 : vector<16xf32> to vector<1x16xf32>
          tpu.vector_store %arg12[%swap3A_318, %swap3A_319], %swap3A_322 {strides = array<i32>} : memref<128x128xf32, #tpu.memory_space<vmem>>, vector<1x16xf32>,
          %get3A_323 = arith.index_cast %add3A_262 : i32 to index
          %get3A_324 = arith.constant 96 : index
          %get3A_325 = tpu.vector_load %arg12[%get3A_323, %get3A_324] {strides = array<i32>} : memref<128x128xf32, #tpu.memory_space<vmem>>, vector<1x16xf32>,
          %get3A_326 = vector.shape_cast %get3A_325 : vector<1x16xf32> to vector<16xf32>
          %mul3A_327 = arith.mulf %get3A_326, %broadcast_in_dim3A_258 : vector<16xf32>
          %swap3A_328 = arith.index_cast %add3A_262 : i32 to index
          %swap3A_329 = arith.constant 96 : index
          %swap3A_330 = tpu.vector_load %arg12[%swap3A_328, %swap3A_329] {strides = array<i32>} : memref<128x128xf32, #tpu.memory_space<vmem>>, vector<1x16xf32>,
          %swap3A_331 = vector.shape_cast %swap3A_330 : vector<1x16xf32> to vector<16xf32>
          %swap3A_332 = vector.shape_cast %mul3A_327 : vector<16xf32> to vector<1x16xf32>
          tpu.vector_store %arg12[%swap3A_328, %swap3A_329], %swap3A_332 {strides = array<i32>} : memref<128x128xf32, #tpu.memory_space<vmem>>, vector<1x16xf32>,
          %get3A_333 = arith.index_cast %add3A_262 : i32 to index
          %get3A_334 = arith.constant 112 : index
          %get3A_335 = tpu.vector_load %arg12[%get3A_333, %get3A_334] {strides = array<i32>} : memref<128x128xf32, #tpu.memory_space<vmem>>, vector<1x16xf32>,
          %get3A_336 = vector.shape_cast %get3A_335 : vector<1x16xf32> to vector<16xf32>
          %mul3A_337 = arith.mulf %get3A_336, %broadcast_in_dim3A_258 : vector<16xf32>
          %swap3A_338 = arith.index_cast %add3A_262 : i32 to index
          %swap3A_339 = arith.constant 112 : index
          %swap3A_340 = tpu.vector_load %arg12[%swap3A_338, %swap3A_339] {strides = array<i32>} : memref<128x128xf32, #tpu.memory_space<vmem>>, vector<1x16xf32>,
          %swap3A_341 = vector.shape_cast %swap3A_340 : vector<1x16xf32> to vector<16xf32>
          %swap3A_342 = vector.shape_cast %mul3A_337 : vector<16xf32> to vector<1x16xf32>
          tpu.vector_store %arg12[%swap3A_338, %swap3A_339], %swap3A_342 {strides = array<i32>} : memref<128x128xf32, #tpu.memory_space<vmem>>, vector<1x16xf32>,
          %slice3A_343 = vector.extract_strided_slice %get3A_85 {offsets = [3], sizes = [1], strides = [1]} : vector<16xf32> to vector<1xf32>
          %squeeze3A_344 = vector.extract %slice3A_343[0] : f32 from vector<1xf32>
          %broadcast_in_dim3A_345 = vector.broadcast %squeeze3A_344 : f32 to vector<16xf32>
          %mul3A_346 = arith.constant 16 : i32
          %mul3A_347 = arith.muli %scan3A_79, %mul3A_346 : i32
          %add3A_348 = arith.constant 3 : i32
          %add3A_349 = arith.addi %mul3A_347, %add3A_348 : i32
          %get3A_350 = arith.index_cast %add3A_349 : i32 to index
          %get3A_351 = arith.constant 0 : index
          %get3A_352 = tpu.vector_load %arg12[%get3A_350, %get3A_351] {strides = array<i32>} : memref<128x128xf32, #tpu.memory_space<vmem>>, vector<1x16xf32>,
          %get3A_353 = vector.shape_cast %get3A_352 : vector<1x16xf32> to vector<16xf32>
          %mul3A_354 = arith.mulf %get3A_353, %broadcast_in_dim3A_345 : vector<16xf32>
          %swap3A_355 = arith.index_cast %add3A_349 : i32 to index
          %swap3A_356 = arith.constant 0 : index
          %swap3A_357 = tpu.vector_load %arg12[%swap3A_355, %swap3A_356] {strides = array<i32>} : memref<128x128xf32, #tpu.memory_space<vmem>>, vector<1x16xf32>,
          %swap3A_358 = vector.shape_cast %swap3A_357 : vector<1x16xf32> to vector<16xf32>
          %swap3A_359 = vector.shape_cast %mul3A_354 : vector<16xf32> to vector<1x16xf32>
          tpu.vector_store %arg12[%swap3A_355, %swap3A_356], %swap3A_359 {strides = array<i32>} : memref<128x128xf32, #tpu.memory_space<vmem>>, vector<1x16xf32>,
          %get3A_360 = arith.index_cast %add3A_349 : i32 to index
          %get3A_361 = arith.constant 16 : index
          %get3A_362 = tpu.vector_load %arg12[%get3A_360, %get3A_361] {strides = array<i32>} : memref<128x128xf32, #tpu.memory_space<vmem>>, vector<1x16xf32>,
          %get3A_363 = vector.shape_cast %get3A_362 : vector<1x16xf32> to vector<16xf32>
          %mul3A_364 = arith.mulf %get3A_363, %broadcast_in_dim3A_345 : vector<16xf32>
          %swap3A_365 = arith.index_cast %add3A_349 : i32 to index
          %swap3A_366 = arith.constant 16 : index
          %swap3A_367 = tpu.vector_load %arg12[%swap3A_365, %swap3A_366] {strides = array<i32>} : memref<128x128xf32, #tpu.memory_space<vmem>>, vector<1x16xf32>,
          %swap3A_368 = vector.shape_cast %swap3A_367 : vector<1x16xf32> to vector<16xf32>
          %swap3A_369 = vector.shape_cast %mul3A_364 : vector<16xf32> to vector<1x16xf32>
          tpu.vector_store %arg12[%swap3A_365, %swap3A_366], %swap3A_369 {strides = array<i32>} : memref<128x128xf32, #tpu.memory_space<vmem>>, vector<1x16xf32>,
          %get3A_370 = arith.index_cast %add3A_349 : i32 to index
          %get3A_371 = arith.constant 32 : index
          %get3A_372 = tpu.vector_load %arg12[%get3A_370, %get3A_371] {strides = array<i32>} : memref<128x128xf32, #tpu.memory_space<vmem>>, vector<1x16xf32>,
          %get3A_373 = vector.shape_cast %get3A_372 : vector<1x16xf32> to vector<16xf32>
          %mul3A_374 = arith.mulf %get3A_373, %broadcast_in_dim3A_345 : vector<16xf32>
          %swap3A_375 = arith.index_cast %add3A_349 : i32 to index
          %swap3A_376 = arith.constant 32 : index
          %swap3A_377 = tpu.vector_load %arg12[%swap3A_375, %swap3A_376] {strides = array<i32>} : memref<128x128xf32, #tpu.memory_space<vmem>>, vector<1x16xf32>,
          %swap3A_378 = vector.shape_cast %swap3A_377 : vector<1x16xf32> to vector<16xf32>
          %swap3A_379 = vector.shape_cast %mul3A_374 : vector<16xf32> to vector<1x16xf32>
          tpu.vector_store %arg12[%swap3A_375, %swap3A_376], %swap3A_379 {strides = array<i32>} : memref<128x128xf32, #tpu.memory_space<vmem>>, vector<1x16xf32>,
          %get3A_380 = arith.index_cast %add3A_349 : i32 to index
          %get3A_381 = arith.constant 48 : index
          %get3A_382 = tpu.vector_load %arg12[%get3A_380, %get3A_381] {strides = array<i32>} : memref<128x128xf32, #tpu.memory_space<vmem>>, vector<1x16xf32>,
          %get3A_383 = vector.shape_cast %get3A_382 : vector<1x16xf32> to vector<16xf32>
          %mul3A_384 = arith.mulf %get3A_383, %broadcast_in_dim3A_345 : vector<16xf32>
          %swap3A_385 = arith.index_cast %add3A_349 : i32 to index
          %swap3A_386 = arith.constant 48 : index
          %swap3A_387 = tpu.vector_load %arg12[%swap3A_385, %swap3A_386] {strides = array<i32>} : memref<128x128xf32, #tpu.memory_space<vmem>>, vector<1x16xf32>,
          %swap3A_388 = vector.shape_cast %swap3A_387 : vector<1x16xf32> to vector<16xf32>
          %swap3A_389 = vector.shape_cast %mul3A_384 : vector<16xf32> to vector<1x16xf32>
          tpu.vector_store %arg12[%swap3A_385, %swap3A_386], %swap3A_389 {strides = array<i32>} : memref<128x128xf32, #tpu.memory_space<vmem>>, vector<1x16xf32>,
          %get3A_390 = arith.index_cast %add3A_349 : i32 to index
          %get3A_391 = arith.constant 64 : index
          %get3A_392 = tpu.vector_load %arg12[%get3A_390, %get3A_391] {strides = array<i32>} : memref<128x128xf32, #tpu.memory_space<vmem>>, vector<1x16xf32>,
          %get3A_393 = vector.shape_cast %get3A_392 : vector<1x16xf32> to vector<16xf32>
          %mul3A_394 = arith.mulf %get3A_393, %broadcast_in_dim3A_345 : vector<16xf32>
          %swap3A_395 = arith.index_cast %add3A_349 : i32 to index
          %swap3A_396 = arith.constant 64 : index
          %swap3A_397 = tpu.vector_load %arg12[%swap3A_395, %swap3A_396] {strides = array<i32>} : memref<128x128xf32, #tpu.memory_space<vmem>>, vector<1x16xf32>,
          %swap3A_398 = vector.shape_cast %swap3A_397 : vector<1x16xf32> to vector<16xf32>
          %swap3A_399 = vector.shape_cast %mul3A_394 : vector<16xf32> to vector<1x16xf32>
          tpu.vector_store %arg12[%swap3A_395, %swap3A_396], %swap3A_399 {strides = array<i32>} : memref<128x128xf32, #tpu.memory_space<vmem>>, vector<1x16xf32>,
          %get3A_400 = arith.index_cast %add3A_349 : i32 to index
          %get3A_401 = arith.constant 80 : index
          %get3A_402 = tpu.vector_load %arg12[%get3A_400, %get3A_401] {strides = array<i32>} : memref<128x128xf32, #tpu.memory_space<vmem>>, vector<1x16xf32>,
          %get3A_403 = vector.shape_cast %get3A_402 : vector<1x16xf32> to vector<16xf32>
          %mul3A_404 = arith.mulf %get3A_403, %broadcast_in_dim3A_345 : vector<16xf32>
          %swap3A_405 = arith.index_cast %add3A_349 : i32 to index
          %swap3A_406 = arith.constant 80 : index
          %swap3A_407 = tpu.vector_load %arg12[%swap3A_405, %swap3A_406] {strides = array<i32>} : memref<128x128xf32, #tpu.memory_space<vmem>>, vector<1x16xf32>,
          %swap3A_408 = vector.shape_cast %swap3A_407 : vector<1x16xf32> to vector<16xf32>
          %swap3A_409 = vector.shape_cast %mul3A_404 : vector<16xf32> to vector<1x16xf32>
          tpu.vector_store %arg12[%swap3A_405, %swap3A_406], %swap3A_409 {strides = array<i32>} : memref<128x128xf32, #tpu.memory_space<vmem>>, vector<1x16xf32>,
          %get3A_410 = arith.index_cast %add3A_349 : i32 to index
          %get3A_411 = arith.constant 96 : index
          %get3A_412 = tpu.vector_load %arg12[%get3A_410, %get3A_411] {strides = array<i32>} : memref<128x128xf32, #tpu.memory_space<vmem>>, vector<1x16xf32>,
          %get3A_413 = vector.shape_cast %get3A_412 : vector<1x16xf32> to vector<16xf32>
          %mul3A_414 = arith.mulf %get3A_413, %broadcast_in_dim3A_345 : vector<16xf32>
          %swap3A_415 = arith.index_cast %add3A_349 : i32 to index
          %swap3A_416 = arith.constant 96 : index
          %swap3A_417 = tpu.vector_load %arg12[%swap3A_415, %swap3A_416] {strides = array<i32>} : memref<128x128xf32, #tpu.memory_space<vmem>>, vector<1x16xf32>,
          %swap3A_418 = vector.shape_cast %swap3A_417 : vector<1x16xf32> to vector<16xf32>
          %swap3A_419 = vector.shape_cast %mul3A_414 : vector<16xf32> to vector<1x16xf32>
          tpu.vector_store %arg12[%swap3A_415, %swap3A_416], %swap3A_419 {strides = array<i32>} : memref<128x128xf32, #tpu.memory_space<vmem>>, vector<1x16xf32>,
          %get3A_420 = arith.index_cast %add3A_349 : i32 to index
          %get3A_421 = arith.constant 112 : index
          %get3A_422 = tpu.vector_load %arg12[%get3A_420, %get3A_421] {strides = array<i32>} : memref<128x128xf32, #tpu.memory_space<vmem>>, vector<1x16xf32>,
          %get3A_423 = vector.shape_cast %get3A_422 : vector<1x16xf32> to vector<16xf32>
          %mul3A_424 = arith.mulf %get3A_423, %broadcast_in_dim3A_345 : vector<16xf32>
          %swap3A_425 = arith.index_cast %add3A_349 : i32 to index
          %swap3A_426 = arith.constant 112 : index
          %swap3A_427 = tpu.vector_load %arg12[%swap3A_425, %swap3A_426] {strides = array<i32>} : memref<128x128xf32, #tpu.memory_space<vmem>>, vector<1x16xf32>,
          %swap3A_428 = vector.shape_cast %swap3A_427 : vector<1x16xf32> to vector<16xf32>
          %swap3A_429 = vector.shape_cast %mul3A_424 : vector<16xf32> to vector<1x16xf32>
          tpu.vector_store %arg12[%swap3A_425, %swap3A_426], %swap3A_429 {strides = array<i32>} : memref<128x128xf32, #tpu.memory_space<vmem>>, vector<1x16xf32>,
          %slice3A_430 = vector.extract_strided_slice %get3A_85 {offsets = [4], sizes = [1], strides = [1]} : vector<16xf32> to vector<1xf32>
          %squeeze3A_431 = vector.extract %slice3A_430[0] : f32 from vector<1xf32>
          %broadcast_in_dim3A_432 = vector.broadcast %squeeze3A_431 : f32 to vector<16xf32>
          %mul3A_433 = arith.constant 16 : i32
          %mul3A_434 = arith.muli %scan3A_79, %mul3A_433 : i32
          %add3A_435 = arith.constant 4 : i32
          %add3A_436 = arith.addi %mul3A_434, %add3A_435 : i32
          %get3A_437 = arith.index_cast %add3A_436 : i32 to index
          %get3A_438 = arith.constant 0 : index
          %get3A_439 = tpu.vector_load %arg12[%get3A_437, %get3A_438] {strides = array<i32>} : memref<128x128xf32, #tpu.memory_space<vmem>>, vector<1x16xf32>,
          %get3A_440 = vector.shape_cast %get3A_439 : vector<1x16xf32> to vector<16xf32>
          %mul3A_441 = arith.mulf %get3A_440, %broadcast_in_dim3A_432 : vector<16xf32>
          %swap3A_442 = arith.index_cast %add3A_436 : i32 to index
          %swap3A_443 = arith.constant 0 : index
          %swap3A_444 = tpu.vector_load %arg12[%swap3A_442, %swap3A_443] {strides = array<i32>} : memref<128x128xf32, #tpu.memory_space<vmem>>, vector<1x16xf32>,
          %swap3A_445 = vector.shape_cast %swap3A_444 : vector<1x16xf32> to vector<16xf32>
          %swap3A_446 = vector.shape_cast %mul3A_441 : vector<16xf32> to vector<1x16xf32>
          tpu.vector_store %arg12[%swap3A_442, %swap3A_443], %swap3A_446 {strides = array<i32>} : memref<128x128xf32, #tpu.memory_space<vmem>>, vector<1x16xf32>,
          %get3A_447 = arith.index_cast %add3A_436 : i32 to index
          %get3A_448 = arith.constant 16 : index
          %get3A_449 = tpu.vector_load %arg12[%get3A_447, %get3A_448] {strides = array<i32>} : memref<128x128xf32, #tpu.memory_space<vmem>>, vector<1x16xf32>,
          %get3A_450 = vector.shape_cast %get3A_449 : vector<1x16xf32> to vector<16xf32>
          %mul3A_451 = arith.mulf %get3A_450, %broadcast_in_dim3A_432 : vector<16xf32>
          %swap3A_452 = arith.index_cast %add3A_436 : i32 to index
          %swap3A_453 = arith.constant 16 : index
          %swap3A_454 = tpu.vector_load %arg12[%swap3A_452, %swap3A_453] {strides = array<i32>} : memref<128x128xf32, #tpu.memory_space<vmem>>, vector<1x16xf32>,
          %swap3A_455 = vector.shape_cast %swap3A_454 : vector<1x16xf32> to vector<16xf32>
          %swap3A_456 = vector.shape_cast %mul3A_451 : vector<16xf32> to vector<1x16xf32>
          tpu.vector_store %arg12[%swap3A_452, %swap3A_453], %swap3A_456 {strides = array<i32>} : memref<128x128xf32, #tpu.memory_space<vmem>>, vector<1x16xf32>,
          %get3A_457 = arith.index_cast %add3A_436 : i32 to index
          %get3A_458 = arith.constant 32 : index
          %get3A_459 = tpu.vector_load %arg12[%get3A_457, %get3A_458] {strides = array<i32>} : memref<128x128xf32, #tpu.memory_space<vmem>>, vector<1x16xf32>,
          %get3A_460 = vector.shape_cast %get3A_459 : vector<1x16xf32> to vector<16xf32>
          %mul3A_461 = arith.mulf %get3A_460, %broadcast_in_dim3A_432 : vector<16xf32>
          %swap3A_462 = arith.index_cast %add3A_436 : i32 to index
          %swap3A_463 = arith.constant 32 : index
          %swap3A_464 = tpu.vector_load %arg12[%swap3A_462, %swap3A_463] {strides = array<i32>} : memref<128x128xf32, #tpu.memory_space<vmem>>, vector<1x16xf32>,
          %swap3A_465 = vector.shape_cast %swap3A_464 : vector<1x16xf32> to vector<16xf32>
          %swap3A_466 = vector.shape_cast %mul3A_461 : vector<16xf32> to vector<1x16xf32>
          tpu.vector_store %arg12[%swap3A_462, %swap3A_463], %swap3A_466 {strides = array<i32>} : memref<128x128xf32, #tpu.memory_space<vmem>>, vector<1x16xf32>,
          %get3A_467 = arith.index_cast %add3A_436 : i32 to index
          %get3A_468 = arith.constant 48 : index
          %get3A_469 = tpu.vector_load %arg12[%get3A_467, %get3A_468] {strides = array<i32>} : memref<128x128xf32, #tpu.memory_space<vmem>>, vector<1x16xf32>,
          %get3A_470 = vector.shape_cast %get3A_469 : vector<1x16xf32> to vector<16xf32>
          %mul3A_471 = arith.mulf %get3A_470, %broadcast_in_dim3A_432 : vector<16xf32>
          %swap3A_472 = arith.index_cast %add3A_436 : i32 to index
          %swap3A_473 = arith.constant 48 : index
          %swap3A_474 = tpu.vector_load %arg12[%swap3A_472, %swap3A_473] {strides = array<i32>} : memref<128x128xf32, #tpu.memory_space<vmem>>, vector<1x16xf32>,
          %swap3A_475 = vector.shape_cast %swap3A_474 : vector<1x16xf32> to vector<16xf32>
          %swap3A_476 = vector.shape_cast %mul3A_471 : vector<16xf32> to vector<1x16xf32>
          tpu.vector_store %arg12[%swap3A_472, %swap3A_473], %swap3A_476 {strides = array<i32>} : memref<128x128xf32, #tpu.memory_space<vmem>>, vector<1x16xf32>,
          %get3A_477 = arith.index_cast %add3A_436 : i32 to index
          %get3A_478 = arith.constant 64 : index
          %get3A_479 = tpu.vector_load %arg12[%get3A_477, %get3A_478] {strides = array<i32>} : memref<128x128xf32, #tpu.memory_space<vmem>>, vector<1x16xf32>,
          %get3A_480 = vector.shape_cast %get3A_479 : vector<1x16xf32> to vector<16xf32>
          %mul3A_481 = arith.mulf %get3A_480, %broadcast_in_dim3A_432 : vector<16xf32>
          %swap3A_482 = arith.index_cast %add3A_436 : i32 to index
          %swap3A_483 = arith.constant 64 : index
          %swap3A_484 = tpu.vector_load %arg12[%swap3A_482, %swap3A_483] {strides = array<i32>} : memref<128x128xf32, #tpu.memory_space<vmem>>, vector<1x16xf32>,
          %swap3A_485 = vector.shape_cast %swap3A_484 : vector<1x16xf32> to vector<16xf32>
          %swap3A_486 = vector.shape_cast %mul3A_481 : vector<16xf32> to vector<1x16xf32>
          tpu.vector_store %arg12[%swap3A_482, %swap3A_483], %swap3A_486 {strides = array<i32>} : memref<128x128xf32, #tpu.memory_space<vmem>>, vector<1x16xf32>,
          %get3A_487 = arith.index_cast %add3A_436 : i32 to index
          %get3A_488 = arith.constant 80 : index
          %get3A_489 = tpu.vector_load %arg12[%get3A_487, %get3A_488] {strides = array<i32>} : memref<128x128xf32, #tpu.memory_space<vmem>>, vector<1x16xf32>,
          %get3A_490 = vector.shape_cast %get3A_489 : vector<1x16xf32> to vector<16xf32>
          %mul3A_491 = arith.mulf %get3A_490, %broadcast_in_dim3A_432 : vector<16xf32>
          %swap3A_492 = arith.index_cast %add3A_436 : i32 to index
          %swap3A_493 = arith.constant 80 : index
          %swap3A_494 = tpu.vector_load %arg12[%swap3A_492, %swap3A_493] {strides = array<i32>} : memref<128x128xf32, #tpu.memory_space<vmem>>, vector<1x16xf32>,
          %swap3A_495 = vector.shape_cast %swap3A_494 : vector<1x16xf32> to vector<16xf32>
          %swap3A_496 = vector.shape_cast %mul3A_491 : vector<16xf32> to vector<1x16xf32>
          tpu.vector_store %arg12[%swap3A_492, %swap3A_493], %swap3A_496 {strides = array<i32>} : memref<128x128xf32, #tpu.memory_space<vmem>>, vector<1x16xf32>,
          %get3A_497 = arith.index_cast %add3A_436 : i32 to index
          %get3A_498 = arith.constant 96 : index
          %get3A_499 = tpu.vector_load %arg12[%get3A_497, %get3A_498] {strides = array<i32>} : memref<128x128xf32, #tpu.memory_space<vmem>>, vector<1x16xf32>,
          %get3A_500 = vector.shape_cast %get3A_499 : vector<1x16xf32> to vector<16xf32>
          %mul3A_501 = arith.mulf %get3A_500, %broadcast_in_dim3A_432 : vector<16xf32>
          %swap3A_502 = arith.index_cast %add3A_436 : i32 to index
          %swap3A_503 = arith.constant 96 : index
          %swap3A_504 = tpu.vector_load %arg12[%swap3A_502, %swap3A_503] {strides = array<i32>} : memref<128x128xf32, #tpu.memory_space<vmem>>, vector<1x16xf32>,
          %swap3A_505 = vector.shape_cast %swap3A_504 : vector<1x16xf32> to vector<16xf32>
          %swap3A_506 = vector.shape_cast %mul3A_501 : vector<16xf32> to vector<1x16xf32>
          tpu.vector_store %arg12[%swap3A_502, %swap3A_503], %swap3A_506 {strides = array<i32>} : memref<128x128xf32, #tpu.memory_space<vmem>>, vector<1x16xf32>,
          %get3A_507 = arith.index_cast %add3A_436 : i32 to index
          %get3A_508 = arith.constant 112 : index
          %get3A_509 = tpu.vector_load %arg12[%get3A_507, %get3A_508] {strides = array<i32>} : memref<128x128xf32, #tpu.memory_space<vmem>>, vector<1x16xf32>,
          %get3A_510 = vector.shape_cast %get3A_509 : vector<1x16xf32> to vector<16xf32>
          %mul3A_511 = arith.mulf %get3A_510, %broadcast_in_dim3A_432 : vector<16xf32>
          %swap3A_512 = arith.index_cast %add3A_436 : i32 to index
          %swap3A_513 = arith.constant 112 : index
          %swap3A_514 = tpu.vector_load %arg12[%swap3A_512, %swap3A_513] {strides = array<i32>} : memref<128x128xf32, #tpu.memory_space<vmem>>, vector<1x16xf32>,
          %swap3A_515 = vector.shape_cast %swap3A_514 : vector<1x16xf32> to vector<16xf32>
          %swap3A_516 = vector.shape_cast %mul3A_511 : vector<16xf32> to vector<1x16xf32>
          tpu.vector_store %arg12[%swap3A_512, %swap3A_513], %swap3A_516 {strides = array<i32>} : memref<128x128xf32, #tpu.memory_space<vmem>>, vector<1x16xf32>,
          %slice3A_517 = vector.extract_strided_slice %get3A_85 {offsets = [5], sizes = [1], strides = [1]} : vector<16xf32> to vector<1xf32>
          %squeeze3A_518 = vector.extract %slice3A_517[0] : f32 from vector<1xf32>
          %broadcast_in_dim3A_519 = vector.broadcast %squeeze3A_518 : f32 to vector<16xf32>
          %mul3A_520 = arith.constant 16 : i32
          %mul3A_521 = arith.muli %scan3A_79, %mul3A_520 : i32
          %add3A_522 = arith.constant 5 : i32
          %add3A_523 = arith.addi %mul3A_521, %add3A_522 : i32
          %get3A_524 = arith.index_cast %add3A_523 : i32 to index
          %get3A_525 = arith.constant 0 : index
          %get3A_526 = tpu.vector_load %arg12[%get3A_524, %get3A_525] {strides = array<i32>} : memref<128x128xf32, #tpu.memory_space<vmem>>, vector<1x16xf32>,
          %get3A_527 = vector.shape_cast %get3A_526 : vector<1x16xf32> to vector<16xf32>
          %mul3A_528 = arith.mulf %get3A_527, %broadcast_in_dim3A_519 : vector<16xf32>
          %swap3A_529 = arith.index_cast %add3A_523 : i32 to index
          %swap3A_530 = arith.constant 0 : index
          %swap3A_531 = tpu.vector_load %arg12[%swap3A_529, %swap3A_530] {strides = array<i32>} : memref<128x128xf32, #tpu.memory_space<vmem>>, vector<1x16xf32>,
          %swap3A_532 = vector.shape_cast %swap3A_531 : vector<1x16xf32> to vector<16xf32>
          %swap3A_533 = vector.shape_cast %mul3A_528 : vector<16xf32> to vector<1x16xf32>
          tpu.vector_store %arg12[%swap3A_529, %swap3A_530], %swap3A_533 {strides = array<i32>} : memref<128x128xf32, #tpu.memory_space<vmem>>, vector<1x16xf32>,
          %get3A_534 = arith.index_cast %add3A_523 : i32 to index
          %get3A_535 = arith.constant 16 : index
          %get3A_536 = tpu.vector_load %arg12[%get3A_534, %get3A_535] {strides = array<i32>} : memref<128x128xf32, #tpu.memory_space<vmem>>, vector<1x16xf32>,
          %get3A_537 = vector.shape_cast %get3A_536 : vector<1x16xf32> to vector<16xf32>
          %mul3A_538 = arith.mulf %get3A_537, %broadcast_in_dim3A_519 : vector<16xf32>
          %swap3A_539 = arith.index_cast %add3A_523 : i32 to index
          %swap3A_540 = arith.constant 16 : index
          %swap3A_541 = tpu.vector_load %arg12[%swap3A_539, %swap3A_540] {strides = array<i32>} : memref<128x128xf32, #tpu.memory_space<vmem>>, vector<1x16xf32>,
          %swap3A_542 = vector.shape_cast %swap3A_541 : vector<1x16xf32> to vector<16xf32>
          %swap3A_543 = vector.shape_cast %mul3A_538 : vector<16xf32> to vector<1x16xf32>
          tpu.vector_store %arg12[%swap3A_539, %swap3A_540], %swap3A_543 {strides = array<i32>} : memref<128x128xf32, #tpu.memory_space<vmem>>, vector<1x16xf32>,
          %get3A_544 = arith.index_cast %add3A_523 : i32 to index
          %get3A_545 = arith.constant 32 : index
          %get3A_546 = tpu.vector_load %arg12[%get3A_544, %get3A_545] {strides = array<i32>} : memref<128x128xf32, #tpu.memory_space<vmem>>, vector<1x16xf32>,
          %get3A_547 = vector.shape_cast %get3A_546 : vector<1x16xf32> to vector<16xf32>
          %mul3A_548 = arith.mulf %get3A_547, %broadcast_in_dim3A_519 : vector<16xf32>
          %swap3A_549 = arith.index_cast %add3A_523 : i32 to index
          %swap3A_550 = arith.constant 32 : index
          %swap3A_551 = tpu.vector_load %arg12[%swap3A_549, %swap3A_550] {strides = array<i32>} : memref<128x128xf32, #tpu.memory_space<vmem>>, vector<1x16xf32>,
          %swap3A_552 = vector.shape_cast %swap3A_551 : vector<1x16xf32> to vector<16xf32>
          %swap3A_553 = vector.shape_cast %mul3A_548 : vector<16xf32> to vector<1x16xf32>
          tpu.vector_store %arg12[%swap3A_549, %swap3A_550], %swap3A_553 {strides = array<i32>} : memref<128x128xf32, #tpu.memory_space<vmem>>, vector<1x16xf32>,
          %get3A_554 = arith.index_cast %add3A_523 : i32 to index
          %get3A_555 = arith.constant 48 : index
          %get3A_556 = tpu.vector_load %arg12[%get3A_554, %get3A_555] {strides = array<i32>} : memref<128x128xf32, #tpu.memory_space<vmem>>, vector<1x16xf32>,
          %get3A_557 = vector.shape_cast %get3A_556 : vector<1x16xf32> to vector<16xf32>
          %mul3A_558 = arith.mulf %get3A_557, %broadcast_in_dim3A_519 : vector<16xf32>
          %swap3A_559 = arith.index_cast %add3A_523 : i32 to index
          %swap3A_560 = arith.constant 48 : index
          %swap3A_561 = tpu.vector_load %arg12[%swap3A_559, %swap3A_560] {strides = array<i32>} : memref<128x128xf32, #tpu.memory_space<vmem>>, vector<1x16xf32>,
          %swap3A_562 = vector.shape_cast %swap3A_561 : vector<1x16xf32> to vector<16xf32>
          %swap3A_563 = vector.shape_cast %mul3A_558 : vector<16xf32> to vector<1x16xf32>
          tpu.vector_store %arg12[%swap3A_559, %swap3A_560], %swap3A_563 {strides = array<i32>} : memref<128x128xf32, #tpu.memory_space<vmem>>, vector<1x16xf32>,
          %get3A_564 = arith.index_cast %add3A_523 : i32 to index
          %get3A_565 = arith.constant 64 : index
          %get3A_566 = tpu.vector_load %arg12[%get3A_564, %get3A_565] {strides = array<i32>} : memref<128x128xf32, #tpu.memory_space<vmem>>, vector<1x16xf32>,
          %get3A_567 = vector.shape_cast %get3A_566 : vector<1x16xf32> to vector<16xf32>
          %mul3A_568 = arith.mulf %get3A_567, %broadcast_in_dim3A_519 : vector<16xf32>
          %swap3A_569 = arith.index_cast %add3A_523 : i32 to index
          %swap3A_570 = arith.constant 64 : index
          %swap3A_571 = tpu.vector_load %arg12[%swap3A_569, %swap3A_570] {strides = array<i32>} : memref<128x128xf32, #tpu.memory_space<vmem>>, vector<1x16xf32>,
          %swap3A_572 = vector.shape_cast %swap3A_571 : vector<1x16xf32> to vector<16xf32>
          %swap3A_573 = vector.shape_cast %mul3A_568 : vector<16xf32> to vector<1x16xf32>
          tpu.vector_store %arg12[%swap3A_569, %swap3A_570], %swap3A_573 {strides = array<i32>} : memref<128x128xf32, #tpu.memory_space<vmem>>, vector<1x16xf32>,
          %get3A_574 = arith.index_cast %add3A_523 : i32 to index
          %get3A_575 = arith.constant 80 : index
          %get3A_576 = tpu.vector_load %arg12[%get3A_574, %get3A_575] {strides = array<i32>} : memref<128x128xf32, #tpu.memory_space<vmem>>, vector<1x16xf32>,
          %get3A_577 = vector.shape_cast %get3A_576 : vector<1x16xf32> to vector<16xf32>
          %mul3A_578 = arith.mulf %get3A_577, %broadcast_in_dim3A_519 : vector<16xf32>
          %swap3A_579 = arith.index_cast %add3A_523 : i32 to index
          %swap3A_580 = arith.constant 80 : index
          %swap3A_581 = tpu.vector_load %arg12[%swap3A_579, %swap3A_580] {strides = array<i32>} : memref<128x128xf32, #tpu.memory_space<vmem>>, vector<1x16xf32>,
          %swap3A_582 = vector.shape_cast %swap3A_581 : vector<1x16xf32> to vector<16xf32>
          %swap3A_583 = vector.shape_cast %mul3A_578 : vector<16xf32> to vector<1x16xf32>
          tpu.vector_store %arg12[%swap3A_579, %swap3A_580], %swap3A_583 {strides = array<i32>} : memref<128x128xf32, #tpu.memory_space<vmem>>, vector<1x16xf32>,
          %get3A_584 = arith.index_cast %add3A_523 : i32 to index
          %get3A_585 = arith.constant 96 : index
          %get3A_586 = tpu.vector_load %arg12[%get3A_584, %get3A_585] {strides = array<i32>} : memref<128x128xf32, #tpu.memory_space<vmem>>, vector<1x16xf32>,
          %get3A_587 = vector.shape_cast %get3A_586 : vector<1x16xf32> to vector<16xf32>
          %mul3A_588 = arith.mulf %get3A_587, %broadcast_in_dim3A_519 : vector<16xf32>
          %swap3A_589 = arith.index_cast %add3A_523 : i32 to index
          %swap3A_590 = arith.constant 96 : index
          %swap3A_591 = tpu.vector_load %arg12[%swap3A_589, %swap3A_590] {strides = array<i32>} : memref<128x128xf32, #tpu.memory_space<vmem>>, vector<1x16xf32>,
          %swap3A_592 = vector.shape_cast %swap3A_591 : vector<1x16xf32> to vector<16xf32>
          %swap3A_593 = vector.shape_cast %mul3A_588 : vector<16xf32> to vector<1x16xf32>
          tpu.vector_store %arg12[%swap3A_589, %swap3A_590], %swap3A_593 {strides = array<i32>} : memref<128x128xf32, #tpu.memory_space<vmem>>, vector<1x16xf32>,
          %get3A_594 = arith.index_cast %add3A_523 : i32 to index
          %get3A_595 = arith.constant 112 : index
          %get3A_596 = tpu.vector_load %arg12[%get3A_594, %get3A_595] {strides = array<i32>} : memref<128x128xf32, #tpu.memory_space<vmem>>, vector<1x16xf32>,
          %get3A_597 = vector.shape_cast %get3A_596 : vector<1x16xf32> to vector<16xf32>
          %mul3A_598 = arith.mulf %get3A_597, %broadcast_in_dim3A_519 : vector<16xf32>
          %swap3A_599 = arith.index_cast %add3A_523 : i32 to index
          %swap3A_600 = arith.constant 112 : index
          %swap3A_601 = tpu.vector_load %arg12[%swap3A_599, %swap3A_600] {strides = array<i32>} : memref<128x128xf32, #tpu.memory_space<vmem>>, vector<1x16xf32>,
          %swap3A_602 = vector.shape_cast %swap3A_601 : vector<1x16xf32> to vector<16xf32>
          %swap3A_603 = vector.shape_cast %mul3A_598 : vector<16xf32> to vector<1x16xf32>
          tpu.vector_store %arg12[%swap3A_599, %swap3A_600], %swap3A_603 {strides = array<i32>} : memref<128x128xf32, #tpu.memory_space<vmem>>, vector<1x16xf32>,
          %slice3A_604 = vector.extract_strided_slice %get3A_85 {offsets = [6], sizes = [1], strides = [1]} : vector<16xf32> to vector<1xf32>
          %squeeze3A_605 = vector.extract %slice3A_604[0] : f32 from vector<1xf32>
          %broadcast_in_dim3A_606 = vector.broadcast %squeeze3A_605 : f32 to vector<16xf32>
          %mul3A_607 = arith.constant 16 : i32
          %mul3A_608 = arith.muli %scan3A_79, %mul3A_607 : i32
          %add3A_609 = arith.constant 6 : i32
          %add3A_610 = arith.addi %mul3A_608, %add3A_609 : i32
          %get3A_611 = arith.index_cast %add3A_610 : i32 to index
          %get3A_612 = arith.constant 0 : index
          %get3A_613 = tpu.vector_load %arg12[%get3A_611, %get3A_612] {strides = array<i32>} : memref<128x128xf32, #tpu.memory_space<vmem>>, vector<1x16xf32>,
          %get3A_614 = vector.shape_cast %get3A_613 : vector<1x16xf32> to vector<16xf32>
          %mul3A_615 = arith.mulf %get3A_614, %broadcast_in_dim3A_606 : vector<16xf32>
          %swap3A_616 = arith.index_cast %add3A_610 : i32 to index
          %swap3A_617 = arith.constant 0 : index
          %swap3A_618 = tpu.vector_load %arg12[%swap3A_616, %swap3A_617] {strides = array<i32>} : memref<128x128xf32, #tpu.memory_space<vmem>>, vector<1x16xf32>,
          %swap3A_619 = vector.shape_cast %swap3A_618 : vector<1x16xf32> to vector<16xf32>
          %swap3A_620 = vector.shape_cast %mul3A_615 : vector<16xf32> to vector<1x16xf32>
          tpu.vector_store %arg12[%swap3A_616, %swap3A_617], %swap3A_620 {strides = array<i32>} : memref<128x128xf32, #tpu.memory_space<vmem>>, vector<1x16xf32>,
          %get3A_621 = arith.index_cast %add3A_610 : i32 to index
          %get3A_622 = arith.constant 16 : index
          %get3A_623 = tpu.vector_load %arg12[%get3A_621, %get3A_622] {strides = array<i32>} : memref<128x128xf32, #tpu.memory_space<vmem>>, vector<1x16xf32>,
          %get3A_624 = vector.shape_cast %get3A_623 : vector<1x16xf32> to vector<16xf32>
          %mul3A_625 = arith.mulf %get3A_624, %broadcast_in_dim3A_606 : vector<16xf32>
          %swap3A_626 = arith.index_cast %add3A_610 : i32 to index
          %swap3A_627 = arith.constant 16 : index
          %swap3A_628 = tpu.vector_load %arg12[%swap3A_626, %swap3A_627] {strides = array<i32>} : memref<128x128xf32, #tpu.memory_space<vmem>>, vector<1x16xf32>,
          %swap3A_629 = vector.shape_cast %swap3A_628 : vector<1x16xf32> to vector<16xf32>
          %swap3A_630 = vector.shape_cast %mul3A_625 : vector<16xf32> to vector<1x16xf32>
          tpu.vector_store %arg12[%swap3A_626, %swap3A_627], %swap3A_630 {strides = array<i32>} : memref<128x128xf32, #tpu.memory_space<vmem>>, vector<1x16xf32>,
          %get3A_631 = arith.index_cast %add3A_610 : i32 to index
          %get3A_632 = arith.constant 32 : index
          %get3A_633 = tpu.vector_load %arg12[%get3A_631, %get3A_632] {strides = array<i32>} : memref<128x128xf32, #tpu.memory_space<vmem>>, vector<1x16xf32>,
          %get3A_634 = vector.shape_cast %get3A_633 : vector<1x16xf32> to vector<16xf32>
          %mul3A_635 = arith.mulf %get3A_634, %broadcast_in_dim3A_606 : vector<16xf32>
          %swap3A_636 = arith.index_cast %add3A_610 : i32 to index
          %swap3A_637 = arith.constant 32 : index
          %swap3A_638 = tpu.vector_load %arg12[%swap3A_636, %swap3A_637] {strides = array<i32>} : memref<128x128xf32, #tpu.memory_space<vmem>>, vector<1x16xf32>,
          %swap3A_639 = vector.shape_cast %swap3A_638 : vector<1x16xf32> to vector<16xf32>
          %swap3A_640 = vector.shape_cast %mul3A_635 : vector<16xf32> to vector<1x16xf32>
          tpu.vector_store %arg12[%swap3A_636, %swap3A_637], %swap3A_640 {strides = array<i32>} : memref<128x128xf32, #tpu.memory_space<vmem>>, vector<1x16xf32>,
          %get3A_641 = arith.index_cast %add3A_610 : i32 to index
          %get3A_642 = arith.constant 48 : index
          %get3A_643 = tpu.vector_load %arg12[%get3A_641, %get3A_642] {strides = array<i32>} : memref<128x128xf32, #tpu.memory_space<vmem>>, vector<1x16xf32>,
          %get3A_644 = vector.shape_cast %get3A_643 : vector<1x16xf32> to vector<16xf32>
          %mul3A_645 = arith.mulf %get3A_644, %broadcast_in_dim3A_606 : vector<16xf32>
          %swap3A_646 = arith.index_cast %add3A_610 : i32 to index
          %swap3A_647 = arith.constant 48 : index
          %swap3A_648 = tpu.vector_load %arg12[%swap3A_646, %swap3A_647] {strides = array<i32>} : memref<128x128xf32, #tpu.memory_space<vmem>>, vector<1x16xf32>,
          %swap3A_649 = vector.shape_cast %swap3A_648 : vector<1x16xf32> to vector<16xf32>
          %swap3A_650 = vector.shape_cast %mul3A_645 : vector<16xf32> to vector<1x16xf32>
          tpu.vector_store %arg12[%swap3A_646, %swap3A_647], %swap3A_650 {strides = array<i32>} : memref<128x128xf32, #tpu.memory_space<vmem>>, vector<1x16xf32>,
          %get3A_651 = arith.index_cast %add3A_610 : i32 to index
          %get3A_652 = arith.constant 64 : index
          %get3A_653 = tpu.vector_load %arg12[%get3A_651, %get3A_652] {strides = array<i32>} : memref<128x128xf32, #tpu.memory_space<vmem>>, vector<1x16xf32>,
          %get3A_654 = vector.shape_cast %get3A_653 : vector<1x16xf32> to vector<16xf32>
          %mul3A_655 = arith.mulf %get3A_654, %broadcast_in_dim3A_606 : vector<16xf32>
          %swap3A_656 = arith.index_cast %add3A_610 : i32 to index
          %swap3A_657 = arith.constant 64 : index
          %swap3A_658 = tpu.vector_load %arg12[%swap3A_656, %swap3A_657] {strides = array<i32>} : memref<128x128xf32, #tpu.memory_space<vmem>>, vector<1x16xf32>,
          %swap3A_659 = vector.shape_cast %swap3A_658 : vector<1x16xf32> to vector<16xf32>
          %swap3A_660 = vector.shape_cast %mul3A_655 : vector<16xf32> to vector<1x16xf32>
          tpu.vector_store %arg12[%swap3A_656, %swap3A_657], %swap3A_660 {strides = array<i32>} : memref<128x128xf32, #tpu.memory_space<vmem>>, vector<1x16xf32>,
          %get3A_661 = arith.index_cast %add3A_610 : i32 to index
          %get3A_662 = arith.constant 80 : index
          %get3A_663 = tpu.vector_load %arg12[%get3A_661, %get3A_662] {strides = array<i32>} : memref<128x128xf32, #tpu.memory_space<vmem>>, vector<1x16xf32>,
          %get3A_664 = vector.shape_cast %get3A_663 : vector<1x16xf32> to vector<16xf32>
          %mul3A_665 = arith.mulf %get3A_664, %broadcast_in_dim3A_606 : vector<16xf32>
          %swap3A_666 = arith.index_cast %add3A_610 : i32 to index
          %swap3A_667 = arith.constant 80 : index
          %swap3A_668 = tpu.vector_load %arg12[%swap3A_666, %swap3A_667] {strides = array<i32>} : memref<128x128xf32, #tpu.memory_space<vmem>>, vector<1x16xf32>,
          %swap3A_669 = vector.shape_cast %swap3A_668 : vector<1x16xf32> to vector<16xf32>
          %swap3A_670 = vector.shape_cast %mul3A_665 : vector<16xf32> to vector<1x16xf32>
          tpu.vector_store %arg12[%swap3A_666, %swap3A_667], %swap3A_670 {strides = array<i32>} : memref<128x128xf32, #tpu.memory_space<vmem>>, vector<1x16xf32>,
          %get3A_671 = arith.index_cast %add3A_610 : i32 to index
          %get3A_672 = arith.constant 96 : index
          %get3A_673 = tpu.vector_load %arg12[%get3A_671, %get3A_672] {strides = array<i32>} : memref<128x128xf32, #tpu.memory_space<vmem>>, vector<1x16xf32>,
          %get3A_674 = vector.shape_cast %get3A_673 : vector<1x16xf32> to vector<16xf32>
          %mul3A_675 = arith.mulf %get3A_674, %broadcast_in_dim3A_606 : vector<16xf32>
          %swap3A_676 = arith.index_cast %add3A_610 : i32 to index
          %swap3A_677 = arith.constant 96 : index
          %swap3A_678 = tpu.vector_load %arg12[%swap3A_676, %swap3A_677] {strides = array<i32>} : memref<128x128xf32, #tpu.memory_space<vmem>>, vector<1x16xf32>,
          %swap3A_679 = vector.shape_cast %swap3A_678 : vector<1x16xf32> to vector<16xf32>
          %swap3A_680 = vector.shape_cast %mul3A_675 : vector<16xf32> to vector<1x16xf32>
          tpu.vector_store %arg12[%swap3A_676, %swap3A_677], %swap3A_680 {strides = array<i32>} : memref<128x128xf32, #tpu.memory_space<vmem>>, vector<1x16xf32>,
          %get3A_681 = arith.index_cast %add3A_610 : i32 to index
          %get3A_682 = arith.constant 112 : index
          %get3A_683 = tpu.vector_load %arg12[%get3A_681, %get3A_682] {strides = array<i32>} : memref<128x128xf32, #tpu.memory_space<vmem>>, vector<1x16xf32>,
          %get3A_684 = vector.shape_cast %get3A_683 : vector<1x16xf32> to vector<16xf32>
          %mul3A_685 = arith.mulf %get3A_684, %broadcast_in_dim3A_606 : vector<16xf32>
          %swap3A_686 = arith.index_cast %add3A_610 : i32 to index
          %swap3A_687 = arith.constant 112 : index
          %swap3A_688 = tpu.vector_load %arg12[%swap3A_686, %swap3A_687] {strides = array<i32>} : memref<128x128xf32, #tpu.memory_space<vmem>>, vector<1x16xf32>,
          %swap3A_689 = vector.shape_cast %swap3A_688 : vector<1x16xf32> to vector<16xf32>
          %swap3A_690 = vector.shape_cast %mul3A_685 : vector<16xf32> to vector<1x16xf32>
          tpu.vector_store %arg12[%swap3A_686, %swap3A_687], %swap3A_690 {strides = array<i32>} : memref<128x128xf32, #tpu.memory_space<vmem>>, vector<1x16xf32>,
          %slice3A_691 = vector.extract_strided_slice %get3A_85 {offsets = [7], sizes = [1], strides = [1]} : vector<16xf32> to vector<1xf32>
          %squeeze3A_692 = vector.extract %slice3A_691[0] : f32 from vector<1xf32>
          %broadcast_in_dim3A_693 = vector.broadcast %squeeze3A_692 : f32 to vector<16xf32>
          %mul3A_694 = arith.constant 16 : i32
          %mul3A_695 = arith.muli %scan3A_79, %mul3A_694 : i32
          %add3A_696 = arith.constant 7 : i32
          %add3A_697 = arith.addi %mul3A_695, %add3A_696 : i32
          %get3A_698 = arith.index_cast %add3A_697 : i32 to index
          %get3A_699 = arith.constant 0 : index
          %get3A_700 = tpu.vector_load %arg12[%get3A_698, %get3A_699] {strides = array<i32>} : memref<128x128xf32, #tpu.memory_space<vmem>>, vector<1x16xf32>,
          %get3A_701 = vector.shape_cast %get3A_700 : vector<1x16xf32> to vector<16xf32>
          %mul3A_702 = arith.mulf %get3A_701, %broadcast_in_dim3A_693 : vector<16xf32>
          %swap3A_703 = arith.index_cast %add3A_697 : i32 to index
          %swap3A_704 = arith.constant 0 : index
          %swap3A_705 = tpu.vector_load %arg12[%swap3A_703, %swap3A_704] {strides = array<i32>} : memref<128x128xf32, #tpu.memory_space<vmem>>, vector<1x16xf32>,
          %swap3A_706 = vector.shape_cast %swap3A_705 : vector<1x16xf32> to vector<16xf32>
          %swap3A_707 = vector.shape_cast %mul3A_702 : vector<16xf32> to vector<1x16xf32>
          tpu.vector_store %arg12[%swap3A_703, %swap3A_704], %swap3A_707 {strides = array<i32>} : memref<128x128xf32, #tpu.memory_space<vmem>>, vector<1x16xf32>,
          %get3A_708 = arith.index_cast %add3A_697 : i32 to index
          %get3A_709 = arith.constant 16 : index
          %get3A_710 = tpu.vector_load %arg12[%get3A_708, %get3A_709] {strides = array<i32>} : memref<128x128xf32, #tpu.memory_space<vmem>>, vector<1x16xf32>,
          %get3A_711 = vector.shape_cast %get3A_710 : vector<1x16xf32> to vector<16xf32>
          %mul3A_712 = arith.mulf %get3A_711, %broadcast_in_dim3A_693 : vector<16xf32>
          %swap3A_713 = arith.index_cast %add3A_697 : i32 to index
          %swap3A_714 = arith.constant 16 : index
          %swap3A_715 = tpu.vector_load %arg12[%swap3A_713, %swap3A_714] {strides = array<i32>} : memref<128x128xf32, #tpu.memory_space<vmem>>, vector<1x16xf32>,
          %swap3A_716 = vector.shape_cast %swap3A_715 : vector<1x16xf32> to vector<16xf32>
          %swap3A_717 = vector.shape_cast %mul3A_712 : vector<16xf32> to vector<1x16xf32>
          tpu.vector_store %arg12[%swap3A_713, %swap3A_714], %swap3A_717 {strides = array<i32>} : memref<128x128xf32, #tpu.memory_space<vmem>>, vector<1x16xf32>,
          %get3A_718 = arith.index_cast %add3A_697 : i32 to index
          %get3A_719 = arith.constant 32 : index
          %get3A_720 = tpu.vector_load %arg12[%get3A_718, %get3A_719] {strides = array<i32>} : memref<128x128xf32, #tpu.memory_space<vmem>>, vector<1x16xf32>,
          %get3A_721 = vector.shape_cast %get3A_720 : vector<1x16xf32> to vector<16xf32>
          %mul3A_722 = arith.mulf %get3A_721, %broadcast_in_dim3A_693 : vector<16xf32>
          %swap3A_723 = arith.index_cast %add3A_697 : i32 to index
          %swap3A_724 = arith.constant 32 : index
          %swap3A_725 = tpu.vector_load %arg12[%swap3A_723, %swap3A_724] {strides = array<i32>} : memref<128x128xf32, #tpu.memory_space<vmem>>, vector<1x16xf32>,
          %swap3A_726 = vector.shape_cast %swap3A_725 : vector<1x16xf32> to vector<16xf32>
          %swap3A_727 = vector.shape_cast %mul3A_722 : vector<16xf32> to vector<1x16xf32>
          tpu.vector_store %arg12[%swap3A_723, %swap3A_724], %swap3A_727 {strides = array<i32>} : memref<128x128xf32, #tpu.memory_space<vmem>>, vector<1x16xf32>,
          %get3A_728 = arith.index_cast %add3A_697 : i32 to index
          %get3A_729 = arith.constant 48 : index
          %get3A_730 = tpu.vector_load %arg12[%get3A_728, %get3A_729] {strides = array<i32>} : memref<128x128xf32, #tpu.memory_space<vmem>>, vector<1x16xf32>,
          %get3A_731 = vector.shape_cast %get3A_730 : vector<1x16xf32> to vector<16xf32>
          %mul3A_732 = arith.mulf %get3A_731, %broadcast_in_dim3A_693 : vector<16xf32>
          %swap3A_733 = arith.index_cast %add3A_697 : i32 to index
          %swap3A_734 = arith.constant 48 : index
          %swap3A_735 = tpu.vector_load %arg12[%swap3A_733, %swap3A_734] {strides = array<i32>} : memref<128x128xf32, #tpu.memory_space<vmem>>, vector<1x16xf32>,
          %swap3A_736 = vector.shape_cast %swap3A_735 : vector<1x16xf32> to vector<16xf32>
          %swap3A_737 = vector.shape_cast %mul3A_732 : vector<16xf32> to vector<1x16xf32>
          tpu.vector_store %arg12[%swap3A_733, %swap3A_734], %swap3A_737 {strides = array<i32>} : memref<128x128xf32, #tpu.memory_space<vmem>>, vector<1x16xf32>,
          %get3A_738 = arith.index_cast %add3A_697 : i32 to index
          %get3A_739 = arith.constant 64 : index
          %get3A_740 = tpu.vector_load %arg12[%get3A_738, %get3A_739] {strides = array<i32>} : memref<128x128xf32, #tpu.memory_space<vmem>>, vector<1x16xf32>,
          %get3A_741 = vector.shape_cast %get3A_740 : vector<1x16xf32> to vector<16xf32>
          %mul3A_742 = arith.mulf %get3A_741, %broadcast_in_dim3A_693 : vector<16xf32>
          %swap3A_743 = arith.index_cast %add3A_697 : i32 to index
          %swap3A_744 = arith.constant 64 : index
          %swap3A_745 = tpu.vector_load %arg12[%swap3A_743, %swap3A_744] {strides = array<i32>} : memref<128x128xf32, #tpu.memory_space<vmem>>, vector<1x16xf32>,
          %swap3A_746 = vector.shape_cast %swap3A_745 : vector<1x16xf32> to vector<16xf32>
          %swap3A_747 = vector.shape_cast %mul3A_742 : vector<16xf32> to vector<1x16xf32>
          tpu.vector_store %arg12[%swap3A_743, %swap3A_744], %swap3A_747 {strides = array<i32>} : memref<128x128xf32, #tpu.memory_space<vmem>>, vector<1x16xf32>,
          %get3A_748 = arith.index_cast %add3A_697 : i32 to index
          %get3A_749 = arith.constant 80 : index
          %get3A_750 = tpu.vector_load %arg12[%get3A_748, %get3A_749] {strides = array<i32>} : memref<128x128xf32, #tpu.memory_space<vmem>>, vector<1x16xf32>,
          %get3A_751 = vector.shape_cast %get3A_750 : vector<1x16xf32> to vector<16xf32>
          %mul3A_752 = arith.mulf %get3A_751, %broadcast_in_dim3A_693 : vector<16xf32>
          %swap3A_753 = arith.index_cast %add3A_697 : i32 to index
          %swap3A_754 = arith.constant 80 : index
          %swap3A_755 = tpu.vector_load %arg12[%swap3A_753, %swap3A_754] {strides = array<i32>} : memref<128x128xf32, #tpu.memory_space<vmem>>, vector<1x16xf32>,
          %swap3A_756 = vector.shape_cast %swap3A_755 : vector<1x16xf32> to vector<16xf32>
          %swap3A_757 = vector.shape_cast %mul3A_752 : vector<16xf32> to vector<1x16xf32>
          tpu.vector_store %arg12[%swap3A_753, %swap3A_754], %swap3A_757 {strides = array<i32>} : memref<128x128xf32, #tpu.memory_space<vmem>>, vector<1x16xf32>,
          %get3A_758 = arith.index_cast %add3A_697 : i32 to index
          %get3A_759 = arith.constant 96 : index
          %get3A_760 = tpu.vector_load %arg12[%get3A_758, %get3A_759] {strides = array<i32>} : memref<128x128xf32, #tpu.memory_space<vmem>>, vector<1x16xf32>,
          %get3A_761 = vector.shape_cast %get3A_760 : vector<1x16xf32> to vector<16xf32>
          %mul3A_762 = arith.mulf %get3A_761, %broadcast_in_dim3A_693 : vector<16xf32>
          %swap3A_763 = arith.index_cast %add3A_697 : i32 to index
          %swap3A_764 = arith.constant 96 : index
          %swap3A_765 = tpu.vector_load %arg12[%swap3A_763, %swap3A_764] {strides = array<i32>} : memref<128x128xf32, #tpu.memory_space<vmem>>, vector<1x16xf32>,
          %swap3A_766 = vector.shape_cast %swap3A_765 : vector<1x16xf32> to vector<16xf32>
          %swap3A_767 = vector.shape_cast %mul3A_762 : vector<16xf32> to vector<1x16xf32>
          tpu.vector_store %arg12[%swap3A_763, %swap3A_764], %swap3A_767 {strides = array<i32>} : memref<128x128xf32, #tpu.memory_space<vmem>>, vector<1x16xf32>,
          %get3A_768 = arith.index_cast %add3A_697 : i32 to index
          %get3A_769 = arith.constant 112 : index
          %get3A_770 = tpu.vector_load %arg12[%get3A_768, %get3A_769] {strides = array<i32>} : memref<128x128xf32, #tpu.memory_space<vmem>>, vector<1x16xf32>,
          %get3A_771 = vector.shape_cast %get3A_770 : vector<1x16xf32> to vector<16xf32>
          %mul3A_772 = arith.mulf %get3A_771, %broadcast_in_dim3A_693 : vector<16xf32>
          %swap3A_773 = arith.index_cast %add3A_697 : i32 to index
          %swap3A_774 = arith.constant 112 : index
          %swap3A_775 = tpu.vector_load %arg12[%swap3A_773, %swap3A_774] {strides = array<i32>} : memref<128x128xf32, #tpu.memory_space<vmem>>, vector<1x16xf32>,
          %swap3A_776 = vector.shape_cast %swap3A_775 : vector<1x16xf32> to vector<16xf32>
          %swap3A_777 = vector.shape_cast %mul3A_772 : vector<16xf32> to vector<1x16xf32>
          tpu.vector_store %arg12[%swap3A_773, %swap3A_774], %swap3A_777 {strides = array<i32>} : memref<128x128xf32, #tpu.memory_space<vmem>>, vector<1x16xf32>,
          %slice3A_778 = vector.extract_strided_slice %get3A_85 {offsets = [8], sizes = [1], strides = [1]} : vector<16xf32> to vector<1xf32>
          %squeeze3A_779 = vector.extract %slice3A_778[0] : f32 from vector<1xf32>
          %broadcast_in_dim3A_780 = vector.broadcast %squeeze3A_779 : f32 to vector<16xf32>
          %mul3A_781 = arith.constant 16 : i32
          %mul3A_782 = arith.muli %scan3A_79, %mul3A_781 : i32
          %add3A_783 = arith.constant 8 : i32
          %add3A_784 = arith.addi %mul3A_782, %add3A_783 : i32
          %get3A_785 = arith.index_cast %add3A_784 : i32 to index
          %get3A_786 = arith.constant 0 : index
          %get3A_787 = tpu.vector_load %arg12[%get3A_785, %get3A_786] {strides = array<i32>} : memref<128x128xf32, #tpu.memory_space<vmem>>, vector<1x16xf32>,
          %get3A_788 = vector.shape_cast %get3A_787 : vector<1x16xf32> to vector<16xf32>
          %mul3A_789 = arith.mulf %get3A_788, %broadcast_in_dim3A_780 : vector<16xf32>
          %swap3A_790 = arith.index_cast %add3A_784 : i32 to index
          %swap3A_791 = arith.constant 0 : index
          %swap3A_792 = tpu.vector_load %arg12[%swap3A_790, %swap3A_791] {strides = array<i32>} : memref<128x128xf32, #tpu.memory_space<vmem>>, vector<1x16xf32>,
          %swap3A_793 = vector.shape_cast %swap3A_792 : vector<1x16xf32> to vector<16xf32>
          %swap3A_794 = vector.shape_cast %mul3A_789 : vector<16xf32> to vector<1x16xf32>
          tpu.vector_store %arg12[%swap3A_790, %swap3A_791], %swap3A_794 {strides = array<i32>} : memref<128x128xf32, #tpu.memory_space<vmem>>, vector<1x16xf32>,
          %get3A_795 = arith.index_cast %add3A_784 : i32 to index
          %get3A_796 = arith.constant 16 : index
          %get3A_797 = tpu.vector_load %arg12[%get3A_795, %get3A_796] {strides = array<i32>} : memref<128x128xf32, #tpu.memory_space<vmem>>, vector<1x16xf32>,
          %get3A_798 = vector.shape_cast %get3A_797 : vector<1x16xf32> to vector<16xf32>
          %mul3A_799 = arith.mulf %get3A_798, %broadcast_in_dim3A_780 : vector<16xf32>
          %swap3A_800 = arith.index_cast %add3A_784 : i32 to index
          %swap3A_801 = arith.constant 16 : index
          %swap3A_802 = tpu.vector_load %arg12[%swap3A_800, %swap3A_801] {strides = array<i32>} : memref<128x128xf32, #tpu.memory_space<vmem>>, vector<1x16xf32>,
          %swap3A_803 = vector.shape_cast %swap3A_802 : vector<1x16xf32> to vector<16xf32>
          %swap3A_804 = vector.shape_cast %mul3A_799 : vector<16xf32> to vector<1x16xf32>
          tpu.vector_store %arg12[%swap3A_800, %swap3A_801], %swap3A_804 {strides = array<i32>} : memref<128x128xf32, #tpu.memory_space<vmem>>, vector<1x16xf32>,
          %get3A_805 = arith.index_cast %add3A_784 : i32 to index
          %get3A_806 = arith.constant 32 : index
          %get3A_807 = tpu.vector_load %arg12[%get3A_805, %get3A_806] {strides = array<i32>} : memref<128x128xf32, #tpu.memory_space<vmem>>, vector<1x16xf32>,
          %get3A_808 = vector.shape_cast %get3A_807 : vector<1x16xf32> to vector<16xf32>
          %mul3A_809 = arith.mulf %get3A_808, %broadcast_in_dim3A_780 : vector<16xf32>
          %swap3A_810 = arith.index_cast %add3A_784 : i32 to index
          %swap3A_811 = arith.constant 32 : index
          %swap3A_812 = tpu.vector_load %arg12[%swap3A_810, %swap3A_811] {strides = array<i32>} : memref<128x128xf32, #tpu.memory_space<vmem>>, vector<1x16xf32>,
          %swap3A_813 = vector.shape_cast %swap3A_812 : vector<1x16xf32> to vector<16xf32>
          %swap3A_814 = vector.shape_cast %mul3A_809 : vector<16xf32> to vector<1x16xf32>
          tpu.vector_store %arg12[%swap3A_810, %swap3A_811], %swap3A_814 {strides = array<i32>} : memref<128x128xf32, #tpu.memory_space<vmem>>, vector<1x16xf32>,
          %get3A_815 = arith.index_cast %add3A_784 : i32 to index
          %get3A_816 = arith.constant 48 : index
          %get3A_817 = tpu.vector_load %arg12[%get3A_815, %get3A_816] {strides = array<i32>} : memref<128x128xf32, #tpu.memory_space<vmem>>, vector<1x16xf32>,
          %get3A_818 = vector.shape_cast %get3A_817 : vector<1x16xf32> to vector<16xf32>
          %mul3A_819 = arith.mulf %get3A_818, %broadcast_in_dim3A_780 : vector<16xf32>
          %swap3A_820 = arith.index_cast %add3A_784 : i32 to index
          %swap3A_821 = arith.constant 48 : index
          %swap3A_822 = tpu.vector_load %arg12[%swap3A_820, %swap3A_821] {strides = array<i32>} : memref<128x128xf32, #tpu.memory_space<vmem>>, vector<1x16xf32>,
          %swap3A_823 = vector.shape_cast %swap3A_822 : vector<1x16xf32> to vector<16xf32>
          %swap3A_824 = vector.shape_cast %mul3A_819 : vector<16xf32> to vector<1x16xf32>
          tpu.vector_store %arg12[%swap3A_820, %swap3A_821], %swap3A_824 {strides = array<i32>} : memref<128x128xf32, #tpu.memory_space<vmem>>, vector<1x16xf32>,
          %get3A_825 = arith.index_cast %add3A_784 : i32 to index
          %get3A_826 = arith.constant 64 : index
          %get3A_827 = tpu.vector_load %arg12[%get3A_825, %get3A_826] {strides = array<i32>} : memref<128x128xf32, #tpu.memory_space<vmem>>, vector<1x16xf32>,
          %get3A_828 = vector.shape_cast %get3A_827 : vector<1x16xf32> to vector<16xf32>
          %mul3A_829 = arith.mulf %get3A_828, %broadcast_in_dim3A_780 : vector<16xf32>
          %swap3A_830 = arith.index_cast %add3A_784 : i32 to index
          %swap3A_831 = arith.constant 64 : index
          %swap3A_832 = tpu.vector_load %arg12[%swap3A_830, %swap3A_831] {strides = array<i32>} : memref<128x128xf32, #tpu.memory_space<vmem>>, vector<1x16xf32>,
          %swap3A_833 = vector.shape_cast %swap3A_832 : vector<1x16xf32> to vector<16xf32>
          %swap3A_834 = vector.shape_cast %mul3A_829 : vector<16xf32> to vector<1x16xf32>
          tpu.vector_store %arg12[%swap3A_830, %swap3A_831], %swap3A_834 {strides = array<i32>} : memref<128x128xf32, #tpu.memory_space<vmem>>, vector<1x16xf32>,
          %get3A_835 = arith.index_cast %add3A_784 : i32 to index
          %get3A_836 = arith.constant 80 : index
          %get3A_837 = tpu.vector_load %arg12[%get3A_835, %get3A_836] {strides = array<i32>} : memref<128x128xf32, #tpu.memory_space<vmem>>, vector<1x16xf32>,
          %get3A_838 = vector.shape_cast %get3A_837 : vector<1x16xf32> to vector<16xf32>
          %mul3A_839 = arith.mulf %get3A_838, %broadcast_in_dim3A_780 : vector<16xf32>
          %swap3A_840 = arith.index_cast %add3A_784 : i32 to index
          %swap3A_841 = arith.constant 80 : index
          %swap3A_842 = tpu.vector_load %arg12[%swap3A_840, %swap3A_841] {strides = array<i32>} : memref<128x128xf32, #tpu.memory_space<vmem>>, vector<1x16xf32>,
          %swap3A_843 = vector.shape_cast %swap3A_842 : vector<1x16xf32> to vector<16xf32>
          %swap3A_844 = vector.shape_cast %mul3A_839 : vector<16xf32> to vector<1x16xf32>
          tpu.vector_store %arg12[%swap3A_840, %swap3A_841], %swap3A_844 {strides = array<i32>} : memref<128x128xf32, #tpu.memory_space<vmem>>, vector<1x16xf32>,
          %get3A_845 = arith.index_cast %add3A_784 : i32 to index
          %get3A_846 = arith.constant 96 : index
          %get3A_847 = tpu.vector_load %arg12[%get3A_845, %get3A_846] {strides = array<i32>} : memref<128x128xf32, #tpu.memory_space<vmem>>, vector<1x16xf32>,
          %get3A_848 = vector.shape_cast %get3A_847 : vector<1x16xf32> to vector<16xf32>
          %mul3A_849 = arith.mulf %get3A_848, %broadcast_in_dim3A_780 : vector<16xf32>
          %swap3A_850 = arith.index_cast %add3A_784 : i32 to index
          %swap3A_851 = arith.constant 96 : index
          %swap3A_852 = tpu.vector_load %arg12[%swap3A_850, %swap3A_851] {strides = array<i32>} : memref<128x128xf32, #tpu.memory_space<vmem>>, vector<1x16xf32>,
          %swap3A_853 = vector.shape_cast %swap3A_852 : vector<1x16xf32> to vector<16xf32>
          %swap3A_854 = vector.shape_cast %mul3A_849 : vector<16xf32> to vector<1x16xf32>
          tpu.vector_store %arg12[%swap3A_850, %swap3A_851], %swap3A_854 {strides = array<i32>} : memref<128x128xf32, #tpu.memory_space<vmem>>, vector<1x16xf32>,
          %get3A_855 = arith.index_cast %add3A_784 : i32 to index
          %get3A_856 = arith.constant 112 : index
          %get3A_857 = tpu.vector_load %arg12[%get3A_855, %get3A_856] {strides = array<i32>} : memref<128x128xf32, #tpu.memory_space<vmem>>, vector<1x16xf32>,
          %get3A_858 = vector.shape_cast %get3A_857 : vector<1x16xf32> to vector<16xf32>
          %mul3A_859 = arith.mulf %get3A_858, %broadcast_in_dim3A_780 : vector<16xf32>
          %swap3A_860 = arith.index_cast %add3A_784 : i32 to index
          %swap3A_861 = arith.constant 112 : index
          %swap3A_862 = tpu.vector_load %arg12[%swap3A_860, %swap3A_861] {strides = array<i32>} : memref<128x128xf32, #tpu.memory_space<vmem>>, vector<1x16xf32>,
          %swap3A_863 = vector.shape_cast %swap3A_862 : vector<1x16xf32> to vector<16xf32>
          %swap3A_864 = vector.shape_cast %mul3A_859 : vector<16xf32> to vector<1x16xf32>
          tpu.vector_store %arg12[%swap3A_860, %swap3A_861], %swap3A_864 {strides = array<i32>} : memref<128x128xf32, #tpu.memory_space<vmem>>, vector<1x16xf32>,
          %slice3A_865 = vector.extract_strided_slice %get3A_85 {offsets = [9], sizes = [1], strides = [1]} : vector<16xf32> to vector<1xf32>
          %squeeze3A_866 = vector.extract %slice3A_865[0] : f32 from vector<1xf32>
          %broadcast_in_dim3A_867 = vector.broadcast %squeeze3A_866 : f32 to vector<16xf32>
          %mul3A_868 = arith.constant 16 : i32
          %mul3A_869 = arith.muli %scan3A_79, %mul3A_868 : i32
          %add3A_870 = arith.constant 9 : i32
          %add3A_871 = arith.addi %mul3A_869, %add3A_870 : i32
          %get3A_872 = arith.index_cast %add3A_871 : i32 to index
          %get3A_873 = arith.constant 0 : index
          %get3A_874 = tpu.vector_load %arg12[%get3A_872, %get3A_873] {strides = array<i32>} : memref<128x128xf32, #tpu.memory_space<vmem>>, vector<1x16xf32>,
          %get3A_875 = vector.shape_cast %get3A_874 : vector<1x16xf32> to vector<16xf32>
          %mul3A_876 = arith.mulf %get3A_875, %broadcast_in_dim3A_867 : vector<16xf32>
          %swap3A_877 = arith.index_cast %add3A_871 : i32 to index
          %swap3A_878 = arith.constant 0 : index
          %swap3A_879 = tpu.vector_load %arg12[%swap3A_877, %swap3A_878] {strides = array<i32>} : memref<128x128xf32, #tpu.memory_space<vmem>>, vector<1x16xf32>,
          %swap3A_880 = vector.shape_cast %swap3A_879 : vector<1x16xf32> to vector<16xf32>
          %swap3A_881 = vector.shape_cast %mul3A_876 : vector<16xf32> to vector<1x16xf32>
          tpu.vector_store %arg12[%swap3A_877, %swap3A_878], %swap3A_881 {strides = array<i32>} : memref<128x128xf32, #tpu.memory_space<vmem>>, vector<1x16xf32>,
          %get3A_882 = arith.index_cast %add3A_871 : i32 to index
          %get3A_883 = arith.constant 16 : index
          %get3A_884 = tpu.vector_load %arg12[%get3A_882, %get3A_883] {strides = array<i32>} : memref<128x128xf32, #tpu.memory_space<vmem>>, vector<1x16xf32>,
          %get3A_885 = vector.shape_cast %get3A_884 : vector<1x16xf32> to vector<16xf32>
          %mul3A_886 = arith.mulf %get3A_885, %broadcast_in_dim3A_867 : vector<16xf32>
          %swap3A_887 = arith.index_cast %add3A_871 : i32 to index
          %swap3A_888 = arith.constant 16 : index
          %swap3A_889 = tpu.vector_load %arg12[%swap3A_887, %swap3A_888] {strides = array<i32>} : memref<128x128xf32, #tpu.memory_space<vmem>>, vector<1x16xf32>,
          %swap3A_890 = vector.shape_cast %swap3A_889 : vector<1x16xf32> to vector<16xf32>
          %swap3A_891 = vector.shape_cast %mul3A_886 : vector<16xf32> to vector<1x16xf32>
          tpu.vector_store %arg12[%swap3A_887, %swap3A_888], %swap3A_891 {strides = array<i32>} : memref<128x128xf32, #tpu.memory_space<vmem>>, vector<1x16xf32>,
          %get3A_892 = arith.index_cast %add3A_871 : i32 to index
          %get3A_893 = arith.constant 32 : index
          %get3A_894 = tpu.vector_load %arg12[%get3A_892, %get3A_893] {strides = array<i32>} : memref<128x128xf32, #tpu.memory_space<vmem>>, vector<1x16xf32>,
          %get3A_895 = vector.shape_cast %get3A_894 : vector<1x16xf32> to vector<16xf32>
          %mul3A_896 = arith.mulf %get3A_895, %broadcast_in_dim3A_867 : vector<16xf32>
          %swap3A_897 = arith.index_cast %add3A_871 : i32 to index
          %swap3A_898 = arith.constant 32 : index
          %swap3A_899 = tpu.vector_load %arg12[%swap3A_897, %swap3A_898] {strides = array<i32>} : memref<128x128xf32, #tpu.memory_space<vmem>>, vector<1x16xf32>,
          %swap3A_900 = vector.shape_cast %swap3A_899 : vector<1x16xf32> to vector<16xf32>
          %swap3A_901 = vector.shape_cast %mul3A_896 : vector<16xf32> to vector<1x16xf32>
          tpu.vector_store %arg12[%swap3A_897, %swap3A_898], %swap3A_901 {strides = array<i32>} : memref<128x128xf32, #tpu.memory_space<vmem>>, vector<1x16xf32>,
          %get3A_902 = arith.index_cast %add3A_871 : i32 to index
          %get3A_903 = arith.constant 48 : index
          %get3A_904 = tpu.vector_load %arg12[%get3A_902, %get3A_903] {strides = array<i32>} : memref<128x128xf32, #tpu.memory_space<vmem>>, vector<1x16xf32>,
          %get3A_905 = vector.shape_cast %get3A_904 : vector<1x16xf32> to vector<16xf32>
          %mul3A_906 = arith.mulf %get3A_905, %broadcast_in_dim3A_867 : vector<16xf32>
          %swap3A_907 = arith.index_cast %add3A_871 : i32 to index
          %swap3A_908 = arith.constant 48 : index
          %swap3A_909 = tpu.vector_load %arg12[%swap3A_907, %swap3A_908] {strides = array<i32>} : memref<128x128xf32, #tpu.memory_space<vmem>>, vector<1x16xf32>,
          %swap3A_910 = vector.shape_cast %swap3A_909 : vector<1x16xf32> to vector<16xf32>
          %swap3A_911 = vector.shape_cast %mul3A_906 : vector<16xf32> to vector<1x16xf32>
          tpu.vector_store %arg12[%swap3A_907, %swap3A_908], %swap3A_911 {strides = array<i32>} : memref<128x128xf32, #tpu.memory_space<vmem>>, vector<1x16xf32>,
          %get3A_912 = arith.index_cast %add3A_871 : i32 to index
          %get3A_913 = arith.constant 64 : index
          %get3A_914 = tpu.vector_load %arg12[%get3A_912, %get3A_913] {strides = array<i32>} : memref<128x128xf32, #tpu.memory_space<vmem>>, vector<1x16xf32>,
          %get3A_915 = vector.shape_cast %get3A_914 : vector<1x16xf32> to vector<16xf32>
          %mul3A_916 = arith.mulf %get3A_915, %broadcast_in_dim3A_867 : vector<16xf32>
          %swap3A_917 = arith.index_cast %add3A_871 : i32 to index
          %swap3A_918 = arith.constant 64 : index
          %swap3A_919 = tpu.vector_load %arg12[%swap3A_917, %swap3A_918] {strides = array<i32>} : memref<128x128xf32, #tpu.memory_space<vmem>>, vector<1x16xf32>,
          %swap3A_920 = vector.shape_cast %swap3A_919 : vector<1x16xf32> to vector<16xf32>
          %swap3A_921 = vector.shape_cast %mul3A_916 : vector<16xf32> to vector<1x16xf32>
          tpu.vector_store %arg12[%swap3A_917, %swap3A_918], %swap3A_921 {strides = array<i32>} : memref<128x128xf32, #tpu.memory_space<vmem>>, vector<1x16xf32>,
          %get3A_922 = arith.index_cast %add3A_871 : i32 to index
          %get3A_923 = arith.constant 80 : index
          %get3A_924 = tpu.vector_load %arg12[%get3A_922, %get3A_923] {strides = array<i32>} : memref<128x128xf32, #tpu.memory_space<vmem>>, vector<1x16xf32>,
          %get3A_925 = vector.shape_cast %get3A_924 : vector<1x16xf32> to vector<16xf32>
          %mul3A_926 = arith.mulf %get3A_925, %broadcast_in_dim3A_867 : vector<16xf32>
          %swap3A_927 = arith.index_cast %add3A_871 : i32 to index
          %swap3A_928 = arith.constant 80 : index
          %swap3A_929 = tpu.vector_load %arg12[%swap3A_927, %swap3A_928] {strides = array<i32>} : memref<128x128xf32, #tpu.memory_space<vmem>>, vector<1x16xf32>,
          %swap3A_930 = vector.shape_cast %swap3A_929 : vector<1x16xf32> to vector<16xf32>
          %swap3A_931 = vector.shape_cast %mul3A_926 : vector<16xf32> to vector<1x16xf32>
          tpu.vector_store %arg12[%swap3A_927, %swap3A_928], %swap3A_931 {strides = array<i32>} : memref<128x128xf32, #tpu.memory_space<vmem>>, vector<1x16xf32>,
          %get3A_932 = arith.index_cast %add3A_871 : i32 to index
          %get3A_933 = arith.constant 96 : index
          %get3A_934 = tpu.vector_load %arg12[%get3A_932, %get3A_933] {strides = array<i32>} : memref<128x128xf32, #tpu.memory_space<vmem>>, vector<1x16xf32>,
          %get3A_935 = vector.shape_cast %get3A_934 : vector<1x16xf32> to vector<16xf32>
          %mul3A_936 = arith.mulf %get3A_935, %broadcast_in_dim3A_867 : vector<16xf32>
          %swap3A_937 = arith.index_cast %add3A_871 : i32 to index
          %swap3A_938 = arith.constant 96 : index
          %swap3A_939 = tpu.vector_load %arg12[%swap3A_937, %swap3A_938] {strides = array<i32>} : memref<128x128xf32, #tpu.memory_space<vmem>>, vector<1x16xf32>,
          %swap3A_940 = vector.shape_cast %swap3A_939 : vector<1x16xf32> to vector<16xf32>
          %swap3A_941 = vector.shape_cast %mul3A_936 : vector<16xf32> to vector<1x16xf32>
          tpu.vector_store %arg12[%swap3A_937, %swap3A_938], %swap3A_941 {strides = array<i32>} : memref<128x128xf32, #tpu.memory_space<vmem>>, vector<1x16xf32>,
          %get3A_942 = arith.index_cast %add3A_871 : i32 to index
          %get3A_943 = arith.constant 112 : index
          %get3A_944 = tpu.vector_load %arg12[%get3A_942, %get3A_943] {strides = array<i32>} : memref<128x128xf32, #tpu.memory_space<vmem>>, vector<1x16xf32>,
          %get3A_945 = vector.shape_cast %get3A_944 : vector<1x16xf32> to vector<16xf32>
          %mul3A_946 = arith.mulf %get3A_945, %broadcast_in_dim3A_867 : vector<16xf32>
          %swap3A_947 = arith.index_cast %add3A_871 : i32 to index
          %swap3A_948 = arith.constant 112 : index
          %swap3A_949 = tpu.vector_load %arg12[%swap3A_947, %swap3A_948] {strides = array<i32>} : memref<128x128xf32, #tpu.memory_space<vmem>>, vector<1x16xf32>,
          %swap3A_950 = vector.shape_cast %swap3A_949 : vector<1x16xf32> to vector<16xf32>
          %swap3A_951 = vector.shape_cast %mul3A_946 : vector<16xf32> to vector<1x16xf32>
          tpu.vector_store %arg12[%swap3A_947, %swap3A_948], %swap3A_951 {strides = array<i32>} : memref<128x128xf32, #tpu.memory_space<vmem>>, vector<1x16xf32>,
          %slice3A_952 = vector.extract_strided_slice %get3A_85 {offsets = [10], sizes = [1], strides = [1]} : vector<16xf32> to vector<1xf32>
          %squeeze3A_953 = vector.extract %slice3A_952[0] : f32 from vector<1xf32>
          %broadcast_in_dim3A_954 = vector.broadcast %squeeze3A_953 : f32 to vector<16xf32>
          %mul3A_955 = arith.constant 16 : i32
          %mul3A_956 = arith.muli %scan3A_79, %mul3A_955 : i32
          %add3A_957 = arith.constant 10 : i32
          %add3A_958 = arith.addi %mul3A_956, %add3A_957 : i32
          %get3A_959 = arith.index_cast %add3A_958 : i32 to index
          %get3A_960 = arith.constant 0 : index
          %get3A_961 = tpu.vector_load %arg12[%get3A_959, %get3A_960] {strides = array<i32>} : memref<128x128xf32, #tpu.memory_space<vmem>>, vector<1x16xf32>,
          %get3A_962 = vector.shape_cast %get3A_961 : vector<1x16xf32> to vector<16xf32>
          %mul3A_963 = arith.mulf %get3A_962, %broadcast_in_dim3A_954 : vector<16xf32>
          %swap3A_964 = arith.index_cast %add3A_958 : i32 to index
          %swap3A_965 = arith.constant 0 : index
          %swap3A_966 = tpu.vector_load %arg12[%swap3A_964, %swap3A_965] {strides = array<i32>} : memref<128x128xf32, #tpu.memory_space<vmem>>, vector<1x16xf32>,
          %swap3A_967 = vector.shape_cast %swap3A_966 : vector<1x16xf32> to vector<16xf32>
          %swap3A_968 = vector.shape_cast %mul3A_963 : vector<16xf32> to vector<1x16xf32>
          tpu.vector_store %arg12[%swap3A_964, %swap3A_965], %swap3A_968 {strides = array<i32>} : memref<128x128xf32, #tpu.memory_space<vmem>>, vector<1x16xf32>,
          %get3A_969 = arith.index_cast %add3A_958 : i32 to index
          %get3A_970 = arith.constant 16 : index
          %get3A_971 = tpu.vector_load %arg12[%get3A_969, %get3A_970] {strides = array<i32>} : memref<128x128xf32, #tpu.memory_space<vmem>>, vector<1x16xf32>,
          %get3A_972 = vector.shape_cast %get3A_971 : vector<1x16xf32> to vector<16xf32>
          %mul3A_973 = arith.mulf %get3A_972, %broadcast_in_dim3A_954 : vector<16xf32>
          %swap3A_974 = arith.index_cast %add3A_958 : i32 to index
          %swap3A_975 = arith.constant 16 : index
          %swap3A_976 = tpu.vector_load %arg12[%swap3A_974, %swap3A_975] {strides = array<i32>} : memref<128x128xf32, #tpu.memory_space<vmem>>, vector<1x16xf32>,
          %swap3A_977 = vector.shape_cast %swap3A_976 : vector<1x16xf32> to vector<16xf32>
          %swap3A_978 = vector.shape_cast %mul3A_973 : vector<16xf32> to vector<1x16xf32>
          tpu.vector_store %arg12[%swap3A_974, %swap3A_975], %swap3A_978 {strides = array<i32>} : memref<128x128xf32, #tpu.memory_space<vmem>>, vector<1x16xf32>,
          %get3A_979 = arith.index_cast %add3A_958 : i32 to index
          %get3A_980 = arith.constant 32 : index
          %get3A_981 = tpu.vector_load %arg12[%get3A_979, %get3A_980] {strides = array<i32>} : memref<128x128xf32, #tpu.memory_space<vmem>>, vector<1x16xf32>,
          %get3A_982 = vector.shape_cast %get3A_981 : vector<1x16xf32> to vector<16xf32>
          %mul3A_983 = arith.mulf %get3A_982, %broadcast_in_dim3A_954 : vector<16xf32>
          %swap3A_984 = arith.index_cast %add3A_958 : i32 to index
          %swap3A_985 = arith.constant 32 : index
          %swap3A_986 = tpu.vector_load %arg12[%swap3A_984, %swap3A_985] {strides = array<i32>} : memref<128x128xf32, #tpu.memory_space<vmem>>, vector<1x16xf32>,
          %swap3A_987 = vector.shape_cast %swap3A_986 : vector<1x16xf32> to vector<16xf32>
          %swap3A_988 = vector.shape_cast %mul3A_983 : vector<16xf32> to vector<1x16xf32>
          tpu.vector_store %arg12[%swap3A_984, %swap3A_985], %swap3A_988 {strides = array<i32>} : memref<128x128xf32, #tpu.memory_space<vmem>>, vector<1x16xf32>,
          %get3A_989 = arith.index_cast %add3A_958 : i32 to index
          %get3A_990 = arith.constant 48 : index
          %get3A_991 = tpu.vector_load %arg12[%get3A_989, %get3A_990] {strides = array<i32>} : memref<128x128xf32, #tpu.memory_space<vmem>>, vector<1x16xf32>,
          %get3A_992 = vector.shape_cast %get3A_991 : vector<1x16xf32> to vector<16xf32>
          %mul3A_993 = arith.mulf %get3A_992, %broadcast_in_dim3A_954 : vector<16xf32>
          %swap3A_994 = arith.index_cast %add3A_958 : i32 to index
          %swap3A_995 = arith.constant 48 : index
          %swap3A_996 = tpu.vector_load %arg12[%swap3A_994, %swap3A_995] {strides = array<i32>} : memref<128x128xf32, #tpu.memory_space<vmem>>, vector<1x16xf32>,
          %swap3A_997 = vector.shape_cast %swap3A_996 : vector<1x16xf32> to vector<16xf32>
          %swap3A_998 = vector.shape_cast %mul3A_993 : vector<16xf32> to vector<1x16xf32>
          tpu.vector_store %arg12[%swap3A_994, %swap3A_995], %swap3A_998 {strides = array<i32>} : memref<128x128xf32, #tpu.memory_space<vmem>>, vector<1x16xf32>,
          %get3A_999 = arith.index_cast %add3A_958 : i32 to index
          %get3A_1000 = arith.constant 64 : index
          %get3A_1001 = tpu.vector_load %arg12[%get3A_999, %get3A_1000] {strides = array<i32>} : memref<128x128xf32, #tpu.memory_space<vmem>>, vector<1x16xf32>,
          %get3A_1002 = vector.shape_cast %get3A_1001 : vector<1x16xf32> to vector<16xf32>
          %mul3A_1003 = arith.mulf %get3A_1002, %broadcast_in_dim3A_954 : vector<16xf32>
          %swap3A_1004 = arith.index_cast %add3A_958 : i32 to index
          %swap3A_1005 = arith.constant 64 : index
          %swap3A_1006 = tpu.vector_load %arg12[%swap3A_1004, %swap3A_1005] {strides = array<i32>} : memref<128x128xf32, #tpu.memory_space<vmem>>, vector<1x16xf32>,
          %swap3A_1007 = vector.shape_cast %swap3A_1006 : vector<1x16xf32> to vector<16xf32>
          %swap3A_1008 = vector.shape_cast %mul3A_1003 : vector<16xf32> to vector<1x16xf32>
          tpu.vector_store %arg12[%swap3A_1004, %swap3A_1005], %swap3A_1008 {strides = array<i32>} : memref<128x128xf32, #tpu.memory_space<vmem>>, vector<1x16xf32>,
          %get3A_1009 = arith.index_cast %add3A_958 : i32 to index
          %get3A_1010 = arith.constant 80 : index
          %get3A_1011 = tpu.vector_load %arg12[%get3A_1009, %get3A_1010] {strides = array<i32>} : memref<128x128xf32, #tpu.memory_space<vmem>>, vector<1x16xf32>,
          %get3A_1012 = vector.shape_cast %get3A_1011 : vector<1x16xf32> to vector<16xf32>
          %mul3A_1013 = arith.mulf %get3A_1012, %broadcast_in_dim3A_954 : vector<16xf32>
          %swap3A_1014 = arith.index_cast %add3A_958 : i32 to index
          %swap3A_1015 = arith.constant 80 : index
          %swap3A_1016 = tpu.vector_load %arg12[%swap3A_1014, %swap3A_1015] {strides = array<i32>} : memref<128x128xf32, #tpu.memory_space<vmem>>, vector<1x16xf32>,
          %swap3A_1017 = vector.shape_cast %swap3A_1016 : vector<1x16xf32> to vector<16xf32>
          %swap3A_1018 = vector.shape_cast %mul3A_1013 : vector<16xf32> to vector<1x16xf32>
          tpu.vector_store %arg12[%swap3A_1014, %swap3A_1015], %swap3A_1018 {strides = array<i32>} : memref<128x128xf32, #tpu.memory_space<vmem>>, vector<1x16xf32>,
          %get3A_1019 = arith.index_cast %add3A_958 : i32 to index
          %get3A_1020 = arith.constant 96 : index
          %get3A_1021 = tpu.vector_load %arg12[%get3A_1019, %get3A_1020] {strides = array<i32>} : memref<128x128xf32, #tpu.memory_space<vmem>>, vector<1x16xf32>,
          %get3A_1022 = vector.shape_cast %get3A_1021 : vector<1x16xf32> to vector<16xf32>
          %mul3A_1023 = arith.mulf %get3A_1022, %broadcast_in_dim3A_954 : vector<16xf32>
          %swap3A_1024 = arith.index_cast %add3A_958 : i32 to index
          %swap3A_1025 = arith.constant 96 : index
          %swap3A_1026 = tpu.vector_load %arg12[%swap3A_1024, %swap3A_1025] {strides = array<i32>} : memref<128x128xf32, #tpu.memory_space<vmem>>, vector<1x16xf32>,
          %swap3A_1027 = vector.shape_cast %swap3A_1026 : vector<1x16xf32> to vector<16xf32>
          %swap3A_1028 = vector.shape_cast %mul3A_1023 : vector<16xf32> to vector<1x16xf32>
          tpu.vector_store %arg12[%swap3A_1024, %swap3A_1025], %swap3A_1028 {strides = array<i32>} : memref<128x128xf32, #tpu.memory_space<vmem>>, vector<1x16xf32>,
          %get3A_1029 = arith.index_cast %add3A_958 : i32 to index
          %get3A_1030 = arith.constant 112 : index
          %get3A_1031 = tpu.vector_load %arg12[%get3A_1029, %get3A_1030] {strides = array<i32>} : memref<128x128xf32, #tpu.memory_space<vmem>>, vector<1x16xf32>,
          %get3A_1032 = vector.shape_cast %get3A_1031 : vector<1x16xf32> to vector<16xf32>
          %mul3A_1033 = arith.mulf %get3A_1032, %broadcast_in_dim3A_954 : vector<16xf32>
          %swap3A_1034 = arith.index_cast %add3A_958 : i32 to index
          %swap3A_1035 = arith.constant 112 : index
          %swap3A_1036 = tpu.vector_load %arg12[%swap3A_1034, %swap3A_1035] {strides = array<i32>} : memref<128x128xf32, #tpu.memory_space<vmem>>, vector<1x16xf32>,
          %swap3A_1037 = vector.shape_cast %swap3A_1036 : vector<1x16xf32> to vector<16xf32>
          %swap3A_1038 = vector.shape_cast %mul3A_1033 : vector<16xf32> to vector<1x16xf32>
          tpu.vector_store %arg12[%swap3A_1034, %swap3A_1035], %swap3A_1038 {strides = array<i32>} : memref<128x128xf32, #tpu.memory_space<vmem>>, vector<1x16xf32>,
          %slice3A_1039 = vector.extract_strided_slice %get3A_85 {offsets = [11], sizes = [1], strides = [1]} : vector<16xf32> to vector<1xf32>
          %squeeze3A_1040 = vector.extract %slice3A_1039[0] : f32 from vector<1xf32>
          %broadcast_in_dim3A_1041 = vector.broadcast %squeeze3A_1040 : f32 to vector<16xf32>
          %mul3A_1042 = arith.constant 16 : i32
          %mul3A_1043 = arith.muli %scan3A_79, %mul3A_1042 : i32
          %add3A_1044 = arith.constant 11 : i32
          %add3A_1045 = arith.addi %mul3A_1043, %add3A_1044 : i32
          %get3A_1046 = arith.index_cast %add3A_1045 : i32 to index
          %get3A_1047 = arith.constant 0 : index
          %get3A_1048 = tpu.vector_load %arg12[%get3A_1046, %get3A_1047] {strides = array<i32>} : memref<128x128xf32, #tpu.memory_space<vmem>>, vector<1x16xf32>,
          %get3A_1049 = vector.shape_cast %get3A_1048 : vector<1x16xf32> to vector<16xf32>
          %mul3A_1050 = arith.mulf %get3A_1049, %broadcast_in_dim3A_1041 : vector<16xf32>
          %swap3A_1051 = arith.index_cast %add3A_1045 : i32 to index
          %swap3A_1052 = arith.constant 0 : index
          %swap3A_1053 = tpu.vector_load %arg12[%swap3A_1051, %swap3A_1052] {strides = array<i32>} : memref<128x128xf32, #tpu.memory_space<vmem>>, vector<1x16xf32>,
          %swap3A_1054 = vector.shape_cast %swap3A_1053 : vector<1x16xf32> to vector<16xf32>
          %swap3A_1055 = vector.shape_cast %mul3A_1050 : vector<16xf32> to vector<1x16xf32>
          tpu.vector_store %arg12[%swap3A_1051, %swap3A_1052], %swap3A_1055 {strides = array<i32>} : memref<128x128xf32, #tpu.memory_space<vmem>>, vector<1x16xf32>,
          %get3A_1056 = arith.index_cast %add3A_1045 : i32 to index
          %get3A_1057 = arith.constant 16 : index
          %get3A_1058 = tpu.vector_load %arg12[%get3A_1056, %get3A_1057] {strides = array<i32>} : memref<128x128xf32, #tpu.memory_space<vmem>>, vector<1x16xf32>,
          %get3A_1059 = vector.shape_cast %get3A_1058 : vector<1x16xf32> to vector<16xf32>
          %mul3A_1060 = arith.mulf %get3A_1059, %broadcast_in_dim3A_1041 : vector<16xf32>
          %swap3A_1061 = arith.index_cast %add3A_1045 : i32 to index
          %swap3A_1062 = arith.constant 16 : index
          %swap3A_1063 = tpu.vector_load %arg12[%swap3A_1061, %swap3A_1062] {strides = array<i32>} : memref<128x128xf32, #tpu.memory_space<vmem>>, vector<1x16xf32>,
          %swap3A_1064 = vector.shape_cast %swap3A_1063 : vector<1x16xf32> to vector<16xf32>
          %swap3A_1065 = vector.shape_cast %mul3A_1060 : vector<16xf32> to vector<1x16xf32>
          tpu.vector_store %arg12[%swap3A_1061, %swap3A_1062], %swap3A_1065 {strides = array<i32>} : memref<128x128xf32, #tpu.memory_space<vmem>>, vector<1x16xf32>,
          %get3A_1066 = arith.index_cast %add3A_1045 : i32 to index
          %get3A_1067 = arith.constant 32 : index
          %get3A_1068 = tpu.vector_load %arg12[%get3A_1066, %get3A_1067] {strides = array<i32>} : memref<128x128xf32, #tpu.memory_space<vmem>>, vector<1x16xf32>,
          %get3A_1069 = vector.shape_cast %get3A_1068 : vector<1x16xf32> to vector<16xf32>
          %mul3A_1070 = arith.mulf %get3A_1069, %broadcast_in_dim3A_1041 : vector<16xf32>
          %swap3A_1071 = arith.index_cast %add3A_1045 : i32 to index
          %swap3A_1072 = arith.constant 32 : index
          %swap3A_1073 = tpu.vector_load %arg12[%swap3A_1071, %swap3A_1072] {strides = array<i32>} : memref<128x128xf32, #tpu.memory_space<vmem>>, vector<1x16xf32>,
          %swap3A_1074 = vector.shape_cast %swap3A_1073 : vector<1x16xf32> to vector<16xf32>
          %swap3A_1075 = vector.shape_cast %mul3A_1070 : vector<16xf32> to vector<1x16xf32>
          tpu.vector_store %arg12[%swap3A_1071, %swap3A_1072], %swap3A_1075 {strides = array<i32>} : memref<128x128xf32, #tpu.memory_space<vmem>>, vector<1x16xf32>,
          %get3A_1076 = arith.index_cast %add3A_1045 : i32 to index
          %get3A_1077 = arith.constant 48 : index
          %get3A_1078 = tpu.vector_load %arg12[%get3A_1076, %get3A_1077] {strides = array<i32>} : memref<128x128xf32, #tpu.memory_space<vmem>>, vector<1x16xf32>,
          %get3A_1079 = vector.shape_cast %get3A_1078 : vector<1x16xf32> to vector<16xf32>
          %mul3A_1080 = arith.mulf %get3A_1079, %broadcast_in_dim3A_1041 : vector<16xf32>
          %swap3A_1081 = arith.index_cast %add3A_1045 : i32 to index
          %swap3A_1082 = arith.constant 48 : index
          %swap3A_1083 = tpu.vector_load %arg12[%swap3A_1081, %swap3A_1082] {strides = array<i32>} : memref<128x128xf32, #tpu.memory_space<vmem>>, vector<1x16xf32>,
          %swap3A_1084 = vector.shape_cast %swap3A_1083 : vector<1x16xf32> to vector<16xf32>
          %swap3A_1085 = vector.shape_cast %mul3A_1080 : vector<16xf32> to vector<1x16xf32>
          tpu.vector_store %arg12[%swap3A_1081, %swap3A_1082], %swap3A_1085 {strides = array<i32>} : memref<128x128xf32, #tpu.memory_space<vmem>>, vector<1x16xf32>,
          %get3A_1086 = arith.index_cast %add3A_1045 : i32 to index
          %get3A_1087 = arith.constant 64 : index
          %get3A_1088 = tpu.vector_load %arg12[%get3A_1086, %get3A_1087] {strides = array<i32>} : memref<128x128xf32, #tpu.memory_space<vmem>>, vector<1x16xf32>,
          %get3A_1089 = vector.shape_cast %get3A_1088 : vector<1x16xf32> to vector<16xf32>
          %mul3A_1090 = arith.mulf %get3A_1089, %broadcast_in_dim3A_1041 : vector<16xf32>
          %swap3A_1091 = arith.index_cast %add3A_1045 : i32 to index
          %swap3A_1092 = arith.constant 64 : index
          %swap3A_1093 = tpu.vector_load %arg12[%swap3A_1091, %swap3A_1092] {strides = array<i32>} : memref<128x128xf32, #tpu.memory_space<vmem>>, vector<1x16xf32>,
          %swap3A_1094 = vector.shape_cast %swap3A_1093 : vector<1x16xf32> to vector<16xf32>
          %swap3A_1095 = vector.shape_cast %mul3A_1090 : vector<16xf32> to vector<1x16xf32>
          tpu.vector_store %arg12[%swap3A_1091, %swap3A_1092], %swap3A_1095 {strides = array<i32>} : memref<128x128xf32, #tpu.memory_space<vmem>>, vector<1x16xf32>,
          %get3A_1096 = arith.index_cast %add3A_1045 : i32 to index
          %get3A_1097 = arith.constant 80 : index
          %get3A_1098 = tpu.vector_load %arg12[%get3A_1096, %get3A_1097] {strides = array<i32>} : memref<128x128xf32, #tpu.memory_space<vmem>>, vector<1x16xf32>,
          %get3A_1099 = vector.shape_cast %get3A_1098 : vector<1x16xf32> to vector<16xf32>
          %mul3A_1100 = arith.mulf %get3A_1099, %broadcast_in_dim3A_1041 : vector<16xf32>
          %swap3A_1101 = arith.index_cast %add3A_1045 : i32 to index
          %swap3A_1102 = arith.constant 80 : index
          %swap3A_1103 = tpu.vector_load %arg12[%swap3A_1101, %swap3A_1102] {strides = array<i32>} : memref<128x128xf32, #tpu.memory_space<vmem>>, vector<1x16xf32>,
          %swap3A_1104 = vector.shape_cast %swap3A_1103 : vector<1x16xf32> to vector<16xf32>
          %swap3A_1105 = vector.shape_cast %mul3A_1100 : vector<16xf32> to vector<1x16xf32>
          tpu.vector_store %arg12[%swap3A_1101, %swap3A_1102], %swap3A_1105 {strides = array<i32>} : memref<128x128xf32, #tpu.memory_space<vmem>>, vector<1x16xf32>,
          %get3A_1106 = arith.index_cast %add3A_1045 : i32 to index
          %get3A_1107 = arith.constant 96 : index
          %get3A_1108 = tpu.vector_load %arg12[%get3A_1106, %get3A_1107] {strides = array<i32>} : memref<128x128xf32, #tpu.memory_space<vmem>>, vector<1x16xf32>,
          %get3A_1109 = vector.shape_cast %get3A_1108 : vector<1x16xf32> to vector<16xf32>
          %mul3A_1110 = arith.mulf %get3A_1109, %broadcast_in_dim3A_1041 : vector<16xf32>
          %swap3A_1111 = arith.index_cast %add3A_1045 : i32 to index
          %swap3A_1112 = arith.constant 96 : index
          %swap3A_1113 = tpu.vector_load %arg12[%swap3A_1111, %swap3A_1112] {strides = array<i32>} : memref<128x128xf32, #tpu.memory_space<vmem>>, vector<1x16xf32>,
          %swap3A_1114 = vector.shape_cast %swap3A_1113 : vector<1x16xf32> to vector<16xf32>
          %swap3A_1115 = vector.shape_cast %mul3A_1110 : vector<16xf32> to vector<1x16xf32>
          tpu.vector_store %arg12[%swap3A_1111, %swap3A_1112], %swap3A_1115 {strides = array<i32>} : memref<128x128xf32, #tpu.memory_space<vmem>>, vector<1x16xf32>,
          %get3A_1116 = arith.index_cast %add3A_1045 : i32 to index
          %get3A_1117 = arith.constant 112 : index
          %get3A_1118 = tpu.vector_load %arg12[%get3A_1116, %get3A_1117] {strides = array<i32>} : memref<128x128xf32, #tpu.memory_space<vmem>>, vector<1x16xf32>,
          %get3A_1119 = vector.shape_cast %get3A_1118 : vector<1x16xf32> to vector<16xf32>
          %mul3A_1120 = arith.mulf %get3A_1119, %broadcast_in_dim3A_1041 : vector<16xf32>
          %swap3A_1121 = arith.index_cast %add3A_1045 : i32 to index
          %swap3A_1122 = arith.constant 112 : index
          %swap3A_1123 = tpu.vector_load %arg12[%swap3A_1121, %swap3A_1122] {strides = array<i32>} : memref<128x128xf32, #tpu.memory_space<vmem>>, vector<1x16xf32>,
          %swap3A_1124 = vector.shape_cast %swap3A_1123 : vector<1x16xf32> to vector<16xf32>
          %swap3A_1125 = vector.shape_cast %mul3A_1120 : vector<16xf32> to vector<1x16xf32>
          tpu.vector_store %arg12[%swap3A_1121, %swap3A_1122], %swap3A_1125 {strides = array<i32>} : memref<128x128xf32, #tpu.memory_space<vmem>>, vector<1x16xf32>,
          %slice3A_1126 = vector.extract_strided_slice %get3A_85 {offsets = [12], sizes = [1], strides = [1]} : vector<16xf32> to vector<1xf32>
          %squeeze3A_1127 = vector.extract %slice3A_1126[0] : f32 from vector<1xf32>
          %broadcast_in_dim3A_1128 = vector.broadcast %squeeze3A_1127 : f32 to vector<16xf32>
          %mul3A_1129 = arith.constant 16 : i32
          %mul3A_1130 = arith.muli %scan3A_79, %mul3A_1129 : i32
          %add3A_1131 = arith.constant 12 : i32
          %add3A_1132 = arith.addi %mul3A_1130, %add3A_1131 : i32
          %get3A_1133 = arith.index_cast %add3A_1132 : i32 to index
          %get3A_1134 = arith.constant 0 : index
          %get3A_1135 = tpu.vector_load %arg12[%get3A_1133, %get3A_1134] {strides = array<i32>} : memref<128x128xf32, #tpu.memory_space<vmem>>, vector<1x16xf32>,
          %get3A_1136 = vector.shape_cast %get3A_1135 : vector<1x16xf32> to vector<16xf32>
          %mul3A_1137 = arith.mulf %get3A_1136, %broadcast_in_dim3A_1128 : vector<16xf32>
          %swap3A_1138 = arith.index_cast %add3A_1132 : i32 to index
          %swap3A_1139 = arith.constant 0 : index
          %swap3A_1140 = tpu.vector_load %arg12[%swap3A_1138, %swap3A_1139] {strides = array<i32>} : memref<128x128xf32, #tpu.memory_space<vmem>>, vector<1x16xf32>,
          %swap3A_1141 = vector.shape_cast %swap3A_1140 : vector<1x16xf32> to vector<16xf32>
          %swap3A_1142 = vector.shape_cast %mul3A_1137 : vector<16xf32> to vector<1x16xf32>
          tpu.vector_store %arg12[%swap3A_1138, %swap3A_1139], %swap3A_1142 {strides = array<i32>} : memref<128x128xf32, #tpu.memory_space<vmem>>, vector<1x16xf32>,
          %get3A_1143 = arith.index_cast %add3A_1132 : i32 to index
          %get3A_1144 = arith.constant 16 : index
          %get3A_1145 = tpu.vector_load %arg12[%get3A_1143, %get3A_1144] {strides = array<i32>} : memref<128x128xf32, #tpu.memory_space<vmem>>, vector<1x16xf32>,
          %get3A_1146 = vector.shape_cast %get3A_1145 : vector<1x16xf32> to vector<16xf32>
          %mul3A_1147 = arith.mulf %get3A_1146, %broadcast_in_dim3A_1128 : vector<16xf32>
          %swap3A_1148 = arith.index_cast %add3A_1132 : i32 to index
          %swap3A_1149 = arith.constant 16 : index
          %swap3A_1150 = tpu.vector_load %arg12[%swap3A_1148, %swap3A_1149] {strides = array<i32>} : memref<128x128xf32, #tpu.memory_space<vmem>>, vector<1x16xf32>,
          %swap3A_1151 = vector.shape_cast %swap3A_1150 : vector<1x16xf32> to vector<16xf32>
          %swap3A_1152 = vector.shape_cast %mul3A_1147 : vector<16xf32> to vector<1x16xf32>
          tpu.vector_store %arg12[%swap3A_1148, %swap3A_1149], %swap3A_1152 {strides = array<i32>} : memref<128x128xf32, #tpu.memory_space<vmem>>, vector<1x16xf32>,
          %get3A_1153 = arith.index_cast %add3A_1132 : i32 to index
          %get3A_1154 = arith.constant 32 : index
          %get3A_1155 = tpu.vector_load %arg12[%get3A_1153, %get3A_1154] {strides = array<i32>} : memref<128x128xf32, #tpu.memory_space<vmem>>, vector<1x16xf32>,
          %get3A_1156 = vector.shape_cast %get3A_1155 : vector<1x16xf32> to vector<16xf32>
          %mul3A_1157 = arith.mulf %get3A_1156, %broadcast_in_dim3A_1128 : vector<16xf32>
          %swap3A_1158 = arith.index_cast %add3A_1132 : i32 to index
          %swap3A_1159 = arith.constant 32 : index
          %swap3A_1160 = tpu.vector_load %arg12[%swap3A_1158, %swap3A_1159] {strides = array<i32>} : memref<128x128xf32, #tpu.memory_space<vmem>>, vector<1x16xf32>,
          %swap3A_1161 = vector.shape_cast %swap3A_1160 : vector<1x16xf32> to vector<16xf32>
          %swap3A_1162 = vector.shape_cast %mul3A_1157 : vector<16xf32> to vector<1x16xf32>
          tpu.vector_store %arg12[%swap3A_1158, %swap3A_1159], %swap3A_1162 {strides = array<i32>} : memref<128x128xf32, #tpu.memory_space<vmem>>, vector<1x16xf32>,
          %get3A_1163 = arith.index_cast %add3A_1132 : i32 to index
          %get3A_1164 = arith.constant 48 : index
          %get3A_1165 = tpu.vector_load %arg12[%get3A_1163, %get3A_1164] {strides = array<i32>} : memref<128x128xf32, #tpu.memory_space<vmem>>, vector<1x16xf32>,
          %get3A_1166 = vector.shape_cast %get3A_1165 : vector<1x16xf32> to vector<16xf32>
          %mul3A_1167 = arith.mulf %get3A_1166, %broadcast_in_dim3A_1128 : vector<16xf32>
          %swap3A_1168 = arith.index_cast %add3A_1132 : i32 to index
          %swap3A_1169 = arith.constant 48 : index
          %swap3A_1170 = tpu.vector_load %arg12[%swap3A_1168, %swap3A_1169] {strides = array<i32>} : memref<128x128xf32, #tpu.memory_space<vmem>>, vector<1x16xf32>,
          %swap3A_1171 = vector.shape_cast %swap3A_1170 : vector<1x16xf32> to vector<16xf32>
          %swap3A_1172 = vector.shape_cast %mul3A_1167 : vector<16xf32> to vector<1x16xf32>
          tpu.vector_store %arg12[%swap3A_1168, %swap3A_1169], %swap3A_1172 {strides = array<i32>} : memref<128x128xf32, #tpu.memory_space<vmem>>, vector<1x16xf32>,
          %get3A_1173 = arith.index_cast %add3A_1132 : i32 to index
          %get3A_1174 = arith.constant 64 : index
          %get3A_1175 = tpu.vector_load %arg12[%get3A_1173, %get3A_1174] {strides = array<i32>} : memref<128x128xf32, #tpu.memory_space<vmem>>, vector<1x16xf32>,
          %get3A_1176 = vector.shape_cast %get3A_1175 : vector<1x16xf32> to vector<16xf32>
          %mul3A_1177 = arith.mulf %get3A_1176, %broadcast_in_dim3A_1128 : vector<16xf32>
          %swap3A_1178 = arith.index_cast %add3A_1132 : i32 to index
          %swap3A_1179 = arith.constant 64 : index
          %swap3A_1180 = tpu.vector_load %arg12[%swap3A_1178, %swap3A_1179] {strides = array<i32>} : memref<128x128xf32, #tpu.memory_space<vmem>>, vector<1x16xf32>,
          %swap3A_1181 = vector.shape_cast %swap3A_1180 : vector<1x16xf32> to vector<16xf32>
          %swap3A_1182 = vector.shape_cast %mul3A_1177 : vector<16xf32> to vector<1x16xf32>
          tpu.vector_store %arg12[%swap3A_1178, %swap3A_1179], %swap3A_1182 {strides = array<i32>} : memref<128x128xf32, #tpu.memory_space<vmem>>, vector<1x16xf32>,
          %get3A_1183 = arith.index_cast %add3A_1132 : i32 to index
          %get3A_1184 = arith.constant 80 : index
          %get3A_1185 = tpu.vector_load %arg12[%get3A_1183, %get3A_1184] {strides = array<i32>} : memref<128x128xf32, #tpu.memory_space<vmem>>, vector<1x16xf32>,
          %get3A_1186 = vector.shape_cast %get3A_1185 : vector<1x16xf32> to vector<16xf32>
          %mul3A_1187 = arith.mulf %get3A_1186, %broadcast_in_dim3A_1128 : vector<16xf32>
          %swap3A_1188 = arith.index_cast %add3A_1132 : i32 to index
          %swap3A_1189 = arith.constant 80 : index
          %swap3A_1190 = tpu.vector_load %arg12[%swap3A_1188, %swap3A_1189] {strides = array<i32>} : memref<128x128xf32, #tpu.memory_space<vmem>>, vector<1x16xf32>,
          %swap3A_1191 = vector.shape_cast %swap3A_1190 : vector<1x16xf32> to vector<16xf32>
          %swap3A_1192 = vector.shape_cast %mul3A_1187 : vector<16xf32> to vector<1x16xf32>
          tpu.vector_store %arg12[%swap3A_1188, %swap3A_1189], %swap3A_1192 {strides = array<i32>} : memref<128x128xf32, #tpu.memory_space<vmem>>, vector<1x16xf32>,
          %get3A_1193 = arith.index_cast %add3A_1132 : i32 to index
          %get3A_1194 = arith.constant 96 : index
          %get3A_1195 = tpu.vector_load %arg12[%get3A_1193, %get3A_1194] {strides = array<i32>} : memref<128x128xf32, #tpu.memory_space<vmem>>, vector<1x16xf32>,
          %get3A_1196 = vector.shape_cast %get3A_1195 : vector<1x16xf32> to vector<16xf32>
          %mul3A_1197 = arith.mulf %get3A_1196, %broadcast_in_dim3A_1128 : vector<16xf32>
          %swap3A_1198 = arith.index_cast %add3A_1132 : i32 to index
          %swap3A_1199 = arith.constant 96 : index
          %swap3A_1200 = tpu.vector_load %arg12[%swap3A_1198, %swap3A_1199] {strides = array<i32>} : memref<128x128xf32, #tpu.memory_space<vmem>>, vector<1x16xf32>,
          %swap3A_1201 = vector.shape_cast %swap3A_1200 : vector<1x16xf32> to vector<16xf32>
          %swap3A_1202 = vector.shape_cast %mul3A_1197 : vector<16xf32> to vector<1x16xf32>
          tpu.vector_store %arg12[%swap3A_1198, %swap3A_1199], %swap3A_1202 {strides = array<i32>} : memref<128x128xf32, #tpu.memory_space<vmem>>, vector<1x16xf32>,
          %get3A_1203 = arith.index_cast %add3A_1132 : i32 to index
          %get3A_1204 = arith.constant 112 : index
          %get3A_1205 = tpu.vector_load %arg12[%get3A_1203, %get3A_1204] {strides = array<i32>} : memref<128x128xf32, #tpu.memory_space<vmem>>, vector<1x16xf32>,
          %get3A_1206 = vector.shape_cast %get3A_1205 : vector<1x16xf32> to vector<16xf32>
          %mul3A_1207 = arith.mulf %get3A_1206, %broadcast_in_dim3A_1128 : vector<16xf32>
          %swap3A_1208 = arith.index_cast %add3A_1132 : i32 to index
          %swap3A_1209 = arith.constant 112 : index
          %swap3A_1210 = tpu.vector_load %arg12[%swap3A_1208, %swap3A_1209] {strides = array<i32>} : memref<128x128xf32, #tpu.memory_space<vmem>>, vector<1x16xf32>,
          %swap3A_1211 = vector.shape_cast %swap3A_1210 : vector<1x16xf32> to vector<16xf32>
          %swap3A_1212 = vector.shape_cast %mul3A_1207 : vector<16xf32> to vector<1x16xf32>
          tpu.vector_store %arg12[%swap3A_1208, %swap3A_1209], %swap3A_1212 {strides = array<i32>} : memref<128x128xf32, #tpu.memory_space<vmem>>, vector<1x16xf32>,
          %slice3A_1213 = vector.extract_strided_slice %get3A_85 {offsets = [13], sizes = [1], strides = [1]} : vector<16xf32> to vector<1xf32>
          %squeeze3A_1214 = vector.extract %slice3A_1213[0] : f32 from vector<1xf32>
          %broadcast_in_dim3A_1215 = vector.broadcast %squeeze3A_1214 : f32 to vector<16xf32>
          %mul3A_1216 = arith.constant 16 : i32
          %mul3A_1217 = arith.muli %scan3A_79, %mul3A_1216 : i32
          %add3A_1218 = arith.constant 13 : i32
          %add3A_1219 = arith.addi %mul3A_1217, %add3A_1218 : i32
          %get3A_1220 = arith.index_cast %add3A_1219 : i32 to index
          %get3A_1221 = arith.constant 0 : index
          %get3A_1222 = tpu.vector_load %arg12[%get3A_1220, %get3A_1221] {strides = array<i32>} : memref<128x128xf32, #tpu.memory_space<vmem>>, vector<1x16xf32>,
          %get3A_1223 = vector.shape_cast %get3A_1222 : vector<1x16xf32> to vector<16xf32>
          %mul3A_1224 = arith.mulf %get3A_1223, %broadcast_in_dim3A_1215 : vector<16xf32>
          %swap3A_1225 = arith.index_cast %add3A_1219 : i32 to index
          %swap3A_1226 = arith.constant 0 : index
          %swap3A_1227 = tpu.vector_load %arg12[%swap3A_1225, %swap3A_1226] {strides = array<i32>} : memref<128x128xf32, #tpu.memory_space<vmem>>, vector<1x16xf32>,
          %swap3A_1228 = vector.shape_cast %swap3A_1227 : vector<1x16xf32> to vector<16xf32>
          %swap3A_1229 = vector.shape_cast %mul3A_1224 : vector<16xf32> to vector<1x16xf32>
          tpu.vector_store %arg12[%swap3A_1225, %swap3A_1226], %swap3A_1229 {strides = array<i32>} : memref<128x128xf32, #tpu.memory_space<vmem>>, vector<1x16xf32>,
          %get3A_1230 = arith.index_cast %add3A_1219 : i32 to index
          %get3A_1231 = arith.constant 16 : index
          %get3A_1232 = tpu.vector_load %arg12[%get3A_1230, %get3A_1231] {strides = array<i32>} : memref<128x128xf32, #tpu.memory_space<vmem>>, vector<1x16xf32>,
          %get3A_1233 = vector.shape_cast %get3A_1232 : vector<1x16xf32> to vector<16xf32>
          %mul3A_1234 = arith.mulf %get3A_1233, %broadcast_in_dim3A_1215 : vector<16xf32>
          %swap3A_1235 = arith.index_cast %add3A_1219 : i32 to index
          %swap3A_1236 = arith.constant 16 : index
          %swap3A_1237 = tpu.vector_load %arg12[%swap3A_1235, %swap3A_1236] {strides = array<i32>} : memref<128x128xf32, #tpu.memory_space<vmem>>, vector<1x16xf32>,
          %swap3A_1238 = vector.shape_cast %swap3A_1237 : vector<1x16xf32> to vector<16xf32>
          %swap3A_1239 = vector.shape_cast %mul3A_1234 : vector<16xf32> to vector<1x16xf32>
          tpu.vector_store %arg12[%swap3A_1235, %swap3A_1236], %swap3A_1239 {strides = array<i32>} : memref<128x128xf32, #tpu.memory_space<vmem>>, vector<1x16xf32>,
          %get3A_1240 = arith.index_cast %add3A_1219 : i32 to index
          %get3A_1241 = arith.constant 32 : index
          %get3A_1242 = tpu.vector_load %arg12[%get3A_1240, %get3A_1241] {strides = array<i32>} : memref<128x128xf32, #tpu.memory_space<vmem>>, vector<1x16xf32>,
          %get3A_1243 = vector.shape_cast %get3A_1242 : vector<1x16xf32> to vector<16xf32>
          %mul3A_1244 = arith.mulf %get3A_1243, %broadcast_in_dim3A_1215 : vector<16xf32>
          %swap3A_1245 = arith.index_cast %add3A_1219 : i32 to index
          %swap3A_1246 = arith.constant 32 : index
          %swap3A_1247 = tpu.vector_load %arg12[%swap3A_1245, %swap3A_1246] {strides = array<i32>} : memref<128x128xf32, #tpu.memory_space<vmem>>, vector<1x16xf32>,
          %swap3A_1248 = vector.shape_cast %swap3A_1247 : vector<1x16xf32> to vector<16xf32>
          %swap3A_1249 = vector.shape_cast %mul3A_1244 : vector<16xf32> to vector<1x16xf32>
          tpu.vector_store %arg12[%swap3A_1245, %swap3A_1246], %swap3A_1249 {strides = array<i32>} : memref<128x128xf32, #tpu.memory_space<vmem>>, vector<1x16xf32>,
          %get3A_1250 = arith.index_cast %add3A_1219 : i32 to index
          %get3A_1251 = arith.constant 48 : index
          %get3A_1252 = tpu.vector_load %arg12[%get3A_1250, %get3A_1251] {strides = array<i32>} : memref<128x128xf32, #tpu.memory_space<vmem>>, vector<1x16xf32>,
          %get3A_1253 = vector.shape_cast %get3A_1252 : vector<1x16xf32> to vector<16xf32>
          %mul3A_1254 = arith.mulf %get3A_1253, %broadcast_in_dim3A_1215 : vector<16xf32>
          %swap3A_1255 = arith.index_cast %add3A_1219 : i32 to index
          %swap3A_1256 = arith.constant 48 : index
          %swap3A_1257 = tpu.vector_load %arg12[%swap3A_1255, %swap3A_1256] {strides = array<i32>} : memref<128x128xf32, #tpu.memory_space<vmem>>, vector<1x16xf32>,
          %swap3A_1258 = vector.shape_cast %swap3A_1257 : vector<1x16xf32> to vector<16xf32>
          %swap3A_1259 = vector.shape_cast %mul3A_1254 : vector<16xf32> to vector<1x16xf32>
          tpu.vector_store %arg12[%swap3A_1255, %swap3A_1256], %swap3A_1259 {strides = array<i32>} : memref<128x128xf32, #tpu.memory_space<vmem>>, vector<1x16xf32>,
          %get3A_1260 = arith.index_cast %add3A_1219 : i32 to index
          %get3A_1261 = arith.constant 64 : index
          %get3A_1262 = tpu.vector_load %arg12[%get3A_1260, %get3A_1261] {strides = array<i32>} : memref<128x128xf32, #tpu.memory_space<vmem>>, vector<1x16xf32>,
          %get3A_1263 = vector.shape_cast %get3A_1262 : vector<1x16xf32> to vector<16xf32>
          %mul3A_1264 = arith.mulf %get3A_1263, %broadcast_in_dim3A_1215 : vector<16xf32>
          %swap3A_1265 = arith.index_cast %add3A_1219 : i32 to index
          %swap3A_1266 = arith.constant 64 : index
          %swap3A_1267 = tpu.vector_load %arg12[%swap3A_1265, %swap3A_1266] {strides = array<i32>} : memref<128x128xf32, #tpu.memory_space<vmem>>, vector<1x16xf32>,
          %swap3A_1268 = vector.shape_cast %swap3A_1267 : vector<1x16xf32> to vector<16xf32>
          %swap3A_1269 = vector.shape_cast %mul3A_1264 : vector<16xf32> to vector<1x16xf32>
          tpu.vector_store %arg12[%swap3A_1265, %swap3A_1266], %swap3A_1269 {strides = array<i32>} : memref<128x128xf32, #tpu.memory_space<vmem>>, vector<1x16xf32>,
          %get3A_1270 = arith.index_cast %add3A_1219 : i32 to index
          %get3A_1271 = arith.constant 80 : index
          %get3A_1272 = tpu.vector_load %arg12[%get3A_1270, %get3A_1271] {strides = array<i32>} : memref<128x128xf32, #tpu.memory_space<vmem>>, vector<1x16xf32>,
          %get3A_1273 = vector.shape_cast %get3A_1272 : vector<1x16xf32> to vector<16xf32>
          %mul3A_1274 = arith.mulf %get3A_1273, %broadcast_in_dim3A_1215 : vector<16xf32>
          %swap3A_1275 = arith.index_cast %add3A_1219 : i32 to index
          %swap3A_1276 = arith.constant 80 : index
          %swap3A_1277 = tpu.vector_load %arg12[%swap3A_1275, %swap3A_1276] {strides = array<i32>} : memref<128x128xf32, #tpu.memory_space<vmem>>, vector<1x16xf32>,
          %swap3A_1278 = vector.shape_cast %swap3A_1277 : vector<1x16xf32> to vector<16xf32>
          %swap3A_1279 = vector.shape_cast %mul3A_1274 : vector<16xf32> to vector<1x16xf32>
          tpu.vector_store %arg12[%swap3A_1275, %swap3A_1276], %swap3A_1279 {strides = array<i32>} : memref<128x128xf32, #tpu.memory_space<vmem>>, vector<1x16xf32>,
          %get3A_1280 = arith.index_cast %add3A_1219 : i32 to index
          %get3A_1281 = arith.constant 96 : index
          %get3A_1282 = tpu.vector_load %arg12[%get3A_1280, %get3A_1281] {strides = array<i32>} : memref<128x128xf32, #tpu.memory_space<vmem>>, vector<1x16xf32>,
          %get3A_1283 = vector.shape_cast %get3A_1282 : vector<1x16xf32> to vector<16xf32>
          %mul3A_1284 = arith.mulf %get3A_1283, %broadcast_in_dim3A_1215 : vector<16xf32>
          %swap3A_1285 = arith.index_cast %add3A_1219 : i32 to index
          %swap3A_1286 = arith.constant 96 : index
          %swap3A_1287 = tpu.vector_load %arg12[%swap3A_1285, %swap3A_1286] {strides = array<i32>} : memref<128x128xf32, #tpu.memory_space<vmem>>, vector<1x16xf32>,
          %swap3A_1288 = vector.shape_cast %swap3A_1287 : vector<1x16xf32> to vector<16xf32>
          %swap3A_1289 = vector.shape_cast %mul3A_1284 : vector<16xf32> to vector<1x16xf32>
          tpu.vector_store %arg12[%swap3A_1285, %swap3A_1286], %swap3A_1289 {strides = array<i32>} : memref<128x128xf32, #tpu.memory_space<vmem>>, vector<1x16xf32>,
          %get3A_1290 = arith.index_cast %add3A_1219 : i32 to index
          %get3A_1291 = arith.constant 112 : index
          %get3A_1292 = tpu.vector_load %arg12[%get3A_1290, %get3A_1291] {strides = array<i32>} : memref<128x128xf32, #tpu.memory_space<vmem>>, vector<1x16xf32>,
          %get3A_1293 = vector.shape_cast %get3A_1292 : vector<1x16xf32> to vector<16xf32>
          %mul3A_1294 = arith.mulf %get3A_1293, %broadcast_in_dim3A_1215 : vector<16xf32>
          %swap3A_1295 = arith.index_cast %add3A_1219 : i32 to index
          %swap3A_1296 = arith.constant 112 : index
          %swap3A_1297 = tpu.vector_load %arg12[%swap3A_1295, %swap3A_1296] {strides = array<i32>} : memref<128x128xf32, #tpu.memory_space<vmem>>, vector<1x16xf32>,
          %swap3A_1298 = vector.shape_cast %swap3A_1297 : vector<1x16xf32> to vector<16xf32>
          %swap3A_1299 = vector.shape_cast %mul3A_1294 : vector<16xf32> to vector<1x16xf32>
          tpu.vector_store %arg12[%swap3A_1295, %swap3A_1296], %swap3A_1299 {strides = array<i32>} : memref<128x128xf32, #tpu.memory_space<vmem>>, vector<1x16xf32>,
          %slice3A_1300 = vector.extract_strided_slice %get3A_85 {offsets = [14], sizes = [1], strides = [1]} : vector<16xf32> to vector<1xf32>
          %squeeze3A_1301 = vector.extract %slice3A_1300[0] : f32 from vector<1xf32>
          %broadcast_in_dim3A_1302 = vector.broadcast %squeeze3A_1301 : f32 to vector<16xf32>
          %mul3A_1303 = arith.constant 16 : i32
          %mul3A_1304 = arith.muli %scan3A_79, %mul3A_1303 : i32
          %add3A_1305 = arith.constant 14 : i32
          %add3A_1306 = arith.addi %mul3A_1304, %add3A_1305 : i32
          %get3A_1307 = arith.index_cast %add3A_1306 : i32 to index
          %get3A_1308 = arith.constant 0 : index
          %get3A_1309 = tpu.vector_load %arg12[%get3A_1307, %get3A_1308] {strides = array<i32>} : memref<128x128xf32, #tpu.memory_space<vmem>>, vector<1x16xf32>,
          %get3A_1310 = vector.shape_cast %get3A_1309 : vector<1x16xf32> to vector<16xf32>
          %mul3A_1311 = arith.mulf %get3A_1310, %broadcast_in_dim3A_1302 : vector<16xf32>
          %swap3A_1312 = arith.index_cast %add3A_1306 : i32 to index
          %swap3A_1313 = arith.constant 0 : index
          %swap3A_1314 = tpu.vector_load %arg12[%swap3A_1312, %swap3A_1313] {strides = array<i32>} : memref<128x128xf32, #tpu.memory_space<vmem>>, vector<1x16xf32>,
          %swap3A_1315 = vector.shape_cast %swap3A_1314 : vector<1x16xf32> to vector<16xf32>
          %swap3A_1316 = vector.shape_cast %mul3A_1311 : vector<16xf32> to vector<1x16xf32>
          tpu.vector_store %arg12[%swap3A_1312, %swap3A_1313], %swap3A_1316 {strides = array<i32>} : memref<128x128xf32, #tpu.memory_space<vmem>>, vector<1x16xf32>,
          %get3A_1317 = arith.index_cast %add3A_1306 : i32 to index
          %get3A_1318 = arith.constant 16 : index
          %get3A_1319 = tpu.vector_load %arg12[%get3A_1317, %get3A_1318] {strides = array<i32>} : memref<128x128xf32, #tpu.memory_space<vmem>>, vector<1x16xf32>,
          %get3A_1320 = vector.shape_cast %get3A_1319 : vector<1x16xf32> to vector<16xf32>
          %mul3A_1321 = arith.mulf %get3A_1320, %broadcast_in_dim3A_1302 : vector<16xf32>
          %swap3A_1322 = arith.index_cast %add3A_1306 : i32 to index
          %swap3A_1323 = arith.constant 16 : index
          %swap3A_1324 = tpu.vector_load %arg12[%swap3A_1322, %swap3A_1323] {strides = array<i32>} : memref<128x128xf32, #tpu.memory_space<vmem>>, vector<1x16xf32>,
          %swap3A_1325 = vector.shape_cast %swap3A_1324 : vector<1x16xf32> to vector<16xf32>
          %swap3A_1326 = vector.shape_cast %mul3A_1321 : vector<16xf32> to vector<1x16xf32>
          tpu.vector_store %arg12[%swap3A_1322, %swap3A_1323], %swap3A_1326 {strides = array<i32>} : memref<128x128xf32, #tpu.memory_space<vmem>>, vector<1x16xf32>,
          %get3A_1327 = arith.index_cast %add3A_1306 : i32 to index
          %get3A_1328 = arith.constant 32 : index
          %get3A_1329 = tpu.vector_load %arg12[%get3A_1327, %get3A_1328] {strides = array<i32>} : memref<128x128xf32, #tpu.memory_space<vmem>>, vector<1x16xf32>,
          %get3A_1330 = vector.shape_cast %get3A_1329 : vector<1x16xf32> to vector<16xf32>
          %mul3A_1331 = arith.mulf %get3A_1330, %broadcast_in_dim3A_1302 : vector<16xf32>
          %swap3A_1332 = arith.index_cast %add3A_1306 : i32 to index
          %swap3A_1333 = arith.constant 32 : index
          %swap3A_1334 = tpu.vector_load %arg12[%swap3A_1332, %swap3A_1333] {strides = array<i32>} : memref<128x128xf32, #tpu.memory_space<vmem>>, vector<1x16xf32>,
          %swap3A_1335 = vector.shape_cast %swap3A_1334 : vector<1x16xf32> to vector<16xf32>
          %swap3A_1336 = vector.shape_cast %mul3A_1331 : vector<16xf32> to vector<1x16xf32>
          tpu.vector_store %arg12[%swap3A_1332, %swap3A_1333], %swap3A_1336 {strides = array<i32>} : memref<128x128xf32, #tpu.memory_space<vmem>>, vector<1x16xf32>,
          %get3A_1337 = arith.index_cast %add3A_1306 : i32 to index
          %get3A_1338 = arith.constant 48 : index
          %get3A_1339 = tpu.vector_load %arg12[%get3A_1337, %get3A_1338] {strides = array<i32>} : memref<128x128xf32, #tpu.memory_space<vmem>>, vector<1x16xf32>,
          %get3A_1340 = vector.shape_cast %get3A_1339 : vector<1x16xf32> to vector<16xf32>
          %mul3A_1341 = arith.mulf %get3A_1340, %broadcast_in_dim3A_1302 : vector<16xf32>
          %swap3A_1342 = arith.index_cast %add3A_1306 : i32 to index
          %swap3A_1343 = arith.constant 48 : index
          %swap3A_1344 = tpu.vector_load %arg12[%swap3A_1342, %swap3A_1343] {strides = array<i32>} : memref<128x128xf32, #tpu.memory_space<vmem>>, vector<1x16xf32>,
          %swap3A_1345 = vector.shape_cast %swap3A_1344 : vector<1x16xf32> to vector<16xf32>
          %swap3A_1346 = vector.shape_cast %mul3A_1341 : vector<16xf32> to vector<1x16xf32>
          tpu.vector_store %arg12[%swap3A_1342, %swap3A_1343], %swap3A_1346 {strides = array<i32>} : memref<128x128xf32, #tpu.memory_space<vmem>>, vector<1x16xf32>,
          %get3A_1347 = arith.index_cast %add3A_1306 : i32 to index
          %get3A_1348 = arith.constant 64 : index
          %get3A_1349 = tpu.vector_load %arg12[%get3A_1347, %get3A_1348] {strides = array<i32>} : memref<128x128xf32, #tpu.memory_space<vmem>>, vector<1x16xf32>,
          %get3A_1350 = vector.shape_cast %get3A_1349 : vector<1x16xf32> to vector<16xf32>
          %mul3A_1351 = arith.mulf %get3A_1350, %broadcast_in_dim3A_1302 : vector<16xf32>
          %swap3A_1352 = arith.index_cast %add3A_1306 : i32 to index
          %swap3A_1353 = arith.constant 64 : index
          %swap3A_1354 = tpu.vector_load %arg12[%swap3A_1352, %swap3A_1353] {strides = array<i32>} : memref<128x128xf32, #tpu.memory_space<vmem>>, vector<1x16xf32>,
          %swap3A_1355 = vector.shape_cast %swap3A_1354 : vector<1x16xf32> to vector<16xf32>
          %swap3A_1356 = vector.shape_cast %mul3A_1351 : vector<16xf32> to vector<1x16xf32>
          tpu.vector_store %arg12[%swap3A_1352, %swap3A_1353], %swap3A_1356 {strides = array<i32>} : memref<128x128xf32, #tpu.memory_space<vmem>>, vector<1x16xf32>,
          %get3A_1357 = arith.index_cast %add3A_1306 : i32 to index
          %get3A_1358 = arith.constant 80 : index
          %get3A_1359 = tpu.vector_load %arg12[%get3A_1357, %get3A_1358] {strides = array<i32>} : memref<128x128xf32, #tpu.memory_space<vmem>>, vector<1x16xf32>,
          %get3A_1360 = vector.shape_cast %get3A_1359 : vector<1x16xf32> to vector<16xf32>
          %mul3A_1361 = arith.mulf %get3A_1360, %broadcast_in_dim3A_1302 : vector<16xf32>
          %swap3A_1362 = arith.index_cast %add3A_1306 : i32 to index
          %swap3A_1363 = arith.constant 80 : index
          %swap3A_1364 = tpu.vector_load %arg12[%swap3A_1362, %swap3A_1363] {strides = array<i32>} : memref<128x128xf32, #tpu.memory_space<vmem>>, vector<1x16xf32>,
          %swap3A_1365 = vector.shape_cast %swap3A_1364 : vector<1x16xf32> to vector<16xf32>
          %swap3A_1366 = vector.shape_cast %mul3A_1361 : vector<16xf32> to vector<1x16xf32>
          tpu.vector_store %arg12[%swap3A_1362, %swap3A_1363], %swap3A_1366 {strides = array<i32>} : memref<128x128xf32, #tpu.memory_space<vmem>>, vector<1x16xf32>,
          %get3A_1367 = arith.index_cast %add3A_1306 : i32 to index
          %get3A_1368 = arith.constant 96 : index
          %get3A_1369 = tpu.vector_load %arg12[%get3A_1367, %get3A_1368] {strides = array<i32>} : memref<128x128xf32, #tpu.memory_space<vmem>>, vector<1x16xf32>,
          %get3A_1370 = vector.shape_cast %get3A_1369 : vector<1x16xf32> to vector<16xf32>
          %mul3A_1371 = arith.mulf %get3A_1370, %broadcast_in_dim3A_1302 : vector<16xf32>
          %swap3A_1372 = arith.index_cast %add3A_1306 : i32 to index
          %swap3A_1373 = arith.constant 96 : index
          %swap3A_1374 = tpu.vector_load %arg12[%swap3A_1372, %swap3A_1373] {strides = array<i32>} : memref<128x128xf32, #tpu.memory_space<vmem>>, vector<1x16xf32>,
          %swap3A_1375 = vector.shape_cast %swap3A_1374 : vector<1x16xf32> to vector<16xf32>
          %swap3A_1376 = vector.shape_cast %mul3A_1371 : vector<16xf32> to vector<1x16xf32>
          tpu.vector_store %arg12[%swap3A_1372, %swap3A_1373], %swap3A_1376 {strides = array<i32>} : memref<128x128xf32, #tpu.memory_space<vmem>>, vector<1x16xf32>,
          %get3A_1377 = arith.index_cast %add3A_1306 : i32 to index
          %get3A_1378 = arith.constant 112 : index
          %get3A_1379 = tpu.vector_load %arg12[%get3A_1377, %get3A_1378] {strides = array<i32>} : memref<128x128xf32, #tpu.memory_space<vmem>>, vector<1x16xf32>,
          %get3A_1380 = vector.shape_cast %get3A_1379 : vector<1x16xf32> to vector<16xf32>
          %mul3A_1381 = arith.mulf %get3A_1380, %broadcast_in_dim3A_1302 : vector<16xf32>
          %swap3A_1382 = arith.index_cast %add3A_1306 : i32 to index
          %swap3A_1383 = arith.constant 112 : index
          %swap3A_1384 = tpu.vector_load %arg12[%swap3A_1382, %swap3A_1383] {strides = array<i32>} : memref<128x128xf32, #tpu.memory_space<vmem>>, vector<1x16xf32>,
          %swap3A_1385 = vector.shape_cast %swap3A_1384 : vector<1x16xf32> to vector<16xf32>
          %swap3A_1386 = vector.shape_cast %mul3A_1381 : vector<16xf32> to vector<1x16xf32>
          tpu.vector_store %arg12[%swap3A_1382, %swap3A_1383], %swap3A_1386 {strides = array<i32>} : memref<128x128xf32, #tpu.memory_space<vmem>>, vector<1x16xf32>,
          %slice3A_1387 = vector.extract_strided_slice %get3A_85 {offsets = [15], sizes = [1], strides = [1]} : vector<16xf32> to vector<1xf32>
          %squeeze3A_1388 = vector.extract %slice3A_1387[0] : f32 from vector<1xf32>
          %broadcast_in_dim3A_1389 = vector.broadcast %squeeze3A_1388 : f32 to vector<16xf32>
          %mul3A_1390 = arith.constant 16 : i32
          %mul3A_1391 = arith.muli %scan3A_79, %mul3A_1390 : i32
          %add3A_1392 = arith.constant 15 : i32
          %add3A_1393 = arith.addi %mul3A_1391, %add3A_1392 : i32
          %get3A_1394 = arith.index_cast %add3A_1393 : i32 to index
          %get3A_1395 = arith.constant 0 : index
          %get3A_1396 = tpu.vector_load %arg12[%get3A_1394, %get3A_1395] {strides = array<i32>} : memref<128x128xf32, #tpu.memory_space<vmem>>, vector<1x16xf32>,
          %get3A_1397 = vector.shape_cast %get3A_1396 : vector<1x16xf32> to vector<16xf32>
          %mul3A_1398 = arith.mulf %get3A_1397, %broadcast_in_dim3A_1389 : vector<16xf32>
          %swap3A_1399 = arith.index_cast %add3A_1393 : i32 to index
          %swap3A_1400 = arith.constant 0 : index
          %swap3A_1401 = tpu.vector_load %arg12[%swap3A_1399, %swap3A_1400] {strides = array<i32>} : memref<128x128xf32, #tpu.memory_space<vmem>>, vector<1x16xf32>,
          %swap3A_1402 = vector.shape_cast %swap3A_1401 : vector<1x16xf32> to vector<16xf32>
          %swap3A_1403 = vector.shape_cast %mul3A_1398 : vector<16xf32> to vector<1x16xf32>
          tpu.vector_store %arg12[%swap3A_1399, %swap3A_1400], %swap3A_1403 {strides = array<i32>} : memref<128x128xf32, #tpu.memory_space<vmem>>, vector<1x16xf32>,
          %get3A_1404 = arith.index_cast %add3A_1393 : i32 to index
          %get3A_1405 = arith.constant 16 : index
          %get3A_1406 = tpu.vector_load %arg12[%get3A_1404, %get3A_1405] {strides = array<i32>} : memref<128x128xf32, #tpu.memory_space<vmem>>, vector<1x16xf32>,
          %get3A_1407 = vector.shape_cast %get3A_1406 : vector<1x16xf32> to vector<16xf32>
          %mul3A_1408 = arith.mulf %get3A_1407, %broadcast_in_dim3A_1389 : vector<16xf32>
          %swap3A_1409 = arith.index_cast %add3A_1393 : i32 to index
          %swap3A_1410 = arith.constant 16 : index
          %swap3A_1411 = tpu.vector_load %arg12[%swap3A_1409, %swap3A_1410] {strides = array<i32>} : memref<128x128xf32, #tpu.memory_space<vmem>>, vector<1x16xf32>,
          %swap3A_1412 = vector.shape_cast %swap3A_1411 : vector<1x16xf32> to vector<16xf32>
          %swap3A_1413 = vector.shape_cast %mul3A_1408 : vector<16xf32> to vector<1x16xf32>
          tpu.vector_store %arg12[%swap3A_1409, %swap3A_1410], %swap3A_1413 {strides = array<i32>} : memref<128x128xf32, #tpu.memory_space<vmem>>, vector<1x16xf32>,
          %get3A_1414 = arith.index_cast %add3A_1393 : i32 to index
          %get3A_1415 = arith.constant 32 : index
          %get3A_1416 = tpu.vector_load %arg12[%get3A_1414, %get3A_1415] {strides = array<i32>} : memref<128x128xf32, #tpu.memory_space<vmem>>, vector<1x16xf32>,
          %get3A_1417 = vector.shape_cast %get3A_1416 : vector<1x16xf32> to vector<16xf32>
          %mul3A_1418 = arith.mulf %get3A_1417, %broadcast_in_dim3A_1389 : vector<16xf32>
          %swap3A_1419 = arith.index_cast %add3A_1393 : i32 to index
          %swap3A_1420 = arith.constant 32 : index
          %swap3A_1421 = tpu.vector_load %arg12[%swap3A_1419, %swap3A_1420] {strides = array<i32>} : memref<128x128xf32, #tpu.memory_space<vmem>>, vector<1x16xf32>,
          %swap3A_1422 = vector.shape_cast %swap3A_1421 : vector<1x16xf32> to vector<16xf32>
          %swap3A_1423 = vector.shape_cast %mul3A_1418 : vector<16xf32> to vector<1x16xf32>
          tpu.vector_store %arg12[%swap3A_1419, %swap3A_1420], %swap3A_1423 {strides = array<i32>} : memref<128x128xf32, #tpu.memory_space<vmem>>, vector<1x16xf32>,
          %get3A_1424 = arith.index_cast %add3A_1393 : i32 to index
          %get3A_1425 = arith.constant 48 : index
          %get3A_1426 = tpu.vector_load %arg12[%get3A_1424, %get3A_1425] {strides = array<i32>} : memref<128x128xf32, #tpu.memory_space<vmem>>, vector<1x16xf32>,
          %get3A_1427 = vector.shape_cast %get3A_1426 : vector<1x16xf32> to vector<16xf32>
          %mul3A_1428 = arith.mulf %get3A_1427, %broadcast_in_dim3A_1389 : vector<16xf32>
          %swap3A_1429 = arith.index_cast %add3A_1393 : i32 to index
          %swap3A_1430 = arith.constant 48 : index
          %swap3A_1431 = tpu.vector_load %arg12[%swap3A_1429, %swap3A_1430] {strides = array<i32>} : memref<128x128xf32, #tpu.memory_space<vmem>>, vector<1x16xf32>,
          %swap3A_1432 = vector.shape_cast %swap3A_1431 : vector<1x16xf32> to vector<16xf32>
          %swap3A_1433 = vector.shape_cast %mul3A_1428 : vector<16xf32> to vector<1x16xf32>
          tpu.vector_store %arg12[%swap3A_1429, %swap3A_1430], %swap3A_1433 {strides = array<i32>} : memref<128x128xf32, #tpu.memory_space<vmem>>, vector<1x16xf32>,
          %get3A_1434 = arith.index_cast %add3A_1393 : i32 to index
          %get3A_1435 = arith.constant 64 : index
          %get3A_1436 = tpu.vector_load %arg12[%get3A_1434, %get3A_1435] {strides = array<i32>} : memref<128x128xf32, #tpu.memory_space<vmem>>, vector<1x16xf32>,
          %get3A_1437 = vector.shape_cast %get3A_1436 : vector<1x16xf32> to vector<16xf32>
          %mul3A_1438 = arith.mulf %get3A_1437, %broadcast_in_dim3A_1389 : vector<16xf32>
          %swap3A_1439 = arith.index_cast %add3A_1393 : i32 to index
          %swap3A_1440 = arith.constant 64 : index
          %swap3A_1441 = tpu.vector_load %arg12[%swap3A_1439, %swap3A_1440] {strides = array<i32>} : memref<128x128xf32, #tpu.memory_space<vmem>>, vector<1x16xf32>,
          %swap3A_1442 = vector.shape_cast %swap3A_1441 : vector<1x16xf32> to vector<16xf32>
          %swap3A_1443 = vector.shape_cast %mul3A_1438 : vector<16xf32> to vector<1x16xf32>
          tpu.vector_store %arg12[%swap3A_1439, %swap3A_1440], %swap3A_1443 {strides = array<i32>} : memref<128x128xf32, #tpu.memory_space<vmem>>, vector<1x16xf32>,
          %get3A_1444 = arith.index_cast %add3A_1393 : i32 to index
          %get3A_1445 = arith.constant 80 : index
          %get3A_1446 = tpu.vector_load %arg12[%get3A_1444, %get3A_1445] {strides = array<i32>} : memref<128x128xf32, #tpu.memory_space<vmem>>, vector<1x16xf32>,
          %get3A_1447 = vector.shape_cast %get3A_1446 : vector<1x16xf32> to vector<16xf32>
          %mul3A_1448 = arith.mulf %get3A_1447, %broadcast_in_dim3A_1389 : vector<16xf32>
          %swap3A_1449 = arith.index_cast %add3A_1393 : i32 to index
          %swap3A_1450 = arith.constant 80 : index
          %swap3A_1451 = tpu.vector_load %arg12[%swap3A_1449, %swap3A_1450] {strides = array<i32>} : memref<128x128xf32, #tpu.memory_space<vmem>>, vector<1x16xf32>,
          %swap3A_1452 = vector.shape_cast %swap3A_1451 : vector<1x16xf32> to vector<16xf32>
          %swap3A_1453 = vector.shape_cast %mul3A_1448 : vector<16xf32> to vector<1x16xf32>
          tpu.vector_store %arg12[%swap3A_1449, %swap3A_1450], %swap3A_1453 {strides = array<i32>} : memref<128x128xf32, #tpu.memory_space<vmem>>, vector<1x16xf32>,
          %get3A_1454 = arith.index_cast %add3A_1393 : i32 to index
          %get3A_1455 = arith.constant 96 : index
          %get3A_1456 = tpu.vector_load %arg12[%get3A_1454, %get3A_1455] {strides = array<i32>} : memref<128x128xf32, #tpu.memory_space<vmem>>, vector<1x16xf32>,
          %get3A_1457 = vector.shape_cast %get3A_1456 : vector<1x16xf32> to vector<16xf32>
          %mul3A_1458 = arith.mulf %get3A_1457, %broadcast_in_dim3A_1389 : vector<16xf32>
          %swap3A_1459 = arith.index_cast %add3A_1393 : i32 to index
          %swap3A_1460 = arith.constant 96 : index
          %swap3A_1461 = tpu.vector_load %arg12[%swap3A_1459, %swap3A_1460] {strides = array<i32>} : memref<128x128xf32, #tpu.memory_space<vmem>>, vector<1x16xf32>,
          %swap3A_1462 = vector.shape_cast %swap3A_1461 : vector<1x16xf32> to vector<16xf32>
          %swap3A_1463 = vector.shape_cast %mul3A_1458 : vector<16xf32> to vector<1x16xf32>
          tpu.vector_store %arg12[%swap3A_1459, %swap3A_1460], %swap3A_1463 {strides = array<i32>} : memref<128x128xf32, #tpu.memory_space<vmem>>, vector<1x16xf32>,
          %get3A_1464 = arith.index_cast %add3A_1393 : i32 to index
          %get3A_1465 = arith.constant 112 : index
          %get3A_1466 = tpu.vector_load %arg12[%get3A_1464, %get3A_1465] {strides = array<i32>} : memref<128x128xf32, #tpu.memory_space<vmem>>, vector<1x16xf32>,
          %get3A_1467 = vector.shape_cast %get3A_1466 : vector<1x16xf32> to vector<16xf32>
          %mul3A_1468 = arith.mulf %get3A_1467, %broadcast_in_dim3A_1389 : vector<16xf32>
          %swap3A_1469 = arith.index_cast %add3A_1393 : i32 to index
          %swap3A_1470 = arith.constant 112 : index
          %swap3A_1471 = tpu.vector_load %arg12[%swap3A_1469, %swap3A_1470] {strides = array<i32>} : memref<128x128xf32, #tpu.memory_space<vmem>>, vector<1x16xf32>,
          %swap3A_1472 = vector.shape_cast %swap3A_1471 : vector<1x16xf32> to vector<16xf32>
          %swap3A_1473 = vector.shape_cast %mul3A_1468 : vector<16xf32> to vector<1x16xf32>
          tpu.vector_store %arg12[%swap3A_1469, %swap3A_1470], %swap3A_1473 {strides = array<i32>} : memref<128x128xf32, #tpu.memory_space<vmem>>, vector<1x16xf32>,
        }
        %scan3A_59 = arith.constant 8 : i32
        "tpu.region"() ({
          %run_scoped3A = tpu.sem_alloc : memref<!tpu.dma_semaphore, #tpu.memory_space<semaphore_mem>>
          %dma_start3A_79 = arith.constant 0 : i32
          %dma_start3A_80 = tpu.memref_slice %arg10[%add3A_44, %dma_start3A_79] : memref<8x128xi32, #tpu.memory_space<vmem>> -> memref<1x128xi32, #tpu.memory_space<vmem>>
          %dma_start3A_81 = tpu.memref_squeeze %dma_start3A_80 : memref<1x128xi32, #tpu.memory_space<vmem>> -> memref<128xi32, #tpu.memory_space<vmem>>
          %dma_start3A_82 = arith.constant 0 : i32
          %dma_start3A_83 = arith.constant 0 : i32
          %dma_start3A_84 = tpu.memref_slice %arg8[%dma_start3A_82, %dma_start3A_83] : memref<10000x128xf32, #tpu.memory_space<vmem_shared>> -> memref<10000x128xf32, #tpu.memory_space<vmem_shared>>
          tpu.enqueue_indirect_dma source(%arg12 : memref<128x128xf32, #tpu.memory_space<vmem>>) target(%dma_start3A_84 : memref<10000x128xf32, #tpu.memory_space<vmem_shared>>) offsets(%dma_start3A_81 : memref<128xi32, #tpu.memory_space<vmem>>) semaphore(%run_scoped3A : memref<!tpu.dma_semaphore, #tpu.memory_space<semaphore_mem>>) {add = true}
          %dma_wait3A_85 = arith.constant 0 : i32
          %dma_wait3A_86 = tpu.memref_slice %arg10[%add3A_44, %dma_wait3A_85] : memref<8x128xi32, #tpu.memory_space<vmem>> -> memref<1x128xi32, #tpu.memory_space<vmem>>
          %dma_wait3A_87 = tpu.memref_squeeze %dma_wait3A_86 : memref<1x128xi32, #tpu.memory_space<vmem>> -> memref<128xi32, #tpu.memory_space<vmem>>
          %dma_wait3A_88 = arith.constant 0 : i32
          %dma_wait3A_89 = arith.constant 0 : i32
          %dma_wait3A_90 = tpu.memref_slice %arg8[%dma_wait3A_88, %dma_wait3A_89] : memref<10000x128xf32, #tpu.memory_space<vmem_shared>> -> memref<10000x128xf32, #tpu.memory_space<vmem_shared>>
          tpu.wait_indirect_dma semaphore(%run_scoped3A : memref<!tpu.dma_semaphore, #tpu.memory_space<semaphore_mem>>) src(%arg12 : memref<128x128xf32, #tpu.memory_space<vmem>>) dst(%dma_wait3A_90 : memref<10000x128xf32, #tpu.memory_space<vmem_shared>>)
          tpu.yield
        }) : () -> ()
        %add3A_60 = arith.constant 1 : i32
        %add3A_61 = arith.addi %mul3A_42, %add3A_60 : i32
        %dma_wait3A_62 = arith.constant 0 : i32
        %dma_wait3A_63 = tpu.memref_slice %arg9[%add3A_61, %dma_wait3A_62] : memref<8x128xi32, #tpu.memory_space<vmem>> -> memref<1x128xi32, #tpu.memory_space<vmem>>
        %dma_wait3A_64 = tpu.memref_squeeze %dma_wait3A_63 : memref<1x128xi32, #tpu.memory_space<vmem>> -> memref<128xi32, #tpu.memory_space<vmem>>
        %dma_wait3A_65 = arith.constant 0 : i32
        %dma_wait3A_66 = arith.constant 0 : i32
        %dma_wait3A_67 = tpu.memref_slice %arg2[%dma_wait3A_65, %dma_wait3A_66] : memref<20000x128xf32, #tpu.memory_space<hbm>> -> memref<20000x128xf32, #tpu.memory_space<hbm>>
        tpu.wait_indirect_dma semaphore(%arg15 : memref<!tpu.dma_semaphore, #tpu.memory_space<semaphore_mem>>) src(%dma_wait3A_67 : memref<20000x128xf32, #tpu.memory_space<hbm>>) dst(%arg13 : memref<128x128xf32, #tpu.memory_space<vmem>>)
        %lt3A_68 = arith.constant 7 : i32
        %lt3A_69 = arith.cmpi slt, %add3A_61, %lt3A_68 : i32
        %convert_element_type3A_70 = arith.extui %lt3A_69 : i1 to i32
        %cond3A_71 = arith.constant 0 : i32
        %cond3A_72 = arith.cmpi ne, %convert_element_type3A_70, %cond3A_71 : i32
        scf.if %cond3A_72 {
          %add3A_79 = arith.constant 1 : i32
          %add3A_80 = arith.addi %add3A_61, %add3A_79 : i32
          %dma_start3A_81 = arith.constant 0 : i32
          %dma_start3A_82 = tpu.memref_slice %arg9[%add3A_80, %dma_start3A_81] : memref<8x128xi32, #tpu.memory_space<vmem>> -> memref<1x128xi32, #tpu.memory_space<vmem>>
          %dma_start3A_83 = tpu.memref_squeeze %dma_start3A_82 : memref<1x128xi32, #tpu.memory_space<vmem>> -> memref<128xi32, #tpu.memory_space<vmem>>
          %dma_start3A_84 = arith.constant 0 : i32
          %dma_start3A_85 = arith.constant 0 : i32
          %dma_start3A_86 = tpu.memref_slice %arg2[%dma_start3A_84, %dma_start3A_85] : memref<20000x128xf32, #tpu.memory_space<hbm>> -> memref<20000x128xf32, #tpu.memory_space<hbm>>
          tpu.enqueue_indirect_dma source(%dma_start3A_86 : memref<20000x128xf32, #tpu.memory_space<hbm>>) target(%arg12 : memref<128x128xf32, #tpu.memory_space<vmem>>) offsets(%dma_start3A_83 : memref<128xi32, #tpu.memory_space<vmem>>) semaphore(%arg14 : memref<!tpu.dma_semaphore, #tpu.memory_space<semaphore_mem>>)
        } else {
        }
        %scan3A_73 = arith.constant 0 : i32
        %scan3A_74 = arith.constant 0 : i32
        %scan3A_75 = arith.constant 8 : i32
        %scan3A_76 = arith.addi %scan3A_74, %scan3A_75 : i32
        %scan3A_77 = arith.constant 1 : i32
        scf.for %scan3A_79 = %scan3A_74 to %scan3A_76 step %scan3A_77  : i32 {
          %mul3A_80 = arith.constant 8 : i32
          %mul3A_81 = arith.muli %add3A_61, %mul3A_80 : i32
          %add3A_82 = arith.addi %mul3A_81, %scan3A_79 : i32
          %get3A = arith.index_cast %add3A_82 : i32 to index
          %get3A_83 = arith.constant 0 : index
          %get3A_84 = tpu.vector_load %arg11[%get3A, %get3A_83] {strides = array<i32>} : memref<64x16xf32, #tpu.memory_space<vmem>>, vector<1x16xf32>,
          %get3A_85 = vector.shape_cast %get3A_84 : vector<1x16xf32> to vector<16xf32>
          %slice3A = vector.extract_strided_slice %get3A_85 {offsets = [0], sizes = [1], strides = [1]} : vector<16xf32> to vector<1xf32>
          %squeeze3A = vector.extract %slice3A[0] : f32 from vector<1xf32>
          %broadcast_in_dim3A = vector.broadcast %squeeze3A : f32 to vector<16xf32>
          %mul3A_86 = arith.constant 16 : i32
          %mul3A_87 = arith.muli %scan3A_79, %mul3A_86 : i32
          %add3A_88 = arith.constant 0 : i32
          %add3A_89 = arith.addi %mul3A_87, %add3A_88 : i32
          %get3A_90 = arith.index_cast %add3A_89 : i32 to index
          %get3A_91 = arith.constant 0 : index
          %get3A_92 = tpu.vector_load %arg13[%get3A_90, %get3A_91] {strides = array<i32>} : memref<128x128xf32, #tpu.memory_space<vmem>>, vector<1x16xf32>,
          %get3A_93 = vector.shape_cast %get3A_92 : vector<1x16xf32> to vector<16xf32>
          %mul3A_94 = arith.mulf %get3A_93, %broadcast_in_dim3A : vector<16xf32>
          %swap3A = arith.index_cast %add3A_89 : i32 to index
          %swap3A_95 = arith.constant 0 : index
          %swap3A_96 = tpu.vector_load %arg13[%swap3A, %swap3A_95] {strides = array<i32>} : memref<128x128xf32, #tpu.memory_space<vmem>>, vector<1x16xf32>,
          %swap3A_97 = vector.shape_cast %swap3A_96 : vector<1x16xf32> to vector<16xf32>
          %swap3A_98 = vector.shape_cast %mul3A_94 : vector<16xf32> to vector<1x16xf32>
          tpu.vector_store %arg13[%swap3A, %swap3A_95], %swap3A_98 {strides = array<i32>} : memref<128x128xf32, #tpu.memory_space<vmem>>, vector<1x16xf32>,
          %get3A_99 = arith.index_cast %add3A_89 : i32 to index
          %get3A_100 = arith.constant 16 : index
          %get3A_101 = tpu.vector_load %arg13[%get3A_99, %get3A_100] {strides = array<i32>} : memref<128x128xf32, #tpu.memory_space<vmem>>, vector<1x16xf32>,
          %get3A_102 = vector.shape_cast %get3A_101 : vector<1x16xf32> to vector<16xf32>
          %mul3A_103 = arith.mulf %get3A_102, %broadcast_in_dim3A : vector<16xf32>
          %swap3A_104 = arith.index_cast %add3A_89 : i32 to index
          %swap3A_105 = arith.constant 16 : index
          %swap3A_106 = tpu.vector_load %arg13[%swap3A_104, %swap3A_105] {strides = array<i32>} : memref<128x128xf32, #tpu.memory_space<vmem>>, vector<1x16xf32>,
          %swap3A_107 = vector.shape_cast %swap3A_106 : vector<1x16xf32> to vector<16xf32>
          %swap3A_108 = vector.shape_cast %mul3A_103 : vector<16xf32> to vector<1x16xf32>
          tpu.vector_store %arg13[%swap3A_104, %swap3A_105], %swap3A_108 {strides = array<i32>} : memref<128x128xf32, #tpu.memory_space<vmem>>, vector<1x16xf32>,
          %get3A_109 = arith.index_cast %add3A_89 : i32 to index
          %get3A_110 = arith.constant 32 : index
          %get3A_111 = tpu.vector_load %arg13[%get3A_109, %get3A_110] {strides = array<i32>} : memref<128x128xf32, #tpu.memory_space<vmem>>, vector<1x16xf32>,
          %get3A_112 = vector.shape_cast %get3A_111 : vector<1x16xf32> to vector<16xf32>
          %mul3A_113 = arith.mulf %get3A_112, %broadcast_in_dim3A : vector<16xf32>
          %swap3A_114 = arith.index_cast %add3A_89 : i32 to index
          %swap3A_115 = arith.constant 32 : index
          %swap3A_116 = tpu.vector_load %arg13[%swap3A_114, %swap3A_115] {strides = array<i32>} : memref<128x128xf32, #tpu.memory_space<vmem>>, vector<1x16xf32>,
          %swap3A_117 = vector.shape_cast %swap3A_116 : vector<1x16xf32> to vector<16xf32>
          %swap3A_118 = vector.shape_cast %mul3A_113 : vector<16xf32> to vector<1x16xf32>
          tpu.vector_store %arg13[%swap3A_114, %swap3A_115], %swap3A_118 {strides = array<i32>} : memref<128x128xf32, #tpu.memory_space<vmem>>, vector<1x16xf32>,
          %get3A_119 = arith.index_cast %add3A_89 : i32 to index
          %get3A_120 = arith.constant 48 : index
          %get3A_121 = tpu.vector_load %arg13[%get3A_119, %get3A_120] {strides = array<i32>} : memref<128x128xf32, #tpu.memory_space<vmem>>, vector<1x16xf32>,
          %get3A_122 = vector.shape_cast %get3A_121 : vector<1x16xf32> to vector<16xf32>
          %mul3A_123 = arith.mulf %get3A_122, %broadcast_in_dim3A : vector<16xf32>
          %swap3A_124 = arith.index_cast %add3A_89 : i32 to index
          %swap3A_125 = arith.constant 48 : index
          %swap3A_126 = tpu.vector_load %arg13[%swap3A_124, %swap3A_125] {strides = array<i32>} : memref<128x128xf32, #tpu.memory_space<vmem>>, vector<1x16xf32>,
          %swap3A_127 = vector.shape_cast %swap3A_126 : vector<1x16xf32> to vector<16xf32>
          %swap3A_128 = vector.shape_cast %mul3A_123 : vector<16xf32> to vector<1x16xf32>
          tpu.vector_store %arg13[%swap3A_124, %swap3A_125], %swap3A_128 {strides = array<i32>} : memref<128x128xf32, #tpu.memory_space<vmem>>, vector<1x16xf32>,
          %get3A_129 = arith.index_cast %add3A_89 : i32 to index
          %get3A_130 = arith.constant 64 : index
          %get3A_131 = tpu.vector_load %arg13[%get3A_129, %get3A_130] {strides = array<i32>} : memref<128x128xf32, #tpu.memory_space<vmem>>, vector<1x16xf32>,
          %get3A_132 = vector.shape_cast %get3A_131 : vector<1x16xf32> to vector<16xf32>
          %mul3A_133 = arith.mulf %get3A_132, %broadcast_in_dim3A : vector<16xf32>
          %swap3A_134 = arith.index_cast %add3A_89 : i32 to index
          %swap3A_135 = arith.constant 64 : index
          %swap3A_136 = tpu.vector_load %arg13[%swap3A_134, %swap3A_135] {strides = array<i32>} : memref<128x128xf32, #tpu.memory_space<vmem>>, vector<1x16xf32>,
          %swap3A_137 = vector.shape_cast %swap3A_136 : vector<1x16xf32> to vector<16xf32>
          %swap3A_138 = vector.shape_cast %mul3A_133 : vector<16xf32> to vector<1x16xf32>
          tpu.vector_store %arg13[%swap3A_134, %swap3A_135], %swap3A_138 {strides = array<i32>} : memref<128x128xf32, #tpu.memory_space<vmem>>, vector<1x16xf32>,
          %get3A_139 = arith.index_cast %add3A_89 : i32 to index
          %get3A_140 = arith.constant 80 : index
          %get3A_141 = tpu.vector_load %arg13[%get3A_139, %get3A_140] {strides = array<i32>} : memref<128x128xf32, #tpu.memory_space<vmem>>, vector<1x16xf32>,
          %get3A_142 = vector.shape_cast %get3A_141 : vector<1x16xf32> to vector<16xf32>
          %mul3A_143 = arith.mulf %get3A_142, %broadcast_in_dim3A : vector<16xf32>
          %swap3A_144 = arith.index_cast %add3A_89 : i32 to index
          %swap3A_145 = arith.constant 80 : index
          %swap3A_146 = tpu.vector_load %arg13[%swap3A_144, %swap3A_145] {strides = array<i32>} : memref<128x128xf32, #tpu.memory_space<vmem>>, vector<1x16xf32>,
          %swap3A_147 = vector.shape_cast %swap3A_146 : vector<1x16xf32> to vector<16xf32>
          %swap3A_148 = vector.shape_cast %mul3A_143 : vector<16xf32> to vector<1x16xf32>
          tpu.vector_store %arg13[%swap3A_144, %swap3A_145], %swap3A_148 {strides = array<i32>} : memref<128x128xf32, #tpu.memory_space<vmem>>, vector<1x16xf32>,
          %get3A_149 = arith.index_cast %add3A_89 : i32 to index
          %get3A_150 = arith.constant 96 : index
          %get3A_151 = tpu.vector_load %arg13[%get3A_149, %get3A_150] {strides = array<i32>} : memref<128x128xf32, #tpu.memory_space<vmem>>, vector<1x16xf32>,
          %get3A_152 = vector.shape_cast %get3A_151 : vector<1x16xf32> to vector<16xf32>
          %mul3A_153 = arith.mulf %get3A_152, %broadcast_in_dim3A : vector<16xf32>
          %swap3A_154 = arith.index_cast %add3A_89 : i32 to index
          %swap3A_155 = arith.constant 96 : index
          %swap3A_156 = tpu.vector_load %arg13[%swap3A_154, %swap3A_155] {strides = array<i32>} : memref<128x128xf32, #tpu.memory_space<vmem>>, vector<1x16xf32>,
          %swap3A_157 = vector.shape_cast %swap3A_156 : vector<1x16xf32> to vector<16xf32>
          %swap3A_158 = vector.shape_cast %mul3A_153 : vector<16xf32> to vector<1x16xf32>
          tpu.vector_store %arg13[%swap3A_154, %swap3A_155], %swap3A_158 {strides = array<i32>} : memref<128x128xf32, #tpu.memory_space<vmem>>, vector<1x16xf32>,
          %get3A_159 = arith.index_cast %add3A_89 : i32 to index
          %get3A_160 = arith.constant 112 : index
          %get3A_161 = tpu.vector_load %arg13[%get3A_159, %get3A_160] {strides = array<i32>} : memref<128x128xf32, #tpu.memory_space<vmem>>, vector<1x16xf32>,
          %get3A_162 = vector.shape_cast %get3A_161 : vector<1x16xf32> to vector<16xf32>
          %mul3A_163 = arith.mulf %get3A_162, %broadcast_in_dim3A : vector<16xf32>
          %swap3A_164 = arith.index_cast %add3A_89 : i32 to index
          %swap3A_165 = arith.constant 112 : index
          %swap3A_166 = tpu.vector_load %arg13[%swap3A_164, %swap3A_165] {strides = array<i32>} : memref<128x128xf32, #tpu.memory_space<vmem>>, vector<1x16xf32>,
          %swap3A_167 = vector.shape_cast %swap3A_166 : vector<1x16xf32> to vector<16xf32>
          %swap3A_168 = vector.shape_cast %mul3A_163 : vector<16xf32> to vector<1x16xf32>
          tpu.vector_store %arg13[%swap3A_164, %swap3A_165], %swap3A_168 {strides = array<i32>} : memref<128x128xf32, #tpu.memory_space<vmem>>, vector<1x16xf32>,
          %slice3A_169 = vector.extract_strided_slice %get3A_85 {offsets = [1], sizes = [1], strides = [1]} : vector<16xf32> to vector<1xf32>
          %squeeze3A_170 = vector.extract %slice3A_169[0] : f32 from vector<1xf32>
          %broadcast_in_dim3A_171 = vector.broadcast %squeeze3A_170 : f32 to vector<16xf32>
          %mul3A_172 = arith.constant 16 : i32
          %mul3A_173 = arith.muli %scan3A_79, %mul3A_172 : i32
          %add3A_174 = arith.constant 1 : i32
          %add3A_175 = arith.addi %mul3A_173, %add3A_174 : i32
          %get3A_176 = arith.index_cast %add3A_175 : i32 to index
          %get3A_177 = arith.constant 0 : index
          %get3A_178 = tpu.vector_load %arg13[%get3A_176, %get3A_177] {strides = array<i32>} : memref<128x128xf32, #tpu.memory_space<vmem>>, vector<1x16xf32>,
          %get3A_179 = vector.shape_cast %get3A_178 : vector<1x16xf32> to vector<16xf32>
          %mul3A_180 = arith.mulf %get3A_179, %broadcast_in_dim3A_171 : vector<16xf32>
          %swap3A_181 = arith.index_cast %add3A_175 : i32 to index
          %swap3A_182 = arith.constant 0 : index
          %swap3A_183 = tpu.vector_load %arg13[%swap3A_181, %swap3A_182] {strides = array<i32>} : memref<128x128xf32, #tpu.memory_space<vmem>>, vector<1x16xf32>,
          %swap3A_184 = vector.shape_cast %swap3A_183 : vector<1x16xf32> to vector<16xf32>
          %swap3A_185 = vector.shape_cast %mul3A_180 : vector<16xf32> to vector<1x16xf32>
          tpu.vector_store %arg13[%swap3A_181, %swap3A_182], %swap3A_185 {strides = array<i32>} : memref<128x128xf32, #tpu.memory_space<vmem>>, vector<1x16xf32>,
          %get3A_186 = arith.index_cast %add3A_175 : i32 to index
          %get3A_187 = arith.constant 16 : index
          %get3A_188 = tpu.vector_load %arg13[%get3A_186, %get3A_187] {strides = array<i32>} : memref<128x128xf32, #tpu.memory_space<vmem>>, vector<1x16xf32>,
          %get3A_189 = vector.shape_cast %get3A_188 : vector<1x16xf32> to vector<16xf32>
          %mul3A_190 = arith.mulf %get3A_189, %broadcast_in_dim3A_171 : vector<16xf32>
          %swap3A_191 = arith.index_cast %add3A_175 : i32 to index
          %swap3A_192 = arith.constant 16 : index
          %swap3A_193 = tpu.vector_load %arg13[%swap3A_191, %swap3A_192] {strides = array<i32>} : memref<128x128xf32, #tpu.memory_space<vmem>>, vector<1x16xf32>,
          %swap3A_194 = vector.shape_cast %swap3A_193 : vector<1x16xf32> to vector<16xf32>
          %swap3A_195 = vector.shape_cast %mul3A_190 : vector<16xf32> to vector<1x16xf32>
          tpu.vector_store %arg13[%swap3A_191, %swap3A_192], %swap3A_195 {strides = array<i32>} : memref<128x128xf32, #tpu.memory_space<vmem>>, vector<1x16xf32>,
          %get3A_196 = arith.index_cast %add3A_175 : i32 to index
          %get3A_197 = arith.constant 32 : index
          %get3A_198 = tpu.vector_load %arg13[%get3A_196, %get3A_197] {strides = array<i32>} : memref<128x128xf32, #tpu.memory_space<vmem>>, vector<1x16xf32>,
          %get3A_199 = vector.shape_cast %get3A_198 : vector<1x16xf32> to vector<16xf32>
          %mul3A_200 = arith.mulf %get3A_199, %broadcast_in_dim3A_171 : vector<16xf32>
          %swap3A_201 = arith.index_cast %add3A_175 : i32 to index
          %swap3A_202 = arith.constant 32 : index
          %swap3A_203 = tpu.vector_load %arg13[%swap3A_201, %swap3A_202] {strides = array<i32>} : memref<128x128xf32, #tpu.memory_space<vmem>>, vector<1x16xf32>,
          %swap3A_204 = vector.shape_cast %swap3A_203 : vector<1x16xf32> to vector<16xf32>
          %swap3A_205 = vector.shape_cast %mul3A_200 : vector<16xf32> to vector<1x16xf32>
          tpu.vector_store %arg13[%swap3A_201, %swap3A_202], %swap3A_205 {strides = array<i32>} : memref<128x128xf32, #tpu.memory_space<vmem>>, vector<1x16xf32>,
          %get3A_206 = arith.index_cast %add3A_175 : i32 to index
          %get3A_207 = arith.constant 48 : index
          %get3A_208 = tpu.vector_load %arg13[%get3A_206, %get3A_207] {strides = array<i32>} : memref<128x128xf32, #tpu.memory_space<vmem>>, vector<1x16xf32>,
          %get3A_209 = vector.shape_cast %get3A_208 : vector<1x16xf32> to vector<16xf32>
          %mul3A_210 = arith.mulf %get3A_209, %broadcast_in_dim3A_171 : vector<16xf32>
          %swap3A_211 = arith.index_cast %add3A_175 : i32 to index
          %swap3A_212 = arith.constant 48 : index
          %swap3A_213 = tpu.vector_load %arg13[%swap3A_211, %swap3A_212] {strides = array<i32>} : memref<128x128xf32, #tpu.memory_space<vmem>>, vector<1x16xf32>,
          %swap3A_214 = vector.shape_cast %swap3A_213 : vector<1x16xf32> to vector<16xf32>
          %swap3A_215 = vector.shape_cast %mul3A_210 : vector<16xf32> to vector<1x16xf32>
          tpu.vector_store %arg13[%swap3A_211, %swap3A_212], %swap3A_215 {strides = array<i32>} : memref<128x128xf32, #tpu.memory_space<vmem>>, vector<1x16xf32>,
          %get3A_216 = arith.index_cast %add3A_175 : i32 to index
          %get3A_217 = arith.constant 64 : index
          %get3A_218 = tpu.vector_load %arg13[%get3A_216, %get3A_217] {strides = array<i32>} : memref<128x128xf32, #tpu.memory_space<vmem>>, vector<1x16xf32>,
          %get3A_219 = vector.shape_cast %get3A_218 : vector<1x16xf32> to vector<16xf32>
          %mul3A_220 = arith.mulf %get3A_219, %broadcast_in_dim3A_171 : vector<16xf32>
          %swap3A_221 = arith.index_cast %add3A_175 : i32 to index
          %swap3A_222 = arith.constant 64 : index
          %swap3A_223 = tpu.vector_load %arg13[%swap3A_221, %swap3A_222] {strides = array<i32>} : memref<128x128xf32, #tpu.memory_space<vmem>>, vector<1x16xf32>,
          %swap3A_224 = vector.shape_cast %swap3A_223 : vector<1x16xf32> to vector<16xf32>
          %swap3A_225 = vector.shape_cast %mul3A_220 : vector<16xf32> to vector<1x16xf32>
          tpu.vector_store %arg13[%swap3A_221, %swap3A_222], %swap3A_225 {strides = array<i32>} : memref<128x128xf32, #tpu.memory_space<vmem>>, vector<1x16xf32>,
          %get3A_226 = arith.index_cast %add3A_175 : i32 to index
          %get3A_227 = arith.constant 80 : index
          %get3A_228 = tpu.vector_load %arg13[%get3A_226, %get3A_227] {strides = array<i32>} : memref<128x128xf32, #tpu.memory_space<vmem>>, vector<1x16xf32>,
          %get3A_229 = vector.shape_cast %get3A_228 : vector<1x16xf32> to vector<16xf32>
          %mul3A_230 = arith.mulf %get3A_229, %broadcast_in_dim3A_171 : vector<16xf32>
          %swap3A_231 = arith.index_cast %add3A_175 : i32 to index
          %swap3A_232 = arith.constant 80 : index
          %swap3A_233 = tpu.vector_load %arg13[%swap3A_231, %swap3A_232] {strides = array<i32>} : memref<128x128xf32, #tpu.memory_space<vmem>>, vector<1x16xf32>,
          %swap3A_234 = vector.shape_cast %swap3A_233 : vector<1x16xf32> to vector<16xf32>
          %swap3A_235 = vector.shape_cast %mul3A_230 : vector<16xf32> to vector<1x16xf32>
          tpu.vector_store %arg13[%swap3A_231, %swap3A_232], %swap3A_235 {strides = array<i32>} : memref<128x128xf32, #tpu.memory_space<vmem>>, vector<1x16xf32>,
          %get3A_236 = arith.index_cast %add3A_175 : i32 to index
          %get3A_237 = arith.constant 96 : index
          %get3A_238 = tpu.vector_load %arg13[%get3A_236, %get3A_237] {strides = array<i32>} : memref<128x128xf32, #tpu.memory_space<vmem>>, vector<1x16xf32>,
          %get3A_239 = vector.shape_cast %get3A_238 : vector<1x16xf32> to vector<16xf32>
          %mul3A_240 = arith.mulf %get3A_239, %broadcast_in_dim3A_171 : vector<16xf32>
          %swap3A_241 = arith.index_cast %add3A_175 : i32 to index
          %swap3A_242 = arith.constant 96 : index
          %swap3A_243 = tpu.vector_load %arg13[%swap3A_241, %swap3A_242] {strides = array<i32>} : memref<128x128xf32, #tpu.memory_space<vmem>>, vector<1x16xf32>,
          %swap3A_244 = vector.shape_cast %swap3A_243 : vector<1x16xf32> to vector<16xf32>
          %swap3A_245 = vector.shape_cast %mul3A_240 : vector<16xf32> to vector<1x16xf32>
          tpu.vector_store %arg13[%swap3A_241, %swap3A_242], %swap3A_245 {strides = array<i32>} : memref<128x128xf32, #tpu.memory_space<vmem>>, vector<1x16xf32>,
          %get3A_246 = arith.index_cast %add3A_175 : i32 to index
          %get3A_247 = arith.constant 112 : index
          %get3A_248 = tpu.vector_load %arg13[%get3A_246, %get3A_247] {strides = array<i32>} : memref<128x128xf32, #tpu.memory_space<vmem>>, vector<1x16xf32>,
          %get3A_249 = vector.shape_cast %get3A_248 : vector<1x16xf32> to vector<16xf32>
          %mul3A_250 = arith.mulf %get3A_249, %broadcast_in_dim3A_171 : vector<16xf32>
          %swap3A_251 = arith.index_cast %add3A_175 : i32 to index
          %swap3A_252 = arith.constant 112 : index
          %swap3A_253 = tpu.vector_load %arg13[%swap3A_251, %swap3A_252] {strides = array<i32>} : memref<128x128xf32, #tpu.memory_space<vmem>>, vector<1x16xf32>,
          %swap3A_254 = vector.shape_cast %swap3A_253 : vector<1x16xf32> to vector<16xf32>
          %swap3A_255 = vector.shape_cast %mul3A_250 : vector<16xf32> to vector<1x16xf32>
          tpu.vector_store %arg13[%swap3A_251, %swap3A_252], %swap3A_255 {strides = array<i32>} : memref<128x128xf32, #tpu.memory_space<vmem>>, vector<1x16xf32>,
          %slice3A_256 = vector.extract_strided_slice %get3A_85 {offsets = [2], sizes = [1], strides = [1]} : vector<16xf32> to vector<1xf32>
          %squeeze3A_257 = vector.extract %slice3A_256[0] : f32 from vector<1xf32>
          %broadcast_in_dim3A_258 = vector.broadcast %squeeze3A_257 : f32 to vector<16xf32>
          %mul3A_259 = arith.constant 16 : i32
          %mul3A_260 = arith.muli %scan3A_79, %mul3A_259 : i32
          %add3A_261 = arith.constant 2 : i32
          %add3A_262 = arith.addi %mul3A_260, %add3A_261 : i32
          %get3A_263 = arith.index_cast %add3A_262 : i32 to index
          %get3A_264 = arith.constant 0 : index
          %get3A_265 = tpu.vector_load %arg13[%get3A_263, %get3A_264] {strides = array<i32>} : memref<128x128xf32, #tpu.memory_space<vmem>>, vector<1x16xf32>,
          %get3A_266 = vector.shape_cast %get3A_265 : vector<1x16xf32> to vector<16xf32>
          %mul3A_267 = arith.mulf %get3A_266, %broadcast_in_dim3A_258 : vector<16xf32>
          %swap3A_268 = arith.index_cast %add3A_262 : i32 to index
          %swap3A_269 = arith.constant 0 : index
          %swap3A_270 = tpu.vector_load %arg13[%swap3A_268, %swap3A_269] {strides = array<i32>} : memref<128x128xf32, #tpu.memory_space<vmem>>, vector<1x16xf32>,
          %swap3A_271 = vector.shape_cast %swap3A_270 : vector<1x16xf32> to vector<16xf32>
          %swap3A_272 = vector.shape_cast %mul3A_267 : vector<16xf32> to vector<1x16xf32>
          tpu.vector_store %arg13[%swap3A_268, %swap3A_269], %swap3A_272 {strides = array<i32>} : memref<128x128xf32, #tpu.memory_space<vmem>>, vector<1x16xf32>,
          %get3A_273 = arith.index_cast %add3A_262 : i32 to index
          %get3A_274 = arith.constant 16 : index
          %get3A_275 = tpu.vector_load %arg13[%get3A_273, %get3A_274] {strides = array<i32>} : memref<128x128xf32, #tpu.memory_space<vmem>>, vector<1x16xf32>,
          %get3A_276 = vector.shape_cast %get3A_275 : vector<1x16xf32> to vector<16xf32>
          %mul3A_277 = arith.mulf %get3A_276, %broadcast_in_dim3A_258 : vector<16xf32>
          %swap3A_278 = arith.index_cast %add3A_262 : i32 to index
          %swap3A_279 = arith.constant 16 : index
          %swap3A_280 = tpu.vector_load %arg13[%swap3A_278, %swap3A_279] {strides = array<i32>} : memref<128x128xf32, #tpu.memory_space<vmem>>, vector<1x16xf32>,
          %swap3A_281 = vector.shape_cast %swap3A_280 : vector<1x16xf32> to vector<16xf32>
          %swap3A_282 = vector.shape_cast %mul3A_277 : vector<16xf32> to vector<1x16xf32>
          tpu.vector_store %arg13[%swap3A_278, %swap3A_279], %swap3A_282 {strides = array<i32>} : memref<128x128xf32, #tpu.memory_space<vmem>>, vector<1x16xf32>,
          %get3A_283 = arith.index_cast %add3A_262 : i32 to index
          %get3A_284 = arith.constant 32 : index
          %get3A_285 = tpu.vector_load %arg13[%get3A_283, %get3A_284] {strides = array<i32>} : memref<128x128xf32, #tpu.memory_space<vmem>>, vector<1x16xf32>,
          %get3A_286 = vector.shape_cast %get3A_285 : vector<1x16xf32> to vector<16xf32>
          %mul3A_287 = arith.mulf %get3A_286, %broadcast_in_dim3A_258 : vector<16xf32>
          %swap3A_288 = arith.index_cast %add3A_262 : i32 to index
          %swap3A_289 = arith.constant 32 : index
          %swap3A_290 = tpu.vector_load %arg13[%swap3A_288, %swap3A_289] {strides = array<i32>} : memref<128x128xf32, #tpu.memory_space<vmem>>, vector<1x16xf32>,
          %swap3A_291 = vector.shape_cast %swap3A_290 : vector<1x16xf32> to vector<16xf32>
          %swap3A_292 = vector.shape_cast %mul3A_287 : vector<16xf32> to vector<1x16xf32>
          tpu.vector_store %arg13[%swap3A_288, %swap3A_289], %swap3A_292 {strides = array<i32>} : memref<128x128xf32, #tpu.memory_space<vmem>>, vector<1x16xf32>,
          %get3A_293 = arith.index_cast %add3A_262 : i32 to index
          %get3A_294 = arith.constant 48 : index
          %get3A_295 = tpu.vector_load %arg13[%get3A_293, %get3A_294] {strides = array<i32>} : memref<128x128xf32, #tpu.memory_space<vmem>>, vector<1x16xf32>,
          %get3A_296 = vector.shape_cast %get3A_295 : vector<1x16xf32> to vector<16xf32>
          %mul3A_297 = arith.mulf %get3A_296, %broadcast_in_dim3A_258 : vector<16xf32>
          %swap3A_298 = arith.index_cast %add3A_262 : i32 to index
          %swap3A_299 = arith.constant 48 : index
          %swap3A_300 = tpu.vector_load %arg13[%swap3A_298, %swap3A_299] {strides = array<i32>} : memref<128x128xf32, #tpu.memory_space<vmem>>, vector<1x16xf32>,
          %swap3A_301 = vector.shape_cast %swap3A_300 : vector<1x16xf32> to vector<16xf32>
          %swap3A_302 = vector.shape_cast %mul3A_297 : vector<16xf32> to vector<1x16xf32>
          tpu.vector_store %arg13[%swap3A_298, %swap3A_299], %swap3A_302 {strides = array<i32>} : memref<128x128xf32, #tpu.memory_space<vmem>>, vector<1x16xf32>,
          %get3A_303 = arith.index_cast %add3A_262 : i32 to index
          %get3A_304 = arith.constant 64 : index
          %get3A_305 = tpu.vector_load %arg13[%get3A_303, %get3A_304] {strides = array<i32>} : memref<128x128xf32, #tpu.memory_space<vmem>>, vector<1x16xf32>,
          %get3A_306 = vector.shape_cast %get3A_305 : vector<1x16xf32> to vector<16xf32>
          %mul3A_307 = arith.mulf %get3A_306, %broadcast_in_dim3A_258 : vector<16xf32>
          %swap3A_308 = arith.index_cast %add3A_262 : i32 to index
          %swap3A_309 = arith.constant 64 : index
          %swap3A_310 = tpu.vector_load %arg13[%swap3A_308, %swap3A_309] {strides = array<i32>} : memref<128x128xf32, #tpu.memory_space<vmem>>, vector<1x16xf32>,
          %swap3A_311 = vector.shape_cast %swap3A_310 : vector<1x16xf32> to vector<16xf32>
          %swap3A_312 = vector.shape_cast %mul3A_307 : vector<16xf32> to vector<1x16xf32>
          tpu.vector_store %arg13[%swap3A_308, %swap3A_309], %swap3A_312 {strides = array<i32>} : memref<128x128xf32, #tpu.memory_space<vmem>>, vector<1x16xf32>,
          %get3A_313 = arith.index_cast %add3A_262 : i32 to index
          %get3A_314 = arith.constant 80 : index
          %get3A_315 = tpu.vector_load %arg13[%get3A_313, %get3A_314] {strides = array<i32>} : memref<128x128xf32, #tpu.memory_space<vmem>>, vector<1x16xf32>,
          %get3A_316 = vector.shape_cast %get3A_315 : vector<1x16xf32> to vector<16xf32>
          %mul3A_317 = arith.mulf %get3A_316, %broadcast_in_dim3A_258 : vector<16xf32>
          %swap3A_318 = arith.index_cast %add3A_262 : i32 to index
          %swap3A_319 = arith.constant 80 : index
          %swap3A_320 = tpu.vector_load %arg13[%swap3A_318, %swap3A_319] {strides = array<i32>} : memref<128x128xf32, #tpu.memory_space<vmem>>, vector<1x16xf32>,
          %swap3A_321 = vector.shape_cast %swap3A_320 : vector<1x16xf32> to vector<16xf32>
          %swap3A_322 = vector.shape_cast %mul3A_317 : vector<16xf32> to vector<1x16xf32>
          tpu.vector_store %arg13[%swap3A_318, %swap3A_319], %swap3A_322 {strides = array<i32>} : memref<128x128xf32, #tpu.memory_space<vmem>>, vector<1x16xf32>,
          %get3A_323 = arith.index_cast %add3A_262 : i32 to index
          %get3A_324 = arith.constant 96 : index
          %get3A_325 = tpu.vector_load %arg13[%get3A_323, %get3A_324] {strides = array<i32>} : memref<128x128xf32, #tpu.memory_space<vmem>>, vector<1x16xf32>,
          %get3A_326 = vector.shape_cast %get3A_325 : vector<1x16xf32> to vector<16xf32>
          %mul3A_327 = arith.mulf %get3A_326, %broadcast_in_dim3A_258 : vector<16xf32>
          %swap3A_328 = arith.index_cast %add3A_262 : i32 to index
          %swap3A_329 = arith.constant 96 : index
          %swap3A_330 = tpu.vector_load %arg13[%swap3A_328, %swap3A_329] {strides = array<i32>} : memref<128x128xf32, #tpu.memory_space<vmem>>, vector<1x16xf32>,
          %swap3A_331 = vector.shape_cast %swap3A_330 : vector<1x16xf32> to vector<16xf32>
          %swap3A_332 = vector.shape_cast %mul3A_327 : vector<16xf32> to vector<1x16xf32>
          tpu.vector_store %arg13[%swap3A_328, %swap3A_329], %swap3A_332 {strides = array<i32>} : memref<128x128xf32, #tpu.memory_space<vmem>>, vector<1x16xf32>,
          %get3A_333 = arith.index_cast %add3A_262 : i32 to index
          %get3A_334 = arith.constant 112 : index
          %get3A_335 = tpu.vector_load %arg13[%get3A_333, %get3A_334] {strides = array<i32>} : memref<128x128xf32, #tpu.memory_space<vmem>>, vector<1x16xf32>,
          %get3A_336 = vector.shape_cast %get3A_335 : vector<1x16xf32> to vector<16xf32>
          %mul3A_337 = arith.mulf %get3A_336, %broadcast_in_dim3A_258 : vector<16xf32>
          %swap3A_338 = arith.index_cast %add3A_262 : i32 to index
          %swap3A_339 = arith.constant 112 : index
          %swap3A_340 = tpu.vector_load %arg13[%swap3A_338, %swap3A_339] {strides = array<i32>} : memref<128x128xf32, #tpu.memory_space<vmem>>, vector<1x16xf32>,
          %swap3A_341 = vector.shape_cast %swap3A_340 : vector<1x16xf32> to vector<16xf32>
          %swap3A_342 = vector.shape_cast %mul3A_337 : vector<16xf32> to vector<1x16xf32>
          tpu.vector_store %arg13[%swap3A_338, %swap3A_339], %swap3A_342 {strides = array<i32>} : memref<128x128xf32, #tpu.memory_space<vmem>>, vector<1x16xf32>,
          %slice3A_343 = vector.extract_strided_slice %get3A_85 {offsets = [3], sizes = [1], strides = [1]} : vector<16xf32> to vector<1xf32>
          %squeeze3A_344 = vector.extract %slice3A_343[0] : f32 from vector<1xf32>
          %broadcast_in_dim3A_345 = vector.broadcast %squeeze3A_344 : f32 to vector<16xf32>
          %mul3A_346 = arith.constant 16 : i32
          %mul3A_347 = arith.muli %scan3A_79, %mul3A_346 : i32
          %add3A_348 = arith.constant 3 : i32
          %add3A_349 = arith.addi %mul3A_347, %add3A_348 : i32
          %get3A_350 = arith.index_cast %add3A_349 : i32 to index
          %get3A_351 = arith.constant 0 : index
          %get3A_352 = tpu.vector_load %arg13[%get3A_350, %get3A_351] {strides = array<i32>} : memref<128x128xf32, #tpu.memory_space<vmem>>, vector<1x16xf32>,
          %get3A_353 = vector.shape_cast %get3A_352 : vector<1x16xf32> to vector<16xf32>
          %mul3A_354 = arith.mulf %get3A_353, %broadcast_in_dim3A_345 : vector<16xf32>
          %swap3A_355 = arith.index_cast %add3A_349 : i32 to index
          %swap3A_356 = arith.constant 0 : index
          %swap3A_357 = tpu.vector_load %arg13[%swap3A_355, %swap3A_356] {strides = array<i32>} : memref<128x128xf32, #tpu.memory_space<vmem>>, vector<1x16xf32>,
          %swap3A_358 = vector.shape_cast %swap3A_357 : vector<1x16xf32> to vector<16xf32>
          %swap3A_359 = vector.shape_cast %mul3A_354 : vector<16xf32> to vector<1x16xf32>
          tpu.vector_store %arg13[%swap3A_355, %swap3A_356], %swap3A_359 {strides = array<i32>} : memref<128x128xf32, #tpu.memory_space<vmem>>, vector<1x16xf32>,
          %get3A_360 = arith.index_cast %add3A_349 : i32 to index
          %get3A_361 = arith.constant 16 : index
          %get3A_362 = tpu.vector_load %arg13[%get3A_360, %get3A_361] {strides = array<i32>} : memref<128x128xf32, #tpu.memory_space<vmem>>, vector<1x16xf32>,
          %get3A_363 = vector.shape_cast %get3A_362 : vector<1x16xf32> to vector<16xf32>
          %mul3A_364 = arith.mulf %get3A_363, %broadcast_in_dim3A_345 : vector<16xf32>
          %swap3A_365 = arith.index_cast %add3A_349 : i32 to index
          %swap3A_366 = arith.constant 16 : index
          %swap3A_367 = tpu.vector_load %arg13[%swap3A_365, %swap3A_366] {strides = array<i32>} : memref<128x128xf32, #tpu.memory_space<vmem>>, vector<1x16xf32>,
          %swap3A_368 = vector.shape_cast %swap3A_367 : vector<1x16xf32> to vector<16xf32>
          %swap3A_369 = vector.shape_cast %mul3A_364 : vector<16xf32> to vector<1x16xf32>
          tpu.vector_store %arg13[%swap3A_365, %swap3A_366], %swap3A_369 {strides = array<i32>} : memref<128x128xf32, #tpu.memory_space<vmem>>, vector<1x16xf32>,
          %get3A_370 = arith.index_cast %add3A_349 : i32 to index
          %get3A_371 = arith.constant 32 : index
          %get3A_372 = tpu.vector_load %arg13[%get3A_370, %get3A_371] {strides = array<i32>} : memref<128x128xf32, #tpu.memory_space<vmem>>, vector<1x16xf32>,
          %get3A_373 = vector.shape_cast %get3A_372 : vector<1x16xf32> to vector<16xf32>
          %mul3A_374 = arith.mulf %get3A_373, %broadcast_in_dim3A_345 : vector<16xf32>
          %swap3A_375 = arith.index_cast %add3A_349 : i32 to index
          %swap3A_376 = arith.constant 32 : index
          %swap3A_377 = tpu.vector_load %arg13[%swap3A_375, %swap3A_376] {strides = array<i32>} : memref<128x128xf32, #tpu.memory_space<vmem>>, vector<1x16xf32>,
          %swap3A_378 = vector.shape_cast %swap3A_377 : vector<1x16xf32> to vector<16xf32>
          %swap3A_379 = vector.shape_cast %mul3A_374 : vector<16xf32> to vector<1x16xf32>
          tpu.vector_store %arg13[%swap3A_375, %swap3A_376], %swap3A_379 {strides = array<i32>} : memref<128x128xf32, #tpu.memory_space<vmem>>, vector<1x16xf32>,
          %get3A_380 = arith.index_cast %add3A_349 : i32 to index
          %get3A_381 = arith.constant 48 : index
          %get3A_382 = tpu.vector_load %arg13[%get3A_380, %get3A_381] {strides = array<i32>} : memref<128x128xf32, #tpu.memory_space<vmem>>, vector<1x16xf32>,
          %get3A_383 = vector.shape_cast %get3A_382 : vector<1x16xf32> to vector<16xf32>
          %mul3A_384 = arith.mulf %get3A_383, %broadcast_in_dim3A_345 : vector<16xf32>
          %swap3A_385 = arith.index_cast %add3A_349 : i32 to index
          %swap3A_386 = arith.constant 48 : index
          %swap3A_387 = tpu.vector_load %arg13[%swap3A_385, %swap3A_386] {strides = array<i32>} : memref<128x128xf32, #tpu.memory_space<vmem>>, vector<1x16xf32>,
          %swap3A_388 = vector.shape_cast %swap3A_387 : vector<1x16xf32> to vector<16xf32>
          %swap3A_389 = vector.shape_cast %mul3A_384 : vector<16xf32> to vector<1x16xf32>
          tpu.vector_store %arg13[%swap3A_385, %swap3A_386], %swap3A_389 {strides = array<i32>} : memref<128x128xf32, #tpu.memory_space<vmem>>, vector<1x16xf32>,
          %get3A_390 = arith.index_cast %add3A_349 : i32 to index
          %get3A_391 = arith.constant 64 : index
          %get3A_392 = tpu.vector_load %arg13[%get3A_390, %get3A_391] {strides = array<i32>} : memref<128x128xf32, #tpu.memory_space<vmem>>, vector<1x16xf32>,
          %get3A_393 = vector.shape_cast %get3A_392 : vector<1x16xf32> to vector<16xf32>
          %mul3A_394 = arith.mulf %get3A_393, %broadcast_in_dim3A_345 : vector<16xf32>
          %swap3A_395 = arith.index_cast %add3A_349 : i32 to index
          %swap3A_396 = arith.constant 64 : index
          %swap3A_397 = tpu.vector_load %arg13[%swap3A_395, %swap3A_396] {strides = array<i32>} : memref<128x128xf32, #tpu.memory_space<vmem>>, vector<1x16xf32>,
          %swap3A_398 = vector.shape_cast %swap3A_397 : vector<1x16xf32> to vector<16xf32>
          %swap3A_399 = vector.shape_cast %mul3A_394 : vector<16xf32> to vector<1x16xf32>
          tpu.vector_store %arg13[%swap3A_395, %swap3A_396], %swap3A_399 {strides = array<i32>} : memref<128x128xf32, #tpu.memory_space<vmem>>, vector<1x16xf32>,
          %get3A_400 = arith.index_cast %add3A_349 : i32 to index
          %get3A_401 = arith.constant 80 : index
          %get3A_402 = tpu.vector_load %arg13[%get3A_400, %get3A_401] {strides = array<i32>} : memref<128x128xf32, #tpu.memory_space<vmem>>, vector<1x16xf32>,
          %get3A_403 = vector.shape_cast %get3A_402 : vector<1x16xf32> to vector<16xf32>
          %mul3A_404 = arith.mulf %get3A_403, %broadcast_in_dim3A_345 : vector<16xf32>
          %swap3A_405 = arith.index_cast %add3A_349 : i32 to index
          %swap3A_406 = arith.constant 80 : index
          %swap3A_407 = tpu.vector_load %arg13[%swap3A_405, %swap3A_406] {strides = array<i32>} : memref<128x128xf32, #tpu.memory_space<vmem>>, vector<1x16xf32>,
          %swap3A_408 = vector.shape_cast %swap3A_407 : vector<1x16xf32> to vector<16xf32>
          %swap3A_409 = vector.shape_cast %mul3A_404 : vector<16xf32> to vector<1x16xf32>
          tpu.vector_store %arg13[%swap3A_405, %swap3A_406], %swap3A_409 {strides = array<i32>} : memref<128x128xf32, #tpu.memory_space<vmem>>, vector<1x16xf32>,
          %get3A_410 = arith.index_cast %add3A_349 : i32 to index
          %get3A_411 = arith.constant 96 : index
          %get3A_412 = tpu.vector_load %arg13[%get3A_410, %get3A_411] {strides = array<i32>} : memref<128x128xf32, #tpu.memory_space<vmem>>, vector<1x16xf32>,
          %get3A_413 = vector.shape_cast %get3A_412 : vector<1x16xf32> to vector<16xf32>
          %mul3A_414 = arith.mulf %get3A_413, %broadcast_in_dim3A_345 : vector<16xf32>
          %swap3A_415 = arith.index_cast %add3A_349 : i32 to index
          %swap3A_416 = arith.constant 96 : index
          %swap3A_417 = tpu.vector_load %arg13[%swap3A_415, %swap3A_416] {strides = array<i32>} : memref<128x128xf32, #tpu.memory_space<vmem>>, vector<1x16xf32>,
          %swap3A_418 = vector.shape_cast %swap3A_417 : vector<1x16xf32> to vector<16xf32>
          %swap3A_419 = vector.shape_cast %mul3A_414 : vector<16xf32> to vector<1x16xf32>
          tpu.vector_store %arg13[%swap3A_415, %swap3A_416], %swap3A_419 {strides = array<i32>} : memref<128x128xf32, #tpu.memory_space<vmem>>, vector<1x16xf32>,
          %get3A_420 = arith.index_cast %add3A_349 : i32 to index
          %get3A_421 = arith.constant 112 : index
          %get3A_422 = tpu.vector_load %arg13[%get3A_420, %get3A_421] {strides = array<i32>} : memref<128x128xf32, #tpu.memory_space<vmem>>, vector<1x16xf32>,
          %get3A_423 = vector.shape_cast %get3A_422 : vector<1x16xf32> to vector<16xf32>
          %mul3A_424 = arith.mulf %get3A_423, %broadcast_in_dim3A_345 : vector<16xf32>
          %swap3A_425 = arith.index_cast %add3A_349 : i32 to index
          %swap3A_426 = arith.constant 112 : index
          %swap3A_427 = tpu.vector_load %arg13[%swap3A_425, %swap3A_426] {strides = array<i32>} : memref<128x128xf32, #tpu.memory_space<vmem>>, vector<1x16xf32>,
          %swap3A_428 = vector.shape_cast %swap3A_427 : vector<1x16xf32> to vector<16xf32>
          %swap3A_429 = vector.shape_cast %mul3A_424 : vector<16xf32> to vector<1x16xf32>
          tpu.vector_store %arg13[%swap3A_425, %swap3A_426], %swap3A_429 {strides = array<i32>} : memref<128x128xf32, #tpu.memory_space<vmem>>, vector<1x16xf32>,
          %slice3A_430 = vector.extract_strided_slice %get3A_85 {offsets = [4], sizes = [1], strides = [1]} : vector<16xf32> to vector<1xf32>
          %squeeze3A_431 = vector.extract %slice3A_430[0] : f32 from vector<1xf32>
          %broadcast_in_dim3A_432 = vector.broadcast %squeeze3A_431 : f32 to vector<16xf32>
          %mul3A_433 = arith.constant 16 : i32
          %mul3A_434 = arith.muli %scan3A_79, %mul3A_433 : i32
          %add3A_435 = arith.constant 4 : i32
          %add3A_436 = arith.addi %mul3A_434, %add3A_435 : i32
          %get3A_437 = arith.index_cast %add3A_436 : i32 to index
          %get3A_438 = arith.constant 0 : index
          %get3A_439 = tpu.vector_load %arg13[%get3A_437, %get3A_438] {strides = array<i32>} : memref<128x128xf32, #tpu.memory_space<vmem>>, vector<1x16xf32>,
          %get3A_440 = vector.shape_cast %get3A_439 : vector<1x16xf32> to vector<16xf32>
          %mul3A_441 = arith.mulf %get3A_440, %broadcast_in_dim3A_432 : vector<16xf32>
          %swap3A_442 = arith.index_cast %add3A_436 : i32 to index
          %swap3A_443 = arith.constant 0 : index
          %swap3A_444 = tpu.vector_load %arg13[%swap3A_442, %swap3A_443] {strides = array<i32>} : memref<128x128xf32, #tpu.memory_space<vmem>>, vector<1x16xf32>,
          %swap3A_445 = vector.shape_cast %swap3A_444 : vector<1x16xf32> to vector<16xf32>
          %swap3A_446 = vector.shape_cast %mul3A_441 : vector<16xf32> to vector<1x16xf32>
          tpu.vector_store %arg13[%swap3A_442, %swap3A_443], %swap3A_446 {strides = array<i32>} : memref<128x128xf32, #tpu.memory_space<vmem>>, vector<1x16xf32>,
          %get3A_447 = arith.index_cast %add3A_436 : i32 to index
          %get3A_448 = arith.constant 16 : index
          %get3A_449 = tpu.vector_load %arg13[%get3A_447, %get3A_448] {strides = array<i32>} : memref<128x128xf32, #tpu.memory_space<vmem>>, vector<1x16xf32>,
          %get3A_450 = vector.shape_cast %get3A_449 : vector<1x16xf32> to vector<16xf32>
          %mul3A_451 = arith.mulf %get3A_450, %broadcast_in_dim3A_432 : vector<16xf32>
          %swap3A_452 = arith.index_cast %add3A_436 : i32 to index
          %swap3A_453 = arith.constant 16 : index
          %swap3A_454 = tpu.vector_load %arg13[%swap3A_452, %swap3A_453] {strides = array<i32>} : memref<128x128xf32, #tpu.memory_space<vmem>>, vector<1x16xf32>,
          %swap3A_455 = vector.shape_cast %swap3A_454 : vector<1x16xf32> to vector<16xf32>
          %swap3A_456 = vector.shape_cast %mul3A_451 : vector<16xf32> to vector<1x16xf32>
          tpu.vector_store %arg13[%swap3A_452, %swap3A_453], %swap3A_456 {strides = array<i32>} : memref<128x128xf32, #tpu.memory_space<vmem>>, vector<1x16xf32>,
          %get3A_457 = arith.index_cast %add3A_436 : i32 to index
          %get3A_458 = arith.constant 32 : index
          %get3A_459 = tpu.vector_load %arg13[%get3A_457, %get3A_458] {strides = array<i32>} : memref<128x128xf32, #tpu.memory_space<vmem>>, vector<1x16xf32>,
          %get3A_460 = vector.shape_cast %get3A_459 : vector<1x16xf32> to vector<16xf32>
          %mul3A_461 = arith.mulf %get3A_460, %broadcast_in_dim3A_432 : vector<16xf32>
          %swap3A_462 = arith.index_cast %add3A_436 : i32 to index
          %swap3A_463 = arith.constant 32 : index
          %swap3A_464 = tpu.vector_load %arg13[%swap3A_462, %swap3A_463] {strides = array<i32>} : memref<128x128xf32, #tpu.memory_space<vmem>>, vector<1x16xf32>,
          %swap3A_465 = vector.shape_cast %swap3A_464 : vector<1x16xf32> to vector<16xf32>
          %swap3A_466 = vector.shape_cast %mul3A_461 : vector<16xf32> to vector<1x16xf32>
          tpu.vector_store %arg13[%swap3A_462, %swap3A_463], %swap3A_466 {strides = array<i32>} : memref<128x128xf32, #tpu.memory_space<vmem>>, vector<1x16xf32>,
          %get3A_467 = arith.index_cast %add3A_436 : i32 to index
          %get3A_468 = arith.constant 48 : index
          %get3A_469 = tpu.vector_load %arg13[%get3A_467, %get3A_468] {strides = array<i32>} : memref<128x128xf32, #tpu.memory_space<vmem>>, vector<1x16xf32>,
          %get3A_470 = vector.shape_cast %get3A_469 : vector<1x16xf32> to vector<16xf32>
          %mul3A_471 = arith.mulf %get3A_470, %broadcast_in_dim3A_432 : vector<16xf32>
          %swap3A_472 = arith.index_cast %add3A_436 : i32 to index
          %swap3A_473 = arith.constant 48 : index
          %swap3A_474 = tpu.vector_load %arg13[%swap3A_472, %swap3A_473] {strides = array<i32>} : memref<128x128xf32, #tpu.memory_space<vmem>>, vector<1x16xf32>,
          %swap3A_475 = vector.shape_cast %swap3A_474 : vector<1x16xf32> to vector<16xf32>
          %swap3A_476 = vector.shape_cast %mul3A_471 : vector<16xf32> to vector<1x16xf32>
          tpu.vector_store %arg13[%swap3A_472, %swap3A_473], %swap3A_476 {strides = array<i32>} : memref<128x128xf32, #tpu.memory_space<vmem>>, vector<1x16xf32>,
          %get3A_477 = arith.index_cast %add3A_436 : i32 to index
          %get3A_478 = arith.constant 64 : index
          %get3A_479 = tpu.vector_load %arg13[%get3A_477, %get3A_478] {strides = array<i32>} : memref<128x128xf32, #tpu.memory_space<vmem>>, vector<1x16xf32>,
          %get3A_480 = vector.shape_cast %get3A_479 : vector<1x16xf32> to vector<16xf32>
          %mul3A_481 = arith.mulf %get3A_480, %broadcast_in_dim3A_432 : vector<16xf32>
          %swap3A_482 = arith.index_cast %add3A_436 : i32 to index
          %swap3A_483 = arith.constant 64 : index
          %swap3A_484 = tpu.vector_load %arg13[%swap3A_482, %swap3A_483] {strides = array<i32>} : memref<128x128xf32, #tpu.memory_space<vmem>>, vector<1x16xf32>,
          %swap3A_485 = vector.shape_cast %swap3A_484 : vector<1x16xf32> to vector<16xf32>
          %swap3A_486 = vector.shape_cast %mul3A_481 : vector<16xf32> to vector<1x16xf32>
          tpu.vector_store %arg13[%swap3A_482, %swap3A_483], %swap3A_486 {strides = array<i32>} : memref<128x128xf32, #tpu.memory_space<vmem>>, vector<1x16xf32>,
          %get3A_487 = arith.index_cast %add3A_436 : i32 to index
          %get3A_488 = arith.constant 80 : index
          %get3A_489 = tpu.vector_load %arg13[%get3A_487, %get3A_488] {strides = array<i32>} : memref<128x128xf32, #tpu.memory_space<vmem>>, vector<1x16xf32>,
          %get3A_490 = vector.shape_cast %get3A_489 : vector<1x16xf32> to vector<16xf32>
          %mul3A_491 = arith.mulf %get3A_490, %broadcast_in_dim3A_432 : vector<16xf32>
          %swap3A_492 = arith.index_cast %add3A_436 : i32 to index
          %swap3A_493 = arith.constant 80 : index
          %swap3A_494 = tpu.vector_load %arg13[%swap3A_492, %swap3A_493] {strides = array<i32>} : memref<128x128xf32, #tpu.memory_space<vmem>>, vector<1x16xf32>,
          %swap3A_495 = vector.shape_cast %swap3A_494 : vector<1x16xf32> to vector<16xf32>
          %swap3A_496 = vector.shape_cast %mul3A_491 : vector<16xf32> to vector<1x16xf32>
          tpu.vector_store %arg13[%swap3A_492, %swap3A_493], %swap3A_496 {strides = array<i32>} : memref<128x128xf32, #tpu.memory_space<vmem>>, vector<1x16xf32>,
          %get3A_497 = arith.index_cast %add3A_436 : i32 to index
          %get3A_498 = arith.constant 96 : index
          %get3A_499 = tpu.vector_load %arg13[%get3A_497, %get3A_498] {strides = array<i32>} : memref<128x128xf32, #tpu.memory_space<vmem>>, vector<1x16xf32>,
          %get3A_500 = vector.shape_cast %get3A_499 : vector<1x16xf32> to vector<16xf32>
          %mul3A_501 = arith.mulf %get3A_500, %broadcast_in_dim3A_432 : vector<16xf32>
          %swap3A_502 = arith.index_cast %add3A_436 : i32 to index
          %swap3A_503 = arith.constant 96 : index
          %swap3A_504 = tpu.vector_load %arg13[%swap3A_502, %swap3A_503] {strides = array<i32>} : memref<128x128xf32, #tpu.memory_space<vmem>>, vector<1x16xf32>,
          %swap3A_505 = vector.shape_cast %swap3A_504 : vector<1x16xf32> to vector<16xf32>
          %swap3A_506 = vector.shape_cast %mul3A_501 : vector<16xf32> to vector<1x16xf32>
          tpu.vector_store %arg13[%swap3A_502, %swap3A_503], %swap3A_506 {strides = array<i32>} : memref<128x128xf32, #tpu.memory_space<vmem>>, vector<1x16xf32>,
          %get3A_507 = arith.index_cast %add3A_436 : i32 to index
          %get3A_508 = arith.constant 112 : index
          %get3A_509 = tpu.vector_load %arg13[%get3A_507, %get3A_508] {strides = array<i32>} : memref<128x128xf32, #tpu.memory_space<vmem>>, vector<1x16xf32>,
          %get3A_510 = vector.shape_cast %get3A_509 : vector<1x16xf32> to vector<16xf32>
          %mul3A_511 = arith.mulf %get3A_510, %broadcast_in_dim3A_432 : vector<16xf32>
          %swap3A_512 = arith.index_cast %add3A_436 : i32 to index
          %swap3A_513 = arith.constant 112 : index
          %swap3A_514 = tpu.vector_load %arg13[%swap3A_512, %swap3A_513] {strides = array<i32>} : memref<128x128xf32, #tpu.memory_space<vmem>>, vector<1x16xf32>,
          %swap3A_515 = vector.shape_cast %swap3A_514 : vector<1x16xf32> to vector<16xf32>
          %swap3A_516 = vector.shape_cast %mul3A_511 : vector<16xf32> to vector<1x16xf32>
          tpu.vector_store %arg13[%swap3A_512, %swap3A_513], %swap3A_516 {strides = array<i32>} : memref<128x128xf32, #tpu.memory_space<vmem>>, vector<1x16xf32>,
          %slice3A_517 = vector.extract_strided_slice %get3A_85 {offsets = [5], sizes = [1], strides = [1]} : vector<16xf32> to vector<1xf32>
          %squeeze3A_518 = vector.extract %slice3A_517[0] : f32 from vector<1xf32>
          %broadcast_in_dim3A_519 = vector.broadcast %squeeze3A_518 : f32 to vector<16xf32>
          %mul3A_520 = arith.constant 16 : i32
          %mul3A_521 = arith.muli %scan3A_79, %mul3A_520 : i32
          %add3A_522 = arith.constant 5 : i32
          %add3A_523 = arith.addi %mul3A_521, %add3A_522 : i32
          %get3A_524 = arith.index_cast %add3A_523 : i32 to index
          %get3A_525 = arith.constant 0 : index
          %get3A_526 = tpu.vector_load %arg13[%get3A_524, %get3A_525] {strides = array<i32>} : memref<128x128xf32, #tpu.memory_space<vmem>>, vector<1x16xf32>,
          %get3A_527 = vector.shape_cast %get3A_526 : vector<1x16xf32> to vector<16xf32>
          %mul3A_528 = arith.mulf %get3A_527, %broadcast_in_dim3A_519 : vector<16xf32>
          %swap3A_529 = arith.index_cast %add3A_523 : i32 to index
          %swap3A_530 = arith.constant 0 : index
          %swap3A_531 = tpu.vector_load %arg13[%swap3A_529, %swap3A_530] {strides = array<i32>} : memref<128x128xf32, #tpu.memory_space<vmem>>, vector<1x16xf32>,
          %swap3A_532 = vector.shape_cast %swap3A_531 : vector<1x16xf32> to vector<16xf32>
          %swap3A_533 = vector.shape_cast %mul3A_528 : vector<16xf32> to vector<1x16xf32>
          tpu.vector_store %arg13[%swap3A_529, %swap3A_530], %swap3A_533 {strides = array<i32>} : memref<128x128xf32, #tpu.memory_space<vmem>>, vector<1x16xf32>,
          %get3A_534 = arith.index_cast %add3A_523 : i32 to index
          %get3A_535 = arith.constant 16 : index
          %get3A_536 = tpu.vector_load %arg13[%get3A_534, %get3A_535] {strides = array<i32>} : memref<128x128xf32, #tpu.memory_space<vmem>>, vector<1x16xf32>,
          %get3A_537 = vector.shape_cast %get3A_536 : vector<1x16xf32> to vector<16xf32>
          %mul3A_538 = arith.mulf %get3A_537, %broadcast_in_dim3A_519 : vector<16xf32>
          %swap3A_539 = arith.index_cast %add3A_523 : i32 to index
          %swap3A_540 = arith.constant 16 : index
          %swap3A_541 = tpu.vector_load %arg13[%swap3A_539, %swap3A_540] {strides = array<i32>} : memref<128x128xf32, #tpu.memory_space<vmem>>, vector<1x16xf32>,
          %swap3A_542 = vector.shape_cast %swap3A_541 : vector<1x16xf32> to vector<16xf32>
          %swap3A_543 = vector.shape_cast %mul3A_538 : vector<16xf32> to vector<1x16xf32>
          tpu.vector_store %arg13[%swap3A_539, %swap3A_540], %swap3A_543 {strides = array<i32>} : memref<128x128xf32, #tpu.memory_space<vmem>>, vector<1x16xf32>,
          %get3A_544 = arith.index_cast %add3A_523 : i32 to index
          %get3A_545 = arith.constant 32 : index
          %get3A_546 = tpu.vector_load %arg13[%get3A_544, %get3A_545] {strides = array<i32>} : memref<128x128xf32, #tpu.memory_space<vmem>>, vector<1x16xf32>,
          %get3A_547 = vector.shape_cast %get3A_546 : vector<1x16xf32> to vector<16xf32>
          %mul3A_548 = arith.mulf %get3A_547, %broadcast_in_dim3A_519 : vector<16xf32>
          %swap3A_549 = arith.index_cast %add3A_523 : i32 to index
          %swap3A_550 = arith.constant 32 : index
          %swap3A_551 = tpu.vector_load %arg13[%swap3A_549, %swap3A_550] {strides = array<i32>} : memref<128x128xf32, #tpu.memory_space<vmem>>, vector<1x16xf32>,
          %swap3A_552 = vector.shape_cast %swap3A_551 : vector<1x16xf32> to vector<16xf32>
          %swap3A_553 = vector.shape_cast %mul3A_548 : vector<16xf32> to vector<1x16xf32>
          tpu.vector_store %arg13[%swap3A_549, %swap3A_550], %swap3A_553 {strides = array<i32>} : memref<128x128xf32, #tpu.memory_space<vmem>>, vector<1x16xf32>,
          %get3A_554 = arith.index_cast %add3A_523 : i32 to index
          %get3A_555 = arith.constant 48 : index
          %get3A_556 = tpu.vector_load %arg13[%get3A_554, %get3A_555] {strides = array<i32>} : memref<128x128xf32, #tpu.memory_space<vmem>>, vector<1x16xf32>,
          %get3A_557 = vector.shape_cast %get3A_556 : vector<1x16xf32> to vector<16xf32>
          %mul3A_558 = arith.mulf %get3A_557, %broadcast_in_dim3A_519 : vector<16xf32>
          %swap3A_559 = arith.index_cast %add3A_523 : i32 to index
          %swap3A_560 = arith.constant 48 : index
          %swap3A_561 = tpu.vector_load %arg13[%swap3A_559, %swap3A_560] {strides = array<i32>} : memref<128x128xf32, #tpu.memory_space<vmem>>, vector<1x16xf32>,
          %swap3A_562 = vector.shape_cast %swap3A_561 : vector<1x16xf32> to vector<16xf32>
          %swap3A_563 = vector.shape_cast %mul3A_558 : vector<16xf32> to vector<1x16xf32>
          tpu.vector_store %arg13[%swap3A_559, %swap3A_560], %swap3A_563 {strides = array<i32>} : memref<128x128xf32, #tpu.memory_space<vmem>>, vector<1x16xf32>,
          %get3A_564 = arith.index_cast %add3A_523 : i32 to index
          %get3A_565 = arith.constant 64 : index
          %get3A_566 = tpu.vector_load %arg13[%get3A_564, %get3A_565] {strides = array<i32>} : memref<128x128xf32, #tpu.memory_space<vmem>>, vector<1x16xf32>,
          %get3A_567 = vector.shape_cast %get3A_566 : vector<1x16xf32> to vector<16xf32>
          %mul3A_568 = arith.mulf %get3A_567, %broadcast_in_dim3A_519 : vector<16xf32>
          %swap3A_569 = arith.index_cast %add3A_523 : i32 to index
          %swap3A_570 = arith.constant 64 : index
          %swap3A_571 = tpu.vector_load %arg13[%swap3A_569, %swap3A_570] {strides = array<i32>} : memref<128x128xf32, #tpu.memory_space<vmem>>, vector<1x16xf32>,
          %swap3A_572 = vector.shape_cast %swap3A_571 : vector<1x16xf32> to vector<16xf32>
          %swap3A_573 = vector.shape_cast %mul3A_568 : vector<16xf32> to vector<1x16xf32>
          tpu.vector_store %arg13[%swap3A_569, %swap3A_570], %swap3A_573 {strides = array<i32>} : memref<128x128xf32, #tpu.memory_space<vmem>>, vector<1x16xf32>,
          %get3A_574 = arith.index_cast %add3A_523 : i32 to index
          %get3A_575 = arith.constant 80 : index
          %get3A_576 = tpu.vector_load %arg13[%get3A_574, %get3A_575] {strides = array<i32>} : memref<128x128xf32, #tpu.memory_space<vmem>>, vector<1x16xf32>,
          %get3A_577 = vector.shape_cast %get3A_576 : vector<1x16xf32> to vector<16xf32>
          %mul3A_578 = arith.mulf %get3A_577, %broadcast_in_dim3A_519 : vector<16xf32>
          %swap3A_579 = arith.index_cast %add3A_523 : i32 to index
          %swap3A_580 = arith.constant 80 : index
          %swap3A_581 = tpu.vector_load %arg13[%swap3A_579, %swap3A_580] {strides = array<i32>} : memref<128x128xf32, #tpu.memory_space<vmem>>, vector<1x16xf32>,
          %swap3A_582 = vector.shape_cast %swap3A_581 : vector<1x16xf32> to vector<16xf32>
          %swap3A_583 = vector.shape_cast %mul3A_578 : vector<16xf32> to vector<1x16xf32>
          tpu.vector_store %arg13[%swap3A_579, %swap3A_580], %swap3A_583 {strides = array<i32>} : memref<128x128xf32, #tpu.memory_space<vmem>>, vector<1x16xf32>,
          %get3A_584 = arith.index_cast %add3A_523 : i32 to index
          %get3A_585 = arith.constant 96 : index
          %get3A_586 = tpu.vector_load %arg13[%get3A_584, %get3A_585] {strides = array<i32>} : memref<128x128xf32, #tpu.memory_space<vmem>>, vector<1x16xf32>,
          %get3A_587 = vector.shape_cast %get3A_586 : vector<1x16xf32> to vector<16xf32>
          %mul3A_588 = arith.mulf %get3A_587, %broadcast_in_dim3A_519 : vector<16xf32>
          %swap3A_589 = arith.index_cast %add3A_523 : i32 to index
          %swap3A_590 = arith.constant 96 : index
          %swap3A_591 = tpu.vector_load %arg13[%swap3A_589, %swap3A_590] {strides = array<i32>} : memref<128x128xf32, #tpu.memory_space<vmem>>, vector<1x16xf32>,
          %swap3A_592 = vector.shape_cast %swap3A_591 : vector<1x16xf32> to vector<16xf32>
          %swap3A_593 = vector.shape_cast %mul3A_588 : vector<16xf32> to vector<1x16xf32>
          tpu.vector_store %arg13[%swap3A_589, %swap3A_590], %swap3A_593 {strides = array<i32>} : memref<128x128xf32, #tpu.memory_space<vmem>>, vector<1x16xf32>,
          %get3A_594 = arith.index_cast %add3A_523 : i32 to index
          %get3A_595 = arith.constant 112 : index
          %get3A_596 = tpu.vector_load %arg13[%get3A_594, %get3A_595] {strides = array<i32>} : memref<128x128xf32, #tpu.memory_space<vmem>>, vector<1x16xf32>,
          %get3A_597 = vector.shape_cast %get3A_596 : vector<1x16xf32> to vector<16xf32>
          %mul3A_598 = arith.mulf %get3A_597, %broadcast_in_dim3A_519 : vector<16xf32>
          %swap3A_599 = arith.index_cast %add3A_523 : i32 to index
          %swap3A_600 = arith.constant 112 : index
          %swap3A_601 = tpu.vector_load %arg13[%swap3A_599, %swap3A_600] {strides = array<i32>} : memref<128x128xf32, #tpu.memory_space<vmem>>, vector<1x16xf32>,
          %swap3A_602 = vector.shape_cast %swap3A_601 : vector<1x16xf32> to vector<16xf32>
          %swap3A_603 = vector.shape_cast %mul3A_598 : vector<16xf32> to vector<1x16xf32>
          tpu.vector_store %arg13[%swap3A_599, %swap3A_600], %swap3A_603 {strides = array<i32>} : memref<128x128xf32, #tpu.memory_space<vmem>>, vector<1x16xf32>,
          %slice3A_604 = vector.extract_strided_slice %get3A_85 {offsets = [6], sizes = [1], strides = [1]} : vector<16xf32> to vector<1xf32>
          %squeeze3A_605 = vector.extract %slice3A_604[0] : f32 from vector<1xf32>
          %broadcast_in_dim3A_606 = vector.broadcast %squeeze3A_605 : f32 to vector<16xf32>
          %mul3A_607 = arith.constant 16 : i32
          %mul3A_608 = arith.muli %scan3A_79, %mul3A_607 : i32
          %add3A_609 = arith.constant 6 : i32
          %add3A_610 = arith.addi %mul3A_608, %add3A_609 : i32
          %get3A_611 = arith.index_cast %add3A_610 : i32 to index
          %get3A_612 = arith.constant 0 : index
          %get3A_613 = tpu.vector_load %arg13[%get3A_611, %get3A_612] {strides = array<i32>} : memref<128x128xf32, #tpu.memory_space<vmem>>, vector<1x16xf32>,
          %get3A_614 = vector.shape_cast %get3A_613 : vector<1x16xf32> to vector<16xf32>
          %mul3A_615 = arith.mulf %get3A_614, %broadcast_in_dim3A_606 : vector<16xf32>
          %swap3A_616 = arith.index_cast %add3A_610 : i32 to index
          %swap3A_617 = arith.constant 0 : index
          %swap3A_618 = tpu.vector_load %arg13[%swap3A_616, %swap3A_617] {strides = array<i32>} : memref<128x128xf32, #tpu.memory_space<vmem>>, vector<1x16xf32>,
          %swap3A_619 = vector.shape_cast %swap3A_618 : vector<1x16xf32> to vector<16xf32>
          %swap3A_620 = vector.shape_cast %mul3A_615 : vector<16xf32> to vector<1x16xf32>
          tpu.vector_store %arg13[%swap3A_616, %swap3A_617], %swap3A_620 {strides = array<i32>} : memref<128x128xf32, #tpu.memory_space<vmem>>, vector<1x16xf32>,
          %get3A_621 = arith.index_cast %add3A_610 : i32 to index
          %get3A_622 = arith.constant 16 : index
          %get3A_623 = tpu.vector_load %arg13[%get3A_621, %get3A_622] {strides = array<i32>} : memref<128x128xf32, #tpu.memory_space<vmem>>, vector<1x16xf32>,
          %get3A_624 = vector.shape_cast %get3A_623 : vector<1x16xf32> to vector<16xf32>
          %mul3A_625 = arith.mulf %get3A_624, %broadcast_in_dim3A_606 : vector<16xf32>
          %swap3A_626 = arith.index_cast %add3A_610 : i32 to index
          %swap3A_627 = arith.constant 16 : index
          %swap3A_628 = tpu.vector_load %arg13[%swap3A_626, %swap3A_627] {strides = array<i32>} : memref<128x128xf32, #tpu.memory_space<vmem>>, vector<1x16xf32>,
          %swap3A_629 = vector.shape_cast %swap3A_628 : vector<1x16xf32> to vector<16xf32>
          %swap3A_630 = vector.shape_cast %mul3A_625 : vector<16xf32> to vector<1x16xf32>
          tpu.vector_store %arg13[%swap3A_626, %swap3A_627], %swap3A_630 {strides = array<i32>} : memref<128x128xf32, #tpu.memory_space<vmem>>, vector<1x16xf32>,
          %get3A_631 = arith.index_cast %add3A_610 : i32 to index
          %get3A_632 = arith.constant 32 : index
          %get3A_633 = tpu.vector_load %arg13[%get3A_631, %get3A_632] {strides = array<i32>} : memref<128x128xf32, #tpu.memory_space<vmem>>, vector<1x16xf32>,
          %get3A_634 = vector.shape_cast %get3A_633 : vector<1x16xf32> to vector<16xf32>
          %mul3A_635 = arith.mulf %get3A_634, %broadcast_in_dim3A_606 : vector<16xf32>
          %swap3A_636 = arith.index_cast %add3A_610 : i32 to index
          %swap3A_637 = arith.constant 32 : index
          %swap3A_638 = tpu.vector_load %arg13[%swap3A_636, %swap3A_637] {strides = array<i32>} : memref<128x128xf32, #tpu.memory_space<vmem>>, vector<1x16xf32>,
          %swap3A_639 = vector.shape_cast %swap3A_638 : vector<1x16xf32> to vector<16xf32>
          %swap3A_640 = vector.shape_cast %mul3A_635 : vector<16xf32> to vector<1x16xf32>
          tpu.vector_store %arg13[%swap3A_636, %swap3A_637], %swap3A_640 {strides = array<i32>} : memref<128x128xf32, #tpu.memory_space<vmem>>, vector<1x16xf32>,
          %get3A_641 = arith.index_cast %add3A_610 : i32 to index
          %get3A_642 = arith.constant 48 : index
          %get3A_643 = tpu.vector_load %arg13[%get3A_641, %get3A_642] {strides = array<i32>} : memref<128x128xf32, #tpu.memory_space<vmem>>, vector<1x16xf32>,
          %get3A_644 = vector.shape_cast %get3A_643 : vector<1x16xf32> to vector<16xf32>
          %mul3A_645 = arith.mulf %get3A_644, %broadcast_in_dim3A_606 : vector<16xf32>
          %swap3A_646 = arith.index_cast %add3A_610 : i32 to index
          %swap3A_647 = arith.constant 48 : index
          %swap3A_648 = tpu.vector_load %arg13[%swap3A_646, %swap3A_647] {strides = array<i32>} : memref<128x128xf32, #tpu.memory_space<vmem>>, vector<1x16xf32>,
          %swap3A_649 = vector.shape_cast %swap3A_648 : vector<1x16xf32> to vector<16xf32>
          %swap3A_650 = vector.shape_cast %mul3A_645 : vector<16xf32> to vector<1x16xf32>
          tpu.vector_store %arg13[%swap3A_646, %swap3A_647], %swap3A_650 {strides = array<i32>} : memref<128x128xf32, #tpu.memory_space<vmem>>, vector<1x16xf32>,
          %get3A_651 = arith.index_cast %add3A_610 : i32 to index
          %get3A_652 = arith.constant 64 : index
          %get3A_653 = tpu.vector_load %arg13[%get3A_651, %get3A_652] {strides = array<i32>} : memref<128x128xf32, #tpu.memory_space<vmem>>, vector<1x16xf32>,
          %get3A_654 = vector.shape_cast %get3A_653 : vector<1x16xf32> to vector<16xf32>
          %mul3A_655 = arith.mulf %get3A_654, %broadcast_in_dim3A_606 : vector<16xf32>
          %swap3A_656 = arith.index_cast %add3A_610 : i32 to index
          %swap3A_657 = arith.constant 64 : index
          %swap3A_658 = tpu.vector_load %arg13[%swap3A_656, %swap3A_657] {strides = array<i32>} : memref<128x128xf32, #tpu.memory_space<vmem>>, vector<1x16xf32>,
          %swap3A_659 = vector.shape_cast %swap3A_658 : vector<1x16xf32> to vector<16xf32>
          %swap3A_660 = vector.shape_cast %mul3A_655 : vector<16xf32> to vector<1x16xf32>
          tpu.vector_store %arg13[%swap3A_656, %swap3A_657], %swap3A_660 {strides = array<i32>} : memref<128x128xf32, #tpu.memory_space<vmem>>, vector<1x16xf32>,
          %get3A_661 = arith.index_cast %add3A_610 : i32 to index
          %get3A_662 = arith.constant 80 : index
          %get3A_663 = tpu.vector_load %arg13[%get3A_661, %get3A_662] {strides = array<i32>} : memref<128x128xf32, #tpu.memory_space<vmem>>, vector<1x16xf32>,
          %get3A_664 = vector.shape_cast %get3A_663 : vector<1x16xf32> to vector<16xf32>
          %mul3A_665 = arith.mulf %get3A_664, %broadcast_in_dim3A_606 : vector<16xf32>
          %swap3A_666 = arith.index_cast %add3A_610 : i32 to index
          %swap3A_667 = arith.constant 80 : index
          %swap3A_668 = tpu.vector_load %arg13[%swap3A_666, %swap3A_667] {strides = array<i32>} : memref<128x128xf32, #tpu.memory_space<vmem>>, vector<1x16xf32>,
          %swap3A_669 = vector.shape_cast %swap3A_668 : vector<1x16xf32> to vector<16xf32>
          %swap3A_670 = vector.shape_cast %mul3A_665 : vector<16xf32> to vector<1x16xf32>
          tpu.vector_store %arg13[%swap3A_666, %swap3A_667], %swap3A_670 {strides = array<i32>} : memref<128x128xf32, #tpu.memory_space<vmem>>, vector<1x16xf32>,
          %get3A_671 = arith.index_cast %add3A_610 : i32 to index
          %get3A_672 = arith.constant 96 : index
          %get3A_673 = tpu.vector_load %arg13[%get3A_671, %get3A_672] {strides = array<i32>} : memref<128x128xf32, #tpu.memory_space<vmem>>, vector<1x16xf32>,
          %get3A_674 = vector.shape_cast %get3A_673 : vector<1x16xf32> to vector<16xf32>
          %mul3A_675 = arith.mulf %get3A_674, %broadcast_in_dim3A_606 : vector<16xf32>
          %swap3A_676 = arith.index_cast %add3A_610 : i32 to index
          %swap3A_677 = arith.constant 96 : index
          %swap3A_678 = tpu.vector_load %arg13[%swap3A_676, %swap3A_677] {strides = array<i32>} : memref<128x128xf32, #tpu.memory_space<vmem>>, vector<1x16xf32>,
          %swap3A_679 = vector.shape_cast %swap3A_678 : vector<1x16xf32> to vector<16xf32>
          %swap3A_680 = vector.shape_cast %mul3A_675 : vector<16xf32> to vector<1x16xf32>
          tpu.vector_store %arg13[%swap3A_676, %swap3A_677], %swap3A_680 {strides = array<i32>} : memref<128x128xf32, #tpu.memory_space<vmem>>, vector<1x16xf32>,
          %get3A_681 = arith.index_cast %add3A_610 : i32 to index
          %get3A_682 = arith.constant 112 : index
          %get3A_683 = tpu.vector_load %arg13[%get3A_681, %get3A_682] {strides = array<i32>} : memref<128x128xf32, #tpu.memory_space<vmem>>, vector<1x16xf32>,
          %get3A_684 = vector.shape_cast %get3A_683 : vector<1x16xf32> to vector<16xf32>
          %mul3A_685 = arith.mulf %get3A_684, %broadcast_in_dim3A_606 : vector<16xf32>
          %swap3A_686 = arith.index_cast %add3A_610 : i32 to index
          %swap3A_687 = arith.constant 112 : index
          %swap3A_688 = tpu.vector_load %arg13[%swap3A_686, %swap3A_687] {strides = array<i32>} : memref<128x128xf32, #tpu.memory_space<vmem>>, vector<1x16xf32>,
          %swap3A_689 = vector.shape_cast %swap3A_688 : vector<1x16xf32> to vector<16xf32>
          %swap3A_690 = vector.shape_cast %mul3A_685 : vector<16xf32> to vector<1x16xf32>
          tpu.vector_store %arg13[%swap3A_686, %swap3A_687], %swap3A_690 {strides = array<i32>} : memref<128x128xf32, #tpu.memory_space<vmem>>, vector<1x16xf32>,
          %slice3A_691 = vector.extract_strided_slice %get3A_85 {offsets = [7], sizes = [1], strides = [1]} : vector<16xf32> to vector<1xf32>
          %squeeze3A_692 = vector.extract %slice3A_691[0] : f32 from vector<1xf32>
          %broadcast_in_dim3A_693 = vector.broadcast %squeeze3A_692 : f32 to vector<16xf32>
          %mul3A_694 = arith.constant 16 : i32
          %mul3A_695 = arith.muli %scan3A_79, %mul3A_694 : i32
          %add3A_696 = arith.constant 7 : i32
          %add3A_697 = arith.addi %mul3A_695, %add3A_696 : i32
          %get3A_698 = arith.index_cast %add3A_697 : i32 to index
          %get3A_699 = arith.constant 0 : index
          %get3A_700 = tpu.vector_load %arg13[%get3A_698, %get3A_699] {strides = array<i32>} : memref<128x128xf32, #tpu.memory_space<vmem>>, vector<1x16xf32>,
          %get3A_701 = vector.shape_cast %get3A_700 : vector<1x16xf32> to vector<16xf32>
          %mul3A_702 = arith.mulf %get3A_701, %broadcast_in_dim3A_693 : vector<16xf32>
          %swap3A_703 = arith.index_cast %add3A_697 : i32 to index
          %swap3A_704 = arith.constant 0 : index
          %swap3A_705 = tpu.vector_load %arg13[%swap3A_703, %swap3A_704] {strides = array<i32>} : memref<128x128xf32, #tpu.memory_space<vmem>>, vector<1x16xf32>,
          %swap3A_706 = vector.shape_cast %swap3A_705 : vector<1x16xf32> to vector<16xf32>
          %swap3A_707 = vector.shape_cast %mul3A_702 : vector<16xf32> to vector<1x16xf32>
          tpu.vector_store %arg13[%swap3A_703, %swap3A_704], %swap3A_707 {strides = array<i32>} : memref<128x128xf32, #tpu.memory_space<vmem>>, vector<1x16xf32>,
          %get3A_708 = arith.index_cast %add3A_697 : i32 to index
          %get3A_709 = arith.constant 16 : index
          %get3A_710 = tpu.vector_load %arg13[%get3A_708, %get3A_709] {strides = array<i32>} : memref<128x128xf32, #tpu.memory_space<vmem>>, vector<1x16xf32>,
          %get3A_711 = vector.shape_cast %get3A_710 : vector<1x16xf32> to vector<16xf32>
          %mul3A_712 = arith.mulf %get3A_711, %broadcast_in_dim3A_693 : vector<16xf32>
          %swap3A_713 = arith.index_cast %add3A_697 : i32 to index
          %swap3A_714 = arith.constant 16 : index
          %swap3A_715 = tpu.vector_load %arg13[%swap3A_713, %swap3A_714] {strides = array<i32>} : memref<128x128xf32, #tpu.memory_space<vmem>>, vector<1x16xf32>,
          %swap3A_716 = vector.shape_cast %swap3A_715 : vector<1x16xf32> to vector<16xf32>
          %swap3A_717 = vector.shape_cast %mul3A_712 : vector<16xf32> to vector<1x16xf32>
          tpu.vector_store %arg13[%swap3A_713, %swap3A_714], %swap3A_717 {strides = array<i32>} : memref<128x128xf32, #tpu.memory_space<vmem>>, vector<1x16xf32>,
          %get3A_718 = arith.index_cast %add3A_697 : i32 to index
          %get3A_719 = arith.constant 32 : index
          %get3A_720 = tpu.vector_load %arg13[%get3A_718, %get3A_719] {strides = array<i32>} : memref<128x128xf32, #tpu.memory_space<vmem>>, vector<1x16xf32>,
          %get3A_721 = vector.shape_cast %get3A_720 : vector<1x16xf32> to vector<16xf32>
          %mul3A_722 = arith.mulf %get3A_721, %broadcast_in_dim3A_693 : vector<16xf32>
          %swap3A_723 = arith.index_cast %add3A_697 : i32 to index
          %swap3A_724 = arith.constant 32 : index
          %swap3A_725 = tpu.vector_load %arg13[%swap3A_723, %swap3A_724] {strides = array<i32>} : memref<128x128xf32, #tpu.memory_space<vmem>>, vector<1x16xf32>,
          %swap3A_726 = vector.shape_cast %swap3A_725 : vector<1x16xf32> to vector<16xf32>
          %swap3A_727 = vector.shape_cast %mul3A_722 : vector<16xf32> to vector<1x16xf32>
          tpu.vector_store %arg13[%swap3A_723, %swap3A_724], %swap3A_727 {strides = array<i32>} : memref<128x128xf32, #tpu.memory_space<vmem>>, vector<1x16xf32>,
          %get3A_728 = arith.index_cast %add3A_697 : i32 to index
          %get3A_729 = arith.constant 48 : index
          %get3A_730 = tpu.vector_load %arg13[%get3A_728, %get3A_729] {strides = array<i32>} : memref<128x128xf32, #tpu.memory_space<vmem>>, vector<1x16xf32>,
          %get3A_731 = vector.shape_cast %get3A_730 : vector<1x16xf32> to vector<16xf32>
          %mul3A_732 = arith.mulf %get3A_731, %broadcast_in_dim3A_693 : vector<16xf32>
          %swap3A_733 = arith.index_cast %add3A_697 : i32 to index
          %swap3A_734 = arith.constant 48 : index
          %swap3A_735 = tpu.vector_load %arg13[%swap3A_733, %swap3A_734] {strides = array<i32>} : memref<128x128xf32, #tpu.memory_space<vmem>>, vector<1x16xf32>,
          %swap3A_736 = vector.shape_cast %swap3A_735 : vector<1x16xf32> to vector<16xf32>
          %swap3A_737 = vector.shape_cast %mul3A_732 : vector<16xf32> to vector<1x16xf32>
          tpu.vector_store %arg13[%swap3A_733, %swap3A_734], %swap3A_737 {strides = array<i32>} : memref<128x128xf32, #tpu.memory_space<vmem>>, vector<1x16xf32>,
          %get3A_738 = arith.index_cast %add3A_697 : i32 to index
          %get3A_739 = arith.constant 64 : index
          %get3A_740 = tpu.vector_load %arg13[%get3A_738, %get3A_739] {strides = array<i32>} : memref<128x128xf32, #tpu.memory_space<vmem>>, vector<1x16xf32>,
          %get3A_741 = vector.shape_cast %get3A_740 : vector<1x16xf32> to vector<16xf32>
          %mul3A_742 = arith.mulf %get3A_741, %broadcast_in_dim3A_693 : vector<16xf32>
          %swap3A_743 = arith.index_cast %add3A_697 : i32 to index
          %swap3A_744 = arith.constant 64 : index
          %swap3A_745 = tpu.vector_load %arg13[%swap3A_743, %swap3A_744] {strides = array<i32>} : memref<128x128xf32, #tpu.memory_space<vmem>>, vector<1x16xf32>,
          %swap3A_746 = vector.shape_cast %swap3A_745 : vector<1x16xf32> to vector<16xf32>
          %swap3A_747 = vector.shape_cast %mul3A_742 : vector<16xf32> to vector<1x16xf32>
          tpu.vector_store %arg13[%swap3A_743, %swap3A_744], %swap3A_747 {strides = array<i32>} : memref<128x128xf32, #tpu.memory_space<vmem>>, vector<1x16xf32>,
          %get3A_748 = arith.index_cast %add3A_697 : i32 to index
          %get3A_749 = arith.constant 80 : index
          %get3A_750 = tpu.vector_load %arg13[%get3A_748, %get3A_749] {strides = array<i32>} : memref<128x128xf32, #tpu.memory_space<vmem>>, vector<1x16xf32>,
          %get3A_751 = vector.shape_cast %get3A_750 : vector<1x16xf32> to vector<16xf32>
          %mul3A_752 = arith.mulf %get3A_751, %broadcast_in_dim3A_693 : vector<16xf32>
          %swap3A_753 = arith.index_cast %add3A_697 : i32 to index
          %swap3A_754 = arith.constant 80 : index
          %swap3A_755 = tpu.vector_load %arg13[%swap3A_753, %swap3A_754] {strides = array<i32>} : memref<128x128xf32, #tpu.memory_space<vmem>>, vector<1x16xf32>,
          %swap3A_756 = vector.shape_cast %swap3A_755 : vector<1x16xf32> to vector<16xf32>
          %swap3A_757 = vector.shape_cast %mul3A_752 : vector<16xf32> to vector<1x16xf32>
          tpu.vector_store %arg13[%swap3A_753, %swap3A_754], %swap3A_757 {strides = array<i32>} : memref<128x128xf32, #tpu.memory_space<vmem>>, vector<1x16xf32>,
          %get3A_758 = arith.index_cast %add3A_697 : i32 to index
          %get3A_759 = arith.constant 96 : index
          %get3A_760 = tpu.vector_load %arg13[%get3A_758, %get3A_759] {strides = array<i32>} : memref<128x128xf32, #tpu.memory_space<vmem>>, vector<1x16xf32>,
          %get3A_761 = vector.shape_cast %get3A_760 : vector<1x16xf32> to vector<16xf32>
          %mul3A_762 = arith.mulf %get3A_761, %broadcast_in_dim3A_693 : vector<16xf32>
          %swap3A_763 = arith.index_cast %add3A_697 : i32 to index
          %swap3A_764 = arith.constant 96 : index
          %swap3A_765 = tpu.vector_load %arg13[%swap3A_763, %swap3A_764] {strides = array<i32>} : memref<128x128xf32, #tpu.memory_space<vmem>>, vector<1x16xf32>,
          %swap3A_766 = vector.shape_cast %swap3A_765 : vector<1x16xf32> to vector<16xf32>
          %swap3A_767 = vector.shape_cast %mul3A_762 : vector<16xf32> to vector<1x16xf32>
          tpu.vector_store %arg13[%swap3A_763, %swap3A_764], %swap3A_767 {strides = array<i32>} : memref<128x128xf32, #tpu.memory_space<vmem>>, vector<1x16xf32>,
          %get3A_768 = arith.index_cast %add3A_697 : i32 to index
          %get3A_769 = arith.constant 112 : index
          %get3A_770 = tpu.vector_load %arg13[%get3A_768, %get3A_769] {strides = array<i32>} : memref<128x128xf32, #tpu.memory_space<vmem>>, vector<1x16xf32>,
          %get3A_771 = vector.shape_cast %get3A_770 : vector<1x16xf32> to vector<16xf32>
          %mul3A_772 = arith.mulf %get3A_771, %broadcast_in_dim3A_693 : vector<16xf32>
          %swap3A_773 = arith.index_cast %add3A_697 : i32 to index
          %swap3A_774 = arith.constant 112 : index
          %swap3A_775 = tpu.vector_load %arg13[%swap3A_773, %swap3A_774] {strides = array<i32>} : memref<128x128xf32, #tpu.memory_space<vmem>>, vector<1x16xf32>,
          %swap3A_776 = vector.shape_cast %swap3A_775 : vector<1x16xf32> to vector<16xf32>
          %swap3A_777 = vector.shape_cast %mul3A_772 : vector<16xf32> to vector<1x16xf32>
          tpu.vector_store %arg13[%swap3A_773, %swap3A_774], %swap3A_777 {strides = array<i32>} : memref<128x128xf32, #tpu.memory_space<vmem>>, vector<1x16xf32>,
          %slice3A_778 = vector.extract_strided_slice %get3A_85 {offsets = [8], sizes = [1], strides = [1]} : vector<16xf32> to vector<1xf32>
          %squeeze3A_779 = vector.extract %slice3A_778[0] : f32 from vector<1xf32>
          %broadcast_in_dim3A_780 = vector.broadcast %squeeze3A_779 : f32 to vector<16xf32>
          %mul3A_781 = arith.constant 16 : i32
          %mul3A_782 = arith.muli %scan3A_79, %mul3A_781 : i32
          %add3A_783 = arith.constant 8 : i32
          %add3A_784 = arith.addi %mul3A_782, %add3A_783 : i32
          %get3A_785 = arith.index_cast %add3A_784 : i32 to index
          %get3A_786 = arith.constant 0 : index
          %get3A_787 = tpu.vector_load %arg13[%get3A_785, %get3A_786] {strides = array<i32>} : memref<128x128xf32, #tpu.memory_space<vmem>>, vector<1x16xf32>,
          %get3A_788 = vector.shape_cast %get3A_787 : vector<1x16xf32> to vector<16xf32>
          %mul3A_789 = arith.mulf %get3A_788, %broadcast_in_dim3A_780 : vector<16xf32>
          %swap3A_790 = arith.index_cast %add3A_784 : i32 to index
          %swap3A_791 = arith.constant 0 : index
          %swap3A_792 = tpu.vector_load %arg13[%swap3A_790, %swap3A_791] {strides = array<i32>} : memref<128x128xf32, #tpu.memory_space<vmem>>, vector<1x16xf32>,
          %swap3A_793 = vector.shape_cast %swap3A_792 : vector<1x16xf32> to vector<16xf32>
          %swap3A_794 = vector.shape_cast %mul3A_789 : vector<16xf32> to vector<1x16xf32>
          tpu.vector_store %arg13[%swap3A_790, %swap3A_791], %swap3A_794 {strides = array<i32>} : memref<128x128xf32, #tpu.memory_space<vmem>>, vector<1x16xf32>,
          %get3A_795 = arith.index_cast %add3A_784 : i32 to index
          %get3A_796 = arith.constant 16 : index
          %get3A_797 = tpu.vector_load %arg13[%get3A_795, %get3A_796] {strides = array<i32>} : memref<128x128xf32, #tpu.memory_space<vmem>>, vector<1x16xf32>,
          %get3A_798 = vector.shape_cast %get3A_797 : vector<1x16xf32> to vector<16xf32>
          %mul3A_799 = arith.mulf %get3A_798, %broadcast_in_dim3A_780 : vector<16xf32>
          %swap3A_800 = arith.index_cast %add3A_784 : i32 to index
          %swap3A_801 = arith.constant 16 : index
          %swap3A_802 = tpu.vector_load %arg13[%swap3A_800, %swap3A_801] {strides = array<i32>} : memref<128x128xf32, #tpu.memory_space<vmem>>, vector<1x16xf32>,
          %swap3A_803 = vector.shape_cast %swap3A_802 : vector<1x16xf32> to vector<16xf32>
          %swap3A_804 = vector.shape_cast %mul3A_799 : vector<16xf32> to vector<1x16xf32>
          tpu.vector_store %arg13[%swap3A_800, %swap3A_801], %swap3A_804 {strides = array<i32>} : memref<128x128xf32, #tpu.memory_space<vmem>>, vector<1x16xf32>,
          %get3A_805 = arith.index_cast %add3A_784 : i32 to index
          %get3A_806 = arith.constant 32 : index
          %get3A_807 = tpu.vector_load %arg13[%get3A_805, %get3A_806] {strides = array<i32>} : memref<128x128xf32, #tpu.memory_space<vmem>>, vector<1x16xf32>,
          %get3A_808 = vector.shape_cast %get3A_807 : vector<1x16xf32> to vector<16xf32>
          %mul3A_809 = arith.mulf %get3A_808, %broadcast_in_dim3A_780 : vector<16xf32>
          %swap3A_810 = arith.index_cast %add3A_784 : i32 to index
          %swap3A_811 = arith.constant 32 : index
          %swap3A_812 = tpu.vector_load %arg13[%swap3A_810, %swap3A_811] {strides = array<i32>} : memref<128x128xf32, #tpu.memory_space<vmem>>, vector<1x16xf32>,
          %swap3A_813 = vector.shape_cast %swap3A_812 : vector<1x16xf32> to vector<16xf32>
          %swap3A_814 = vector.shape_cast %mul3A_809 : vector<16xf32> to vector<1x16xf32>
          tpu.vector_store %arg13[%swap3A_810, %swap3A_811], %swap3A_814 {strides = array<i32>} : memref<128x128xf32, #tpu.memory_space<vmem>>, vector<1x16xf32>,
          %get3A_815 = arith.index_cast %add3A_784 : i32 to index
          %get3A_816 = arith.constant 48 : index
          %get3A_817 = tpu.vector_load %arg13[%get3A_815, %get3A_816] {strides = array<i32>} : memref<128x128xf32, #tpu.memory_space<vmem>>, vector<1x16xf32>,
          %get3A_818 = vector.shape_cast %get3A_817 : vector<1x16xf32> to vector<16xf32>
          %mul3A_819 = arith.mulf %get3A_818, %broadcast_in_dim3A_780 : vector<16xf32>
          %swap3A_820 = arith.index_cast %add3A_784 : i32 to index
          %swap3A_821 = arith.constant 48 : index
          %swap3A_822 = tpu.vector_load %arg13[%swap3A_820, %swap3A_821] {strides = array<i32>} : memref<128x128xf32, #tpu.memory_space<vmem>>, vector<1x16xf32>,
          %swap3A_823 = vector.shape_cast %swap3A_822 : vector<1x16xf32> to vector<16xf32>
          %swap3A_824 = vector.shape_cast %mul3A_819 : vector<16xf32> to vector<1x16xf32>
          tpu.vector_store %arg13[%swap3A_820, %swap3A_821], %swap3A_824 {strides = array<i32>} : memref<128x128xf32, #tpu.memory_space<vmem>>, vector<1x16xf32>,
          %get3A_825 = arith.index_cast %add3A_784 : i32 to index
          %get3A_826 = arith.constant 64 : index
          %get3A_827 = tpu.vector_load %arg13[%get3A_825, %get3A_826] {strides = array<i32>} : memref<128x128xf32, #tpu.memory_space<vmem>>, vector<1x16xf32>,
          %get3A_828 = vector.shape_cast %get3A_827 : vector<1x16xf32> to vector<16xf32>
          %mul3A_829 = arith.mulf %get3A_828, %broadcast_in_dim3A_780 : vector<16xf32>
          %swap3A_830 = arith.index_cast %add3A_784 : i32 to index
          %swap3A_831 = arith.constant 64 : index
          %swap3A_832 = tpu.vector_load %arg13[%swap3A_830, %swap3A_831] {strides = array<i32>} : memref<128x128xf32, #tpu.memory_space<vmem>>, vector<1x16xf32>,
          %swap3A_833 = vector.shape_cast %swap3A_832 : vector<1x16xf32> to vector<16xf32>
          %swap3A_834 = vector.shape_cast %mul3A_829 : vector<16xf32> to vector<1x16xf32>
          tpu.vector_store %arg13[%swap3A_830, %swap3A_831], %swap3A_834 {strides = array<i32>} : memref<128x128xf32, #tpu.memory_space<vmem>>, vector<1x16xf32>,
          %get3A_835 = arith.index_cast %add3A_784 : i32 to index
          %get3A_836 = arith.constant 80 : index
          %get3A_837 = tpu.vector_load %arg13[%get3A_835, %get3A_836] {strides = array<i32>} : memref<128x128xf32, #tpu.memory_space<vmem>>, vector<1x16xf32>,
          %get3A_838 = vector.shape_cast %get3A_837 : vector<1x16xf32> to vector<16xf32>
          %mul3A_839 = arith.mulf %get3A_838, %broadcast_in_dim3A_780 : vector<16xf32>
          %swap3A_840 = arith.index_cast %add3A_784 : i32 to index
          %swap3A_841 = arith.constant 80 : index
          %swap3A_842 = tpu.vector_load %arg13[%swap3A_840, %swap3A_841] {strides = array<i32>} : memref<128x128xf32, #tpu.memory_space<vmem>>, vector<1x16xf32>,
          %swap3A_843 = vector.shape_cast %swap3A_842 : vector<1x16xf32> to vector<16xf32>
          %swap3A_844 = vector.shape_cast %mul3A_839 : vector<16xf32> to vector<1x16xf32>
          tpu.vector_store %arg13[%swap3A_840, %swap3A_841], %swap3A_844 {strides = array<i32>} : memref<128x128xf32, #tpu.memory_space<vmem>>, vector<1x16xf32>,
          %get3A_845 = arith.index_cast %add3A_784 : i32 to index
          %get3A_846 = arith.constant 96 : index
          %get3A_847 = tpu.vector_load %arg13[%get3A_845, %get3A_846] {strides = array<i32>} : memref<128x128xf32, #tpu.memory_space<vmem>>, vector<1x16xf32>,
          %get3A_848 = vector.shape_cast %get3A_847 : vector<1x16xf32> to vector<16xf32>
          %mul3A_849 = arith.mulf %get3A_848, %broadcast_in_dim3A_780 : vector<16xf32>
          %swap3A_850 = arith.index_cast %add3A_784 : i32 to index
          %swap3A_851 = arith.constant 96 : index
          %swap3A_852 = tpu.vector_load %arg13[%swap3A_850, %swap3A_851] {strides = array<i32>} : memref<128x128xf32, #tpu.memory_space<vmem>>, vector<1x16xf32>,
          %swap3A_853 = vector.shape_cast %swap3A_852 : vector<1x16xf32> to vector<16xf32>
          %swap3A_854 = vector.shape_cast %mul3A_849 : vector<16xf32> to vector<1x16xf32>
          tpu.vector_store %arg13[%swap3A_850, %swap3A_851], %swap3A_854 {strides = array<i32>} : memref<128x128xf32, #tpu.memory_space<vmem>>, vector<1x16xf32>,
          %get3A_855 = arith.index_cast %add3A_784 : i32 to index
          %get3A_856 = arith.constant 112 : index
          %get3A_857 = tpu.vector_load %arg13[%get3A_855, %get3A_856] {strides = array<i32>} : memref<128x128xf32, #tpu.memory_space<vmem>>, vector<1x16xf32>,
          %get3A_858 = vector.shape_cast %get3A_857 : vector<1x16xf32> to vector<16xf32>
          %mul3A_859 = arith.mulf %get3A_858, %broadcast_in_dim3A_780 : vector<16xf32>
          %swap3A_860 = arith.index_cast %add3A_784 : i32 to index
          %swap3A_861 = arith.constant 112 : index
          %swap3A_862 = tpu.vector_load %arg13[%swap3A_860, %swap3A_861] {strides = array<i32>} : memref<128x128xf32, #tpu.memory_space<vmem>>, vector<1x16xf32>,
          %swap3A_863 = vector.shape_cast %swap3A_862 : vector<1x16xf32> to vector<16xf32>
          %swap3A_864 = vector.shape_cast %mul3A_859 : vector<16xf32> to vector<1x16xf32>
          tpu.vector_store %arg13[%swap3A_860, %swap3A_861], %swap3A_864 {strides = array<i32>} : memref<128x128xf32, #tpu.memory_space<vmem>>, vector<1x16xf32>,
          %slice3A_865 = vector.extract_strided_slice %get3A_85 {offsets = [9], sizes = [1], strides = [1]} : vector<16xf32> to vector<1xf32>
          %squeeze3A_866 = vector.extract %slice3A_865[0] : f32 from vector<1xf32>
          %broadcast_in_dim3A_867 = vector.broadcast %squeeze3A_866 : f32 to vector<16xf32>
          %mul3A_868 = arith.constant 16 : i32
          %mul3A_869 = arith.muli %scan3A_79, %mul3A_868 : i32
          %add3A_870 = arith.constant 9 : i32
          %add3A_871 = arith.addi %mul3A_869, %add3A_870 : i32
          %get3A_872 = arith.index_cast %add3A_871 : i32 to index
          %get3A_873 = arith.constant 0 : index
          %get3A_874 = tpu.vector_load %arg13[%get3A_872, %get3A_873] {strides = array<i32>} : memref<128x128xf32, #tpu.memory_space<vmem>>, vector<1x16xf32>,
          %get3A_875 = vector.shape_cast %get3A_874 : vector<1x16xf32> to vector<16xf32>
          %mul3A_876 = arith.mulf %get3A_875, %broadcast_in_dim3A_867 : vector<16xf32>
          %swap3A_877 = arith.index_cast %add3A_871 : i32 to index
          %swap3A_878 = arith.constant 0 : index
          %swap3A_879 = tpu.vector_load %arg13[%swap3A_877, %swap3A_878] {strides = array<i32>} : memref<128x128xf32, #tpu.memory_space<vmem>>, vector<1x16xf32>,
          %swap3A_880 = vector.shape_cast %swap3A_879 : vector<1x16xf32> to vector<16xf32>
          %swap3A_881 = vector.shape_cast %mul3A_876 : vector<16xf32> to vector<1x16xf32>
          tpu.vector_store %arg13[%swap3A_877, %swap3A_878], %swap3A_881 {strides = array<i32>} : memref<128x128xf32, #tpu.memory_space<vmem>>, vector<1x16xf32>,
          %get3A_882 = arith.index_cast %add3A_871 : i32 to index
          %get3A_883 = arith.constant 16 : index
          %get3A_884 = tpu.vector_load %arg13[%get3A_882, %get3A_883] {strides = array<i32>} : memref<128x128xf32, #tpu.memory_space<vmem>>, vector<1x16xf32>,
          %get3A_885 = vector.shape_cast %get3A_884 : vector<1x16xf32> to vector<16xf32>
          %mul3A_886 = arith.mulf %get3A_885, %broadcast_in_dim3A_867 : vector<16xf32>
          %swap3A_887 = arith.index_cast %add3A_871 : i32 to index
          %swap3A_888 = arith.constant 16 : index
          %swap3A_889 = tpu.vector_load %arg13[%swap3A_887, %swap3A_888] {strides = array<i32>} : memref<128x128xf32, #tpu.memory_space<vmem>>, vector<1x16xf32>,
          %swap3A_890 = vector.shape_cast %swap3A_889 : vector<1x16xf32> to vector<16xf32>
          %swap3A_891 = vector.shape_cast %mul3A_886 : vector<16xf32> to vector<1x16xf32>
          tpu.vector_store %arg13[%swap3A_887, %swap3A_888], %swap3A_891 {strides = array<i32>} : memref<128x128xf32, #tpu.memory_space<vmem>>, vector<1x16xf32>,
          %get3A_892 = arith.index_cast %add3A_871 : i32 to index
          %get3A_893 = arith.constant 32 : index
          %get3A_894 = tpu.vector_load %arg13[%get3A_892, %get3A_893] {strides = array<i32>} : memref<128x128xf32, #tpu.memory_space<vmem>>, vector<1x16xf32>,
          %get3A_895 = vector.shape_cast %get3A_894 : vector<1x16xf32> to vector<16xf32>
          %mul3A_896 = arith.mulf %get3A_895, %broadcast_in_dim3A_867 : vector<16xf32>
          %swap3A_897 = arith.index_cast %add3A_871 : i32 to index
          %swap3A_898 = arith.constant 32 : index
          %swap3A_899 = tpu.vector_load %arg13[%swap3A_897, %swap3A_898] {strides = array<i32>} : memref<128x128xf32, #tpu.memory_space<vmem>>, vector<1x16xf32>,
          %swap3A_900 = vector.shape_cast %swap3A_899 : vector<1x16xf32> to vector<16xf32>
          %swap3A_901 = vector.shape_cast %mul3A_896 : vector<16xf32> to vector<1x16xf32>
          tpu.vector_store %arg13[%swap3A_897, %swap3A_898], %swap3A_901 {strides = array<i32>} : memref<128x128xf32, #tpu.memory_space<vmem>>, vector<1x16xf32>,
          %get3A_902 = arith.index_cast %add3A_871 : i32 to index
          %get3A_903 = arith.constant 48 : index
          %get3A_904 = tpu.vector_load %arg13[%get3A_902, %get3A_903] {strides = array<i32>} : memref<128x128xf32, #tpu.memory_space<vmem>>, vector<1x16xf32>,
          %get3A_905 = vector.shape_cast %get3A_904 : vector<1x16xf32> to vector<16xf32>
          %mul3A_906 = arith.mulf %get3A_905, %broadcast_in_dim3A_867 : vector<16xf32>
          %swap3A_907 = arith.index_cast %add3A_871 : i32 to index
          %swap3A_908 = arith.constant 48 : index
          %swap3A_909 = tpu.vector_load %arg13[%swap3A_907, %swap3A_908] {strides = array<i32>} : memref<128x128xf32, #tpu.memory_space<vmem>>, vector<1x16xf32>,
          %swap3A_910 = vector.shape_cast %swap3A_909 : vector<1x16xf32> to vector<16xf32>
          %swap3A_911 = vector.shape_cast %mul3A_906 : vector<16xf32> to vector<1x16xf32>
          tpu.vector_store %arg13[%swap3A_907, %swap3A_908], %swap3A_911 {strides = array<i32>} : memref<128x128xf32, #tpu.memory_space<vmem>>, vector<1x16xf32>,
          %get3A_912 = arith.index_cast %add3A_871 : i32 to index
          %get3A_913 = arith.constant 64 : index
          %get3A_914 = tpu.vector_load %arg13[%get3A_912, %get3A_913] {strides = array<i32>} : memref<128x128xf32, #tpu.memory_space<vmem>>, vector<1x16xf32>,
          %get3A_915 = vector.shape_cast %get3A_914 : vector<1x16xf32> to vector<16xf32>
          %mul3A_916 = arith.mulf %get3A_915, %broadcast_in_dim3A_867 : vector<16xf32>
          %swap3A_917 = arith.index_cast %add3A_871 : i32 to index
          %swap3A_918 = arith.constant 64 : index
          %swap3A_919 = tpu.vector_load %arg13[%swap3A_917, %swap3A_918] {strides = array<i32>} : memref<128x128xf32, #tpu.memory_space<vmem>>, vector<1x16xf32>,
          %swap3A_920 = vector.shape_cast %swap3A_919 : vector<1x16xf32> to vector<16xf32>
          %swap3A_921 = vector.shape_cast %mul3A_916 : vector<16xf32> to vector<1x16xf32>
          tpu.vector_store %arg13[%swap3A_917, %swap3A_918], %swap3A_921 {strides = array<i32>} : memref<128x128xf32, #tpu.memory_space<vmem>>, vector<1x16xf32>,
          %get3A_922 = arith.index_cast %add3A_871 : i32 to index
          %get3A_923 = arith.constant 80 : index
          %get3A_924 = tpu.vector_load %arg13[%get3A_922, %get3A_923] {strides = array<i32>} : memref<128x128xf32, #tpu.memory_space<vmem>>, vector<1x16xf32>,
          %get3A_925 = vector.shape_cast %get3A_924 : vector<1x16xf32> to vector<16xf32>
          %mul3A_926 = arith.mulf %get3A_925, %broadcast_in_dim3A_867 : vector<16xf32>
          %swap3A_927 = arith.index_cast %add3A_871 : i32 to index
          %swap3A_928 = arith.constant 80 : index
          %swap3A_929 = tpu.vector_load %arg13[%swap3A_927, %swap3A_928] {strides = array<i32>} : memref<128x128xf32, #tpu.memory_space<vmem>>, vector<1x16xf32>,
          %swap3A_930 = vector.shape_cast %swap3A_929 : vector<1x16xf32> to vector<16xf32>
          %swap3A_931 = vector.shape_cast %mul3A_926 : vector<16xf32> to vector<1x16xf32>
          tpu.vector_store %arg13[%swap3A_927, %swap3A_928], %swap3A_931 {strides = array<i32>} : memref<128x128xf32, #tpu.memory_space<vmem>>, vector<1x16xf32>,
          %get3A_932 = arith.index_cast %add3A_871 : i32 to index
          %get3A_933 = arith.constant 96 : index
          %get3A_934 = tpu.vector_load %arg13[%get3A_932, %get3A_933] {strides = array<i32>} : memref<128x128xf32, #tpu.memory_space<vmem>>, vector<1x16xf32>,
          %get3A_935 = vector.shape_cast %get3A_934 : vector<1x16xf32> to vector<16xf32>
          %mul3A_936 = arith.mulf %get3A_935, %broadcast_in_dim3A_867 : vector<16xf32>
          %swap3A_937 = arith.index_cast %add3A_871 : i32 to index
          %swap3A_938 = arith.constant 96 : index
          %swap3A_939 = tpu.vector_load %arg13[%swap3A_937, %swap3A_938] {strides = array<i32>} : memref<128x128xf32, #tpu.memory_space<vmem>>, vector<1x16xf32>,
          %swap3A_940 = vector.shape_cast %swap3A_939 : vector<1x16xf32> to vector<16xf32>
          %swap3A_941 = vector.shape_cast %mul3A_936 : vector<16xf32> to vector<1x16xf32>
          tpu.vector_store %arg13[%swap3A_937, %swap3A_938], %swap3A_941 {strides = array<i32>} : memref<128x128xf32, #tpu.memory_space<vmem>>, vector<1x16xf32>,
          %get3A_942 = arith.index_cast %add3A_871 : i32 to index
          %get3A_943 = arith.constant 112 : index
          %get3A_944 = tpu.vector_load %arg13[%get3A_942, %get3A_943] {strides = array<i32>} : memref<128x128xf32, #tpu.memory_space<vmem>>, vector<1x16xf32>,
          %get3A_945 = vector.shape_cast %get3A_944 : vector<1x16xf32> to vector<16xf32>
          %mul3A_946 = arith.mulf %get3A_945, %broadcast_in_dim3A_867 : vector<16xf32>
          %swap3A_947 = arith.index_cast %add3A_871 : i32 to index
          %swap3A_948 = arith.constant 112 : index
          %swap3A_949 = tpu.vector_load %arg13[%swap3A_947, %swap3A_948] {strides = array<i32>} : memref<128x128xf32, #tpu.memory_space<vmem>>, vector<1x16xf32>,
          %swap3A_950 = vector.shape_cast %swap3A_949 : vector<1x16xf32> to vector<16xf32>
          %swap3A_951 = vector.shape_cast %mul3A_946 : vector<16xf32> to vector<1x16xf32>
          tpu.vector_store %arg13[%swap3A_947, %swap3A_948], %swap3A_951 {strides = array<i32>} : memref<128x128xf32, #tpu.memory_space<vmem>>, vector<1x16xf32>,
          %slice3A_952 = vector.extract_strided_slice %get3A_85 {offsets = [10], sizes = [1], strides = [1]} : vector<16xf32> to vector<1xf32>
          %squeeze3A_953 = vector.extract %slice3A_952[0] : f32 from vector<1xf32>
          %broadcast_in_dim3A_954 = vector.broadcast %squeeze3A_953 : f32 to vector<16xf32>
          %mul3A_955 = arith.constant 16 : i32
          %mul3A_956 = arith.muli %scan3A_79, %mul3A_955 : i32
          %add3A_957 = arith.constant 10 : i32
          %add3A_958 = arith.addi %mul3A_956, %add3A_957 : i32
          %get3A_959 = arith.index_cast %add3A_958 : i32 to index
          %get3A_960 = arith.constant 0 : index
          %get3A_961 = tpu.vector_load %arg13[%get3A_959, %get3A_960] {strides = array<i32>} : memref<128x128xf32, #tpu.memory_space<vmem>>, vector<1x16xf32>,
          %get3A_962 = vector.shape_cast %get3A_961 : vector<1x16xf32> to vector<16xf32>
          %mul3A_963 = arith.mulf %get3A_962, %broadcast_in_dim3A_954 : vector<16xf32>
          %swap3A_964 = arith.index_cast %add3A_958 : i32 to index
          %swap3A_965 = arith.constant 0 : index
          %swap3A_966 = tpu.vector_load %arg13[%swap3A_964, %swap3A_965] {strides = array<i32>} : memref<128x128xf32, #tpu.memory_space<vmem>>, vector<1x16xf32>,
          %swap3A_967 = vector.shape_cast %swap3A_966 : vector<1x16xf32> to vector<16xf32>
          %swap3A_968 = vector.shape_cast %mul3A_963 : vector<16xf32> to vector<1x16xf32>
          tpu.vector_store %arg13[%swap3A_964, %swap3A_965], %swap3A_968 {strides = array<i32>} : memref<128x128xf32, #tpu.memory_space<vmem>>, vector<1x16xf32>,
          %get3A_969 = arith.index_cast %add3A_958 : i32 to index
          %get3A_970 = arith.constant 16 : index
          %get3A_971 = tpu.vector_load %arg13[%get3A_969, %get3A_970] {strides = array<i32>} : memref<128x128xf32, #tpu.memory_space<vmem>>, vector<1x16xf32>,
          %get3A_972 = vector.shape_cast %get3A_971 : vector<1x16xf32> to vector<16xf32>
          %mul3A_973 = arith.mulf %get3A_972, %broadcast_in_dim3A_954 : vector<16xf32>
          %swap3A_974 = arith.index_cast %add3A_958 : i32 to index
          %swap3A_975 = arith.constant 16 : index
          %swap3A_976 = tpu.vector_load %arg13[%swap3A_974, %swap3A_975] {strides = array<i32>} : memref<128x128xf32, #tpu.memory_space<vmem>>, vector<1x16xf32>,
          %swap3A_977 = vector.shape_cast %swap3A_976 : vector<1x16xf32> to vector<16xf32>
          %swap3A_978 = vector.shape_cast %mul3A_973 : vector<16xf32> to vector<1x16xf32>
          tpu.vector_store %arg13[%swap3A_974, %swap3A_975], %swap3A_978 {strides = array<i32>} : memref<128x128xf32, #tpu.memory_space<vmem>>, vector<1x16xf32>,
          %get3A_979 = arith.index_cast %add3A_958 : i32 to index
          %get3A_980 = arith.constant 32 : index
          %get3A_981 = tpu.vector_load %arg13[%get3A_979, %get3A_980] {strides = array<i32>} : memref<128x128xf32, #tpu.memory_space<vmem>>, vector<1x16xf32>,
          %get3A_982 = vector.shape_cast %get3A_981 : vector<1x16xf32> to vector<16xf32>
          %mul3A_983 = arith.mulf %get3A_982, %broadcast_in_dim3A_954 : vector<16xf32>
          %swap3A_984 = arith.index_cast %add3A_958 : i32 to index
          %swap3A_985 = arith.constant 32 : index
          %swap3A_986 = tpu.vector_load %arg13[%swap3A_984, %swap3A_985] {strides = array<i32>} : memref<128x128xf32, #tpu.memory_space<vmem>>, vector<1x16xf32>,
          %swap3A_987 = vector.shape_cast %swap3A_986 : vector<1x16xf32> to vector<16xf32>
          %swap3A_988 = vector.shape_cast %mul3A_983 : vector<16xf32> to vector<1x16xf32>
          tpu.vector_store %arg13[%swap3A_984, %swap3A_985], %swap3A_988 {strides = array<i32>} : memref<128x128xf32, #tpu.memory_space<vmem>>, vector<1x16xf32>,
          %get3A_989 = arith.index_cast %add3A_958 : i32 to index
          %get3A_990 = arith.constant 48 : index
          %get3A_991 = tpu.vector_load %arg13[%get3A_989, %get3A_990] {strides = array<i32>} : memref<128x128xf32, #tpu.memory_space<vmem>>, vector<1x16xf32>,
          %get3A_992 = vector.shape_cast %get3A_991 : vector<1x16xf32> to vector<16xf32>
          %mul3A_993 = arith.mulf %get3A_992, %broadcast_in_dim3A_954 : vector<16xf32>
          %swap3A_994 = arith.index_cast %add3A_958 : i32 to index
          %swap3A_995 = arith.constant 48 : index
          %swap3A_996 = tpu.vector_load %arg13[%swap3A_994, %swap3A_995] {strides = array<i32>} : memref<128x128xf32, #tpu.memory_space<vmem>>, vector<1x16xf32>,
          %swap3A_997 = vector.shape_cast %swap3A_996 : vector<1x16xf32> to vector<16xf32>
          %swap3A_998 = vector.shape_cast %mul3A_993 : vector<16xf32> to vector<1x16xf32>
          tpu.vector_store %arg13[%swap3A_994, %swap3A_995], %swap3A_998 {strides = array<i32>} : memref<128x128xf32, #tpu.memory_space<vmem>>, vector<1x16xf32>,
          %get3A_999 = arith.index_cast %add3A_958 : i32 to index
          %get3A_1000 = arith.constant 64 : index
          %get3A_1001 = tpu.vector_load %arg13[%get3A_999, %get3A_1000] {strides = array<i32>} : memref<128x128xf32, #tpu.memory_space<vmem>>, vector<1x16xf32>,
          %get3A_1002 = vector.shape_cast %get3A_1001 : vector<1x16xf32> to vector<16xf32>
          %mul3A_1003 = arith.mulf %get3A_1002, %broadcast_in_dim3A_954 : vector<16xf32>
          %swap3A_1004 = arith.index_cast %add3A_958 : i32 to index
          %swap3A_1005 = arith.constant 64 : index
          %swap3A_1006 = tpu.vector_load %arg13[%swap3A_1004, %swap3A_1005] {strides = array<i32>} : memref<128x128xf32, #tpu.memory_space<vmem>>, vector<1x16xf32>,
          %swap3A_1007 = vector.shape_cast %swap3A_1006 : vector<1x16xf32> to vector<16xf32>
          %swap3A_1008 = vector.shape_cast %mul3A_1003 : vector<16xf32> to vector<1x16xf32>
          tpu.vector_store %arg13[%swap3A_1004, %swap3A_1005], %swap3A_1008 {strides = array<i32>} : memref<128x128xf32, #tpu.memory_space<vmem>>, vector<1x16xf32>,
          %get3A_1009 = arith.index_cast %add3A_958 : i32 to index
          %get3A_1010 = arith.constant 80 : index
          %get3A_1011 = tpu.vector_load %arg13[%get3A_1009, %get3A_1010] {strides = array<i32>} : memref<128x128xf32, #tpu.memory_space<vmem>>, vector<1x16xf32>,
          %get3A_1012 = vector.shape_cast %get3A_1011 : vector<1x16xf32> to vector<16xf32>
          %mul3A_1013 = arith.mulf %get3A_1012, %broadcast_in_dim3A_954 : vector<16xf32>
          %swap3A_1014 = arith.index_cast %add3A_958 : i32 to index
          %swap3A_1015 = arith.constant 80 : index
          %swap3A_1016 = tpu.vector_load %arg13[%swap3A_1014, %swap3A_1015] {strides = array<i32>} : memref<128x128xf32, #tpu.memory_space<vmem>>, vector<1x16xf32>,
          %swap3A_1017 = vector.shape_cast %swap3A_1016 : vector<1x16xf32> to vector<16xf32>
          %swap3A_1018 = vector.shape_cast %mul3A_1013 : vector<16xf32> to vector<1x16xf32>
          tpu.vector_store %arg13[%swap3A_1014, %swap3A_1015], %swap3A_1018 {strides = array<i32>} : memref<128x128xf32, #tpu.memory_space<vmem>>, vector<1x16xf32>,
          %get3A_1019 = arith.index_cast %add3A_958 : i32 to index
          %get3A_1020 = arith.constant 96 : index
          %get3A_1021 = tpu.vector_load %arg13[%get3A_1019, %get3A_1020] {strides = array<i32>} : memref<128x128xf32, #tpu.memory_space<vmem>>, vector<1x16xf32>,
          %get3A_1022 = vector.shape_cast %get3A_1021 : vector<1x16xf32> to vector<16xf32>
          %mul3A_1023 = arith.mulf %get3A_1022, %broadcast_in_dim3A_954 : vector<16xf32>
          %swap3A_1024 = arith.index_cast %add3A_958 : i32 to index
          %swap3A_1025 = arith.constant 96 : index
          %swap3A_1026 = tpu.vector_load %arg13[%swap3A_1024, %swap3A_1025] {strides = array<i32>} : memref<128x128xf32, #tpu.memory_space<vmem>>, vector<1x16xf32>,
          %swap3A_1027 = vector.shape_cast %swap3A_1026 : vector<1x16xf32> to vector<16xf32>
          %swap3A_1028 = vector.shape_cast %mul3A_1023 : vector<16xf32> to vector<1x16xf32>
          tpu.vector_store %arg13[%swap3A_1024, %swap3A_1025], %swap3A_1028 {strides = array<i32>} : memref<128x128xf32, #tpu.memory_space<vmem>>, vector<1x16xf32>,
          %get3A_1029 = arith.index_cast %add3A_958 : i32 to index
          %get3A_1030 = arith.constant 112 : index
          %get3A_1031 = tpu.vector_load %arg13[%get3A_1029, %get3A_1030] {strides = array<i32>} : memref<128x128xf32, #tpu.memory_space<vmem>>, vector<1x16xf32>,
          %get3A_1032 = vector.shape_cast %get3A_1031 : vector<1x16xf32> to vector<16xf32>
          %mul3A_1033 = arith.mulf %get3A_1032, %broadcast_in_dim3A_954 : vector<16xf32>
          %swap3A_1034 = arith.index_cast %add3A_958 : i32 to index
          %swap3A_1035 = arith.constant 112 : index
          %swap3A_1036 = tpu.vector_load %arg13[%swap3A_1034, %swap3A_1035] {strides = array<i32>} : memref<128x128xf32, #tpu.memory_space<vmem>>, vector<1x16xf32>,
          %swap3A_1037 = vector.shape_cast %swap3A_1036 : vector<1x16xf32> to vector<16xf32>
          %swap3A_1038 = vector.shape_cast %mul3A_1033 : vector<16xf32> to vector<1x16xf32>
          tpu.vector_store %arg13[%swap3A_1034, %swap3A_1035], %swap3A_1038 {strides = array<i32>} : memref<128x128xf32, #tpu.memory_space<vmem>>, vector<1x16xf32>,
          %slice3A_1039 = vector.extract_strided_slice %get3A_85 {offsets = [11], sizes = [1], strides = [1]} : vector<16xf32> to vector<1xf32>
          %squeeze3A_1040 = vector.extract %slice3A_1039[0] : f32 from vector<1xf32>
          %broadcast_in_dim3A_1041 = vector.broadcast %squeeze3A_1040 : f32 to vector<16xf32>
          %mul3A_1042 = arith.constant 16 : i32
          %mul3A_1043 = arith.muli %scan3A_79, %mul3A_1042 : i32
          %add3A_1044 = arith.constant 11 : i32
          %add3A_1045 = arith.addi %mul3A_1043, %add3A_1044 : i32
          %get3A_1046 = arith.index_cast %add3A_1045 : i32 to index
          %get3A_1047 = arith.constant 0 : index
          %get3A_1048 = tpu.vector_load %arg13[%get3A_1046, %get3A_1047] {strides = array<i32>} : memref<128x128xf32, #tpu.memory_space<vmem>>, vector<1x16xf32>,
          %get3A_1049 = vector.shape_cast %get3A_1048 : vector<1x16xf32> to vector<16xf32>
          %mul3A_1050 = arith.mulf %get3A_1049, %broadcast_in_dim3A_1041 : vector<16xf32>
          %swap3A_1051 = arith.index_cast %add3A_1045 : i32 to index
          %swap3A_1052 = arith.constant 0 : index
          %swap3A_1053 = tpu.vector_load %arg13[%swap3A_1051, %swap3A_1052] {strides = array<i32>} : memref<128x128xf32, #tpu.memory_space<vmem>>, vector<1x16xf32>,
          %swap3A_1054 = vector.shape_cast %swap3A_1053 : vector<1x16xf32> to vector<16xf32>
          %swap3A_1055 = vector.shape_cast %mul3A_1050 : vector<16xf32> to vector<1x16xf32>
          tpu.vector_store %arg13[%swap3A_1051, %swap3A_1052], %swap3A_1055 {strides = array<i32>} : memref<128x128xf32, #tpu.memory_space<vmem>>, vector<1x16xf32>,
          %get3A_1056 = arith.index_cast %add3A_1045 : i32 to index
          %get3A_1057 = arith.constant 16 : index
          %get3A_1058 = tpu.vector_load %arg13[%get3A_1056, %get3A_1057] {strides = array<i32>} : memref<128x128xf32, #tpu.memory_space<vmem>>, vector<1x16xf32>,
          %get3A_1059 = vector.shape_cast %get3A_1058 : vector<1x16xf32> to vector<16xf32>
          %mul3A_1060 = arith.mulf %get3A_1059, %broadcast_in_dim3A_1041 : vector<16xf32>
          %swap3A_1061 = arith.index_cast %add3A_1045 : i32 to index
          %swap3A_1062 = arith.constant 16 : index
          %swap3A_1063 = tpu.vector_load %arg13[%swap3A_1061, %swap3A_1062] {strides = array<i32>} : memref<128x128xf32, #tpu.memory_space<vmem>>, vector<1x16xf32>,
          %swap3A_1064 = vector.shape_cast %swap3A_1063 : vector<1x16xf32> to vector<16xf32>
          %swap3A_1065 = vector.shape_cast %mul3A_1060 : vector<16xf32> to vector<1x16xf32>
          tpu.vector_store %arg13[%swap3A_1061, %swap3A_1062], %swap3A_1065 {strides = array<i32>} : memref<128x128xf32, #tpu.memory_space<vmem>>, vector<1x16xf32>,
          %get3A_1066 = arith.index_cast %add3A_1045 : i32 to index
          %get3A_1067 = arith.constant 32 : index
          %get3A_1068 = tpu.vector_load %arg13[%get3A_1066, %get3A_1067] {strides = array<i32>} : memref<128x128xf32, #tpu.memory_space<vmem>>, vector<1x16xf32>,
          %get3A_1069 = vector.shape_cast %get3A_1068 : vector<1x16xf32> to vector<16xf32>
          %mul3A_1070 = arith.mulf %get3A_1069, %broadcast_in_dim3A_1041 : vector<16xf32>
          %swap3A_1071 = arith.index_cast %add3A_1045 : i32 to index
          %swap3A_1072 = arith.constant 32 : index
          %swap3A_1073 = tpu.vector_load %arg13[%swap3A_1071, %swap3A_1072] {strides = array<i32>} : memref<128x128xf32, #tpu.memory_space<vmem>>, vector<1x16xf32>,
          %swap3A_1074 = vector.shape_cast %swap3A_1073 : vector<1x16xf32> to vector<16xf32>
          %swap3A_1075 = vector.shape_cast %mul3A_1070 : vector<16xf32> to vector<1x16xf32>
          tpu.vector_store %arg13[%swap3A_1071, %swap3A_1072], %swap3A_1075 {strides = array<i32>} : memref<128x128xf32, #tpu.memory_space<vmem>>, vector<1x16xf32>,
          %get3A_1076 = arith.index_cast %add3A_1045 : i32 to index
          %get3A_1077 = arith.constant 48 : index
          %get3A_1078 = tpu.vector_load %arg13[%get3A_1076, %get3A_1077] {strides = array<i32>} : memref<128x128xf32, #tpu.memory_space<vmem>>, vector<1x16xf32>,
          %get3A_1079 = vector.shape_cast %get3A_1078 : vector<1x16xf32> to vector<16xf32>
          %mul3A_1080 = arith.mulf %get3A_1079, %broadcast_in_dim3A_1041 : vector<16xf32>
          %swap3A_1081 = arith.index_cast %add3A_1045 : i32 to index
          %swap3A_1082 = arith.constant 48 : index
          %swap3A_1083 = tpu.vector_load %arg13[%swap3A_1081, %swap3A_1082] {strides = array<i32>} : memref<128x128xf32, #tpu.memory_space<vmem>>, vector<1x16xf32>,
          %swap3A_1084 = vector.shape_cast %swap3A_1083 : vector<1x16xf32> to vector<16xf32>
          %swap3A_1085 = vector.shape_cast %mul3A_1080 : vector<16xf32> to vector<1x16xf32>
          tpu.vector_store %arg13[%swap3A_1081, %swap3A_1082], %swap3A_1085 {strides = array<i32>} : memref<128x128xf32, #tpu.memory_space<vmem>>, vector<1x16xf32>,
          %get3A_1086 = arith.index_cast %add3A_1045 : i32 to index
          %get3A_1087 = arith.constant 64 : index
          %get3A_1088 = tpu.vector_load %arg13[%get3A_1086, %get3A_1087] {strides = array<i32>} : memref<128x128xf32, #tpu.memory_space<vmem>>, vector<1x16xf32>,
          %get3A_1089 = vector.shape_cast %get3A_1088 : vector<1x16xf32> to vector<16xf32>
          %mul3A_1090 = arith.mulf %get3A_1089, %broadcast_in_dim3A_1041 : vector<16xf32>
          %swap3A_1091 = arith.index_cast %add3A_1045 : i32 to index
          %swap3A_1092 = arith.constant 64 : index
          %swap3A_1093 = tpu.vector_load %arg13[%swap3A_1091, %swap3A_1092] {strides = array<i32>} : memref<128x128xf32, #tpu.memory_space<vmem>>, vector<1x16xf32>,
          %swap3A_1094 = vector.shape_cast %swap3A_1093 : vector<1x16xf32> to vector<16xf32>
          %swap3A_1095 = vector.shape_cast %mul3A_1090 : vector<16xf32> to vector<1x16xf32>
          tpu.vector_store %arg13[%swap3A_1091, %swap3A_1092], %swap3A_1095 {strides = array<i32>} : memref<128x128xf32, #tpu.memory_space<vmem>>, vector<1x16xf32>,
          %get3A_1096 = arith.index_cast %add3A_1045 : i32 to index
          %get3A_1097 = arith.constant 80 : index
          %get3A_1098 = tpu.vector_load %arg13[%get3A_1096, %get3A_1097] {strides = array<i32>} : memref<128x128xf32, #tpu.memory_space<vmem>>, vector<1x16xf32>,
          %get3A_1099 = vector.shape_cast %get3A_1098 : vector<1x16xf32> to vector<16xf32>
          %mul3A_1100 = arith.mulf %get3A_1099, %broadcast_in_dim3A_1041 : vector<16xf32>
          %swap3A_1101 = arith.index_cast %add3A_1045 : i32 to index
          %swap3A_1102 = arith.constant 80 : index
          %swap3A_1103 = tpu.vector_load %arg13[%swap3A_1101, %swap3A_1102] {strides = array<i32>} : memref<128x128xf32, #tpu.memory_space<vmem>>, vector<1x16xf32>,
          %swap3A_1104 = vector.shape_cast %swap3A_1103 : vector<1x16xf32> to vector<16xf32>
          %swap3A_1105 = vector.shape_cast %mul3A_1100 : vector<16xf32> to vector<1x16xf32>
          tpu.vector_store %arg13[%swap3A_1101, %swap3A_1102], %swap3A_1105 {strides = array<i32>} : memref<128x128xf32, #tpu.memory_space<vmem>>, vector<1x16xf32>,
          %get3A_1106 = arith.index_cast %add3A_1045 : i32 to index
          %get3A_1107 = arith.constant 96 : index
          %get3A_1108 = tpu.vector_load %arg13[%get3A_1106, %get3A_1107] {strides = array<i32>} : memref<128x128xf32, #tpu.memory_space<vmem>>, vector<1x16xf32>,
          %get3A_1109 = vector.shape_cast %get3A_1108 : vector<1x16xf32> to vector<16xf32>
          %mul3A_1110 = arith.mulf %get3A_1109, %broadcast_in_dim3A_1041 : vector<16xf32>
          %swap3A_1111 = arith.index_cast %add3A_1045 : i32 to index
          %swap3A_1112 = arith.constant 96 : index
          %swap3A_1113 = tpu.vector_load %arg13[%swap3A_1111, %swap3A_1112] {strides = array<i32>} : memref<128x128xf32, #tpu.memory_space<vmem>>, vector<1x16xf32>,
          %swap3A_1114 = vector.shape_cast %swap3A_1113 : vector<1x16xf32> to vector<16xf32>
          %swap3A_1115 = vector.shape_cast %mul3A_1110 : vector<16xf32> to vector<1x16xf32>
          tpu.vector_store %arg13[%swap3A_1111, %swap3A_1112], %swap3A_1115 {strides = array<i32>} : memref<128x128xf32, #tpu.memory_space<vmem>>, vector<1x16xf32>,
          %get3A_1116 = arith.index_cast %add3A_1045 : i32 to index
          %get3A_1117 = arith.constant 112 : index
          %get3A_1118 = tpu.vector_load %arg13[%get3A_1116, %get3A_1117] {strides = array<i32>} : memref<128x128xf32, #tpu.memory_space<vmem>>, vector<1x16xf32>,
          %get3A_1119 = vector.shape_cast %get3A_1118 : vector<1x16xf32> to vector<16xf32>
          %mul3A_1120 = arith.mulf %get3A_1119, %broadcast_in_dim3A_1041 : vector<16xf32>
          %swap3A_1121 = arith.index_cast %add3A_1045 : i32 to index
          %swap3A_1122 = arith.constant 112 : index
          %swap3A_1123 = tpu.vector_load %arg13[%swap3A_1121, %swap3A_1122] {strides = array<i32>} : memref<128x128xf32, #tpu.memory_space<vmem>>, vector<1x16xf32>,
          %swap3A_1124 = vector.shape_cast %swap3A_1123 : vector<1x16xf32> to vector<16xf32>
          %swap3A_1125 = vector.shape_cast %mul3A_1120 : vector<16xf32> to vector<1x16xf32>
          tpu.vector_store %arg13[%swap3A_1121, %swap3A_1122], %swap3A_1125 {strides = array<i32>} : memref<128x128xf32, #tpu.memory_space<vmem>>, vector<1x16xf32>,
          %slice3A_1126 = vector.extract_strided_slice %get3A_85 {offsets = [12], sizes = [1], strides = [1]} : vector<16xf32> to vector<1xf32>
          %squeeze3A_1127 = vector.extract %slice3A_1126[0] : f32 from vector<1xf32>
          %broadcast_in_dim3A_1128 = vector.broadcast %squeeze3A_1127 : f32 to vector<16xf32>
          %mul3A_1129 = arith.constant 16 : i32
          %mul3A_1130 = arith.muli %scan3A_79, %mul3A_1129 : i32
          %add3A_1131 = arith.constant 12 : i32
          %add3A_1132 = arith.addi %mul3A_1130, %add3A_1131 : i32
          %get3A_1133 = arith.index_cast %add3A_1132 : i32 to index
          %get3A_1134 = arith.constant 0 : index
          %get3A_1135 = tpu.vector_load %arg13[%get3A_1133, %get3A_1134] {strides = array<i32>} : memref<128x128xf32, #tpu.memory_space<vmem>>, vector<1x16xf32>,
          %get3A_1136 = vector.shape_cast %get3A_1135 : vector<1x16xf32> to vector<16xf32>
          %mul3A_1137 = arith.mulf %get3A_1136, %broadcast_in_dim3A_1128 : vector<16xf32>
          %swap3A_1138 = arith.index_cast %add3A_1132 : i32 to index
          %swap3A_1139 = arith.constant 0 : index
          %swap3A_1140 = tpu.vector_load %arg13[%swap3A_1138, %swap3A_1139] {strides = array<i32>} : memref<128x128xf32, #tpu.memory_space<vmem>>, vector<1x16xf32>,
          %swap3A_1141 = vector.shape_cast %swap3A_1140 : vector<1x16xf32> to vector<16xf32>
          %swap3A_1142 = vector.shape_cast %mul3A_1137 : vector<16xf32> to vector<1x16xf32>
          tpu.vector_store %arg13[%swap3A_1138, %swap3A_1139], %swap3A_1142 {strides = array<i32>} : memref<128x128xf32, #tpu.memory_space<vmem>>, vector<1x16xf32>,
          %get3A_1143 = arith.index_cast %add3A_1132 : i32 to index
          %get3A_1144 = arith.constant 16 : index
          %get3A_1145 = tpu.vector_load %arg13[%get3A_1143, %get3A_1144] {strides = array<i32>} : memref<128x128xf32, #tpu.memory_space<vmem>>, vector<1x16xf32>,
          %get3A_1146 = vector.shape_cast %get3A_1145 : vector<1x16xf32> to vector<16xf32>
          %mul3A_1147 = arith.mulf %get3A_1146, %broadcast_in_dim3A_1128 : vector<16xf32>
          %swap3A_1148 = arith.index_cast %add3A_1132 : i32 to index
          %swap3A_1149 = arith.constant 16 : index
          %swap3A_1150 = tpu.vector_load %arg13[%swap3A_1148, %swap3A_1149] {strides = array<i32>} : memref<128x128xf32, #tpu.memory_space<vmem>>, vector<1x16xf32>,
          %swap3A_1151 = vector.shape_cast %swap3A_1150 : vector<1x16xf32> to vector<16xf32>
          %swap3A_1152 = vector.shape_cast %mul3A_1147 : vector<16xf32> to vector<1x16xf32>
          tpu.vector_store %arg13[%swap3A_1148, %swap3A_1149], %swap3A_1152 {strides = array<i32>} : memref<128x128xf32, #tpu.memory_space<vmem>>, vector<1x16xf32>,
          %get3A_1153 = arith.index_cast %add3A_1132 : i32 to index
          %get3A_1154 = arith.constant 32 : index
          %get3A_1155 = tpu.vector_load %arg13[%get3A_1153, %get3A_1154] {strides = array<i32>} : memref<128x128xf32, #tpu.memory_space<vmem>>, vector<1x16xf32>,
          %get3A_1156 = vector.shape_cast %get3A_1155 : vector<1x16xf32> to vector<16xf32>
          %mul3A_1157 = arith.mulf %get3A_1156, %broadcast_in_dim3A_1128 : vector<16xf32>
          %swap3A_1158 = arith.index_cast %add3A_1132 : i32 to index
          %swap3A_1159 = arith.constant 32 : index
          %swap3A_1160 = tpu.vector_load %arg13[%swap3A_1158, %swap3A_1159] {strides = array<i32>} : memref<128x128xf32, #tpu.memory_space<vmem>>, vector<1x16xf32>,
          %swap3A_1161 = vector.shape_cast %swap3A_1160 : vector<1x16xf32> to vector<16xf32>
          %swap3A_1162 = vector.shape_cast %mul3A_1157 : vector<16xf32> to vector<1x16xf32>
          tpu.vector_store %arg13[%swap3A_1158, %swap3A_1159], %swap3A_1162 {strides = array<i32>} : memref<128x128xf32, #tpu.memory_space<vmem>>, vector<1x16xf32>,
          %get3A_1163 = arith.index_cast %add3A_1132 : i32 to index
          %get3A_1164 = arith.constant 48 : index
          %get3A_1165 = tpu.vector_load %arg13[%get3A_1163, %get3A_1164] {strides = array<i32>} : memref<128x128xf32, #tpu.memory_space<vmem>>, vector<1x16xf32>,
          %get3A_1166 = vector.shape_cast %get3A_1165 : vector<1x16xf32> to vector<16xf32>
          %mul3A_1167 = arith.mulf %get3A_1166, %broadcast_in_dim3A_1128 : vector<16xf32>
          %swap3A_1168 = arith.index_cast %add3A_1132 : i32 to index
          %swap3A_1169 = arith.constant 48 : index
          %swap3A_1170 = tpu.vector_load %arg13[%swap3A_1168, %swap3A_1169] {strides = array<i32>} : memref<128x128xf32, #tpu.memory_space<vmem>>, vector<1x16xf32>,
          %swap3A_1171 = vector.shape_cast %swap3A_1170 : vector<1x16xf32> to vector<16xf32>
          %swap3A_1172 = vector.shape_cast %mul3A_1167 : vector<16xf32> to vector<1x16xf32>
          tpu.vector_store %arg13[%swap3A_1168, %swap3A_1169], %swap3A_1172 {strides = array<i32>} : memref<128x128xf32, #tpu.memory_space<vmem>>, vector<1x16xf32>,
          %get3A_1173 = arith.index_cast %add3A_1132 : i32 to index
          %get3A_1174 = arith.constant 64 : index
          %get3A_1175 = tpu.vector_load %arg13[%get3A_1173, %get3A_1174] {strides = array<i32>} : memref<128x128xf32, #tpu.memory_space<vmem>>, vector<1x16xf32>,
          %get3A_1176 = vector.shape_cast %get3A_1175 : vector<1x16xf32> to vector<16xf32>
          %mul3A_1177 = arith.mulf %get3A_1176, %broadcast_in_dim3A_1128 : vector<16xf32>
          %swap3A_1178 = arith.index_cast %add3A_1132 : i32 to index
          %swap3A_1179 = arith.constant 64 : index
          %swap3A_1180 = tpu.vector_load %arg13[%swap3A_1178, %swap3A_1179] {strides = array<i32>} : memref<128x128xf32, #tpu.memory_space<vmem>>, vector<1x16xf32>,
          %swap3A_1181 = vector.shape_cast %swap3A_1180 : vector<1x16xf32> to vector<16xf32>
          %swap3A_1182 = vector.shape_cast %mul3A_1177 : vector<16xf32> to vector<1x16xf32>
          tpu.vector_store %arg13[%swap3A_1178, %swap3A_1179], %swap3A_1182 {strides = array<i32>} : memref<128x128xf32, #tpu.memory_space<vmem>>, vector<1x16xf32>,
          %get3A_1183 = arith.index_cast %add3A_1132 : i32 to index
          %get3A_1184 = arith.constant 80 : index
          %get3A_1185 = tpu.vector_load %arg13[%get3A_1183, %get3A_1184] {strides = array<i32>} : memref<128x128xf32, #tpu.memory_space<vmem>>, vector<1x16xf32>,
          %get3A_1186 = vector.shape_cast %get3A_1185 : vector<1x16xf32> to vector<16xf32>
          %mul3A_1187 = arith.mulf %get3A_1186, %broadcast_in_dim3A_1128 : vector<16xf32>
          %swap3A_1188 = arith.index_cast %add3A_1132 : i32 to index
          %swap3A_1189 = arith.constant 80 : index
          %swap3A_1190 = tpu.vector_load %arg13[%swap3A_1188, %swap3A_1189] {strides = array<i32>} : memref<128x128xf32, #tpu.memory_space<vmem>>, vector<1x16xf32>,
          %swap3A_1191 = vector.shape_cast %swap3A_1190 : vector<1x16xf32> to vector<16xf32>
          %swap3A_1192 = vector.shape_cast %mul3A_1187 : vector<16xf32> to vector<1x16xf32>
          tpu.vector_store %arg13[%swap3A_1188, %swap3A_1189], %swap3A_1192 {strides = array<i32>} : memref<128x128xf32, #tpu.memory_space<vmem>>, vector<1x16xf32>,
          %get3A_1193 = arith.index_cast %add3A_1132 : i32 to index
          %get3A_1194 = arith.constant 96 : index
          %get3A_1195 = tpu.vector_load %arg13[%get3A_1193, %get3A_1194] {strides = array<i32>} : memref<128x128xf32, #tpu.memory_space<vmem>>, vector<1x16xf32>,
          %get3A_1196 = vector.shape_cast %get3A_1195 : vector<1x16xf32> to vector<16xf32>
          %mul3A_1197 = arith.mulf %get3A_1196, %broadcast_in_dim3A_1128 : vector<16xf32>
          %swap3A_1198 = arith.index_cast %add3A_1132 : i32 to index
          %swap3A_1199 = arith.constant 96 : index
          %swap3A_1200 = tpu.vector_load %arg13[%swap3A_1198, %swap3A_1199] {strides = array<i32>} : memref<128x128xf32, #tpu.memory_space<vmem>>, vector<1x16xf32>,
          %swap3A_1201 = vector.shape_cast %swap3A_1200 : vector<1x16xf32> to vector<16xf32>
          %swap3A_1202 = vector.shape_cast %mul3A_1197 : vector<16xf32> to vector<1x16xf32>
          tpu.vector_store %arg13[%swap3A_1198, %swap3A_1199], %swap3A_1202 {strides = array<i32>} : memref<128x128xf32, #tpu.memory_space<vmem>>, vector<1x16xf32>,
          %get3A_1203 = arith.index_cast %add3A_1132 : i32 to index
          %get3A_1204 = arith.constant 112 : index
          %get3A_1205 = tpu.vector_load %arg13[%get3A_1203, %get3A_1204] {strides = array<i32>} : memref<128x128xf32, #tpu.memory_space<vmem>>, vector<1x16xf32>,
          %get3A_1206 = vector.shape_cast %get3A_1205 : vector<1x16xf32> to vector<16xf32>
          %mul3A_1207 = arith.mulf %get3A_1206, %broadcast_in_dim3A_1128 : vector<16xf32>
          %swap3A_1208 = arith.index_cast %add3A_1132 : i32 to index
          %swap3A_1209 = arith.constant 112 : index
          %swap3A_1210 = tpu.vector_load %arg13[%swap3A_1208, %swap3A_1209] {strides = array<i32>} : memref<128x128xf32, #tpu.memory_space<vmem>>, vector<1x16xf32>,
          %swap3A_1211 = vector.shape_cast %swap3A_1210 : vector<1x16xf32> to vector<16xf32>
          %swap3A_1212 = vector.shape_cast %mul3A_1207 : vector<16xf32> to vector<1x16xf32>
          tpu.vector_store %arg13[%swap3A_1208, %swap3A_1209], %swap3A_1212 {strides = array<i32>} : memref<128x128xf32, #tpu.memory_space<vmem>>, vector<1x16xf32>,
          %slice3A_1213 = vector.extract_strided_slice %get3A_85 {offsets = [13], sizes = [1], strides = [1]} : vector<16xf32> to vector<1xf32>
          %squeeze3A_1214 = vector.extract %slice3A_1213[0] : f32 from vector<1xf32>
          %broadcast_in_dim3A_1215 = vector.broadcast %squeeze3A_1214 : f32 to vector<16xf32>
          %mul3A_1216 = arith.constant 16 : i32
          %mul3A_1217 = arith.muli %scan3A_79, %mul3A_1216 : i32
          %add3A_1218 = arith.constant 13 : i32
          %add3A_1219 = arith.addi %mul3A_1217, %add3A_1218 : i32
          %get3A_1220 = arith.index_cast %add3A_1219 : i32 to index
          %get3A_1221 = arith.constant 0 : index
          %get3A_1222 = tpu.vector_load %arg13[%get3A_1220, %get3A_1221] {strides = array<i32>} : memref<128x128xf32, #tpu.memory_space<vmem>>, vector<1x16xf32>,
          %get3A_1223 = vector.shape_cast %get3A_1222 : vector<1x16xf32> to vector<16xf32>
          %mul3A_1224 = arith.mulf %get3A_1223, %broadcast_in_dim3A_1215 : vector<16xf32>
          %swap3A_1225 = arith.index_cast %add3A_1219 : i32 to index
          %swap3A_1226 = arith.constant 0 : index
          %swap3A_1227 = tpu.vector_load %arg13[%swap3A_1225, %swap3A_1226] {strides = array<i32>} : memref<128x128xf32, #tpu.memory_space<vmem>>, vector<1x16xf32>,
          %swap3A_1228 = vector.shape_cast %swap3A_1227 : vector<1x16xf32> to vector<16xf32>
          %swap3A_1229 = vector.shape_cast %mul3A_1224 : vector<16xf32> to vector<1x16xf32>
          tpu.vector_store %arg13[%swap3A_1225, %swap3A_1226], %swap3A_1229 {strides = array<i32>} : memref<128x128xf32, #tpu.memory_space<vmem>>, vector<1x16xf32>,
          %get3A_1230 = arith.index_cast %add3A_1219 : i32 to index
          %get3A_1231 = arith.constant 16 : index
          %get3A_1232 = tpu.vector_load %arg13[%get3A_1230, %get3A_1231] {strides = array<i32>} : memref<128x128xf32, #tpu.memory_space<vmem>>, vector<1x16xf32>,
          %get3A_1233 = vector.shape_cast %get3A_1232 : vector<1x16xf32> to vector<16xf32>
          %mul3A_1234 = arith.mulf %get3A_1233, %broadcast_in_dim3A_1215 : vector<16xf32>
          %swap3A_1235 = arith.index_cast %add3A_1219 : i32 to index
          %swap3A_1236 = arith.constant 16 : index
          %swap3A_1237 = tpu.vector_load %arg13[%swap3A_1235, %swap3A_1236] {strides = array<i32>} : memref<128x128xf32, #tpu.memory_space<vmem>>, vector<1x16xf32>,
          %swap3A_1238 = vector.shape_cast %swap3A_1237 : vector<1x16xf32> to vector<16xf32>
          %swap3A_1239 = vector.shape_cast %mul3A_1234 : vector<16xf32> to vector<1x16xf32>
          tpu.vector_store %arg13[%swap3A_1235, %swap3A_1236], %swap3A_1239 {strides = array<i32>} : memref<128x128xf32, #tpu.memory_space<vmem>>, vector<1x16xf32>,
          %get3A_1240 = arith.index_cast %add3A_1219 : i32 to index
          %get3A_1241 = arith.constant 32 : index
          %get3A_1242 = tpu.vector_load %arg13[%get3A_1240, %get3A_1241] {strides = array<i32>} : memref<128x128xf32, #tpu.memory_space<vmem>>, vector<1x16xf32>,
          %get3A_1243 = vector.shape_cast %get3A_1242 : vector<1x16xf32> to vector<16xf32>
          %mul3A_1244 = arith.mulf %get3A_1243, %broadcast_in_dim3A_1215 : vector<16xf32>
          %swap3A_1245 = arith.index_cast %add3A_1219 : i32 to index
          %swap3A_1246 = arith.constant 32 : index
          %swap3A_1247 = tpu.vector_load %arg13[%swap3A_1245, %swap3A_1246] {strides = array<i32>} : memref<128x128xf32, #tpu.memory_space<vmem>>, vector<1x16xf32>,
          %swap3A_1248 = vector.shape_cast %swap3A_1247 : vector<1x16xf32> to vector<16xf32>
          %swap3A_1249 = vector.shape_cast %mul3A_1244 : vector<16xf32> to vector<1x16xf32>
          tpu.vector_store %arg13[%swap3A_1245, %swap3A_1246], %swap3A_1249 {strides = array<i32>} : memref<128x128xf32, #tpu.memory_space<vmem>>, vector<1x16xf32>,
          %get3A_1250 = arith.index_cast %add3A_1219 : i32 to index
          %get3A_1251 = arith.constant 48 : index
          %get3A_1252 = tpu.vector_load %arg13[%get3A_1250, %get3A_1251] {strides = array<i32>} : memref<128x128xf32, #tpu.memory_space<vmem>>, vector<1x16xf32>,
          %get3A_1253 = vector.shape_cast %get3A_1252 : vector<1x16xf32> to vector<16xf32>
          %mul3A_1254 = arith.mulf %get3A_1253, %broadcast_in_dim3A_1215 : vector<16xf32>
          %swap3A_1255 = arith.index_cast %add3A_1219 : i32 to index
          %swap3A_1256 = arith.constant 48 : index
          %swap3A_1257 = tpu.vector_load %arg13[%swap3A_1255, %swap3A_1256] {strides = array<i32>} : memref<128x128xf32, #tpu.memory_space<vmem>>, vector<1x16xf32>,
          %swap3A_1258 = vector.shape_cast %swap3A_1257 : vector<1x16xf32> to vector<16xf32>
          %swap3A_1259 = vector.shape_cast %mul3A_1254 : vector<16xf32> to vector<1x16xf32>
          tpu.vector_store %arg13[%swap3A_1255, %swap3A_1256], %swap3A_1259 {strides = array<i32>} : memref<128x128xf32, #tpu.memory_space<vmem>>, vector<1x16xf32>,
          %get3A_1260 = arith.index_cast %add3A_1219 : i32 to index
          %get3A_1261 = arith.constant 64 : index
          %get3A_1262 = tpu.vector_load %arg13[%get3A_1260, %get3A_1261] {strides = array<i32>} : memref<128x128xf32, #tpu.memory_space<vmem>>, vector<1x16xf32>,
          %get3A_1263 = vector.shape_cast %get3A_1262 : vector<1x16xf32> to vector<16xf32>
          %mul3A_1264 = arith.mulf %get3A_1263, %broadcast_in_dim3A_1215 : vector<16xf32>
          %swap3A_1265 = arith.index_cast %add3A_1219 : i32 to index
          %swap3A_1266 = arith.constant 64 : index
          %swap3A_1267 = tpu.vector_load %arg13[%swap3A_1265, %swap3A_1266] {strides = array<i32>} : memref<128x128xf32, #tpu.memory_space<vmem>>, vector<1x16xf32>,
          %swap3A_1268 = vector.shape_cast %swap3A_1267 : vector<1x16xf32> to vector<16xf32>
          %swap3A_1269 = vector.shape_cast %mul3A_1264 : vector<16xf32> to vector<1x16xf32>
          tpu.vector_store %arg13[%swap3A_1265, %swap3A_1266], %swap3A_1269 {strides = array<i32>} : memref<128x128xf32, #tpu.memory_space<vmem>>, vector<1x16xf32>,
          %get3A_1270 = arith.index_cast %add3A_1219 : i32 to index
          %get3A_1271 = arith.constant 80 : index
          %get3A_1272 = tpu.vector_load %arg13[%get3A_1270, %get3A_1271] {strides = array<i32>} : memref<128x128xf32, #tpu.memory_space<vmem>>, vector<1x16xf32>,
          %get3A_1273 = vector.shape_cast %get3A_1272 : vector<1x16xf32> to vector<16xf32>
          %mul3A_1274 = arith.mulf %get3A_1273, %broadcast_in_dim3A_1215 : vector<16xf32>
          %swap3A_1275 = arith.index_cast %add3A_1219 : i32 to index
          %swap3A_1276 = arith.constant 80 : index
          %swap3A_1277 = tpu.vector_load %arg13[%swap3A_1275, %swap3A_1276] {strides = array<i32>} : memref<128x128xf32, #tpu.memory_space<vmem>>, vector<1x16xf32>,
          %swap3A_1278 = vector.shape_cast %swap3A_1277 : vector<1x16xf32> to vector<16xf32>
          %swap3A_1279 = vector.shape_cast %mul3A_1274 : vector<16xf32> to vector<1x16xf32>
          tpu.vector_store %arg13[%swap3A_1275, %swap3A_1276], %swap3A_1279 {strides = array<i32>} : memref<128x128xf32, #tpu.memory_space<vmem>>, vector<1x16xf32>,
          %get3A_1280 = arith.index_cast %add3A_1219 : i32 to index
          %get3A_1281 = arith.constant 96 : index
          %get3A_1282 = tpu.vector_load %arg13[%get3A_1280, %get3A_1281] {strides = array<i32>} : memref<128x128xf32, #tpu.memory_space<vmem>>, vector<1x16xf32>,
          %get3A_1283 = vector.shape_cast %get3A_1282 : vector<1x16xf32> to vector<16xf32>
          %mul3A_1284 = arith.mulf %get3A_1283, %broadcast_in_dim3A_1215 : vector<16xf32>
          %swap3A_1285 = arith.index_cast %add3A_1219 : i32 to index
          %swap3A_1286 = arith.constant 96 : index
          %swap3A_1287 = tpu.vector_load %arg13[%swap3A_1285, %swap3A_1286] {strides = array<i32>} : memref<128x128xf32, #tpu.memory_space<vmem>>, vector<1x16xf32>,
          %swap3A_1288 = vector.shape_cast %swap3A_1287 : vector<1x16xf32> to vector<16xf32>
          %swap3A_1289 = vector.shape_cast %mul3A_1284 : vector<16xf32> to vector<1x16xf32>
          tpu.vector_store %arg13[%swap3A_1285, %swap3A_1286], %swap3A_1289 {strides = array<i32>} : memref<128x128xf32, #tpu.memory_space<vmem>>, vector<1x16xf32>,
          %get3A_1290 = arith.index_cast %add3A_1219 : i32 to index
          %get3A_1291 = arith.constant 112 : index
          %get3A_1292 = tpu.vector_load %arg13[%get3A_1290, %get3A_1291] {strides = array<i32>} : memref<128x128xf32, #tpu.memory_space<vmem>>, vector<1x16xf32>,
          %get3A_1293 = vector.shape_cast %get3A_1292 : vector<1x16xf32> to vector<16xf32>
          %mul3A_1294 = arith.mulf %get3A_1293, %broadcast_in_dim3A_1215 : vector<16xf32>
          %swap3A_1295 = arith.index_cast %add3A_1219 : i32 to index
          %swap3A_1296 = arith.constant 112 : index
          %swap3A_1297 = tpu.vector_load %arg13[%swap3A_1295, %swap3A_1296] {strides = array<i32>} : memref<128x128xf32, #tpu.memory_space<vmem>>, vector<1x16xf32>,
          %swap3A_1298 = vector.shape_cast %swap3A_1297 : vector<1x16xf32> to vector<16xf32>
          %swap3A_1299 = vector.shape_cast %mul3A_1294 : vector<16xf32> to vector<1x16xf32>
          tpu.vector_store %arg13[%swap3A_1295, %swap3A_1296], %swap3A_1299 {strides = array<i32>} : memref<128x128xf32, #tpu.memory_space<vmem>>, vector<1x16xf32>,
          %slice3A_1300 = vector.extract_strided_slice %get3A_85 {offsets = [14], sizes = [1], strides = [1]} : vector<16xf32> to vector<1xf32>
          %squeeze3A_1301 = vector.extract %slice3A_1300[0] : f32 from vector<1xf32>
          %broadcast_in_dim3A_1302 = vector.broadcast %squeeze3A_1301 : f32 to vector<16xf32>
          %mul3A_1303 = arith.constant 16 : i32
          %mul3A_1304 = arith.muli %scan3A_79, %mul3A_1303 : i32
          %add3A_1305 = arith.constant 14 : i32
          %add3A_1306 = arith.addi %mul3A_1304, %add3A_1305 : i32
          %get3A_1307 = arith.index_cast %add3A_1306 : i32 to index
          %get3A_1308 = arith.constant 0 : index
          %get3A_1309 = tpu.vector_load %arg13[%get3A_1307, %get3A_1308] {strides = array<i32>} : memref<128x128xf32, #tpu.memory_space<vmem>>, vector<1x16xf32>,
          %get3A_1310 = vector.shape_cast %get3A_1309 : vector<1x16xf32> to vector<16xf32>
          %mul3A_1311 = arith.mulf %get3A_1310, %broadcast_in_dim3A_1302 : vector<16xf32>
          %swap3A_1312 = arith.index_cast %add3A_1306 : i32 to index
          %swap3A_1313 = arith.constant 0 : index
          %swap3A_1314 = tpu.vector_load %arg13[%swap3A_1312, %swap3A_1313] {strides = array<i32>} : memref<128x128xf32, #tpu.memory_space<vmem>>, vector<1x16xf32>,
          %swap3A_1315 = vector.shape_cast %swap3A_1314 : vector<1x16xf32> to vector<16xf32>
          %swap3A_1316 = vector.shape_cast %mul3A_1311 : vector<16xf32> to vector<1x16xf32>
          tpu.vector_store %arg13[%swap3A_1312, %swap3A_1313], %swap3A_1316 {strides = array<i32>} : memref<128x128xf32, #tpu.memory_space<vmem>>, vector<1x16xf32>,
          %get3A_1317 = arith.index_cast %add3A_1306 : i32 to index
          %get3A_1318 = arith.constant 16 : index
          %get3A_1319 = tpu.vector_load %arg13[%get3A_1317, %get3A_1318] {strides = array<i32>} : memref<128x128xf32, #tpu.memory_space<vmem>>, vector<1x16xf32>,
          %get3A_1320 = vector.shape_cast %get3A_1319 : vector<1x16xf32> to vector<16xf32>
          %mul3A_1321 = arith.mulf %get3A_1320, %broadcast_in_dim3A_1302 : vector<16xf32>
          %swap3A_1322 = arith.index_cast %add3A_1306 : i32 to index
          %swap3A_1323 = arith.constant 16 : index
          %swap3A_1324 = tpu.vector_load %arg13[%swap3A_1322, %swap3A_1323] {strides = array<i32>} : memref<128x128xf32, #tpu.memory_space<vmem>>, vector<1x16xf32>,
          %swap3A_1325 = vector.shape_cast %swap3A_1324 : vector<1x16xf32> to vector<16xf32>
          %swap3A_1326 = vector.shape_cast %mul3A_1321 : vector<16xf32> to vector<1x16xf32>
          tpu.vector_store %arg13[%swap3A_1322, %swap3A_1323], %swap3A_1326 {strides = array<i32>} : memref<128x128xf32, #tpu.memory_space<vmem>>, vector<1x16xf32>,
          %get3A_1327 = arith.index_cast %add3A_1306 : i32 to index
          %get3A_1328 = arith.constant 32 : index
          %get3A_1329 = tpu.vector_load %arg13[%get3A_1327, %get3A_1328] {strides = array<i32>} : memref<128x128xf32, #tpu.memory_space<vmem>>, vector<1x16xf32>,
          %get3A_1330 = vector.shape_cast %get3A_1329 : vector<1x16xf32> to vector<16xf32>
          %mul3A_1331 = arith.mulf %get3A_1330, %broadcast_in_dim3A_1302 : vector<16xf32>
          %swap3A_1332 = arith.index_cast %add3A_1306 : i32 to index
          %swap3A_1333 = arith.constant 32 : index
          %swap3A_1334 = tpu.vector_load %arg13[%swap3A_1332, %swap3A_1333] {strides = array<i32>} : memref<128x128xf32, #tpu.memory_space<vmem>>, vector<1x16xf32>,
          %swap3A_1335 = vector.shape_cast %swap3A_1334 : vector<1x16xf32> to vector<16xf32>
          %swap3A_1336 = vector.shape_cast %mul3A_1331 : vector<16xf32> to vector<1x16xf32>
          tpu.vector_store %arg13[%swap3A_1332, %swap3A_1333], %swap3A_1336 {strides = array<i32>} : memref<128x128xf32, #tpu.memory_space<vmem>>, vector<1x16xf32>,
          %get3A_1337 = arith.index_cast %add3A_1306 : i32 to index
          %get3A_1338 = arith.constant 48 : index
          %get3A_1339 = tpu.vector_load %arg13[%get3A_1337, %get3A_1338] {strides = array<i32>} : memref<128x128xf32, #tpu.memory_space<vmem>>, vector<1x16xf32>,
          %get3A_1340 = vector.shape_cast %get3A_1339 : vector<1x16xf32> to vector<16xf32>
          %mul3A_1341 = arith.mulf %get3A_1340, %broadcast_in_dim3A_1302 : vector<16xf32>
          %swap3A_1342 = arith.index_cast %add3A_1306 : i32 to index
          %swap3A_1343 = arith.constant 48 : index
          %swap3A_1344 = tpu.vector_load %arg13[%swap3A_1342, %swap3A_1343] {strides = array<i32>} : memref<128x128xf32, #tpu.memory_space<vmem>>, vector<1x16xf32>,
          %swap3A_1345 = vector.shape_cast %swap3A_1344 : vector<1x16xf32> to vector<16xf32>
          %swap3A_1346 = vector.shape_cast %mul3A_1341 : vector<16xf32> to vector<1x16xf32>
          tpu.vector_store %arg13[%swap3A_1342, %swap3A_1343], %swap3A_1346 {strides = array<i32>} : memref<128x128xf32, #tpu.memory_space<vmem>>, vector<1x16xf32>,
          %get3A_1347 = arith.index_cast %add3A_1306 : i32 to index
          %get3A_1348 = arith.constant 64 : index
          %get3A_1349 = tpu.vector_load %arg13[%get3A_1347, %get3A_1348] {strides = array<i32>} : memref<128x128xf32, #tpu.memory_space<vmem>>, vector<1x16xf32>,
          %get3A_1350 = vector.shape_cast %get3A_1349 : vector<1x16xf32> to vector<16xf32>
          %mul3A_1351 = arith.mulf %get3A_1350, %broadcast_in_dim3A_1302 : vector<16xf32>
          %swap3A_1352 = arith.index_cast %add3A_1306 : i32 to index
          %swap3A_1353 = arith.constant 64 : index
          %swap3A_1354 = tpu.vector_load %arg13[%swap3A_1352, %swap3A_1353] {strides = array<i32>} : memref<128x128xf32, #tpu.memory_space<vmem>>, vector<1x16xf32>,
          %swap3A_1355 = vector.shape_cast %swap3A_1354 : vector<1x16xf32> to vector<16xf32>
          %swap3A_1356 = vector.shape_cast %mul3A_1351 : vector<16xf32> to vector<1x16xf32>
          tpu.vector_store %arg13[%swap3A_1352, %swap3A_1353], %swap3A_1356 {strides = array<i32>} : memref<128x128xf32, #tpu.memory_space<vmem>>, vector<1x16xf32>,
          %get3A_1357 = arith.index_cast %add3A_1306 : i32 to index
          %get3A_1358 = arith.constant 80 : index
          %get3A_1359 = tpu.vector_load %arg13[%get3A_1357, %get3A_1358] {strides = array<i32>} : memref<128x128xf32, #tpu.memory_space<vmem>>, vector<1x16xf32>,
          %get3A_1360 = vector.shape_cast %get3A_1359 : vector<1x16xf32> to vector<16xf32>
          %mul3A_1361 = arith.mulf %get3A_1360, %broadcast_in_dim3A_1302 : vector<16xf32>
          %swap3A_1362 = arith.index_cast %add3A_1306 : i32 to index
          %swap3A_1363 = arith.constant 80 : index
          %swap3A_1364 = tpu.vector_load %arg13[%swap3A_1362, %swap3A_1363] {strides = array<i32>} : memref<128x128xf32, #tpu.memory_space<vmem>>, vector<1x16xf32>,
          %swap3A_1365 = vector.shape_cast %swap3A_1364 : vector<1x16xf32> to vector<16xf32>
          %swap3A_1366 = vector.shape_cast %mul3A_1361 : vector<16xf32> to vector<1x16xf32>
          tpu.vector_store %arg13[%swap3A_1362, %swap3A_1363], %swap3A_1366 {strides = array<i32>} : memref<128x128xf32, #tpu.memory_space<vmem>>, vector<1x16xf32>,
          %get3A_1367 = arith.index_cast %add3A_1306 : i32 to index
          %get3A_1368 = arith.constant 96 : index
          %get3A_1369 = tpu.vector_load %arg13[%get3A_1367, %get3A_1368] {strides = array<i32>} : memref<128x128xf32, #tpu.memory_space<vmem>>, vector<1x16xf32>,
          %get3A_1370 = vector.shape_cast %get3A_1369 : vector<1x16xf32> to vector<16xf32>
          %mul3A_1371 = arith.mulf %get3A_1370, %broadcast_in_dim3A_1302 : vector<16xf32>
          %swap3A_1372 = arith.index_cast %add3A_1306 : i32 to index
          %swap3A_1373 = arith.constant 96 : index
          %swap3A_1374 = tpu.vector_load %arg13[%swap3A_1372, %swap3A_1373] {strides = array<i32>} : memref<128x128xf32, #tpu.memory_space<vmem>>, vector<1x16xf32>,
          %swap3A_1375 = vector.shape_cast %swap3A_1374 : vector<1x16xf32> to vector<16xf32>
          %swap3A_1376 = vector.shape_cast %mul3A_1371 : vector<16xf32> to vector<1x16xf32>
          tpu.vector_store %arg13[%swap3A_1372, %swap3A_1373], %swap3A_1376 {strides = array<i32>} : memref<128x128xf32, #tpu.memory_space<vmem>>, vector<1x16xf32>,
          %get3A_1377 = arith.index_cast %add3A_1306 : i32 to index
          %get3A_1378 = arith.constant 112 : index
          %get3A_1379 = tpu.vector_load %arg13[%get3A_1377, %get3A_1378] {strides = array<i32>} : memref<128x128xf32, #tpu.memory_space<vmem>>, vector<1x16xf32>,
          %get3A_1380 = vector.shape_cast %get3A_1379 : vector<1x16xf32> to vector<16xf32>
          %mul3A_1381 = arith.mulf %get3A_1380, %broadcast_in_dim3A_1302 : vector<16xf32>
          %swap3A_1382 = arith.index_cast %add3A_1306 : i32 to index
          %swap3A_1383 = arith.constant 112 : index
          %swap3A_1384 = tpu.vector_load %arg13[%swap3A_1382, %swap3A_1383] {strides = array<i32>} : memref<128x128xf32, #tpu.memory_space<vmem>>, vector<1x16xf32>,
          %swap3A_1385 = vector.shape_cast %swap3A_1384 : vector<1x16xf32> to vector<16xf32>
          %swap3A_1386 = vector.shape_cast %mul3A_1381 : vector<16xf32> to vector<1x16xf32>
          tpu.vector_store %arg13[%swap3A_1382, %swap3A_1383], %swap3A_1386 {strides = array<i32>} : memref<128x128xf32, #tpu.memory_space<vmem>>, vector<1x16xf32>,
          %slice3A_1387 = vector.extract_strided_slice %get3A_85 {offsets = [15], sizes = [1], strides = [1]} : vector<16xf32> to vector<1xf32>
          %squeeze3A_1388 = vector.extract %slice3A_1387[0] : f32 from vector<1xf32>
          %broadcast_in_dim3A_1389 = vector.broadcast %squeeze3A_1388 : f32 to vector<16xf32>
          %mul3A_1390 = arith.constant 16 : i32
          %mul3A_1391 = arith.muli %scan3A_79, %mul3A_1390 : i32
          %add3A_1392 = arith.constant 15 : i32
          %add3A_1393 = arith.addi %mul3A_1391, %add3A_1392 : i32
          %get3A_1394 = arith.index_cast %add3A_1393 : i32 to index
          %get3A_1395 = arith.constant 0 : index
          %get3A_1396 = tpu.vector_load %arg13[%get3A_1394, %get3A_1395] {strides = array<i32>} : memref<128x128xf32, #tpu.memory_space<vmem>>, vector<1x16xf32>,
          %get3A_1397 = vector.shape_cast %get3A_1396 : vector<1x16xf32> to vector<16xf32>
          %mul3A_1398 = arith.mulf %get3A_1397, %broadcast_in_dim3A_1389 : vector<16xf32>
          %swap3A_1399 = arith.index_cast %add3A_1393 : i32 to index
          %swap3A_1400 = arith.constant 0 : index
          %swap3A_1401 = tpu.vector_load %arg13[%swap3A_1399, %swap3A_1400] {strides = array<i32>} : memref<128x128xf32, #tpu.memory_space<vmem>>, vector<1x16xf32>,
          %swap3A_1402 = vector.shape_cast %swap3A_1401 : vector<1x16xf32> to vector<16xf32>
          %swap3A_1403 = vector.shape_cast %mul3A_1398 : vector<16xf32> to vector<1x16xf32>
          tpu.vector_store %arg13[%swap3A_1399, %swap3A_1400], %swap3A_1403 {strides = array<i32>} : memref<128x128xf32, #tpu.memory_space<vmem>>, vector<1x16xf32>,
          %get3A_1404 = arith.index_cast %add3A_1393 : i32 to index
          %get3A_1405 = arith.constant 16 : index
          %get3A_1406 = tpu.vector_load %arg13[%get3A_1404, %get3A_1405] {strides = array<i32>} : memref<128x128xf32, #tpu.memory_space<vmem>>, vector<1x16xf32>,
          %get3A_1407 = vector.shape_cast %get3A_1406 : vector<1x16xf32> to vector<16xf32>
          %mul3A_1408 = arith.mulf %get3A_1407, %broadcast_in_dim3A_1389 : vector<16xf32>
          %swap3A_1409 = arith.index_cast %add3A_1393 : i32 to index
          %swap3A_1410 = arith.constant 16 : index
          %swap3A_1411 = tpu.vector_load %arg13[%swap3A_1409, %swap3A_1410] {strides = array<i32>} : memref<128x128xf32, #tpu.memory_space<vmem>>, vector<1x16xf32>,
          %swap3A_1412 = vector.shape_cast %swap3A_1411 : vector<1x16xf32> to vector<16xf32>
          %swap3A_1413 = vector.shape_cast %mul3A_1408 : vector<16xf32> to vector<1x16xf32>
          tpu.vector_store %arg13[%swap3A_1409, %swap3A_1410], %swap3A_1413 {strides = array<i32>} : memref<128x128xf32, #tpu.memory_space<vmem>>, vector<1x16xf32>,
          %get3A_1414 = arith.index_cast %add3A_1393 : i32 to index
          %get3A_1415 = arith.constant 32 : index
          %get3A_1416 = tpu.vector_load %arg13[%get3A_1414, %get3A_1415] {strides = array<i32>} : memref<128x128xf32, #tpu.memory_space<vmem>>, vector<1x16xf32>,
          %get3A_1417 = vector.shape_cast %get3A_1416 : vector<1x16xf32> to vector<16xf32>
          %mul3A_1418 = arith.mulf %get3A_1417, %broadcast_in_dim3A_1389 : vector<16xf32>
          %swap3A_1419 = arith.index_cast %add3A_1393 : i32 to index
          %swap3A_1420 = arith.constant 32 : index
          %swap3A_1421 = tpu.vector_load %arg13[%swap3A_1419, %swap3A_1420] {strides = array<i32>} : memref<128x128xf32, #tpu.memory_space<vmem>>, vector<1x16xf32>,
          %swap3A_1422 = vector.shape_cast %swap3A_1421 : vector<1x16xf32> to vector<16xf32>
          %swap3A_1423 = vector.shape_cast %mul3A_1418 : vector<16xf32> to vector<1x16xf32>
          tpu.vector_store %arg13[%swap3A_1419, %swap3A_1420], %swap3A_1423 {strides = array<i32>} : memref<128x128xf32, #tpu.memory_space<vmem>>, vector<1x16xf32>,
          %get3A_1424 = arith.index_cast %add3A_1393 : i32 to index
          %get3A_1425 = arith.constant 48 : index
          %get3A_1426 = tpu.vector_load %arg13[%get3A_1424, %get3A_1425] {strides = array<i32>} : memref<128x128xf32, #tpu.memory_space<vmem>>, vector<1x16xf32>,
          %get3A_1427 = vector.shape_cast %get3A_1426 : vector<1x16xf32> to vector<16xf32>
          %mul3A_1428 = arith.mulf %get3A_1427, %broadcast_in_dim3A_1389 : vector<16xf32>
          %swap3A_1429 = arith.index_cast %add3A_1393 : i32 to index
          %swap3A_1430 = arith.constant 48 : index
          %swap3A_1431 = tpu.vector_load %arg13[%swap3A_1429, %swap3A_1430] {strides = array<i32>} : memref<128x128xf32, #tpu.memory_space<vmem>>, vector<1x16xf32>,
          %swap3A_1432 = vector.shape_cast %swap3A_1431 : vector<1x16xf32> to vector<16xf32>
          %swap3A_1433 = vector.shape_cast %mul3A_1428 : vector<16xf32> to vector<1x16xf32>
          tpu.vector_store %arg13[%swap3A_1429, %swap3A_1430], %swap3A_1433 {strides = array<i32>} : memref<128x128xf32, #tpu.memory_space<vmem>>, vector<1x16xf32>,
          %get3A_1434 = arith.index_cast %add3A_1393 : i32 to index
          %get3A_1435 = arith.constant 64 : index
          %get3A_1436 = tpu.vector_load %arg13[%get3A_1434, %get3A_1435] {strides = array<i32>} : memref<128x128xf32, #tpu.memory_space<vmem>>, vector<1x16xf32>,
          %get3A_1437 = vector.shape_cast %get3A_1436 : vector<1x16xf32> to vector<16xf32>
          %mul3A_1438 = arith.mulf %get3A_1437, %broadcast_in_dim3A_1389 : vector<16xf32>
          %swap3A_1439 = arith.index_cast %add3A_1393 : i32 to index
          %swap3A_1440 = arith.constant 64 : index
          %swap3A_1441 = tpu.vector_load %arg13[%swap3A_1439, %swap3A_1440] {strides = array<i32>} : memref<128x128xf32, #tpu.memory_space<vmem>>, vector<1x16xf32>,
          %swap3A_1442 = vector.shape_cast %swap3A_1441 : vector<1x16xf32> to vector<16xf32>
          %swap3A_1443 = vector.shape_cast %mul3A_1438 : vector<16xf32> to vector<1x16xf32>
          tpu.vector_store %arg13[%swap3A_1439, %swap3A_1440], %swap3A_1443 {strides = array<i32>} : memref<128x128xf32, #tpu.memory_space<vmem>>, vector<1x16xf32>,
          %get3A_1444 = arith.index_cast %add3A_1393 : i32 to index
          %get3A_1445 = arith.constant 80 : index
          %get3A_1446 = tpu.vector_load %arg13[%get3A_1444, %get3A_1445] {strides = array<i32>} : memref<128x128xf32, #tpu.memory_space<vmem>>, vector<1x16xf32>,
          %get3A_1447 = vector.shape_cast %get3A_1446 : vector<1x16xf32> to vector<16xf32>
          %mul3A_1448 = arith.mulf %get3A_1447, %broadcast_in_dim3A_1389 : vector<16xf32>
          %swap3A_1449 = arith.index_cast %add3A_1393 : i32 to index
          %swap3A_1450 = arith.constant 80 : index
          %swap3A_1451 = tpu.vector_load %arg13[%swap3A_1449, %swap3A_1450] {strides = array<i32>} : memref<128x128xf32, #tpu.memory_space<vmem>>, vector<1x16xf32>,
          %swap3A_1452 = vector.shape_cast %swap3A_1451 : vector<1x16xf32> to vector<16xf32>
          %swap3A_1453 = vector.shape_cast %mul3A_1448 : vector<16xf32> to vector<1x16xf32>
          tpu.vector_store %arg13[%swap3A_1449, %swap3A_1450], %swap3A_1453 {strides = array<i32>} : memref<128x128xf32, #tpu.memory_space<vmem>>, vector<1x16xf32>,
          %get3A_1454 = arith.index_cast %add3A_1393 : i32 to index
          %get3A_1455 = arith.constant 96 : index
          %get3A_1456 = tpu.vector_load %arg13[%get3A_1454, %get3A_1455] {strides = array<i32>} : memref<128x128xf32, #tpu.memory_space<vmem>>, vector<1x16xf32>,
          %get3A_1457 = vector.shape_cast %get3A_1456 : vector<1x16xf32> to vector<16xf32>
          %mul3A_1458 = arith.mulf %get3A_1457, %broadcast_in_dim3A_1389 : vector<16xf32>
          %swap3A_1459 = arith.index_cast %add3A_1393 : i32 to index
          %swap3A_1460 = arith.constant 96 : index
          %swap3A_1461 = tpu.vector_load %arg13[%swap3A_1459, %swap3A_1460] {strides = array<i32>} : memref<128x128xf32, #tpu.memory_space<vmem>>, vector<1x16xf32>,
          %swap3A_1462 = vector.shape_cast %swap3A_1461 : vector<1x16xf32> to vector<16xf32>
          %swap3A_1463 = vector.shape_cast %mul3A_1458 : vector<16xf32> to vector<1x16xf32>
          tpu.vector_store %arg13[%swap3A_1459, %swap3A_1460], %swap3A_1463 {strides = array<i32>} : memref<128x128xf32, #tpu.memory_space<vmem>>, vector<1x16xf32>,
          %get3A_1464 = arith.index_cast %add3A_1393 : i32 to index
          %get3A_1465 = arith.constant 112 : index
          %get3A_1466 = tpu.vector_load %arg13[%get3A_1464, %get3A_1465] {strides = array<i32>} : memref<128x128xf32, #tpu.memory_space<vmem>>, vector<1x16xf32>,
          %get3A_1467 = vector.shape_cast %get3A_1466 : vector<1x16xf32> to vector<16xf32>
          %mul3A_1468 = arith.mulf %get3A_1467, %broadcast_in_dim3A_1389 : vector<16xf32>
          %swap3A_1469 = arith.index_cast %add3A_1393 : i32 to index
          %swap3A_1470 = arith.constant 112 : index
          %swap3A_1471 = tpu.vector_load %arg13[%swap3A_1469, %swap3A_1470] {strides = array<i32>} : memref<128x128xf32, #tpu.memory_space<vmem>>, vector<1x16xf32>,
          %swap3A_1472 = vector.shape_cast %swap3A_1471 : vector<1x16xf32> to vector<16xf32>
          %swap3A_1473 = vector.shape_cast %mul3A_1468 : vector<16xf32> to vector<1x16xf32>
          tpu.vector_store %arg13[%swap3A_1469, %swap3A_1470], %swap3A_1473 {strides = array<i32>} : memref<128x128xf32, #tpu.memory_space<vmem>>, vector<1x16xf32>,
        }
        %scan3A_78 = arith.constant 8 : i32
        "tpu.region"() ({
          %run_scoped3A = tpu.sem_alloc : memref<!tpu.dma_semaphore, #tpu.memory_space<semaphore_mem>>
          %dma_start3A_79 = arith.constant 0 : i32
          %dma_start3A_80 = tpu.memref_slice %arg10[%add3A_61, %dma_start3A_79] : memref<8x128xi32, #tpu.memory_space<vmem>> -> memref<1x128xi32, #tpu.memory_space<vmem>>
          %dma_start3A_81 = tpu.memref_squeeze %dma_start3A_80 : memref<1x128xi32, #tpu.memory_space<vmem>> -> memref<128xi32, #tpu.memory_space<vmem>>
          %dma_start3A_82 = arith.constant 0 : i32
          %dma_start3A_83 = arith.constant 0 : i32
          %dma_start3A_84 = tpu.memref_slice %arg8[%dma_start3A_82, %dma_start3A_83] : memref<10000x128xf32, #tpu.memory_space<vmem_shared>> -> memref<10000x128xf32, #tpu.memory_space<vmem_shared>>
          tpu.enqueue_indirect_dma source(%arg13 : memref<128x128xf32, #tpu.memory_space<vmem>>) target(%dma_start3A_84 : memref<10000x128xf32, #tpu.memory_space<vmem_shared>>) offsets(%dma_start3A_81 : memref<128xi32, #tpu.memory_space<vmem>>) semaphore(%run_scoped3A : memref<!tpu.dma_semaphore, #tpu.memory_space<semaphore_mem>>) {add = true}
          %dma_wait3A_85 = arith.constant 0 : i32
          %dma_wait3A_86 = tpu.memref_slice %arg10[%add3A_61, %dma_wait3A_85] : memref<8x128xi32, #tpu.memory_space<vmem>> -> memref<1x128xi32, #tpu.memory_space<vmem>>
          %dma_wait3A_87 = tpu.memref_squeeze %dma_wait3A_86 : memref<1x128xi32, #tpu.memory_space<vmem>> -> memref<128xi32, #tpu.memory_space<vmem>>
          %dma_wait3A_88 = arith.constant 0 : i32
          %dma_wait3A_89 = arith.constant 0 : i32
          %dma_wait3A_90 = tpu.memref_slice %arg8[%dma_wait3A_88, %dma_wait3A_89] : memref<10000x128xf32, #tpu.memory_space<vmem_shared>> -> memref<10000x128xf32, #tpu.memory_space<vmem_shared>>
          tpu.wait_indirect_dma semaphore(%run_scoped3A : memref<!tpu.dma_semaphore, #tpu.memory_space<semaphore_mem>>) src(%arg13 : memref<128x128xf32, #tpu.memory_space<vmem>>) dst(%dma_wait3A_90 : memref<10000x128xf32, #tpu.memory_space<vmem_shared>>)
          tpu.yield
        }) : () -> ()
      }
      %scan3A_39 = arith.constant 4 : i32
    }
    %scan3A_7 = arith.constant 20 : i32
    %barrier3A_8 = arith.constant 0 : index
    tpu.barrier barrier_id(%barrier3A_8)
    %mul3A_9 = arith.constant 624 : i32
    %mul3A_10 = arith.muli %arg1, %mul3A_9 : i32
    %mul3A_11 = arith.constant 624 : i32
    %mul3A_12 = arith.muli %arg1, %mul3A_11 : i32
    "tpu.region"() ({
      %run_scoped3A = tpu.sem_alloc : memref<!tpu.dma_semaphore, #tpu.memory_space<semaphore_mem>>
      %dma_start3A = arith.constant 0 : i32
      %dma_start3A_18 = tpu.memref_slice %arg7[%arg0, %mul3A_12, %dma_start3A] : memref<2x10000x128xf32, #tpu.memory_space<hbm>> -> memref<1x624x128xf32, #tpu.memory_space<hbm>>
      %dma_start3A_19 = tpu.memref_squeeze %dma_start3A_18 : memref<1x624x128xf32, #tpu.memory_space<hbm>> -> memref<624x128xf32, #tpu.memory_space<hbm>>
      %dma_start3A_20 = arith.constant 0 : i32
      %dma_start3A_21 = tpu.memref_slice %arg8[%mul3A_10, %dma_start3A_20] : memref<10000x128xf32, #tpu.memory_space<vmem_shared>> -> memref<624x128xf32, #tpu.memory_space<vmem_shared>>
      tpu.enqueue_dma source(%dma_start3A_21 : memref<624x128xf32, #tpu.memory_space<vmem_shared>>) target(%dma_start3A_19 : memref<624x128xf32, #tpu.memory_space<hbm>>) target_semaphore(%run_scoped3A : memref<!tpu.dma_semaphore, #tpu.memory_space<semaphore_mem>>)
      %dma_wait3A = arith.constant 0 : i32
      %dma_wait3A_22 = tpu.memref_slice %arg7[%arg0, %mul3A_12, %dma_wait3A] : memref<2x10000x128xf32, #tpu.memory_space<hbm>> -> memref<1x624x128xf32, #tpu.memory_space<hbm>>
      %dma_wait3A_23 = tpu.memref_squeeze %dma_wait3A_22 : memref<1x624x128xf32, #tpu.memory_space<hbm>> -> memref<624x128xf32, #tpu.memory_space<hbm>>
      %dma_wait3A_24 = arith.constant 0 : i32
      %dma_wait3A_25 = tpu.memref_slice %arg8[%mul3A_10, %dma_wait3A_24] : memref<10000x128xf32, #tpu.memory_space<vmem_shared>> -> memref<624x128xf32, #tpu.memory_space<vmem_shared>>
      tpu.wait_dma2 semaphore(%run_scoped3A : memref<!tpu.dma_semaphore, #tpu.memory_space<semaphore_mem>>) src(%dma_wait3A_25 : memref<624x128xf32, #tpu.memory_space<vmem_shared>>) dst(%dma_wait3A_23 : memref<624x128xf32, #tpu.memory_space<hbm>>)
      tpu.yield
    }) : () -> ()
    %eq3A_13 = arith.constant 15 : i32
    %eq3A_14 = arith.cmpi eq, %arg1, %eq3A_13 : i32
    %convert_element_type3A_15 = arith.extui %eq3A_14 : i1 to i32
    %cond3A_16 = arith.constant 0 : i32
    %cond3A_17 = arith.cmpi ne, %convert_element_type3A_15, %cond3A_16 : i32
    scf.if %cond3A_17 {
      "tpu.region"() ({
        %run_scoped3A = tpu.sem_alloc : memref<!tpu.dma_semaphore, #tpu.memory_space<semaphore_mem>>
        %dma_start3A = arith.constant 9984 : i32
        %dma_start3A_18 = arith.constant 0 : i32
        %dma_start3A_19 = tpu.memref_slice %arg7[%arg0, %dma_start3A, %dma_start3A_18] : memref<2x10000x128xf32, #tpu.memory_space<hbm>> -> memref<1x16x128xf32, #tpu.memory_space<hbm>>
        %dma_start3A_20 = tpu.memref_squeeze %dma_start3A_19 : memref<1x16x128xf32, #tpu.memory_space<hbm>> -> memref<16x128xf32, #tpu.memory_space<hbm>>
        %dma_start3A_21 = arith.constant 9984 : i32
        %dma_start3A_22 = arith.constant 0 : i32
        %dma_start3A_23 = tpu.memref_slice %arg8[%dma_start3A_21, %dma_start3A_22] : memref<10000x128xf32, #tpu.memory_space<vmem_shared>> -> memref<16x128xf32, #tpu.memory_space<vmem_shared>>
        tpu.enqueue_dma source(%dma_start3A_23 : memref<16x128xf32, #tpu.memory_space<vmem_shared>>) target(%dma_start3A_20 : memref<16x128xf32, #tpu.memory_space<hbm>>) target_semaphore(%run_scoped3A : memref<!tpu.dma_semaphore, #tpu.memory_space<semaphore_mem>>)
        %dma_wait3A = arith.constant 9984 : i32
        %dma_wait3A_24 = arith.constant 0 : i32
        %dma_wait3A_25 = tpu.memref_slice %arg7[%arg0, %dma_wait3A, %dma_wait3A_24] : memref<2x10000x128xf32, #tpu.memory_space<hbm>> -> memref<1x16x128xf32, #tpu.memory_space<hbm>>
        %dma_wait3A_26 = tpu.memref_squeeze %dma_wait3A_25 : memref<1x16x128xf32, #tpu.memory_space<hbm>> -> memref<16x128xf32, #tpu.memory_space<hbm>>
        %dma_wait3A_27 = arith.constant 9984 : i32
        %dma_wait3A_28 = arith.constant 0 : i32
        %dma_wait3A_29 = tpu.memref_slice %arg8[%dma_wait3A_27, %dma_wait3A_28] : memref<10000x128xf32, #tpu.memory_space<vmem_shared>> -> memref<16x128xf32, #tpu.memory_space<vmem_shared>>
        tpu.wait_dma2 semaphore(%run_scoped3A : memref<!tpu.dma_semaphore, #tpu.memory_space<semaphore_mem>>) src(%dma_wait3A_29 : memref<16x128xf32, #tpu.memory_space<vmem_shared>>) dst(%dma_wait3A_26 : memref<16x128xf32, #tpu.memory_space<hbm>>)
        tpu.yield
      }) : () -> ()
    } else {
    }
    return
  }
}

module attributes {stable_mosaic.version = 14 : i64} {
  func.func @_mm_body(%arg0: i32, %arg1: memref<2000x128xf32, #tpu.memory_space<vmem>>, %arg2: memref<128x128xf32, #tpu.memory_space<vmem>>, %arg3: memref<2000x128xf32, #tpu.memory_space<vmem>>) attributes {dimension_semantics = [#tpu.dimension_semantics<arbitrary>], iteration_bounds = array<i64: 10>, scalar_prefetch = 0 : i64, scratch_operands = 0 : i64, tpu.core_type = #tpu.core_type<tc>, window_params = [{transform_indices = @transform_0, window_bounds = array<i64: 2000, 128>}, {pipeline_mode = #tpu.pipeline_mode<synchronous>, transform_indices = @transform_1, window_bounds = array<i64: 128, 128>}, {transform_indices = @transform_2, window_bounds = array<i64: 2000, 128>}]} {
    %get3A = arith.constant 0 : index
    %get3A_0 = arith.constant 0 : index
    %get3A_1 = vector.load %arg1[%get3A, %get3A_0] : memref<2000x128xf32, #tpu.memory_space<vmem>>, vector<2000x128xf32>
    %get3A_2 = arith.constant 0 : index
    %get3A_3 = arith.constant 0 : index
    %get3A_4 = vector.load %arg2[%get3A_2, %get3A_3] : memref<128x128xf32, #tpu.memory_space<vmem>>, vector<128x128xf32>
    %dot_general3A = arith.constant dense<0.000000e+00> : vector<2000x128xf32>
    %dot_general3A_5 = tpu.matmul %get3A_1, %get3A_4, %dot_general3A {dimension_numbers = #tpu.dot_dimension_numbers<[1], [0], [0], [1], [0, 0, 1, 1], [], []>, precision = #tpu.contract_precision<fp32>, transpose_lhs_hint = false} : vector<2000x128xf32>, vector<128x128xf32>, vector<2000x128xf32> -> vector<2000x128xf32>
    %swap3A = arith.constant 0 : index
    %swap3A_6 = arith.constant 0 : index
    %swap3A_7 = vector.load %arg3[%swap3A, %swap3A_6] : memref<2000x128xf32, #tpu.memory_space<vmem>>, vector<2000x128xf32>
    tpu.vector_store %arg3[%swap3A, %swap3A_6], %dot_general3A_5 {strides = array<i32>} : memref<2000x128xf32, #tpu.memory_space<vmem>>, vector<2000x128xf32>,
    return
  }
  func.func @transform_0(%arg0: i32) -> (i32, i32) {
    %c0_i32 = arith.constant 0 : i32
    %c0_i32_0 = arith.constant 0 : i32
    return %arg0, %c0_i32 : i32, i32
  }
  func.func @transform_1(%arg0: i32) -> (i32, i32) {
    %c0_i32 = arith.constant 0 : i32
    %c0_i32_0 = arith.constant 0 : i32
    %c0_i32_1 = arith.constant 0 : i32
    return %c0_i32, %c0_i32_0 : i32, i32
  }
  func.func @transform_2(%arg0: i32) -> (i32, i32) {
    %c0_i32 = arith.constant 0 : i32
    %c0_i32_0 = arith.constant 0 : i32
    return %arg0, %c0_i32 : i32, i32
  }
}

module attributes {stable_mosaic.version = 14 : i64} {
  func.func @_csum_body(%arg0: i32, %arg1: memref<2000x128xf32, #tpu.memory_space<vmem>>, %arg2: memref<1x128xf32, #tpu.memory_space<vmem>>, %arg3: memref<2000x1xf32, #tpu.memory_space<vmem>>, %arg4: memref<128x1xf32, #tpu.memory_space<vmem>>) attributes {dimension_semantics = [#tpu.dimension_semantics<arbitrary>], iteration_bounds = array<i64: 5>, scalar_prefetch = 0 : i64, scratch_operands = 0 : i64, tpu.core_type = #tpu.core_type<tc>, window_params = [{transform_indices = @transform_0, window_bounds = array<i64: 2000, 128>}, {pipeline_mode = #tpu.pipeline_mode<synchronous>, transform_indices = @transform_1, window_bounds = array<i64: 1, 128>}, {transform_indices = @transform_2, window_bounds = array<i64: 2000, 1>}, {pipeline_mode = #tpu.pipeline_mode<synchronous>, transform_indices = @transform_3, window_bounds = array<i64: 128, 1>}]} {
    %get3A = arith.constant 0 : index
    %get3A_0 = arith.constant 0 : index
    %get3A_1 = vector.load %arg1[%get3A, %get3A_0] : memref<2000x128xf32, #tpu.memory_space<vmem>>, vector<2000x128xf32>
    %get3A_2 = arith.constant 0 : index
    %get3A_3 = arith.constant 0 : index
    %get3A_4 = vector.load %arg2[%get3A_2, %get3A_3] : memref<1x128xf32, #tpu.memory_space<vmem>>, vector<1x128xf32>
    %add3A = vector.broadcast %get3A_4 : vector<1x128xf32> to vector<2000x128xf32>
    %add3A_5 = arith.addf %get3A_1, %add3A : vector<2000x128xf32>
    %max3A = arith.constant 0.000000e+00 : f32
    %max3A_6 = vector.broadcast %max3A : f32 to vector<2000x128xf32>
    %max3A_7 = arith.maximumf %add3A_5, %max3A_6 : vector<2000x128xf32>
    %get3A_8 = arith.constant 0 : index
    %get3A_9 = arith.constant 0 : index
    %get3A_10 = vector.load %arg3[%get3A_8, %get3A_9] : memref<2000x1xf32, #tpu.memory_space<vmem>>, vector<2000x1xf32>
    %dot_general3A = arith.constant dense<0.000000e+00> : vector<128x1xf32>
    %dot_general3A_11 = tpu.matmul %max3A_7, %get3A_10, %dot_general3A {dimension_numbers = #tpu.dot_dimension_numbers<[0], [0], [1], [1], [0, 1, 1, 1], [], []>, precision = #tpu.contract_precision<fp32>, transpose_lhs_hint = false} : vector<2000x128xf32>, vector<2000x1xf32>, vector<128x1xf32> -> vector<128x1xf32>
    %eq3A = arith.constant 0 : i32
    %eq3A_12 = arith.cmpi eq, %arg0, %eq3A : i32
    %convert_element_type3A = arith.extui %eq3A_12 : i1 to i32
    %cond3A = arith.constant 0 : i32
    %cond3A_13 = arith.cmpi ne, %convert_element_type3A, %cond3A : i32
    scf.if %cond3A_13 {
      %swap3A = arith.constant 0 : index
      %swap3A_18 = arith.constant 0 : index
      %swap3A_19 = vector.load %arg4[%swap3A, %swap3A_18] : memref<128x1xf32, #tpu.memory_space<vmem>>, vector<128x1xf32>
      tpu.vector_store %arg4[%swap3A, %swap3A_18], %dot_general3A_11 {strides = array<i32>} : memref<128x1xf32, #tpu.memory_space<vmem>>, vector<128x1xf32>,
    } else {
    }
    %gt3A = arith.constant 0 : i32
    %gt3A_14 = arith.cmpi sgt, %arg0, %gt3A : i32
    %convert_element_type3A_15 = arith.extui %gt3A_14 : i1 to i32
    %cond3A_16 = arith.constant 0 : i32
    %cond3A_17 = arith.cmpi ne, %convert_element_type3A_15, %cond3A_16 : i32
    scf.if %cond3A_17 {
      %get3A_18 = arith.constant 0 : index
      %get3A_19 = arith.constant 0 : index
      %get3A_20 = vector.load %arg4[%get3A_18, %get3A_19] : memref<128x1xf32, #tpu.memory_space<vmem>>, vector<128x1xf32>
      %add3A_21 = arith.addf %get3A_20, %dot_general3A_11 : vector<128x1xf32>
      %swap3A = arith.constant 0 : index
      %swap3A_22 = arith.constant 0 : index
      %swap3A_23 = vector.load %arg4[%swap3A, %swap3A_22] : memref<128x1xf32, #tpu.memory_space<vmem>>, vector<128x1xf32>
      tpu.vector_store %arg4[%swap3A, %swap3A_22], %add3A_21 {strides = array<i32>} : memref<128x1xf32, #tpu.memory_space<vmem>>, vector<128x1xf32>,
    } else {
    }
    return
  }
  func.func @transform_0(%arg0: i32) -> (i32, i32) {
    %c0_i32 = arith.constant 0 : i32
    %c0_i32_0 = arith.constant 0 : i32
    return %arg0, %c0_i32 : i32, i32
  }
  func.func @transform_1(%arg0: i32) -> (i32, i32) {
    %c0_i32 = arith.constant 0 : i32
    %c0_i32_0 = arith.constant 0 : i32
    %c0_i32_1 = arith.constant 0 : i32
    return %c0_i32, %c0_i32_0 : i32, i32
  }
  func.func @transform_2(%arg0: i32) -> (i32, i32) {
    %c0_i32 = arith.constant 0 : i32
    %c0_i32_0 = arith.constant 0 : i32
    return %arg0, %c0_i32 : i32, i32
  }
  func.func @transform_3(%arg0: i32) -> (i32, i32) {
    %c0_i32 = arith.constant 0 : i32
    %c0_i32_0 = arith.constant 0 : i32
    %c0_i32_1 = arith.constant 0 : i32
    return %c0_i32, %c0_i32_0 : i32, i32
  }
}

module attributes {stable_mosaic.version = 14 : i64} {
  func.func @_logits_body(%arg0: i32, %arg1: memref<128x1xf32, #tpu.memory_space<vmem>>, %arg2: memref<10000x1xf32, #tpu.memory_space<vmem>>, %arg3: memref<128x128xf32, #tpu.memory_space<vmem>>, %arg4: memref<2000x128xf32, #tpu.memory_space<vmem>>, %arg5: memref<1x128xf32, #tpu.memory_space<vmem>>, %arg6: memref<2000x1xf32, #tpu.memory_space<vmem>>, %arg7: memref<1x1xf32, #tpu.memory_space<vmem>>, %arg8: memref<2000x1xf32, #tpu.memory_space<vmem>>) attributes {dimension_semantics = [#tpu.dimension_semantics<arbitrary>], iteration_bounds = array<i64: 10>, scalar_prefetch = 0 : i64, scratch_operands = 0 : i64, tpu.core_type = #tpu.core_type<tc>, window_params = [{pipeline_mode = #tpu.pipeline_mode<synchronous>, transform_indices = @transform_0, window_bounds = array<i64: 128, 1>}, {pipeline_mode = #tpu.pipeline_mode<synchronous>, transform_indices = @transform_1, window_bounds = array<i64: 10000, 1>}, {pipeline_mode = #tpu.pipeline_mode<synchronous>, transform_indices = @transform_2, window_bounds = array<i64: 128, 128>}, {transform_indices = @transform_3, window_bounds = array<i64: 2000, 128>}, {pipeline_mode = #tpu.pipeline_mode<synchronous>, transform_indices = @transform_4, window_bounds = array<i64: 1, 128>}, {transform_indices = @transform_5, window_bounds = array<i64: 2000, 1>}, {pipeline_mode = #tpu.pipeline_mode<synchronous>, transform_indices = @transform_6, window_bounds = array<i64: 1, 1>}, {transform_indices = @transform_7, window_bounds = array<i64: 2000, 1>}]} {
    %get3A = arith.constant 0 : index
    %get3A_0 = arith.constant 0 : index
    %get3A_1 = vector.load %arg1[%get3A, %get3A_0] : memref<128x1xf32, #tpu.memory_space<vmem>>, vector<128x1xf32>
    %get3A_2 = arith.constant 0 : index
    %get3A_3 = arith.constant 0 : index
    %get3A_4 = vector.load %arg2[%get3A_2, %get3A_3] : memref<10000x1xf32, #tpu.memory_space<vmem>>, vector<10000x1xf32>
    %reduce_sum3A = vector.shape_cast %get3A_4 : vector<10000x1xf32> to vector<1x10000x1xf32>
    %reduce_sum3A_5 = arith.constant dense<0.000000e+00> : vector<1xf32>
    %reduce_sum3A_6 = vector.multi_reduction <add>, %reduce_sum3A, %reduce_sum3A_5 [1, 2] : vector<1x10000x1xf32> to vector<1xf32>
    %reduce_sum3A_7 = vector.shape_cast %reduce_sum3A_6 : vector<1xf32> to vector<1x1x1xf32>
    %reduce_sum3A_8 = vector.extract %reduce_sum3A_7[0, 0, 0] : f32 from vector<1x1x1xf32>
    %div3A = vector.broadcast %reduce_sum3A_8 : f32 to vector<128x1xf32>
    %div3A_9 = arith.divf %get3A_1, %div3A : vector<128x1xf32>
    %neg3A = arith.constant 0.000000e+00 : f32
    %neg3A_10 = vector.broadcast %neg3A : f32 to vector<128x1xf32>
    %neg3A_11 = arith.subf %neg3A_10, %div3A_9 : vector<128x1xf32>
    %exp3A = math.exp %neg3A_11 : vector<128x1xf32>
    %add3A = arith.constant 1.000000e+00 : f32
    %add3A_12 = vector.broadcast %add3A : f32 to vector<128x1xf32>
    %add3A_13 = arith.addf %add3A_12, %exp3A : vector<128x1xf32>
    %div3A_14 = arith.constant 1.000000e+00 : f32
    %div3A_15 = vector.broadcast %div3A_14 : f32 to vector<128x1xf32>
    %div3A_16 = arith.divf %div3A_15, %add3A_13 : vector<128x1xf32>
    %get3A_17 = arith.constant 0 : index
    %get3A_18 = arith.constant 0 : index
    %get3A_19 = vector.load %arg3[%get3A_17, %get3A_18] : memref<128x128xf32, #tpu.memory_space<vmem>>, vector<128x128xf32>
    %dot_general3A = arith.constant dense<0.000000e+00> : vector<128x1xf32>
    %dot_general3A_20 = tpu.matmul %get3A_19, %div3A_16, %dot_general3A {dimension_numbers = #tpu.dot_dimension_numbers<[1], [0], [0], [1], [0, 0, 1, 1], [], []>, precision = #tpu.contract_precision<fp32>, transpose_lhs_hint = false} : vector<128x128xf32>, vector<128x1xf32>, vector<128x1xf32> -> vector<128x1xf32>
    %get3A_21 = arith.constant 0 : index
    %get3A_22 = arith.constant 0 : index
    %get3A_23 = vector.load %arg4[%get3A_21, %get3A_22] : memref<2000x128xf32, #tpu.memory_space<vmem>>, vector<2000x128xf32>
    %get3A_24 = arith.constant 0 : index
    %get3A_25 = arith.constant 0 : index
    %get3A_26 = vector.load %arg5[%get3A_24, %get3A_25] : memref<1x128xf32, #tpu.memory_space<vmem>>, vector<1x128xf32>
    %add3A_27 = vector.broadcast %get3A_26 : vector<1x128xf32> to vector<2000x128xf32>
    %add3A_28 = arith.addf %get3A_23, %add3A_27 : vector<2000x128xf32>
    %max3A = arith.constant 0.000000e+00 : f32
    %max3A_29 = vector.broadcast %max3A : f32 to vector<2000x128xf32>
    %max3A_30 = arith.maximumf %add3A_28, %max3A_29 : vector<2000x128xf32>
    %dot_general3A_31 = arith.constant dense<0.000000e+00> : vector<2000x1xf32>
    %dot_general3A_32 = tpu.matmul %max3A_30, %dot_general3A_20, %dot_general3A_31 {dimension_numbers = #tpu.dot_dimension_numbers<[1], [0], [0], [1], [0, 0, 1, 1], [], []>, precision = #tpu.contract_precision<fp32>, transpose_lhs_hint = false} : vector<2000x128xf32>, vector<128x1xf32>, vector<2000x1xf32> -> vector<2000x1xf32>
    %get3A_33 = arith.constant 0 : index
    %get3A_34 = arith.constant 0 : index
    %get3A_35 = vector.load %arg7[%get3A_33, %get3A_34] : memref<1x1xf32, #tpu.memory_space<vmem>>, vector<1x1xf32>
    %get3A_36 = vector.extract %get3A_35[0, 0] : f32 from vector<1x1xf32>
    %add3A_37 = vector.broadcast %get3A_36 : f32 to vector<2000x1xf32>
    %add3A_38 = arith.addf %dot_general3A_32, %add3A_37 : vector<2000x1xf32>
    %get3A_39 = arith.constant 0 : index
    %get3A_40 = arith.constant 0 : index
    %get3A_41 = vector.load %arg6[%get3A_39, %get3A_40] : memref<2000x1xf32, #tpu.memory_space<vmem>>, vector<2000x1xf32>
    %add3A_42 = arith.addf %add3A_38, %get3A_41 : vector<2000x1xf32>
    %swap3A = arith.constant 0 : index
    %swap3A_43 = arith.constant 0 : index
    %swap3A_44 = vector.load %arg8[%swap3A, %swap3A_43] : memref<2000x1xf32, #tpu.memory_space<vmem>>, vector<2000x1xf32>
    tpu.vector_store %arg8[%swap3A, %swap3A_43], %add3A_42 {strides = array<i32>} : memref<2000x1xf32, #tpu.memory_space<vmem>>, vector<2000x1xf32>,
    return
  }
  func.func @transform_0(%arg0: i32) -> (i32, i32) {
    %c0_i32 = arith.constant 0 : i32
    %c0_i32_0 = arith.constant 0 : i32
    %c0_i32_1 = arith.constant 0 : i32
    return %c0_i32, %c0_i32_0 : i32, i32
  }
  func.func @transform_1(%arg0: i32) -> (i32, i32) {
    %c0_i32 = arith.constant 0 : i32
    %c0_i32_0 = arith.constant 0 : i32
    %c0_i32_1 = arith.constant 0 : i32
    return %c0_i32, %c0_i32_0 : i32, i32
  }
  func.func @transform_2(%arg0: i32) -> (i32, i32) {
    %c0_i32 = arith.constant 0 : i32
    %c0_i32_0 = arith.constant 0 : i32
    %c0_i32_1 = arith.constant 0 : i32
    return %c0_i32, %c0_i32_0 : i32, i32
  }
  func.func @transform_3(%arg0: i32) -> (i32, i32) {
    %c0_i32 = arith.constant 0 : i32
    %c0_i32_0 = arith.constant 0 : i32
    return %arg0, %c0_i32 : i32, i32
  }
  func.func @transform_4(%arg0: i32) -> (i32, i32) {
    %c0_i32 = arith.constant 0 : i32
    %c0_i32_0 = arith.constant 0 : i32
    %c0_i32_1 = arith.constant 0 : i32
    return %c0_i32, %c0_i32_0 : i32, i32
  }
  func.func @transform_5(%arg0: i32) -> (i32, i32) {
    %c0_i32 = arith.constant 0 : i32
    %c0_i32_0 = arith.constant 0 : i32
    return %arg0, %c0_i32 : i32, i32
  }
  func.func @transform_6(%arg0: i32) -> (i32, i32) {
    %c0_i32 = arith.constant 0 : i32
    %c0_i32_0 = arith.constant 0 : i32
    %c0_i32_1 = arith.constant 0 : i32
    return %c0_i32, %c0_i32_0 : i32, i32
  }
  func.func @transform_7(%arg0: i32) -> (i32, i32) {
    %c0_i32 = arith.constant 0 : i32
    %c0_i32_0 = arith.constant 0 : i32
    return %arg0, %c0_i32 : i32, i32
  }
}

</mosaic_0001>

<sc_bundles>
// kernel: kernel.6.cloned.1.call-start
scs
__scs_entry_jumppad:
0x0: {  	(pc) =	sbr.rel $0x88, $3  }
0x1: {  	(tag) =	ssettag $0x0;
	lr =	simm.s32 $0x1  }
0x2: {  	[smem:$0x3F96] =	sst lr;
	_ =	strace $0xD0000000  }
0x3: {  	_ = 	snop  }
0x4: {  	_ = 	snop  }
0x5: {  	_ = 	snop  }
0x6: {  	_ = 	snop  }
0x7: {  	_ = 	snop  }
__scs_overlays_trampoline_lowered:
0x8: {  	[smem:$0x3FA5] =	sst s0  }
0x9: {  	[smem:$0x3FA6] =	sst s1  }
0xa: {  	[smem:$0x3FA7] =	sst s2  }
0xb: {  	[smem:$0x3FA8] =	sst s3  }
0xc: {  	[smem:$0x3FA9] =	sst s4  }
0xd: {  	[smem:$0x3FAA] =	sst s5  }
0xe: {  	[smem:$0x3FAB] =	sst s6  }
0xf: {  	[smem:$0x3FAC] =	sst s7  }
0x10: {  	[smem:$0x3FAD] =	sst s8  }
0x11: {  	[smem:$0x3FAE] =	sst s9;
	s0 =	simm.s32 @!p0 $0x0  }
0x12: {  	s1 =	sld [smem:$0x3F94];
	s0 =	simm.s32 @p0 $0x1  }
0x13: {  	[smem:$0x3FAF] =	sst s0;
	s0 =	simm.s32 @!p1 $0x0  }
0x14: {  	s2 =	sld [smem:$0x3F93];
	s0 =	simm.s32 @p1 $0x1  }
0x15: {  	[smem:$0x3FB0] =	sst s0;
	s0 =	simm.s32 @!p2 $0x0  }
0x16: {  	s3 =	sld [smem:$0x3FDB];
	s0 =	simm.s32 @p2 $0x1  }
0x17: {  	s4 =	simm.s32 $0x1BF5;
	[smem:$0x3FB2] =	sst s0  }
0x18: {  	s0 =	sld [smem:$0x3F95];
	_ =	swait.ge [sflag:s4], $0x0  }
0x19: {  	s7 =	sld [smem:$0x3F96]  }
0x1a: {  	s8 =	sadd.s32 $0xFFFFE003, lr  }
0x1b: {  	s9 =	sadd.s32 $0xFFFFFEF7, lr;
	s5 =	simm.s32 $0xFFFFFFFF;
	p2 =	slt.u32 s8, $0xFFFFF086  }
0x1c: {  	p1 =	slt.u32 s9, $0xF7A;
	s5 =	simm.s32 @!p2 $0x0  }
0x1d: {  	s5 =	simm.s32 @p1 $0x1;
	p0 =	seq.s32 s7, s2  }
0x1e: {  	s7 =	smul.u32 @!p0 $0xF7A, s2;
	p2 =	seq.s32 @!p0 s5, $0x0  }
0x1f: {  	s9 =	smul.u32 $0xF7A, s1;
	s8 =	simm.s32 @!p0 $0x1BF5;
	p2 =	por !p2, p0  }
0x20: {  	[sflag:s8] =	ssyncset.s32 @!p0 $0xFFFFF086;
	s6 =	sadd.s32 @!p0 s3, s7;
	s7 =	simm.s32 @!p0 $0x108  }
0x21: {  	s3 =	sadd.s32 s3, s9;
	s6 =	sadd.s32 @!p0 $0x88, s6;
	s7 =	simm.s32 @p2 $0x1082  }
0x22: {  	[simem:s7], [sflag:s8] =	dma.local @!p0 [hbm:s6], $0xF7A  }
0x23: {  	s9 =	sor.u32 $0xD0000000, s2;
	s6 =	simm.s32 $0x108;
	_ =	swait.ge @!p0 [sflag:s8], $0x0  }
0x24: {  	s3 =	sadd.s32 $0x88, s3;
	s6 =	simm.s32 @!p1 $0x1082;
	[sflag:s4] =	ssyncset.s32 $0xFFFFF086  }
0x25: {  	[simem:s6], [sflag:s4] =	dma.local [hbm:s3], $0xF7A  }
0x26: {  	[smem:$0x3F96] =	sst s1;
	(tag) =	ssettag s2;
	_ =	strace s9  }
0x27: {  	s1 =	sld [smem:$0x3FA6]  }
0x28: {  	s2 =	sld [smem:$0x3FA7]  }
0x29: {  	s4 =	sld [smem:$0x3FA9]  }
0x2a: {  	p0 =	seq.s32 s5, $0x0;
	s5 =	sld [smem:$0x3FAA]  }
0x2b: {  	s6 =	sld [smem:$0x3FAB]  }
0x2c: {  	s7 =	sld [smem:$0x3FAC]  }
0x2d: {  	s3 =	simm.s32 $0x108;
	s8 =	sld [smem:$0x3FAD]  }
0x2e: {  	s3 =	simm.s32 @!p0 $0x1082;
	s9 =	sld [smem:$0x3FAE]  }
0x2f: {  	lr =	sadd.s32 s0, s3;
	s0 =	sld [smem:$0x3FA5]  }
0x30: {  	s3 =	sld [smem:$0x3FA8]  }
0x31: {  	[smem:$0x3FB1] =	sst s10  }
0x32: {  	s10 =	sld [smem:$0x3FAF];
	_ =	sdelay $0x3  }
0x33: {  	p0 =	seq.s32 s10, $0x1;
	s10 =	sld [smem:$0x3FB1];
	_ =	sdelay $0x3  }
0x34: {  	[smem:$0x3FB1] =	sst s10  }
0x35: {  	s10 =	sld [smem:$0x3FB0];
	_ =	sdelay $0x3  }
0x36: {  	p1 =	seq.s32 s10, $0x1;
	s10 =	sld [smem:$0x3FB1];
	_ =	sdelay $0x3  }
0x37: {  	[smem:$0x3FB1] =	sst s10  }
0x38: {  	s10 =	sld [smem:$0x3FB2]  }
0x39: {  	_ = 	snop;
	(pc) =	sbr.ind lr, $3  }
0x3a: {  	_ = 	snop  }
0x3b: {  	_ = 	snop  }
0x3c: {  	p2 =	seq.s32 s10, $0x1;
	s10 =	sld [smem:$0x3FB1]  }
0x3d: {  	_ =	shalt  }
0x3e: {  	_ =	shalt  }
0x3f: {  	_ =	shalt  }
0x40: {  	_ =	shalt  }
0x41: {  	_ =	shalt  }
0x42: {  	_ =	shalt  }
0x43: {  	_ =	shalt  }
0x44: {  	_ =	shalt  }
0x45: {  	_ =	shalt  }
0x46: {  	_ =	shalt  }
0x47: {  	_ =	shalt  }
0x48: {  	_ =	shalt  }
0x49: {  	_ =	shalt  }
0x4a: {  	_ =	shalt  }
0x4b: {  	_ =	shalt  }
0x4c: {  	_ =	shalt  }
0x4d: {  	_ =	shalt  }
0x4e: {  	_ =	shalt  }
0x4f: {  	_ =	shalt  }
0x50: {  	_ =	shalt  }
0x51: {  	_ =	shalt  }
0x52: {  	_ =	shalt  }
0x53: {  	_ =	shalt  }
0x54: {  	_ =	shalt  }
0x55: {  	_ =	shalt  }
0x56: {  	_ =	shalt  }
0x57: {  	_ =	shalt  }
0x58: {  	_ =	shalt  }
0x59: {  	_ =	shalt  }
0x5a: {  	_ =	shalt  }
0x5b: {  	_ =	shalt  }
0x5c: {  	_ =	shalt  }
0x5d: {  	_ =	shalt  }
0x5e: {  	_ =	shalt  }
0x5f: {  	_ =	shalt  }
0x60: {  	_ =	shalt  }
0x61: {  	_ =	shalt  }
0x62: {  	_ =	shalt  }
0x63: {  	_ =	shalt  }
0x64: {  	_ =	shalt  }
0x65: {  	_ =	shalt  }
0x66: {  	_ =	shalt  }
0x67: {  	_ =	shalt  }
0x68: {  	_ =	shalt  }
0x69: {  	_ =	shalt  }
0x6a: {  	_ =	shalt  }
0x6b: {  	_ =	shalt  }
0x6c: {  	_ =	shalt  }
0x6d: {  	_ =	shalt  }
0x6e: {  	_ =	shalt  }
0x6f: {  	_ =	shalt  }
0x70: {  	_ =	shalt  }
0x71: {  	_ =	shalt  }
0x72: {  	_ =	shalt  }
0x73: {  	_ =	shalt  }
0x74: {  	_ =	shalt  }
0x75: {  	_ =	shalt  }
0x76: {  	_ =	shalt  }
0x77: {  	_ =	shalt  }
0x78: {  	_ =	shalt  }
0x79: {  	_ =	shalt  }
0x7a: {  	_ =	shalt  }
0x7b: {  	_ =	shalt  }
0x7c: {  	_ =	shalt  }
0x7d: {  	_ =	shalt  }
0x7e: {  	_ =	shalt  }
0x7f: {  	_ =	shalt  }
0x80: {  	_ =	shalt  }
0x81: {  	_ =	shalt  }
0x82: {  	_ =	shalt  }
0x83: {  	_ =	shalt  }
0x84: {  	_ =	shalt  }
0x85: {  	_ =	shalt  }
0x86: {  	_ =	shalt  }
0x87: {  	_ =	shalt  }
.Lfunc_end0:
.L_simem_size_0:
called_computation_lowered:
.L_overlay_start_0:
0x88: {  	s2 =	sld [smem:$0x3FD9]  }
0x89: {  	s3 =	sld [smem:$0x3FFE];
	_ =	sdelay $0x1  }
0x8a: {  	s1 =	srdreg.scid  }
0x8b: {  	s0 =	sand.u32 $0x1, s1  }
0x8c: {  	s16 =	sshll.u32 s0, $0xA;
	s2 =	sadd.s32 s3, s2  }
0x8d: {  	s2 =	sadd.s32 s2, s16  }
0x8e: {  	[smem:$0x3FBD] =	sst s2  }
0x8f: {  	_ = 	snop  }
0x90: {  	(tm) =	ssettm $0x1  }
0x91: {  	s17 =	sld [smem:$0x3FFB];
	_ =	sdelay $0x3  }
0x92: {  	_ =	strace s17  }
0x93: {  	s2 =	sld [smem:$0x3FFC];
	_ =	sdelay $0x3  }
0x94: {  	_ =	strace s2  }
0x95: {  	s2 =	sld [smem:$0x3FFD];
	_ =	sdelay $0x3  }
0x96: {  	_ =	strace s2  }
0x97: {  	_ =	strace $0x8FFFFFFF  }
0x98: {  	s18 =	sld [smem:$0x3FDB];
	_ =	sdelay $0x1  }
0x99: {  	s19 =	simm.s32 $_scs_section_size  }
0x9a: {  	s4 =	simm.s32 $_size__tile_overlayer_lowered;
	s5 =	simm.s32 $_tile_overlayer_lowered  }
0x9b: {  	s22 =	simm.s32 $0x1BFF;
	s21 =	sshll.u32 s5, $0x1;
	s2 =	sadd.s32 s19, s18  }
0x9c: {  	s6 =	simm.s32 $0x0;
	s20 =	sshll.u32 s4, $0x1;
	s4 =	sadd.s32 s21, s2  }
0x9d: {  	[timem:s6], [sflag:s22] =	dma.local [hbm:s4], s20  }
0x9e: {  	_ =	swait.ge [sflag:s22], s20  }
0x9f: {  	s3 =	ssub.s32 $0x0, s20;
	[sflag:s22] =	ssyncset.done $0x0  }
0xa0: {  	[sflag:s22] =	ssyncadd.s32 s3;
	_ =	sdelay $0x1  }
0xa1: {  	s23 =	simm.s32 $0x1B8B  }
0xa2: {  	_ =	swait.ge [sflag:s23], $0x1  }
0xa3: {  	[sflag:s23] =	ssyncset.done $0x0  }
0xa4: {  	s25 =	simm.s32 $0x1B8E;
	s24 =	sld [smem:$0x3FFE];
	[sflag:s23] =	ssyncadd.s32 $0xFFFFFFFF  }
0xa5: {  	s26 =	simm.s32 $execute0_lowered;
	[smem:$0x3FD2] =	sst s25  }
0xa6: {  	s4 =	sshll.u32 s26, $0x1;
	_ =	strace $0x80000046;
	[dreg:$0x1] =	wrdreg $0xFFFFFFFF  }
0xa7: {  	s28 =	simm.s32 $_size_execute0_lowered;
	s2 =	sadd.s32 s2, s4;
	[dreg:$0x0] =	wrdreg $0x0  }
0xa8: {  	s4 =	sshll.u32 s28, $0x1;
	[dreg:$0x2] =	wrdreg s2  }
0xa9: {  	[dreg:$0x3] =	wrdreg s4  }
0xaa: {  	[dreg:$0x4] =	wrdreg $0xC0  }
0xab: {  	_ =	task [dreg:s6], $0x5FFFF  }
0xac: {  	[dreg:$0x1] =	wrdreg $0xFFFFFFFF  }
0xad: {  	[dreg:$0x0] =	wrdreg $0x60  }
0xae: {  	[dreg:$0x2] =	wrdreg s24  }
0xaf: {  	[dreg:$0x3] =	wrdreg $0x0  }
0xb0: {  	[dreg:$0x4] =	wrdreg $0x9  }
0xb1: {  	_ =	task.clear_ibuf [dreg:s6], $0x5FFFF;
	_ =	strace $0x90000046  }
0xb2: {  	s29 =	simm.s32 $0x9;
	_ =	strace $0x80000048  }
0xb3: {  	_ =	swait.ge [sflag:s29], $0x1  }
0xb4: {  	[sflag:s29] =	ssyncadd.s32 $0xFFFFFFFF  }
0xb5: {  	_ =	strace $0x90000048  }
0xb6: {  	_ =	sfence  }
0xb7: {  	s30 =	sld [smem:$0x0];
	_ =	sdelay $0x2  }
0xb8: {  	s31 =	sshll.u32 s1, $0xD;
	s1 =	sshrl.u32 s1, $0x2  }
0xb9: {  	s3 =	sand.u32 $0x4000, s31;
	s1 =	sadd.s32 s1, s30  }
0xba: {  	s0 =	sor.u32 s3, s0;
	s1 =	sshll.u32 s1, $0x11  }
0xbb: {  	s0 =	sor.u32 s1, s0  }
0xbc: {  	s0 =	sadd.s32 $0x8F2B, s0  }
0xbd: {  	[sflag:s0] =	ssyncadd.remote.s32 $0x1  }
0xbe: {  	_ =	sfence.sel $0xFFFF  }
0xbf: {  	[dreg:$0x0] =	wrdreg $0xFFFFFFFF;
	(pc) =	sbr.abs _section_cstart, $3  }
0xc0: {  	[dreg:$0x1] =	wrdreg $0xFFFFFFFF  }
0xc1: {  	_ =	task.clear_ibuf [dreg:s6], $0x2FFFF;
	_ =	strace $0x9FFFFFFF  }
0xc2: {  	(tm) =	ssettm $0x7FFFFFFF  }
0xc3: {  	_ =	shalt  }
tec
execute0_lowered:
.L_overlay_start_1:
0x0: {  	(tag) =	ssettag $0x1  }
0x1: {  	s0 =	rddreg [dreg:$0x0]  }
0x2: {  	s1 =	rddreg [dreg:$0x1]  }
0x3: {  	s2 =	simm.s32 $0x0;
	s7 =	srdreg.scid;
	s3 =	stileid.u32  }
0x4: {  	s17 =	simm.s32 $0x3;
	s19 =	simm.s32 $0x13880;
	s20 =	simm.s32 $0x13C80  }
0x5: {  	s21 =	simm.s32 $0x14080;
	s22 =	simm.s32 $0x80;
	s23 =	simm.s32 $0x16080  }
0x6: {  	s24 =	simm.s32 $0x1;
	s25 =	simm.s32 $0x1A080;
	s26 =	simm.s32 $0x2  }
0x7: {  	[smem:$0x7FF] =	sst s2;
	s4 =	sadd.s32 $0x6F800, s0;
	s5 =	sadd.s32 $0x5B800, s0  }
0x8: {  	s6 =	sadd.s32 $0x1800, s0;
	s11 =	sand.u32 $0x1, s7;
	s7 =	sadd.s32 $0xB800, s0  }
0x9: {  	s10 =	smul.u32 $0x4E000, s3;
	s8 =	sadd.s32 $0xBDA00, s0;
	s0 =	sadd.s32 $0xC0200, s0  }
0xa: {  	s13 =	smul.u32 $0x13800, s3;
	s18 =	sadd.s32 $0x138000, s1;
	p0 =	sne.s32 s3, $0xF  }
0xb: {  	s31 =	sshll.u32 s3, $0x6;
	_ =	strace $0x80000047;
	s30 =	smul.u32 $0x138800, s11  }
0xc: {  	s9 =	ssub.s32 $0x2, s11;
	s11 =	smul.u32 $0x50000, s11;
	s18 =	sshrl.u32 @!p0 s18, $0x3  }
0xd: {  	s12 =	sshrl.u32 s9, $0x1;
	s29 =	sshrl.u32 s10, $0x2;
	s10 =	smul.u32 $0x14, s3  }
0xe: {  	s15 =	ssub.s32 s9, s12;
	s16 =	sadd.s32 s29, s1;
	s9 =	sor.u32 $0x1C03, s31  }
0xf: {  	s13 =	sadd.s32 s13, s30;
	s14 =	sshrl.u32 s30, $0x3;
	s12 =	smul.u32 $0x28000, s3  }
0x10: {  	s13 =	sshrl.u32 s13, $0x3;
	s14 =	sadd.s32 s0, s14;
	s15 =	smax.u32 s15, $0x1  }
0x11: {  	s16 =	sshrl.u32 s16, $0x3;
	s13 =	sadd.s32 s0, s13;
	s14 =	sadd.s32 $0x27000, s14  }
.LBB2_1:
0x12: {  	[spmem:s16], [sflag:s9] =	dma.local [hbm:s8], $0x2700  }
0x13: {  	_ =	swait.ge [sflag:s17], $0x2700  }
0x14: {  	[sflag:s17] =	ssyncset.done $0x0  }
0x15: {  	s0 =	simm.s32 @!p0 $0x3;
	[sflag:s17] =	ssyncadd.s32 $0xFFFFD900  }
0x16: {  	[spmem:s18], [sflag:s9] =	dma.local @!p0 [hbm:s8], $0x100  }
0x17: {  	_ =	swait.ge @!p0 [sflag:s0], $0x100  }
0x18: {  	[sflag:s0] =	ssyncset.done @!p0 $0x0  }
0x19: {  	[sflag:s0] =	ssyncadd.s32 @!p0 $0xFFFFFF00  }
0x1a: {  	s28 =	simm.s32 $0x0;
	[bflag:$0x0] =	sbarrier.arrive $0xFFFF  }
.LBB2_2:
0x1b: {  	s0 =	sadd.s32 s10, s28  }
0x1c: {  	s29 =	sshll.u32 s0, $0xA  }
0x1d: {  	s29 =	sadd.s32 s11, s29  }
0x1e: {  	s29 =	sshrl.u32 s29, $0x3  }
0x1f: {  	s30 =	sadd.s32 s5, s29;
	s29 =	simm.s32 $0x0  }
0x20: {  	[tilespmem:s19], [sflag:$0x3] =	stream.linear.gather [hbm4b:s30+s29], $0x400, $0x38;
	[tilespmem:$0x1E080] =	vst v63  }
0x21: {  	_ =	swait.ge [sflag:s17], $0x400  }
0x22: {  	s0 =	sshll.u32 s0, $0x7;
	[sflag:s17] =	ssyncset.done $0x0  }
0x23: {  	s31 =	sshll.u32 s28, $0xD;
	s0 =	sadd.s32 s6, s0;
	[sflag:s17] =	ssyncadd.s32 $0xFFFFFC00  }
0x24: {  	[tilespmem:s20], [sflag:$0x3] =	stream.linear.gather [hbm4b:s0+s29], $0x400, $0x38;
	[tilespmem:$0x1E080] =	vst v63  }
0x25: {  	s0 =	sadd.s32 s12, s31;
	_ =	swait.ge [sflag:s17], $0x400  }
0x26: {  	s0 =	sshrl.u32 s0, $0x3;
	[sflag:s17] =	ssyncset.done $0x0  }
0x27: {  	s0 =	sadd.s32 s7, s0;
	[sflag:s17] =	ssyncadd.s32 $0xFFFFFC00  }
0x28: {  	[tilespmem:s21], [sflag:$0x3] =	stream.linear.gather [hbm4b:s0+s29], $0x2000, $0x38;
	[tilespmem:$0x1E080] =	vst v63  }
0x29: {  	_ =	swait.ge [sflag:s17], $0x2000  }
0x2a: {  	[sflag:s17] =	ssyncset.done $0x0  }
0x2b: {  	[sflag:s17] =	ssyncadd.s32 $0xFFFFE000  }
0x2c: {  	[tilespmem:s23], [sflag:$0x1] =	stream.indirect.gather [hbm4b:s4+s22], $0x80, s19, s22, $0xb8;
	[tilespmem:$0x1E080] =	vst v63  }
.LBB2_3:
0x2d: {  	_ =	swait.ge [sflag:s24], $0x4000;
	s0 =	sshll.u32 s29, $0xA  }
0x2e: {  	[sflag:s24] =	ssyncset.done $0x0;
	s30 =	sshrl.u32 s0, $0x2  }
0x2f: {  	s3 =	sshll.u32 s29, $0xB;
	[sflag:s24] =	ssyncadd.s32 $0xFFFFC000;
	s0 =	sadd.s32 $0x13900, s30  }
0x30: {  	[tilespmem:s25], [sflag:$0x2] =	stream.indirect.gather [hbm4b:s4+s22], $0x80, s0, s22, $0xb8;
	[tilespmem:$0x1E080] =	vst v63  }
0x31: {  	s0 =	sand.u32 $0x3FFFF800, s3  }
0x32: {  	s0 =	sadd.s32 $0x14080, s0  }
0x33: {  	v0 =	vmov s0;
	_ =	sdelay $0x1  }
0x34: {  	s31 =	simm.s32 $0x0  }
.LBB2_4:
0x35: {  	s0 =	sshll.u32 s31, $0x7  }
0x36: {  	s0 =	sand.u32 $0x3FFFFF80, s0  }
0x37: {  	s3 =	sshll.u32 s31, $0xB;
	v1 =	vld.idx.msk [tilespmem:v0+s0+$0x0 ss:$0x1], $0xffff  }
0x38: {  	s0 =	sand.u32 $0x3FFFF800, s3  }
0x39: {  	v2 =	vld [tilespmem:s0+$0x16080]  }
0x3a: {  	v3 =	vld [tilespmem:s0+$0x16090]  }
0x3b: {  	v4 =	vld [tilespmem:s0+$0x160A0]  }
0x3c: {  	v6 =	vld [tilespmem:s0+$0x160B0];
	v5 =	vbroadcast v1, $0x0  }
0x3d: {  	v7 =	vld [tilespmem:s0+$0x160C0]  }
0x3e: {  	v8 =	vld [tilespmem:s0+$0x160D0];
	v2 =	vmul.f32 v5, v2  }
0x3f: {  	v9 =	vld [tilespmem:s0+$0x160E0];
	v3 =	vmul.f32 v3, v5  }
0x40: {  	v34 =	vld [tilespmem:s0+$0x160F0];
	[tilespmem:s0+$0x16080] =	vst v2;
	v2 =	vmul.f32 v4, v5  }
0x41: {  	v35 =	vld [tilespmem:s0+$0x16100];
	[tilespmem:s0+$0x16090] =	vst v3;
	v3 =	vmul.f32 v6, v5  }
0x42: {  	v36 =	vld [tilespmem:s0+$0x16110];
	[tilespmem:s0+$0x160A0] =	vst v2;
	v2 =	vmul.f32 v7, v5  }
0x43: {  	v37 =	vld [tilespmem:s0+$0x16120];
	[tilespmem:s0+$0x160B0] =	vst v3;
	v3 =	vmul.f32 v8, v5  }
0x44: {  	v10 =	vld [tilespmem:s0+$0x16130];
	v38 =	vbroadcast v1, $0x1;
	[tilespmem:s0+$0x160C0] =	vst v2;
	v2 =	vmul.f32 v9, v5  }
0x45: {  	v39 =	vld [tilespmem:s0+$0x16140];
	[tilespmem:s0+$0x160D0] =	vst v3;
	v3 =	vmul.f32 v34, v5  }
0x46: {  	v40 =	vld [tilespmem:s0+$0x16150];
	[tilespmem:s0+$0x160E0] =	vst v2;
	v2 =	vmul.f32 v35, v38  }
0x47: {  	v41 =	vld [tilespmem:s0+$0x16160];
	[tilespmem:s0+$0x160F0] =	vst v3;
	v3 =	vmul.f32 v36, v38  }
0x48: {  	v42 =	vld [tilespmem:s0+$0x16170];
	[tilespmem:s0+$0x16100] =	vst v2;
	v2 =	vmul.f32 v37, v38  }
0x49: {  	v43 =	vld [tilespmem:s0+$0x16180];
	[tilespmem:s0+$0x16110] =	vst v3;
	v3 =	vmul.f32 v10, v38  }
0x4a: {  	v44 =	vld [tilespmem:s0+$0x16190];
	[tilespmem:s0+$0x16120] =	vst v2;
	v2 =	vmul.f32 v39, v38  }
0x4b: {  	v45 =	vld [tilespmem:s0+$0x161A0];
	[tilespmem:s0+$0x16130] =	vst v3;
	v3 =	vmul.f32 v40, v38  }
0x4c: {  	v47 =	vld [tilespmem:s0+$0x161B0];
	v46 =	vbroadcast v1, $0x2;
	[tilespmem:s0+$0x16140] =	vst v2;
	v2 =	vmul.f32 v41, v38  }
0x4d: {  	v48 =	vld [tilespmem:s0+$0x161C0];
	[tilespmem:s0+$0x16150] =	vst v3;
	v3 =	vmul.f32 v42, v38  }
0x4e: {  	v49 =	vld [tilespmem:s0+$0x161D0];
	[tilespmem:s0+$0x16160] =	vst v2;
	v2 =	vmul.f32 v43, v46  }
0x4f: {  	v50 =	vld [tilespmem:s0+$0x161E0];
	[tilespmem:s0+$0x16170] =	vst v3;
	v3 =	vmul.f32 v44, v46  }
0x50: {  	v51 =	vld [tilespmem:s0+$0x161F0];
	[tilespmem:s0+$0x16180] =	vst v2;
	v2 =	vmul.f32 v45, v46  }
0x51: {  	v52 =	vld [tilespmem:s0+$0x16200];
	[tilespmem:s0+$0x16190] =	vst v3;
	v3 =	vmul.f32 v47, v46  }
0x52: {  	v53 =	vld [tilespmem:s0+$0x16210];
	[tilespmem:s0+$0x161A0] =	vst v2;
	v2 =	vmul.f32 v48, v46  }
0x53: {  	v54 =	vld [tilespmem:s0+$0x16220];
	[tilespmem:s0+$0x161B0] =	vst v3;
	v3 =	vmul.f32 v49, v46  }
0x54: {  	v56 =	vld [tilespmem:s0+$0x16230];
	v55 =	vbroadcast v1, $0x3;
	[tilespmem:s0+$0x161C0] =	vst v2;
	v2 =	vmul.f32 v50, v46  }
0x55: {  	v57 =	vld [tilespmem:s0+$0x16240];
	[tilespmem:s0+$0x161D0] =	vst v3;
	v3 =	vmul.f32 v51, v46  }
0x56: {  	v58 =	vld [tilespmem:s0+$0x16250];
	[tilespmem:s0+$0x161E0] =	vst v2;
	v2 =	vmul.f32 v52, v55  }
0x57: {  	v59 =	vld [tilespmem:s0+$0x16260];
	[tilespmem:s0+$0x161F0] =	vst v3;
	v3 =	vmul.f32 v53, v55  }
0x58: {  	v60 =	vld [tilespmem:s0+$0x16270];
	[tilespmem:s0+$0x16200] =	vst v2;
	v2 =	vmul.f32 v54, v55  }
0x59: {  	v61 =	vld [tilespmem:s0+$0x16280];
	[tilespmem:s0+$0x16210] =	vst v3;
	v3 =	vmul.f32 v56, v55  }
0x5a: {  	v62 =	vld [tilespmem:s0+$0x16290];
	[tilespmem:s0+$0x16220] =	vst v2;
	v2 =	vmul.f32 v57, v55  }
0x5b: {  	v63 =	vld [tilespmem:s0+$0x162A0];
	[tilespmem:s0+$0x16230] =	vst v3;
	v3 =	vmul.f32 v58, v55  }
0x5c: {  	v13 =	vld [tilespmem:s0+$0x162B0];
	v12 =	vbroadcast v1, $0x4;
	[tilespmem:s0+$0x16240] =	vst v2;
	v2 =	vmul.f32 v59, v55  }
0x5d: {  	v14 =	vld [tilespmem:s0+$0x162C0];
	[tilespmem:s0+$0x16250] =	vst v3;
	v3 =	vmul.f32 v60, v55  }
0x5e: {  	v15 =	vld [tilespmem:s0+$0x162D0];
	[tilespmem:s0+$0x16260] =	vst v2;
	v2 =	vmul.f32 v61, v12  }
0x5f: {  	v16 =	vld [tilespmem:s0+$0x162E0];
	[tilespmem:s0+$0x16270] =	vst v3;
	v3 =	vmul.f32 v62, v12  }
0x60: {  	v17 =	vld [tilespmem:s0+$0x162F0];
	[tilespmem:s0+$0x16280] =	vst v2;
	v2 =	vmul.f32 v63, v12  }
0x61: {  	v18 =	vld [tilespmem:s0+$0x16300];
	[tilespmem:s0+$0x16290] =	vst v3;
	v3 =	vmul.f32 v13, v12  }
0x62: {  	v19 =	vld [tilespmem:s0+$0x16310];
	[tilespmem:s0+$0x162A0] =	vst v2;
	v2 =	vmul.f32 v14, v12  }
0x63: {  	v20 =	vld [tilespmem:s0+$0x16320];
	[tilespmem:s0+$0x162B0] =	vst v3;
	v3 =	vmul.f32 v15, v12  }
0x64: {  	v22 =	vld [tilespmem:s0+$0x16330];
	v21 =	vbroadcast v1, $0x5;
	[tilespmem:s0+$0x162C0] =	vst v2;
	v2 =	vmul.f32 v16, v12  }
0x65: {  	v23 =	vld [tilespmem:s0+$0x16340];
	[tilespmem:s0+$0x162D0] =	vst v3;
	v3 =	vmul.f32 v17, v12  }
0x66: {  	v24 =	vld [tilespmem:s0+$0x16350];
	[tilespmem:s0+$0x162E0] =	vst v2;
	v2 =	vmul.f32 v18, v21  }
0x67: {  	v25 =	vld [tilespmem:s0+$0x16360];
	[tilespmem:s0+$0x162F0] =	vst v3;
	v3 =	vmul.f32 v19, v21  }
0x68: {  	v26 =	vld [tilespmem:s0+$0x16370];
	[tilespmem:s0+$0x16300] =	vst v2;
	v2 =	vmul.f32 v20, v21  }
0x69: {  	v27 =	vld [tilespmem:s0+$0x16380];
	[tilespmem:s0+$0x16310] =	vst v3;
	v3 =	vmul.f32 v22, v21  }
0x6a: {  	v28 =	vld [tilespmem:s0+$0x16390];
	[tilespmem:s0+$0x16320] =	vst v2;
	v2 =	vmul.f32 v23, v21  }
0x6b: {  	v29 =	vld [tilespmem:s0+$0x163A0];
	[tilespmem:s0+$0x16330] =	vst v3;
	v3 =	vmul.f32 v24, v21  }
0x6c: {  	v31 =	vld [tilespmem:s0+$0x163B0];
	v30 =	vbroadcast v1, $0x6;
	[tilespmem:s0+$0x16340] =	vst v2;
	v2 =	vmul.f32 v25, v21  }
0x6d: {  	v32 =	vld [tilespmem:s0+$0x163C0];
	[tilespmem:s0+$0x16350] =	vst v3;
	v3 =	vmul.f32 v26, v21  }
0x6e: {  	v33 =	vld [tilespmem:s0+$0x163D0];
	[tilespmem:s0+$0x16360] =	vst v2;
	v2 =	vmul.f32 v27, v30  }
0x6f: {  	v34 =	vld [tilespmem:s0+$0x163E0];
	[tilespmem:s0+$0x16370] =	vst v3;
	v3 =	vmul.f32 v28, v30  }
0x70: {  	v35 =	vld [tilespmem:s0+$0x163F0];
	[tilespmem:s0+$0x16380] =	vst v2;
	v2 =	vmul.f32 v29, v30  }
0x71: {  	v36 =	vld [tilespmem:s0+$0x16400];
	[tilespmem:s0+$0x16390] =	vst v3;
	v3 =	vmul.f32 v31, v30  }
0x72: {  	v37 =	vld [tilespmem:s0+$0x16410];
	[tilespmem:s0+$0x163A0] =	vst v2;
	v2 =	vmul.f32 v32, v30  }
0x73: {  	v38 =	vld [tilespmem:s0+$0x16420];
	[tilespmem:s0+$0x163B0] =	vst v3;
	v3 =	vmul.f32 v33, v30  }
0x74: {  	v39 =	vbroadcast v1, $0x7;
	v40 =	vld [tilespmem:s0+$0x16430];
	[tilespmem:s0+$0x163C0] =	vst v2;
	v2 =	vmul.f32 v34, v30  }
0x75: {  	v41 =	vld [tilespmem:s0+$0x16440];
	[tilespmem:s0+$0x163D0] =	vst v3;
	v3 =	vmul.f32 v35, v30  }
0x76: {  	v42 =	vld [tilespmem:s0+$0x16450];
	[tilespmem:s0+$0x163E0] =	vst v2;
	v2 =	vmul.f32 v36, v39  }
0x77: {  	v43 =	vld [tilespmem:s0+$0x16460];
	[tilespmem:s0+$0x163F0] =	vst v3;
	v3 =	vmul.f32 v37, v39  }
0x78: {  	v44 =	vld [tilespmem:s0+$0x16470];
	[tilespmem:s0+$0x16400] =	vst v2;
	v2 =	vmul.f32 v38, v39  }
0x79: {  	v45 =	vld [tilespmem:s0+$0x16480];
	[tilespmem:s0+$0x16410] =	vst v3;
	v3 =	vmul.f32 v40, v39  }
0x7a: {  	v46 =	vld [tilespmem:s0+$0x16490];
	[tilespmem:s0+$0x16420] =	vst v2;
	v2 =	vmul.f32 v41, v39  }
0x7b: {  	v47 =	vld [tilespmem:s0+$0x164A0];
	[tilespmem:s0+$0x16430] =	vst v3;
	v3 =	vmul.f32 v42, v39  }
0x7c: {  	v48 =	vbroadcast v1, $0x8;
	v49 =	vld [tilespmem:s0+$0x164B0];
	[tilespmem:s0+$0x16440] =	vst v2;
	v2 =	vmul.f32 v43, v39  }
0x7d: {  	v50 =	vld [tilespmem:s0+$0x164C0];
	[tilespmem:s0+$0x16450] =	vst v3;
	v3 =	vmul.f32 v44, v39  }
0x7e: {  	v51 =	vld [tilespmem:s0+$0x164D0];
	[tilespmem:s0+$0x16460] =	vst v2;
	v2 =	vmul.f32 v45, v48  }
0x7f: {  	v52 =	vld [tilespmem:s0+$0x164E0];
	[tilespmem:s0+$0x16470] =	vst v3;
	v3 =	vmul.f32 v46, v48  }
0x80: {  	v53 =	vld [tilespmem:s0+$0x164F0];
	[tilespmem:s0+$0x16480] =	vst v2;
	v2 =	vmul.f32 v47, v48  }
0x81: {  	v54 =	vld [tilespmem:s0+$0x16500];
	[tilespmem:s0+$0x16490] =	vst v3;
	v3 =	vmul.f32 v49, v48  }
0x82: {  	v55 =	vld [tilespmem:s0+$0x16510];
	[tilespmem:s0+$0x164A0] =	vst v2;
	v2 =	vmul.f32 v50, v48  }
0x83: {  	v56 =	vld [tilespmem:s0+$0x16520];
	[tilespmem:s0+$0x164B0] =	vst v3;
	v3 =	vmul.f32 v51, v48  }
0x84: {  	v57 =	vbroadcast v1, $0x9;
	v58 =	vld [tilespmem:s0+$0x16530];
	[tilespmem:s0+$0x164C0] =	vst v2;
	v2 =	vmul.f32 v52, v48  }
0x85: {  	v59 =	vld [tilespmem:s0+$0x16540];
	[tilespmem:s0+$0x164D0] =	vst v3;
	v3 =	vmul.f32 v53, v48  }
0x86: {  	v60 =	vld [tilespmem:s0+$0x16550];
	[tilespmem:s0+$0x164E0] =	vst v2;
	v2 =	vmul.f32 v54, v57  }
0x87: {  	v61 =	vld [tilespmem:s0+$0x16560];
	[tilespmem:s0+$0x164F0] =	vst v3;
	v3 =	vmul.f32 v55, v57  }
0x88: {  	v62 =	vld [tilespmem:s0+$0x16570];
	[tilespmem:s0+$0x16500] =	vst v2;
	v2 =	vmul.f32 v56, v57  }
0x89: {  	v63 =	vld [tilespmem:s0+$0x16580];
	[tilespmem:s0+$0x16510] =	vst v3;
	v3 =	vmul.f32 v58, v57  }
0x8a: {  	v12 =	vld [tilespmem:s0+$0x16590];
	[tilespmem:s0+$0x16520] =	vst v2;
	v2 =	vmul.f32 v59, v57  }
0x8b: {  	v13 =	vld [tilespmem:s0+$0x165A0];
	[tilespmem:s0+$0x16530] =	vst v3;
	v3 =	vmul.f32 v60, v57  }
0x8c: {  	v14 =	vbroadcast v1, $0xA;
	v15 =	vld [tilespmem:s0+$0x165B0];
	[tilespmem:s0+$0x16540] =	vst v2;
	v2 =	vmul.f32 v61, v57  }
0x8d: {  	v16 =	vld [tilespmem:s0+$0x165C0];
	[tilespmem:s0+$0x16550] =	vst v3;
	v3 =	vmul.f32 v62, v57  }
0x8e: {  	v17 =	vld [tilespmem:s0+$0x165D0];
	[tilespmem:s0+$0x16560] =	vst v2;
	v2 =	vmul.f32 v63, v14  }
0x8f: {  	v18 =	vld [tilespmem:s0+$0x165E0];
	[tilespmem:s0+$0x16570] =	vst v3;
	v3 =	vmul.f32 v12, v14  }
0x90: {  	v19 =	vld [tilespmem:s0+$0x165F0];
	[tilespmem:s0+$0x16580] =	vst v2;
	v2 =	vmul.f32 v13, v14  }
0x91: {  	v20 =	vld [tilespmem:s0+$0x16600];
	[tilespmem:s0+$0x16590] =	vst v3;
	v3 =	vmul.f32 v15, v14  }
0x92: {  	v21 =	vld [tilespmem:s0+$0x16610];
	[tilespmem:s0+$0x165A0] =	vst v2;
	v2 =	vmul.f32 v16, v14  }
0x93: {  	v22 =	vld [tilespmem:s0+$0x16620];
	[tilespmem:s0+$0x165B0] =	vst v3;
	v3 =	vmul.f32 v17, v14  }
0x94: {  	v23 =	vbroadcast v1, $0xB;
	v24 =	vld [tilespmem:s0+$0x16630];
	[tilespmem:s0+$0x165C0] =	vst v2;
	v2 =	vmul.f32 v18, v14  }
0x95: {  	v25 =	vld [tilespmem:s0+$0x16640];
	[tilespmem:s0+$0x165D0] =	vst v3;
	v3 =	vmul.f32 v19, v14  }
0x96: {  	v26 =	vld [tilespmem:s0+$0x16650];
	[tilespmem:s0+$0x165E0] =	vst v2;
	v2 =	vmul.f32 v20, v23  }
0x97: {  	v27 =	vld [tilespmem:s0+$0x16660];
	[tilespmem:s0+$0x165F0] =	vst v3;
	v3 =	vmul.f32 v21, v23  }
0x98: {  	v28 =	vld [tilespmem:s0+$0x16670];
	[tilespmem:s0+$0x16600] =	vst v2;
	v2 =	vmul.f32 v22, v23  }
0x99: {  	v29 =	vld [tilespmem:s0+$0x16680];
	[tilespmem:s0+$0x16610] =	vst v3;
	v3 =	vmul.f32 v24, v23  }
0x9a: {  	v30 =	vld [tilespmem:s0+$0x16690];
	[tilespmem:s0+$0x16620] =	vst v2;
	v2 =	vmul.f32 v25, v23  }
0x9b: {  	v31 =	vld [tilespmem:s0+$0x166A0];
	[tilespmem:s0+$0x16630] =	vst v3;
	v3 =	vmul.f32 v26, v23  }
0x9c: {  	v32 =	vbroadcast v1, $0xC;
	v33 =	vld [tilespmem:s0+$0x166B0];
	[tilespmem:s0+$0x16640] =	vst v2;
	v2 =	vmul.f32 v27, v23  }
0x9d: {  	v34 =	vld [tilespmem:s0+$0x166C0];
	[tilespmem:s0+$0x16650] =	vst v3;
	v3 =	vmul.f32 v28, v23  }
0x9e: {  	v35 =	vld [tilespmem:s0+$0x166D0];
	[tilespmem:s0+$0x16660] =	vst v2;
	v2 =	vmul.f32 v29, v32  }
0x9f: {  	v36 =	vld [tilespmem:s0+$0x166E0];
	[tilespmem:s0+$0x16670] =	vst v3;
	v3 =	vmul.f32 v30, v32  }
0xa0: {  	v37 =	vld [tilespmem:s0+$0x166F0];
	[tilespmem:s0+$0x16680] =	vst v2;
	v2 =	vmul.f32 v31, v32  }
0xa1: {  	v38 =	vld [tilespmem:s0+$0x16700];
	[tilespmem:s0+$0x16690] =	vst v3;
	v3 =	vmul.f32 v33, v32  }
0xa2: {  	v39 =	vld [tilespmem:s0+$0x16710];
	[tilespmem:s0+$0x166A0] =	vst v2;
	v2 =	vmul.f32 v34, v32  }
0xa3: {  	v40 =	vld [tilespmem:s0+$0x16720];
	[tilespmem:s0+$0x166B0] =	vst v3;
	v3 =	vmul.f32 v35, v32  }
0xa4: {  	v41 =	vbroadcast v1, $0xD;
	v42 =	vld [tilespmem:s0+$0x16730];
	[tilespmem:s0+$0x166C0] =	vst v2;
	v2 =	vmul.f32 v36, v32  }
0xa5: {  	v43 =	vld [tilespmem:s0+$0x16740];
	[tilespmem:s0+$0x166D0] =	vst v3;
	v3 =	vmul.f32 v37, v32  }
0xa6: {  	v44 =	vld [tilespmem:s0+$0x16750];
	[tilespmem:s0+$0x166E0] =	vst v2;
	v2 =	vmul.f32 v38, v41  }
0xa7: {  	v45 =	vld [tilespmem:s0+$0x16760];
	[tilespmem:s0+$0x166F0] =	vst v3;
	v3 =	vmul.f32 v39, v41  }
0xa8: {  	v46 =	vld [tilespmem:s0+$0x16770];
	[tilespmem:s0+$0x16700] =	vst v2;
	v2 =	vmul.f32 v40, v41  }
0xa9: {  	v47 =	vld [tilespmem:s0+$0x16780];
	[tilespmem:s0+$0x16710] =	vst v3;
	v3 =	vmul.f32 v42, v41  }
0xaa: {  	v48 =	vld [tilespmem:s0+$0x16790];
	[tilespmem:s0+$0x16720] =	vst v2;
	v2 =	vmul.f32 v43, v41  }
0xab: {  	v49 =	vld [tilespmem:s0+$0x167A0];
	[tilespmem:s0+$0x16730] =	vst v3;
	v3 =	vmul.f32 v44, v41  }
0xac: {  	v50 =	vbroadcast v1, $0xE;
	v51 =	vld [tilespmem:s0+$0x167B0];
	[tilespmem:s0+$0x16740] =	vst v2;
	v2 =	vmul.f32 v45, v41  }
0xad: {  	v52 =	vld [tilespmem:s0+$0x167C0];
	[tilespmem:s0+$0x16750] =	vst v3;
	v3 =	vmul.f32 v46, v41  }
0xae: {  	v53 =	vld [tilespmem:s0+$0x167D0];
	[tilespmem:s0+$0x16760] =	vst v2;
	v2 =	vmul.f32 v47, v50  }
0xaf: {  	v54 =	vld [tilespmem:s0+$0x167E0];
	[tilespmem:s0+$0x16770] =	vst v3;
	v3 =	vmul.f32 v48, v50  }
0xb0: {  	v55 =	vld [tilespmem:s0+$0x167F0];
	[tilespmem:s0+$0x16780] =	vst v2;
	v2 =	vmul.f32 v49, v50  }
0xb1: {  	v56 =	vld [tilespmem:s0+$0x16800];
	[tilespmem:s0+$0x16790] =	vst v3;
	v3 =	vmul.f32 v51, v50  }
0xb2: {  	v57 =	vld [tilespmem:s0+$0x16810];
	[tilespmem:s0+$0x167A0] =	vst v2;
	v2 =	vmul.f32 v52, v50  }
0xb3: {  	v58 =	vld [tilespmem:s0+$0x16820];
	[tilespmem:s0+$0x167B0] =	vst v3;
	v3 =	vmul.f32 v53, v50  }
0xb4: {  	v1 =	vbroadcast v1, $0xF;
	v59 =	vld [tilespmem:s0+$0x16830];
	[tilespmem:s0+$0x167C0] =	vst v2;
	v2 =	vmul.f32 v54, v50  }
0xb5: {  	v60 =	vld [tilespmem:s0+$0x16840];
	[tilespmem:s0+$0x167D0] =	vst v3;
	v3 =	vmul.f32 v55, v50  }
0xb6: {  	v61 =	vld [tilespmem:s0+$0x16850];
	[tilespmem:s0+$0x167E0] =	vst v2;
	v2 =	vmul.f32 v56, v1  }
0xb7: {  	v62 =	vld [tilespmem:s0+$0x16860];
	[tilespmem:s0+$0x167F0] =	vst v3;
	v3 =	vmul.f32 v57, v1  }
0xb8: {  	v63 =	vld [tilespmem:s0+$0x16870];
	[tilespmem:s0+$0x16800] =	vst v2;
	v2 =	vmul.f32 v58, v1  }
0xb9: {  	[tilespmem:s0+$0x16810] =	vst v3;
	v3 =	vmul.f32 v59, v1  }
0xba: {  	p1 =	sne.s32 s31, $0x7;
	[tilespmem:s0+$0x16820] =	vst v2;
	v2 =	vmul.f32 v60, v1  }
.Ltmp0:
0xbb: {  	[tilespmem:s0+$0x16830] =	vst v3;
	v3 =	vmul.f32 v61, v1;
	(pc) =	sbr.rel @p1 .LBB2_4-.Ltmp0, $4  }
0xbc: {  	[tilespmem:s0+$0x16840] =	vst v2;
	v2 =	vmul.f32 v62, v1  }
0xbd: {  	[tilespmem:s0+$0x16850] =	vst v3;
	v1 =	vmul.f32 v63, v1  }
0xbe: {  	[tilespmem:s0+$0x16860] =	vst v2  }
0xbf: {  	s31 =	sadd.s32 $0x1, s31;
	[tilespmem:s0+$0x16870] =	vst v1  }
0xc0: {  	s0 =	sadd.s32 $0x13C80, s30  }
0xc1: {  	[spmem:s1] =	stream.indirect.scatter.add.f32 [tilespmem:s23], [sflag:$0x3], $0x80, s0, s22, $0xb8;
	[tilespmem:$0x1E080] =	vst v63  }
0xc2: {  	_ =	swait.ge [sflag:s17], $0x4000  }
0xc3: {  	[sflag:s17] =	ssyncset.done $0x0  }
0xc4: {  	s31 =	sshllo.u32 s29, $0x1;
	[sflag:s17] =	ssyncadd.s32 $0xFFFFC000  }
0xc5: {  	p1 =	sgt.u32 s31, $0x6;
	_ =	swait.ge [sflag:s26], $0x4000  }
0xc6: {  	s0 =	sadd.s32 @!p1 $0x13980, s30;
	[sflag:s26] =	ssyncset.done $0x0  }
0xc7: {  	s30 =	simm.s32 @!p1 $0x80;
	s3 =	simm.s32 @!p1 $0x16080;
	[sflag:s26] =	ssyncadd.s32 $0xFFFFC000  }
0xc8: {  	[tilespmem:s3], [sflag:$0x1] =	stream.indirect.gather @!p1 [hbm4b:s4+s30], $0x80, s0, s30, $0xb8;
	[tilespmem:$0x1E080] =	vst v63  }
0xc9: {  	s3 =	sshll.u32 s31, $0xA  }
0xca: {  	s0 =	sand.u32 $0x3FFFFC00, s3  }
0xcb: {  	s0 =	sadd.s32 $0x14080, s0  }
0xcc: {  	v0 =	vmov s0;
	_ =	sdelay $0x1  }
0xcd: {  	s30 =	simm.s32 $0x0  }
.LBB2_6:
0xce: {  	s0 =	sshll.u32 s30, $0x7  }
0xcf: {  	s0 =	sand.u32 $0x3FFFFF80, s0  }
0xd0: {  	s3 =	sshll.u32 s30, $0xB;
	v1 =	vld.idx.msk [tilespmem:v0+s0+$0x0 ss:$0x1], $0xffff  }
0xd1: {  	s0 =	sand.u32 $0x3FFFF800, s3  }
0xd2: {  	v2 =	vld [tilespmem:s0+$0x1A080]  }
0xd3: {  	v3 =	vld [tilespmem:s0+$0x1A090]  }
0xd4: {  	v4 =	vld [tilespmem:s0+$0x1A0A0]  }
0xd5: {  	v6 =	vld [tilespmem:s0+$0x1A0B0];
	v5 =	vbroadcast v1, $0x0  }
0xd6: {  	v7 =	vld [tilespmem:s0+$0x1A0C0]  }
0xd7: {  	v8 =	vld [tilespmem:s0+$0x1A0D0];
	v2 =	vmul.f32 v5, v2  }
0xd8: {  	v9 =	vld [tilespmem:s0+$0x1A0E0];
	v3 =	vmul.f32 v3, v5  }
0xd9: {  	v34 =	vld [tilespmem:s0+$0x1A0F0];
	[tilespmem:s0+$0x1A080] =	vst v2;
	v2 =	vmul.f32 v4, v5  }
0xda: {  	v35 =	vld [tilespmem:s0+$0x1A100];
	[tilespmem:s0+$0x1A090] =	vst v3;
	v3 =	vmul.f32 v6, v5  }
0xdb: {  	v36 =	vld [tilespmem:s0+$0x1A110];
	[tilespmem:s0+$0x1A0A0] =	vst v2;
	v2 =	vmul.f32 v7, v5  }
0xdc: {  	v37 =	vld [tilespmem:s0+$0x1A120];
	[tilespmem:s0+$0x1A0B0] =	vst v3;
	v3 =	vmul.f32 v8, v5  }
0xdd: {  	v10 =	vld [tilespmem:s0+$0x1A130];
	v38 =	vbroadcast v1, $0x1;
	[tilespmem:s0+$0x1A0C0] =	vst v2;
	v2 =	vmul.f32 v9, v5  }
0xde: {  	v39 =	vld [tilespmem:s0+$0x1A140];
	[tilespmem:s0+$0x1A0D0] =	vst v3;
	v3 =	vmul.f32 v34, v5  }
0xdf: {  	v40 =	vld [tilespmem:s0+$0x1A150];
	[tilespmem:s0+$0x1A0E0] =	vst v2;
	v2 =	vmul.f32 v35, v38  }
0xe0: {  	v41 =	vld [tilespmem:s0+$0x1A160];
	[tilespmem:s0+$0x1A0F0] =	vst v3;
	v3 =	vmul.f32 v36, v38  }
0xe1: {  	v42 =	vld [tilespmem:s0+$0x1A170];
	[tilespmem:s0+$0x1A100] =	vst v2;
	v2 =	vmul.f32 v37, v38  }
0xe2: {  	v43 =	vld [tilespmem:s0+$0x1A180];
	[tilespmem:s0+$0x1A110] =	vst v3;
	v3 =	vmul.f32 v10, v38  }
0xe3: {  	v44 =	vld [tilespmem:s0+$0x1A190];
	[tilespmem:s0+$0x1A120] =	vst v2;
	v2 =	vmul.f32 v39, v38  }
0xe4: {  	v45 =	vld [tilespmem:s0+$0x1A1A0];
	[tilespmem:s0+$0x1A130] =	vst v3;
	v3 =	vmul.f32 v40, v38  }
0xe5: {  	v47 =	vld [tilespmem:s0+$0x1A1B0];
	v46 =	vbroadcast v1, $0x2;
	[tilespmem:s0+$0x1A140] =	vst v2;
	v2 =	vmul.f32 v41, v38  }
0xe6: {  	v48 =	vld [tilespmem:s0+$0x1A1C0];
	[tilespmem:s0+$0x1A150] =	vst v3;
	v3 =	vmul.f32 v42, v38  }
0xe7: {  	v49 =	vld [tilespmem:s0+$0x1A1D0];
	[tilespmem:s0+$0x1A160] =	vst v2;
	v2 =	vmul.f32 v43, v46  }
0xe8: {  	v50 =	vld [tilespmem:s0+$0x1A1E0];
	[tilespmem:s0+$0x1A170] =	vst v3;
	v3 =	vmul.f32 v44, v46  }
0xe9: {  	v51 =	vld [tilespmem:s0+$0x1A1F0];
	[tilespmem:s0+$0x1A180] =	vst v2;
	v2 =	vmul.f32 v45, v46  }
0xea: {  	v52 =	vld [tilespmem:s0+$0x1A200];
	[tilespmem:s0+$0x1A190] =	vst v3;
	v3 =	vmul.f32 v47, v46  }
0xeb: {  	v53 =	vld [tilespmem:s0+$0x1A210];
	[tilespmem:s0+$0x1A1A0] =	vst v2;
	v2 =	vmul.f32 v48, v46  }
0xec: {  	v54 =	vld [tilespmem:s0+$0x1A220];
	[tilespmem:s0+$0x1A1B0] =	vst v3;
	v3 =	vmul.f32 v49, v46  }
0xed: {  	v56 =	vld [tilespmem:s0+$0x1A230];
	v55 =	vbroadcast v1, $0x3;
	[tilespmem:s0+$0x1A1C0] =	vst v2;
	v2 =	vmul.f32 v50, v46  }
0xee: {  	v57 =	vld [tilespmem:s0+$0x1A240];
	[tilespmem:s0+$0x1A1D0] =	vst v3;
	v3 =	vmul.f32 v51, v46  }
0xef: {  	v58 =	vld [tilespmem:s0+$0x1A250];
	[tilespmem:s0+$0x1A1E0] =	vst v2;
	v2 =	vmul.f32 v52, v55  }
0xf0: {  	v59 =	vld [tilespmem:s0+$0x1A260];
	[tilespmem:s0+$0x1A1F0] =	vst v3;
	v3 =	vmul.f32 v53, v55  }
0xf1: {  	v60 =	vld [tilespmem:s0+$0x1A270];
	[tilespmem:s0+$0x1A200] =	vst v2;
	v2 =	vmul.f32 v54, v55  }
0xf2: {  	v61 =	vld [tilespmem:s0+$0x1A280];
	[tilespmem:s0+$0x1A210] =	vst v3;
	v3 =	vmul.f32 v56, v55  }
0xf3: {  	v62 =	vld [tilespmem:s0+$0x1A290];
	[tilespmem:s0+$0x1A220] =	vst v2;
	v2 =	vmul.f32 v57, v55  }
0xf4: {  	v63 =	vld [tilespmem:s0+$0x1A2A0];
	[tilespmem:s0+$0x1A230] =	vst v3;
	v3 =	vmul.f32 v58, v55  }
0xf5: {  	v13 =	vld [tilespmem:s0+$0x1A2B0];
	v12 =	vbroadcast v1, $0x4;
	[tilespmem:s0+$0x1A240] =	vst v2;
	v2 =	vmul.f32 v59, v55  }
0xf6: {  	v14 =	vld [tilespmem:s0+$0x1A2C0];
	[tilespmem:s0+$0x1A250] =	vst v3;
	v3 =	vmul.f32 v60, v55  }
0xf7: {  	v15 =	vld [tilespmem:s0+$0x1A2D0];
	[tilespmem:s0+$0x1A260] =	vst v2;
	v2 =	vmul.f32 v61, v12  }
0xf8: {  	v16 =	vld [tilespmem:s0+$0x1A2E0];
	[tilespmem:s0+$0x1A270] =	vst v3;
	v3 =	vmul.f32 v62, v12  }
0xf9: {  	v17 =	vld [tilespmem:s0+$0x1A2F0];
	[tilespmem:s0+$0x1A280] =	vst v2;
	v2 =	vmul.f32 v63, v12  }
0xfa: {  	v18 =	vld [tilespmem:s0+$0x1A300];
	[tilespmem:s0+$0x1A290] =	vst v3;
	v3 =	vmul.f32 v13, v12  }
0xfb: {  	v19 =	vld [tilespmem:s0+$0x1A310];
	[tilespmem:s0+$0x1A2A0] =	vst v2;
	v2 =	vmul.f32 v14, v12  }
0xfc: {  	v20 =	vld [tilespmem:s0+$0x1A320];
	[tilespmem:s0+$0x1A2B0] =	vst v3;
	v3 =	vmul.f32 v15, v12  }
0xfd: {  	v22 =	vld [tilespmem:s0+$0x1A330];
	v21 =	vbroadcast v1, $0x5;
	[tilespmem:s0+$0x1A2C0] =	vst v2;
	v2 =	vmul.f32 v16, v12  }
0xfe: {  	v23 =	vld [tilespmem:s0+$0x1A340];
	[tilespmem:s0+$0x1A2D0] =	vst v3;
	v3 =	vmul.f32 v17, v12  }
0xff: {  	v24 =	vld [tilespmem:s0+$0x1A350];
	[tilespmem:s0+$0x1A2E0] =	vst v2;
	v2 =	vmul.f32 v18, v21  }
0x100: {  	v25 =	vld [tilespmem:s0+$0x1A360];
	[tilespmem:s0+$0x1A2F0] =	vst v3;
	v3 =	vmul.f32 v19, v21  }
0x101: {  	v26 =	vld [tilespmem:s0+$0x1A370];
	[tilespmem:s0+$0x1A300] =	vst v2;
	v2 =	vmul.f32 v20, v21  }
0x102: {  	v27 =	vld [tilespmem:s0+$0x1A380];
	[tilespmem:s0+$0x1A310] =	vst v3;
	v3 =	vmul.f32 v22, v21  }
0x103: {  	v28 =	vld [tilespmem:s0+$0x1A390];
	[tilespmem:s0+$0x1A320] =	vst v2;
	v2 =	vmul.f32 v23, v21  }
0x104: {  	v29 =	vld [tilespmem:s0+$0x1A3A0];
	[tilespmem:s0+$0x1A330] =	vst v3;
	v3 =	vmul.f32 v24, v21  }
0x105: {  	v31 =	vld [tilespmem:s0+$0x1A3B0];
	v30 =	vbroadcast v1, $0x6;
	[tilespmem:s0+$0x1A340] =	vst v2;
	v2 =	vmul.f32 v25, v21  }
0x106: {  	v32 =	vld [tilespmem:s0+$0x1A3C0];
	[tilespmem:s0+$0x1A350] =	vst v3;
	v3 =	vmul.f32 v26, v21  }
0x107: {  	v33 =	vld [tilespmem:s0+$0x1A3D0];
	[tilespmem:s0+$0x1A360] =	vst v2;
	v2 =	vmul.f32 v27, v30  }
0x108: {  	v34 =	vld [tilespmem:s0+$0x1A3E0];
	[tilespmem:s0+$0x1A370] =	vst v3;
	v3 =	vmul.f32 v28, v30  }
0x109: {  	v35 =	vld [tilespmem:s0+$0x1A3F0];
	[tilespmem:s0+$0x1A380] =	vst v2;
	v2 =	vmul.f32 v29, v30  }
0x10a: {  	v36 =	vld [tilespmem:s0+$0x1A400];
	[tilespmem:s0+$0x1A390] =	vst v3;
	v3 =	vmul.f32 v31, v30  }
0x10b: {  	v37 =	vld [tilespmem:s0+$0x1A410];
	[tilespmem:s0+$0x1A3A0] =	vst v2;
	v2 =	vmul.f32 v32, v30  }
0x10c: {  	v38 =	vld [tilespmem:s0+$0x1A420];
	[tilespmem:s0+$0x1A3B0] =	vst v3;
	v3 =	vmul.f32 v33, v30  }
0x10d: {  	v39 =	vbroadcast v1, $0x7;
	v40 =	vld [tilespmem:s0+$0x1A430];
	[tilespmem:s0+$0x1A3C0] =	vst v2;
	v2 =	vmul.f32 v34, v30  }
0x10e: {  	v41 =	vld [tilespmem:s0+$0x1A440];
	[tilespmem:s0+$0x1A3D0] =	vst v3;
	v3 =	vmul.f32 v35, v30  }
0x10f: {  	v42 =	vld [tilespmem:s0+$0x1A450];
	[tilespmem:s0+$0x1A3E0] =	vst v2;
	v2 =	vmul.f32 v36, v39  }
0x110: {  	v43 =	vld [tilespmem:s0+$0x1A460];
	[tilespmem:s0+$0x1A3F0] =	vst v3;
	v3 =	vmul.f32 v37, v39  }
0x111: {  	v44 =	vld [tilespmem:s0+$0x1A470];
	[tilespmem:s0+$0x1A400] =	vst v2;
	v2 =	vmul.f32 v38, v39  }
0x112: {  	v45 =	vld [tilespmem:s0+$0x1A480];
	[tilespmem:s0+$0x1A410] =	vst v3;
	v3 =	vmul.f32 v40, v39  }
0x113: {  	v46 =	vld [tilespmem:s0+$0x1A490];
	[tilespmem:s0+$0x1A420] =	vst v2;
	v2 =	vmul.f32 v41, v39  }
0x114: {  	v47 =	vld [tilespmem:s0+$0x1A4A0];
	[tilespmem:s0+$0x1A430] =	vst v3;
	v3 =	vmul.f32 v42, v39  }
0x115: {  	v48 =	vbroadcast v1, $0x8;
	v49 =	vld [tilespmem:s0+$0x1A4B0];
	[tilespmem:s0+$0x1A440] =	vst v2;
	v2 =	vmul.f32 v43, v39  }
0x116: {  	v50 =	vld [tilespmem:s0+$0x1A4C0];
	[tilespmem:s0+$0x1A450] =	vst v3;
	v3 =	vmul.f32 v44, v39  }
0x117: {  	v51 =	vld [tilespmem:s0+$0x1A4D0];
	[tilespmem:s0+$0x1A460] =	vst v2;
	v2 =	vmul.f32 v45, v48  }
0x118: {  	v52 =	vld [tilespmem:s0+$0x1A4E0];
	[tilespmem:s0+$0x1A470] =	vst v3;
	v3 =	vmul.f32 v46, v48  }
0x119: {  	v53 =	vld [tilespmem:s0+$0x1A4F0];
	[tilespmem:s0+$0x1A480] =	vst v2;
	v2 =	vmul.f32 v47, v48  }
0x11a: {  	v54 =	vld [tilespmem:s0+$0x1A500];
	[tilespmem:s0+$0x1A490] =	vst v3;
	v3 =	vmul.f32 v49, v48  }
0x11b: {  	v55 =	vld [tilespmem:s0+$0x1A510];
	[tilespmem:s0+$0x1A4A0] =	vst v2;
	v2 =	vmul.f32 v50, v48  }
0x11c: {  	v56 =	vld [tilespmem:s0+$0x1A520];
	[tilespmem:s0+$0x1A4B0] =	vst v3;
	v3 =	vmul.f32 v51, v48  }
0x11d: {  	v57 =	vbroadcast v1, $0x9;
	v58 =	vld [tilespmem:s0+$0x1A530];
	[tilespmem:s0+$0x1A4C0] =	vst v2;
	v2 =	vmul.f32 v52, v48  }
0x11e: {  	v59 =	vld [tilespmem:s0+$0x1A540];
	[tilespmem:s0+$0x1A4D0] =	vst v3;
	v3 =	vmul.f32 v53, v48  }
0x11f: {  	v60 =	vld [tilespmem:s0+$0x1A550];
	[tilespmem:s0+$0x1A4E0] =	vst v2;
	v2 =	vmul.f32 v54, v57  }
0x120: {  	v61 =	vld [tilespmem:s0+$0x1A560];
	[tilespmem:s0+$0x1A4F0] =	vst v3;
	v3 =	vmul.f32 v55, v57  }
0x121: {  	v62 =	vld [tilespmem:s0+$0x1A570];
	[tilespmem:s0+$0x1A500] =	vst v2;
	v2 =	vmul.f32 v56, v57  }
0x122: {  	v63 =	vld [tilespmem:s0+$0x1A580];
	[tilespmem:s0+$0x1A510] =	vst v3;
	v3 =	vmul.f32 v58, v57  }
0x123: {  	v12 =	vld [tilespmem:s0+$0x1A590];
	[tilespmem:s0+$0x1A520] =	vst v2;
	v2 =	vmul.f32 v59, v57  }
0x124: {  	v13 =	vld [tilespmem:s0+$0x1A5A0];
	[tilespmem:s0+$0x1A530] =	vst v3;
	v3 =	vmul.f32 v60, v57  }
0x125: {  	v14 =	vbroadcast v1, $0xA;
	v15 =	vld [tilespmem:s0+$0x1A5B0];
	[tilespmem:s0+$0x1A540] =	vst v2;
	v2 =	vmul.f32 v61, v57  }
0x126: {  	v16 =	vld [tilespmem:s0+$0x1A5C0];
	[tilespmem:s0+$0x1A550] =	vst v3;
	v3 =	vmul.f32 v62, v57  }
0x127: {  	v17 =	vld [tilespmem:s0+$0x1A5D0];
	[tilespmem:s0+$0x1A560] =	vst v2;
	v2 =	vmul.f32 v63, v14  }
0x128: {  	v18 =	vld [tilespmem:s0+$0x1A5E0];
	[tilespmem:s0+$0x1A570] =	vst v3;
	v3 =	vmul.f32 v12, v14  }
0x129: {  	v19 =	vld [tilespmem:s0+$0x1A5F0];
	[tilespmem:s0+$0x1A580] =	vst v2;
	v2 =	vmul.f32 v13, v14  }
0x12a: {  	v20 =	vld [tilespmem:s0+$0x1A600];
	[tilespmem:s0+$0x1A590] =	vst v3;
	v3 =	vmul.f32 v15, v14  }
0x12b: {  	v21 =	vld [tilespmem:s0+$0x1A610];
	[tilespmem:s0+$0x1A5A0] =	vst v2;
	v2 =	vmul.f32 v16, v14  }
0x12c: {  	v22 =	vld [tilespmem:s0+$0x1A620];
	[tilespmem:s0+$0x1A5B0] =	vst v3;
	v3 =	vmul.f32 v17, v14  }
0x12d: {  	v23 =	vbroadcast v1, $0xB;
	v24 =	vld [tilespmem:s0+$0x1A630];
	[tilespmem:s0+$0x1A5C0] =	vst v2;
	v2 =	vmul.f32 v18, v14  }
0x12e: {  	v25 =	vld [tilespmem:s0+$0x1A640];
	[tilespmem:s0+$0x1A5D0] =	vst v3;
	v3 =	vmul.f32 v19, v14  }
0x12f: {  	v26 =	vld [tilespmem:s0+$0x1A650];
	[tilespmem:s0+$0x1A5E0] =	vst v2;
	v2 =	vmul.f32 v20, v23  }
0x130: {  	v27 =	vld [tilespmem:s0+$0x1A660];
	[tilespmem:s0+$0x1A5F0] =	vst v3;
	v3 =	vmul.f32 v21, v23  }
0x131: {  	v28 =	vld [tilespmem:s0+$0x1A670];
	[tilespmem:s0+$0x1A600] =	vst v2;
	v2 =	vmul.f32 v22, v23  }
0x132: {  	v29 =	vld [tilespmem:s0+$0x1A680];
	[tilespmem:s0+$0x1A610] =	vst v3;
	v3 =	vmul.f32 v24, v23  }
0x133: {  	v30 =	vld [tilespmem:s0+$0x1A690];
	[tilespmem:s0+$0x1A620] =	vst v2;
	v2 =	vmul.f32 v25, v23  }
0x134: {  	v31 =	vld [tilespmem:s0+$0x1A6A0];
	[tilespmem:s0+$0x1A630] =	vst v3;
	v3 =	vmul.f32 v26, v23  }
0x135: {  	v32 =	vbroadcast v1, $0xC;
	v33 =	vld [tilespmem:s0+$0x1A6B0];
	[tilespmem:s0+$0x1A640] =	vst v2;
	v2 =	vmul.f32 v27, v23  }
0x136: {  	v34 =	vld [tilespmem:s0+$0x1A6C0];
	[tilespmem:s0+$0x1A650] =	vst v3;
	v3 =	vmul.f32 v28, v23  }
0x137: {  	v35 =	vld [tilespmem:s0+$0x1A6D0];
	[tilespmem:s0+$0x1A660] =	vst v2;
	v2 =	vmul.f32 v29, v32  }
0x138: {  	v36 =	vld [tilespmem:s0+$0x1A6E0];
	[tilespmem:s0+$0x1A670] =	vst v3;
	v3 =	vmul.f32 v30, v32  }
0x139: {  	v37 =	vld [tilespmem:s0+$0x1A6F0];
	[tilespmem:s0+$0x1A680] =	vst v2;
	v2 =	vmul.f32 v31, v32  }
0x13a: {  	v38 =	vld [tilespmem:s0+$0x1A700];
	[tilespmem:s0+$0x1A690] =	vst v3;
	v3 =	vmul.f32 v33, v32  }
0x13b: {  	v39 =	vld [tilespmem:s0+$0x1A710];
	[tilespmem:s0+$0x1A6A0] =	vst v2;
	v2 =	vmul.f32 v34, v32  }
0x13c: {  	v40 =	vld [tilespmem:s0+$0x1A720];
	[tilespmem:s0+$0x1A6B0] =	vst v3;
	v3 =	vmul.f32 v35, v32  }
0x13d: {  	v41 =	vbroadcast v1, $0xD;
	v42 =	vld [tilespmem:s0+$0x1A730];
	[tilespmem:s0+$0x1A6C0] =	vst v2;
	v2 =	vmul.f32 v36, v32  }
0x13e: {  	v43 =	vld [tilespmem:s0+$0x1A740];
	[tilespmem:s0+$0x1A6D0] =	vst v3;
	v3 =	vmul.f32 v37, v32  }
0x13f: {  	v44 =	vld [tilespmem:s0+$0x1A750];
	[tilespmem:s0+$0x1A6E0] =	vst v2;
	v2 =	vmul.f32 v38, v41  }
0x140: {  	v45 =	vld [tilespmem:s0+$0x1A760];
	[tilespmem:s0+$0x1A6F0] =	vst v3;
	v3 =	vmul.f32 v39, v41  }
0x141: {  	v46 =	vld [tilespmem:s0+$0x1A770];
	[tilespmem:s0+$0x1A700] =	vst v2;
	v2 =	vmul.f32 v40, v41  }
0x142: {  	v47 =	vld [tilespmem:s0+$0x1A780];
	[tilespmem:s0+$0x1A710] =	vst v3;
	v3 =	vmul.f32 v42, v41  }
0x143: {  	v48 =	vld [tilespmem:s0+$0x1A790];
	[tilespmem:s0+$0x1A720] =	vst v2;
	v2 =	vmul.f32 v43, v41  }
0x144: {  	v49 =	vld [tilespmem:s0+$0x1A7A0];
	[tilespmem:s0+$0x1A730] =	vst v3;
	v3 =	vmul.f32 v44, v41  }
0x145: {  	v50 =	vbroadcast v1, $0xE;
	v51 =	vld [tilespmem:s0+$0x1A7B0];
	[tilespmem:s0+$0x1A740] =	vst v2;
	v2 =	vmul.f32 v45, v41  }
0x146: {  	v52 =	vld [tilespmem:s0+$0x1A7C0];
	[tilespmem:s0+$0x1A750] =	vst v3;
	v3 =	vmul.f32 v46, v41  }
0x147: {  	v53 =	vld [tilespmem:s0+$0x1A7D0];
	[tilespmem:s0+$0x1A760] =	vst v2;
	v2 =	vmul.f32 v47, v50  }
0x148: {  	v54 =	vld [tilespmem:s0+$0x1A7E0];
	[tilespmem:s0+$0x1A770] =	vst v3;
	v3 =	vmul.f32 v48, v50  }
0x149: {  	v55 =	vld [tilespmem:s0+$0x1A7F0];
	[tilespmem:s0+$0x1A780] =	vst v2;
	v2 =	vmul.f32 v49, v50  }
0x14a: {  	v56 =	vld [tilespmem:s0+$0x1A800];
	[tilespmem:s0+$0x1A790] =	vst v3;
	v3 =	vmul.f32 v51, v50  }
0x14b: {  	v57 =	vld [tilespmem:s0+$0x1A810];
	[tilespmem:s0+$0x1A7A0] =	vst v2;
	v2 =	vmul.f32 v52, v50  }
0x14c: {  	v58 =	vld [tilespmem:s0+$0x1A820];
	[tilespmem:s0+$0x1A7B0] =	vst v3;
	v3 =	vmul.f32 v53, v50  }
0x14d: {  	v1 =	vbroadcast v1, $0xF;
	v59 =	vld [tilespmem:s0+$0x1A830];
	[tilespmem:s0+$0x1A7C0] =	vst v2;
	v2 =	vmul.f32 v54, v50  }
0x14e: {  	v60 =	vld [tilespmem:s0+$0x1A840];
	[tilespmem:s0+$0x1A7D0] =	vst v3;
	v3 =	vmul.f32 v55, v50  }
0x14f: {  	v61 =	vld [tilespmem:s0+$0x1A850];
	[tilespmem:s0+$0x1A7E0] =	vst v2;
	v2 =	vmul.f32 v56, v1  }
0x150: {  	v62 =	vld [tilespmem:s0+$0x1A860];
	[tilespmem:s0+$0x1A7F0] =	vst v3;
	v3 =	vmul.f32 v57, v1  }
0x151: {  	v63 =	vld [tilespmem:s0+$0x1A870];
	[tilespmem:s0+$0x1A800] =	vst v2;
	v2 =	vmul.f32 v58, v1  }
0x152: {  	[tilespmem:s0+$0x1A810] =	vst v3;
	v3 =	vmul.f32 v59, v1  }
0x153: {  	p1 =	sne.s32 s30, $0x7;
	[tilespmem:s0+$0x1A820] =	vst v2;
	v2 =	vmul.f32 v60, v1  }
.Ltmp1:
0x154: {  	[tilespmem:s0+$0x1A830] =	vst v3;
	v3 =	vmul.f32 v61, v1;
	(pc) =	sbr.rel @p1 .LBB2_6-.Ltmp1, $4  }
0x155: {  	[tilespmem:s0+$0x1A840] =	vst v2;
	v2 =	vmul.f32 v62, v1  }
0x156: {  	[tilespmem:s0+$0x1A850] =	vst v3;
	v1 =	vmul.f32 v63, v1  }
0x157: {  	[tilespmem:s0+$0x1A860] =	vst v2  }
0x158: {  	s30 =	sadd.s32 $0x1, s30;
	[tilespmem:s0+$0x1A870] =	vst v1  }
0x159: {  	s0 =	sshll.u32 s31, $0x7;
	s29 =	sadd.s32 $0x1, s29  }
0x15a: {  	s0 =	sand.u32 $0x3FFFFF80, s0;
	p1 =	sne.s32 s29, $0x4  }
.Ltmp2:
0x15b: {  	s0 =	sadd.s32 $0x13C80, s0;
	(pc) =	sbr.rel @p1 .LBB2_3-.Ltmp2, $4  }
0x15c: {  	[spmem:s1] =	stream.indirect.scatter.add.f32 [tilespmem:s25], [sflag:$0x3], $0x80, s0, s22, $0xb8;
	[tilespmem:$0x1E080] =	vst v63  }
0x15d: {  	_ =	swait.ge [sflag:s17], $0x4000  }
0x15e: {  	[sflag:s17] =	ssyncset.done $0x0  }
0x15f: {  	[sflag:s17] =	ssyncadd.s32 $0xFFFFC000  }
0x160: {  	s28 =	sadd.s32 $0x1, s28  }
0x161: {  	p1 =	sne.s32 s28, $0x14  }
.Ltmp3:
0x162: {  	_ = 	snop;
	(pc) =	sbr.rel @p1 .LBB2_2-.Ltmp3, $1  }
0x163: {  	_ =	sdelay $0x3  }
0x164: {  	[bflag:$0x0] =	sbarrier.arrive $0xFFFF  }
0x165: {  	[hbm:s13], [sflag:s9] =	dma.local [spmem:s16], $0x2700  }
0x166: {  	s2 =	sadd.s32 $0x1, s2;
	_ =	swait.ge [sflag:s17], $0x2700  }
0x167: {  	p1 =	sne.s32 s2, s15;
	[sflag:s17] =	ssyncset.done $0x0  }
.Ltmp4:
0x168: {  	s0 =	simm.s32 @!p0 $0x3;
	[sflag:s17] =	ssyncadd.s32 $0xFFFFD900;
	(pc) =	sbr.rel @p1 .LBB2_1-.Ltmp4, $4  }
0x169: {  	[hbm:s14], [sflag:s9] =	dma.local @!p0 [spmem:s18], $0x100  }
0x16a: {  	_ =	swait.ge @!p0 [sflag:s0], $0x100  }
0x16b: {  	[sflag:s0] =	ssyncset.done @!p0 $0x0  }
0x16c: {  	[sflag:s0] =	ssyncadd.s32 @!p0 $0xFFFFFF00  }
0x16d: {  	_ =	sfence.sel $0x180000  }
0x16e: {  	[bflag:$0x0] =	sbarrier.arrive $0xFFFF  }
0x16f: {  	_ =	strace $0x90000047  }
0x170: {  	s0 =	stileid.u32;
	[bflag:$0x2] =	sbarrier.arrive $0xFFFF  }
0x171: {  	p0 =	sne.s32 s0, $0x0;
	s0 =	rddreg [dreg:$0x2]  }
0x172: {  	s0 =	sadd.s32 @!p0 $0x100000, s0  }
0x173: {  	[sflag:s0] =	ssyncadd.tile.s32 @!p0 $0x1;
	_ =	shalt  }
.Lfunc_end2:
_tile_overlayer_lowered:
.L_overlay_start_2:
0x174: {  	(tag) =	ssettag $0x2  }
0x175: {  	s0 =	rddreg [dreg:$0x0];
	s2 =	stileid.u32  }
0x176: {  	s1 =	rddreg [dreg:$0x1];
	p0 =	sne.s32 s2, $0x0  }
0x177: {  	s3 =	rddreg [dreg:$0x2];
	[bflag:$0x3] =	sbarrier.arrive $0xFFFF;
	s2 =	simm.s32 @!p0 $0x1C03  }
0x178: {  	[timem:s3], [sflag:s2] =	dma.local @!p0 [hbm:s0], s1  }
0x179: {  	s0 =	simm.s32 @!p0 $0x3  }
0x17a: {  	_ =	swait.ge @!p0 [sflag:s0], s1  }
0x17b: {  	s1 =	ssub.s32 @!p0 $0x0, s1;
	[sflag:s0] =	ssyncset.done @!p0 $0x0  }
0x17c: {  	[sflag:s0] =	ssyncadd.s32 @!p0 s1  }
0x17d: {  	[bflag:$0x3] =	sbarrier.arrive $0xFFFF  }
0x17e: {  	_ =	shalt  }

</sc_bundles>
